<compile_context>
chip_gen: v7x
topology: tpu7x:2x2x1
jax: 0.10.2.dev20260603
libtpu: 0.0.44.dev20260713+nightly
codegen_flags: <defaults>
</compile_context>

<pallas_src>
import functools

import jax
import jax.numpy as jnp
from jax import lax
from jax.experimental import pallas as pl
from jax.experimental.pallas import tpu as pltpu
from jax.experimental.pallas import tpu_sc as plsc

N = 100000
G = 1024
NW = 32
GPW = G // NW
CHUNK = 256
NPAD = N + 2 * CHUNK
RSLEN = 1152
NROWS = 100

OWl1 = 0
Obl1 = OWl1 + 4 * 16
OWg1 = Obl1 + 16
Obg1 = OWg1 + 16 * 32
OWl2 = Obg1 + 32
Obl2 = OWl2 + 35 * 64
OWg2 = Obl2 + 64
Obg2 = OWg2 + 64 * 128
OWl3 = Obg2 + 128
Obl3 = OWl3 + 131 * 128
OMIN = Obl3 + 128
WTOT = OMIN + 48


def _prologue_body(gi_ref, rs_ref):
    bins = lax.broadcasted_iota(jnp.int32, (1, RSLEN), 1)

    @pl.when(pl.program_id(0) == 0)
    def _():
        rs_ref[...] = jnp.zeros((1, RSLEN), jnp.int32)

    blk = gi_ref[...]
    rs_ref[...] += jnp.sum((blk < bins).astype(jnp.int32), axis=0, keepdims=True)


def _min_body(p_ref, mn_ref):
    lanes = lax.broadcasted_iota(jnp.int32, (1, 128), 1)
    mx = jnp.min(p_ref[0])
    my = jnp.min(p_ref[1])
    mz = jnp.min(p_ref[2])
    mn_ref[...] = jnp.where(lanes == 0, mx, jnp.where(lanes == 1, my,
                            jnp.where(lanes == 2, mz, 0.0)))


def _sc_body(px_hbm, py_hbm, pz_hbm, pr_hbm, rs_hbm, wf_hbm, out_hbm,
             rsb, wb, xb, yb, zb, rb,
             cnt1, psx1, psy1, psz1, hmax1, lu1,
             cnt2, psx2, psy2, psz2, hmax2,
             f1buf, f2buf, pooled, dsem):
    wid = lax.axis_index("s") * 2 + lax.axis_index("c")
    lane = lax.iota(jnp.int32, 16)
    zeros16 = jnp.zeros((16,), jnp.float32)
    ones16 = jnp.ones((16,), jnp.float32)

    pltpu.sync_copy(rs_hbm, rsb)
    pltpu.sync_copy(wf_hbm, wb)

    minxv = wb[pl.ds(OMIN, 16)]
    minyv = wb[pl.ds(OMIN + 16, 16)]
    minzv = wb[pl.ds(OMIN + 32, 16)]

    def z1(i, c):
        hmax1[pl.ds(i * 16, 16)] = zeros16
        return c
    lax.fori_loop(0, 528, z1, 0)

    def z2(i, c):
        hmax2[pl.ds(i * 16, 16)] = zeros16
        return c
    lax.fori_loop(0, 257, z2, 0)

    def z3(i, c):
        cnt1[pl.ds(i * 16, 16)] = zeros16
        psx1[pl.ds(i * 16, 16)] = zeros16
        psy1[pl.ds(i * 16, 16)] = zeros16
        psz1[pl.ds(i * 16, 16)] = zeros16
        lu1[pl.ds(i * 16, 16)] = jnp.zeros((16,), jnp.int32)
        return c
    lax.fori_loop(0, 33, z3, 0)

    def z4(i, c):
        cnt2[pl.ds(i * 16, 16)] = zeros16
        psx2[pl.ds(i * 16, 16)] = zeros16
        psy2[pl.ds(i * 16, 16)] = zeros16
        psz2[pl.ds(i * 16, 16)] = zeros16
        return c
    lax.fori_loop(0, 5, z4, 0)

    for j in range(8):
        pooled[pl.ds(j * 16, 16)] = zeros16

    def per_glimpse(j, _g):
        g = wid * GPW + j
        rsv = rsb[pl.ds(g, 16)]
        start = rsv[0]
        end = rsv[1]
        astart = jnp.bitwise_and(start, jnp.int32(-8))
        nch = (end - astart + CHUNK - 1) // CHUNK

        def point_groups(base, pass_b):
            def group(i, c):
                sl = pl.ds(i * 16, 16)
                x = xb[sl]
                y = yb[sl]
                z = zb[sl]
                idxv = base + i * 16 + lane
                validm = (idxv >= start) & (idxv < end)
                v0 = jnp.clip(((x - minxv) * 4.0).astype(jnp.int32), 0, 7)
                v1 = jnp.clip(((y - minyv) * 4.0).astype(jnp.int32), 0, 7)
                v2 = jnp.clip(((z - minzv) * 4.0).astype(jnp.int32), 0, 7)
                lv = (v0 * 8 + v1) * 8 + v2
                lv = jnp.where(validm, lv, 512)
                if not pass_b:
                    plsc.addupdate_scatter(cnt1, [lv], ones16, mask=validm)
                    plsc.addupdate_scatter(psx1, [lv], x, mask=validm)
                    plsc.addupdate_scatter(psy1, [lv], y, mask=validm)
                    plsc.addupdate_scatter(psz1, [lv], z, mask=validm)
                else:
                    r = rb[sl]
                    cg = jnp.maximum(plsc.load_gather(cnt1, [lv]), 1.0)
                    dxv = x - plsc.load_gather(psx1, [lv]) / cg
                    dyv = y - plsc.load_gather(psy1, [lv]) / cg
                    dzv = z - plsc.load_gather(psz1, [lv]) / cg
                    bl1v = wb[pl.ds(Obl1, 16)]
                    w0 = wb[pl.ds(OWl1, 16)]
                    w1 = wb[pl.ds(OWl1 + 16, 16)]
                    w2 = wb[pl.ds(OWl1 + 32, 16)]
                    w3 = wb[pl.ds(OWl1 + 48, 16)]
                    for p in range(16):
                        h = bl1v + r[p] * w0 + dxv[p] * w1 + dyv[p] * w2 + dzv[p] * w3
                        h = jnp.maximum(h, 0.0)
                        off = lv[p] * 16
                        hmax1[pl.ds(off, 16)] = jnp.maximum(hmax1[pl.ds(off, 16)], h)
                return c

            lax.fori_loop(0, CHUNK // 16, group, 0)

        def copy_chunk(base):
            pltpu.sync_copy(px_hbm.at[pl.ds(base, CHUNK)], xb)
            pltpu.sync_copy(py_hbm.at[pl.ds(base, CHUNK)], yb)
            pltpu.sync_copy(pz_hbm.at[pl.ds(base, CHUNK)], zb)
            pltpu.sync_copy(pr_hbm.at[pl.ds(base, CHUNK)], rb)

        def chunk_a(c, _c):
            base = pl.multiple_of(astart + c * CHUNK, 8)
            copy_chunk(base)
            point_groups(base, pass_b=False)
            return _c

        lax.fori_loop(0, nch, chunk_a, 0)

        def chunk_b(c, _c):
            base = pl.multiple_of(astart + c * CHUNK, 8)

            @pl.when(nch > 1)
            def _():
                copy_chunk(base)

            point_groups(base, pass_b=True)
            return _c

        lax.fori_loop(0, nch, chunk_b, 0)

        def c1(i, c):
            sl = pl.ds(i * 16, 16)
            cv = cnt1[sl]
            occ = cv > 0.0
            cs = jnp.maximum(cv, 1.0)
            p1x = psx1[sl] / cs
            p1y = psy1[sl] / cs
            p1z = psz1[sl] / cs
            psx1[sl] = p1x
            psy1[sl] = p1y
            psz1[sl] = p1z
            u0 = jnp.clip(((p1x - minxv) * 2.0).astype(jnp.int32), 0, 3)
            u1 = jnp.clip(((p1y - minyv) * 2.0).astype(jnp.int32), 0, 3)
            u2 = jnp.clip(((p1z - minzv) * 2.0).astype(jnp.int32), 0, 3)
            lu = (u0 * 4 + u1) * 4 + u2
            lu = jnp.where(occ, lu, 0)
            lu1[sl] = lu
            plsc.addupdate_scatter(cnt2, [lu], ones16, mask=occ)
            plsc.addupdate_scatter(psx2, [lu], p1x, mask=occ)
            plsc.addupdate_scatter(psy2, [lu], p1y, mask=occ)
            plsc.addupdate_scatter(psz2, [lu], p1z, mask=occ)
            return c

        lax.fori_loop(0, 32, c1, 0)

        def c15(i, c):
            sl = pl.ds(i * 16, 16)
            cs = jnp.maximum(cnt2[sl], 1.0)
            psx2[sl] = psx2[sl] / cs
            psy2[sl] = psy2[sl] / cs
            psz2[sl] = psz2[sl] / cs
            return c

        lax.fori_loop(0, 4, c15, 0)

        def c2(s, _c):
            cv = cnt1[pl.ds(s, 16)][0]

            @pl.when(cv > 0.0)
            def _():
                hm = hmax1[pl.ds(s * 16, 16)]
                f1a = wb[pl.ds(Obg1, 16)]
                f1b = wb[pl.ds(Obg1 + 16, 16)]
                for k in range(16):
                    hk = hm[k]
                    f1a = f1a + hk * wb[pl.ds(OWg1 + k * 32, 16)]
                    f1b = f1b + hk * wb[pl.ds(OWg1 + k * 32 + 16, 16)]
                f1a = jnp.where(f1a > 0, f1a, jnp.exp(jnp.minimum(f1a, 0.0)) - 1.0)
                f1b = jnp.where(f1b > 0, f1b, jnp.exp(jnp.minimum(f1b, 0.0)) - 1.0)
                f1buf[pl.ds(0, 16)] = f1a
                f1buf[pl.ds(16, 16)] = f1b
                lup = lu1[pl.ds(s, 16)][0]
                dx = psx1[pl.ds(s, 16)][0] - psx2[pl.ds(lup, 16)][0]
                dy = psy1[pl.ds(s, 16)][0] - psy2[pl.ds(lup, 16)][0]
                dz = psz1[pl.ds(s, 16)][0] - psz2[pl.ds(lup, 16)][0]

                def mm2(k, acc):
                    fk = f1buf[pl.ds(k, 16)][0]
                    return tuple(
                        acc[jj] + fk * wb[pl.ds(OWl2 + k * 64 + jj * 16, 16)]
                        for jj in range(4))

                h2 = tuple(wb[pl.ds(Obl2 + jj * 16, 16)] for jj in range(4))
                h2 = lax.fori_loop(0, 32, mm2, h2)
                h2 = tuple(
                    h2[jj]
                    + dx * wb[pl.ds(OWl2 + 32 * 64 + jj * 16, 16)]
                    + dy * wb[pl.ds(OWl2 + 33 * 64 + jj * 16, 16)]
                    + dz * wb[pl.ds(OWl2 + 34 * 64 + jj * 16, 16)]
                    for jj in range(4))
                off2 = lup * 64
                for jj in range(4):
                    hsl = pl.ds(off2 + jj * 16, 16)
                    hmax2[hsl] = jnp.maximum(hmax2[hsl], jnp.maximum(h2[jj], 0.0))
                hmax1[pl.ds(s * 16, 16)] = zeros16

            return _c

        lax.fori_loop(0, 512, c2, 0)

        def d(t, _c):
            cv = cnt2[pl.ds(t, 16)][0]

            @pl.when(cv > 0.0)
            def _():
                def mmg(k, acc):
                    hk = hmax2[pl.ds(t * 64 + k, 16)][0]
                    return tuple(
                        acc[jj] + hk * wb[pl.ds(OWg2 + k * 128 + jj * 16, 16)]
                        for jj in range(8))

                f2 = tuple(wb[pl.ds(Obg2 + jj * 16, 16)] for jj in range(8))
                f2 = lax.fori_loop(0, 64, mmg, f2, unroll=4)
                for jj in range(8):
                    v = f2[jj]
                    v = jnp.where(v > 0, v, jnp.exp(jnp.minimum(v, 0.0)) - 1.0)
                    f2buf[pl.ds(jj * 16, 16)] = v

                def mm3(k, acc):
                    fk = f2buf[pl.ds(k, 16)][0]
                    return tuple(
                        acc[jj] + fk * wb[pl.ds(OWl3 + k * 128 + jj * 16, 16)]
                        for jj in range(8))

                h3 = tuple(wb[pl.ds(Obl3 + jj * 16, 16)] for jj in range(8))
                h3 = lax.fori_loop(0, 128, mm3, h3, unroll=4)
                p2x = psx2[pl.ds(t, 16)][0]
                p2y = psy2[pl.ds(t, 16)][0]
                p2z = psz2[pl.ds(t, 16)][0]
                for jj in range(8):
                    v = (h3[jj]
                         + p2x * wb[pl.ds(OWl3 + 128 * 128 + jj * 16, 16)]
                         + p2y * wb[pl.ds(OWl3 + 129 * 128 + jj * 16, 16)]
                         + p2z * wb[pl.ds(OWl3 + 130 * 128 + jj * 16, 16)])
                    v = jnp.maximum(v, 0.0)
                    psl = pl.ds(jj * 16, 16)
                    pooled[psl] = jnp.maximum(pooled[psl], v)
                for jj in range(4):
                    hmax2[pl.ds(t * 64 + jj * 16, 16)] = zeros16

            return _c

        lax.fori_loop(0, 64, d, 0)

        pltpu.sync_copy(pooled, out_hbm.at[pl.ds(pl.multiple_of(g * 128, 8), 128)])

        for jj in range(8):
            pooled[pl.ds(jj * 16, 16)] = zeros16

        def rz1(i, c):
            sl = pl.ds(i * 16, 16)
            cnt1[sl] = zeros16
            psx1[sl] = zeros16
            psy1[sl] = zeros16
            psz1[sl] = zeros16
            return c

        lax.fori_loop(0, 32, rz1, 0)

        def rz2(i, c):
            sl = pl.ds(i * 16, 16)
            cnt2[sl] = zeros16
            psx2[sl] = zeros16
            psy2[sl] = zeros16
            psz2[sl] = zeros16
            return c

        lax.fori_loop(0, 4, rz2, 0)
        return _g

    lax.fori_loop(0, GPW, per_glimpse, 0)


def _final_stage_kernel(pooled_ref, Wg3_ref, bg3_ref, Wlin_ref, blin_ref, eps_ref,
                        zw_ref, zm_ref, mu_ref, sg_ref, f3_ref):
    pooled = jnp.maximum(pooled_ref[...], 0.0)
    f3 = pooled @ Wg3_ref[...] + bg3_ref[...][None, :]
    f3 = jnp.where(f3 > 0, f3, jnp.exp(jnp.minimum(f3, 0.0)) - 1.0)
    out = f3 @ Wlin_ref[...] + blin_ref[...][None, :]
    mu = out[:, :128]
    sigma = out[:, 128:]
    sigma_pos = jnp.logaddexp(sigma, 0.0)
    z = mu + sigma_pos * eps_ref[...]
    zw_ref[...] = z[:, :64]
    zm_ref[...] = z[:, 64:128]
    mu_ref[...] = mu
    sg_ref[...] = sigma_pos
    f3_ref[...] = f3


def kernel(rgb, pos, glimpse_member__glimpse_index, glimpse__center, glimpse__batch,
           Wl1, bl1, Wg1, bg1, Wl2, bl2, Wg2, bg2, Wl3, bl3, Wg3, bg3, Wlin, blin):
    gi = glimpse_member__glimpse_index.astype(jnp.int32)

    gi_col = gi[:, None]
    rs2d = pl.pallas_call(
        _prologue_body,
        grid=(NROWS,),
        in_specs=[pl.BlockSpec((N // NROWS, 1), lambda i: (i, 0))],
        out_specs=pl.BlockSpec((1, RSLEN), lambda i: (0, 0)),
        out_shape=jax.ShapeDtypeStruct((1, RSLEN), jnp.int32),
    )(gi_col)

    posT = jnp.pad(pos.T, ((0, 0), (0, 100096 - N)), constant_values=3.4e38)
    posT = posT.reshape(3, 782, 128)
    mn = pl.pallas_call(
        _min_body,
        out_shape=jax.ShapeDtypeStruct((1, 128), jnp.float32),
    )(posT)

    noise = jax.random.uniform(jax.random.key(7), (3,), dtype=jnp.float32)
    mn3 = mn[0, :3] - noise

    wflat = jnp.concatenate([
        Wl1.reshape(-1), bl1, Wg1.reshape(-1), bg1,
        Wl2.reshape(-1), bl2, Wg2.reshape(-1), bg2,
        Wl3.reshape(-1), bl3,
        jnp.broadcast_to(mn3[0], (16,)), jnp.broadcast_to(mn3[1], (16,)),
        jnp.broadcast_to(mn3[2], (16,)),
    ])

    pxp = jnp.pad(pos[:, 0], (0, NPAD - N))
    pyp = jnp.pad(pos[:, 1], (0, NPAD - N))
    pzp = jnp.pad(pos[:, 2], (0, NPAD - N))
    prp = jnp.pad(rgb[:, 0], (0, NPAD - N))
    rs1d = rs2d.reshape(RSLEN)

    mesh = plsc.VectorSubcoreMesh(core_axis_name="c", subcore_axis_name="s")
    sc = functools.partial(
        pl.kernel, mesh=mesh,
        compiler_params=pltpu.CompilerParams(needs_layout_passes=False),
        out_type=jax.ShapeDtypeStruct((G * 128,), jnp.float32),
        scratch_types=[
            pltpu.VMEM((RSLEN,), jnp.int32),
            pltpu.VMEM((WTOT,), jnp.float32),
            pltpu.VMEM((CHUNK,), jnp.float32),
            pltpu.VMEM((CHUNK,), jnp.float32),
            pltpu.VMEM((CHUNK,), jnp.float32),
            pltpu.VMEM((CHUNK,), jnp.float32),
            pltpu.VMEM((528,), jnp.float32),
            pltpu.VMEM((528,), jnp.float32),
            pltpu.VMEM((528,), jnp.float32),
            pltpu.VMEM((528,), jnp.float32),
            pltpu.VMEM((8448,), jnp.float32),
            pltpu.VMEM((528,), jnp.int32),
            pltpu.VMEM((80,), jnp.float32),
            pltpu.VMEM((80,), jnp.float32),
            pltpu.VMEM((80,), jnp.float32),
            pltpu.VMEM((80,), jnp.float32),
            pltpu.VMEM((4112,), jnp.float32),
            pltpu.VMEM((48,), jnp.float32),
            pltpu.VMEM((528,), jnp.float32),
            pltpu.VMEM((128,), jnp.float32),
            pltpu.SemaphoreType.DMA,
        ],
    )(_sc_body)
    pooled = sc(pxp, pyp, pzp, prp, rs1d, wflat).reshape(G, 128)

    eps = jax.random.normal(jax.random.key(42), (G, 128), dtype=jnp.float32)
    z_what, z_mask, mu, sigma_pos, f3 = pl.pallas_call(
        _final_stage_kernel,
        out_shape=(
            jax.ShapeDtypeStruct((G, 64), jnp.float32),
            jax.ShapeDtypeStruct((G, 64), jnp.float32),
            jax.ShapeDtypeStruct((G, 128), jnp.float32),
            jax.ShapeDtypeStruct((G, 128), jnp.float32),
            jax.ShapeDtypeStruct((G, 256), jnp.float32),
        ),
    )(pooled, Wg3, bg3, Wlin, blin, eps)
    return (z_what, z_mask, mu, sigma_pos, f3)

# --- scband reference (transcript-rebuilt; emitter-appended) ---
"""Pipeline reference for scband-spairglimpse-encoder-64269890617421 (READ-ONLY COPY).

The authoritative reference and input builder live on the scoring server;
editing this copy changes nothing except your own understanding.
"""

import jax, jax.numpy as jnp
import numpy as np

N = 100000
G = 1024


def _voxel_pool(pos, batch, start, size, valid):
    num = pos.shape[0]
    big = jnp.iinfo(jnp.int32).max
    pos_safe = jnp.where(valid[:, None], pos, start)
    v = jnp.floor((pos_safe - start) / size).astype(jnp.int32)
    vmin = jnp.where(valid[:, None], v, big).min(axis=0)
    v = v - vmin
    dims = jnp.where(valid[:, None], v, -1).max(axis=0) + 1
    key = batch.astype(jnp.int32)
    for i in range(3):
        key = key * dims[i] + v[:, i]
    key = jnp.where(valid, key, big)
    uniq, cluster = jnp.unique(key, return_inverse=True, size=num)
    cluster = cluster.reshape(-1).astype(jnp.int32)
    counts = jax.ops.segment_sum(jnp.ones((num,), jnp.float32), cluster, num_segments=num)
    valid_counts = jax.ops.segment_sum(valid.astype(jnp.float32), cluster, num_segments=num)
    valid_sample = valid_counts > 0
    counts_safe = jnp.where(counts > 0, counts, 1.0)
    pos_sample = jax.ops.segment_sum(pos_safe, cluster, num_segments=num) / counts_safe[:, None]
    pos_sample = jnp.where(valid_sample[:, None], pos_sample, 0.0)
    batch_sample = jax.ops.segment_max(batch, cluster, num_segments=num)
    batch_sample = jnp.where(valid_sample, batch_sample, -1)
    in_index = jnp.arange(num, dtype=jnp.int32)
    out_index = cluster
    inv = jnp.arange(num, dtype=jnp.int32)
    return (out_index, in_index), pos_sample, batch_sample, valid_sample, inv


def _point_conv(Wl, bl, Wg, bg, x_in, pos_in, pos_out, in_index, out_index, n_out):
    msg = jnp.concatenate([x_in[in_index], pos_in[in_index] - pos_out[out_index]], axis=-1)
    h = jax.nn.relu(msg @ Wl + bl)
    pooled = jax.ops.segment_max(h, out_index, num_segments=n_out)
    pooled = jnp.where(jnp.isfinite(pooled), pooled, 0.0)
    return pooled @ Wg + bg


def setup_inputs(seed: int = 0):
    key = jax.random.key(seed)
    ks = jax.random.split(key, 16)
    inp = {}
    inp['rgb'] = jax.random.normal(ks[0], (N, 1), dtype=jnp.float32)
    inp['pos'] = jax.random.uniform(ks[1], (N, 3), dtype=jnp.float32)
    inp['glimpse_member__glimpse_index'] = jnp.sort(jax.random.randint(ks[2], (N,), 0, G, dtype=jnp.int32))
    inp['glimpse__center'] = jax.random.normal(ks[3], (G, 3), dtype=jnp.float32) * 0.1
    inp['glimpse__batch'] = jax.random.randint(ks[4], (G,), 0, 8, dtype=jnp.int32)

    def lin(k, fi, fo):
        return jax.random.normal(k, (fi, fo), dtype=jnp.float32) / np.sqrt(fi)

    inp['Wl1'] = lin(ks[5], 1 + 3, 16); inp['bl1'] = jnp.zeros((16,), jnp.float32)
    inp['Wg1'] = lin(ks[6], 16, 32); inp['bg1'] = jnp.zeros((32,), jnp.float32)
    inp['Wl2'] = lin(ks[7], 32 + 3, 64); inp['bl2'] = jnp.zeros((64,), jnp.float32)
    inp['Wg2'] = lin(ks[8], 64, 128); inp['bg2'] = jnp.zeros((128,), jnp.float32)
    inp['Wl3'] = lin(ks[9], 128 + 3, 128); inp['bl3'] = jnp.zeros((128,), jnp.float32)
    inp['Wg3'] = lin(ks[10], 128, 256); inp['bg3'] = jnp.zeros((256,), jnp.float32)
    inp['Wlin'] = lin(ks[11], 256, 256); inp['blin'] = jnp.zeros((256,), jnp.float32)
    return inp


def reference(rgb, pos, glimpse_member__glimpse_index, glimpse__center, glimpse__batch,
              Wl1, bl1, Wg1, bg1, Wl2, bl2, Wg2, bg2, Wl3, bl3, Wg3, bg3, Wlin, blin):
    batch = glimpse_member__glimpse_index
    min_pos = pos.min(axis=0)
    noise = jax.random.uniform(jax.random.key(7), (3,), dtype=jnp.float32)
    min_pos = min_pos - noise

    pos_list = [pos]
    gi_list = [batch]
    io_list = []

    feature = rgb  # cfg.glimpse_encoder_ar == False -> feature = rgb (c_in=1)

    valid = jnp.ones((pos.shape[0],), dtype=bool)

    # level 1: voxel mean pool @ 0.25 + PointConv(1 -> 16 -> 32)
    (out_i, in_i), pos_s, batch_s, valid, inv = _voxel_pool(pos, batch, min_pos, 0.25, valid)
    feature = jax.nn.celu(_point_conv(Wl1, bl1, Wg1, bg1, feature, pos, pos_s, in_i, out_i, pos_s.shape[0]))
    pos, batch = pos_s, batch_s
    pos_list.append(pos); gi_list.append(batch); io_list.append((in_i, out_i))

    # level 2: voxel mean pool @ 0.5 + PointConv(32 -> 64 -> 128)
    (out_i, in_i), pos_s, batch_s, valid, inv = _voxel_pool(pos, batch, min_pos, 0.5, valid)
    feature = feature[inv]
    feature = jax.nn.celu(_point_conv(Wl2, bl2, Wg2, bg2, feature, pos, pos_s, in_i, out_i, pos_s.shape[0]))
    pos, batch = pos_s, batch_s
    pos_list.append(pos); gi_list.append(batch); io_list.append((in_i, out_i))

    # level 3: pool everything in a glimpse to its center, PointConv(128 -> 128 -> 256)
    pos_s = jnp.zeros_like(glimpse__center)
    batch_s = jnp.arange(glimpse__center.shape[0], dtype=jnp.int32)
    in_i = jnp.arange(pos.shape[0], dtype=jnp.int32)
    out_i = batch.astype(jnp.int32)
    feature = jax.nn.celu(_point_conv(Wl3, bl3, Wg3, bg3, feature, pos, pos_s, in_i, out_i, glimpse__center.shape[0]))
    pos_list.append(pos_s); gi_list.append(batch_s); io_list.append((in_i, out_i))

    out = feature @ Wlin + blin
    mu, sigma = jnp.split(out, 2, axis=1)
    sigma_pos = jax.nn.softplus(sigma)  # to_sigma
    eps = jax.random.normal(jax.random.key(42), mu.shape, dtype=jnp.float32)
    z_what_mask = mu + sigma_pos * eps  # rsample
    z_what, z_mask = jnp.split(z_what_mask, 2, axis=1)
    return (z_what, z_mask, mu, sigma_pos, feature)

if __name__ == "__main__":
    import jax
    _d = setup_inputs()
    print(jax.jit(kernel)(*tuple(_d.values())))

</pallas_src>

<mosaic_0001>
#map = affine_map<(d0, d1) -> (0)>
module attributes {stable_mosaic.version = 14 : i64} {
  func.func @_sc_body(%arg0: i32, %arg1: i32, %arg2: memref<100512xf32, #tpu.memory_space<hbm>>, %arg3: memref<100512xf32, #tpu.memory_space<hbm>>, %arg4: memref<100512xf32, #tpu.memory_space<hbm>>, %arg5: memref<100512xf32, #tpu.memory_space<hbm>>, %arg6: memref<1152xi32, #tpu.memory_space<hbm>>, %arg7: memref<28192xf32, #tpu.memory_space<hbm>>, %arg8: memref<131072xf32, #tpu.memory_space<hbm>>, %arg9: memref<1152xi32, #tpu.memory_space<vmem>>, %arg10: memref<28192xf32, #tpu.memory_space<vmem>>, %arg11: memref<256xf32, #tpu.memory_space<vmem>>, %arg12: memref<256xf32, #tpu.memory_space<vmem>>, %arg13: memref<256xf32, #tpu.memory_space<vmem>>, %arg14: memref<256xf32, #tpu.memory_space<vmem>>, %arg15: memref<528xf32, #tpu.memory_space<vmem>>, %arg16: memref<528xf32, #tpu.memory_space<vmem>>, %arg17: memref<528xf32, #tpu.memory_space<vmem>>, %arg18: memref<528xf32, #tpu.memory_space<vmem>>, %arg19: memref<8448xf32, #tpu.memory_space<vmem>>, %arg20: memref<528xi32, #tpu.memory_space<vmem>>, %arg21: memref<80xf32, #tpu.memory_space<vmem>>, %arg22: memref<80xf32, #tpu.memory_space<vmem>>, %arg23: memref<80xf32, #tpu.memory_space<vmem>>, %arg24: memref<80xf32, #tpu.memory_space<vmem>>, %arg25: memref<4112xf32, #tpu.memory_space<vmem>>, %arg26: memref<48xf32, #tpu.memory_space<vmem>>, %arg27: memref<528xf32, #tpu.memory_space<vmem>>, %arg28: memref<128xf32, #tpu.memory_space<vmem>>, %arg29: memref<!tpu.dma_semaphore, #tpu.memory_space<semaphore_mem>>) attributes {dimension_semantics = [#tpu.dimension_semantics<core_parallel>, #tpu.dimension_semantics<subcore_parallel>], iteration_bounds = array<i64: 2, 16>, scalar_prefetch = 0 : i64, scratch_operands = 21 : i64, tpu.core_type = #tpu.core_type<sc_vector_subcore>, window_params = [{transform_indices = #map}, {transform_indices = #map}, {transform_indices = #map}, {transform_indices = #map}, {transform_indices = #map}, {transform_indices = #map}, {transform_indices = #map}]} {
    %mul3A = arith.constant 2 : i32
    %mul3A_0 = arith.muli %arg1, %mul3A : i32
    %add3A = arith.addi %mul3A_0, %arg0 : i32
    %iota3A = tpu.iota {dimensions = array<i32: 0>} : vector<16xi32>
    %broadcast_in_dim3A = arith.constant 0.000000e+00 : f32
    %broadcast_in_dim3A_1 = vector.broadcast %broadcast_in_dim3A : f32 to vector<16xf32>
    %broadcast_in_dim3A_2 = arith.constant 1.000000e+00 : f32
    %broadcast_in_dim3A_3 = vector.broadcast %broadcast_in_dim3A_2 : f32 to vector<16xf32>
    "tpu.region"() ({
      %run_scoped3A = tpu.sem_alloc : memref<!tpu.dma_semaphore, #tpu.memory_space<semaphore_mem>>
      tpu.enqueue_dma source(%arg6 : memref<1152xi32, #tpu.memory_space<hbm>>) target(%arg9 : memref<1152xi32, #tpu.memory_space<vmem>>) target_semaphore(%run_scoped3A : memref<!tpu.dma_semaphore, #tpu.memory_space<semaphore_mem>>)
      tpu.wait_dma2 semaphore(%run_scoped3A : memref<!tpu.dma_semaphore, #tpu.memory_space<semaphore_mem>>) src(%arg6 : memref<1152xi32, #tpu.memory_space<hbm>>) dst(%arg9 : memref<1152xi32, #tpu.memory_space<vmem>>)
      tpu.yield
    }) : () -> ()
    "tpu.region"() ({
      %run_scoped3A = tpu.sem_alloc : memref<!tpu.dma_semaphore, #tpu.memory_space<semaphore_mem>>
      tpu.enqueue_dma source(%arg7 : memref<28192xf32, #tpu.memory_space<hbm>>) target(%arg10 : memref<28192xf32, #tpu.memory_space<vmem>>) target_semaphore(%run_scoped3A : memref<!tpu.dma_semaphore, #tpu.memory_space<semaphore_mem>>)
      tpu.wait_dma2 semaphore(%run_scoped3A : memref<!tpu.dma_semaphore, #tpu.memory_space<semaphore_mem>>) src(%arg7 : memref<28192xf32, #tpu.memory_space<hbm>>) dst(%arg10 : memref<28192xf32, #tpu.memory_space<vmem>>)
      tpu.yield
    }) : () -> ()
    %get3A = arith.constant 28144 : index
    %get3A_4 = tpu.vector_load %arg10[%get3A] {strides = array<i32>} : memref<28192xf32, #tpu.memory_space<vmem>>, vector<16xf32>,
    %get3A_5 = arith.constant 28160 : index
    %get3A_6 = tpu.vector_load %arg10[%get3A_5] {strides = array<i32>} : memref<28192xf32, #tpu.memory_space<vmem>>, vector<16xf32>,
    %get3A_7 = arith.constant 28176 : index
    %get3A_8 = tpu.vector_load %arg10[%get3A_7] {strides = array<i32>} : memref<28192xf32, #tpu.memory_space<vmem>>, vector<16xf32>,
    %scan3A = arith.constant 0 : i32
    %scan3A_9 = arith.constant 0 : i32
    %scan3A_10 = arith.constant 528 : i32
    %scan3A_11 = arith.addi %scan3A_9, %scan3A_10 : i32
    %scan3A_12 = arith.constant 1 : i32
    scf.for %scan3A_53 = %scan3A_9 to %scan3A_11 step %scan3A_12  : i32 {
      %mul3A_54 = arith.constant 16 : i32
      %mul3A_55 = arith.muli %scan3A_53, %mul3A_54 : i32
      %swap3A_56 = arith.index_cast %mul3A_55 : i32 to index
      %swap3A_57 = tpu.vector_load %arg19[%swap3A_56] {strides = array<i32>} : memref<8448xf32, #tpu.memory_space<vmem>>, vector<16xf32>,
      tpu.vector_store %arg19[%swap3A_56], %broadcast_in_dim3A_1 {strides = array<i32>} : memref<8448xf32, #tpu.memory_space<vmem>>, vector<16xf32>,
    }
    %scan3A_13 = arith.constant 528 : i32
    %scan3A_14 = arith.constant 0 : i32
    %scan3A_15 = arith.constant 0 : i32
    %scan3A_16 = arith.constant 257 : i32
    %scan3A_17 = arith.addi %scan3A_15, %scan3A_16 : i32
    %scan3A_18 = arith.constant 1 : i32
    scf.for %scan3A_53 = %scan3A_15 to %scan3A_17 step %scan3A_18  : i32 {
      %mul3A_54 = arith.constant 16 : i32
      %mul3A_55 = arith.muli %scan3A_53, %mul3A_54 : i32
      %swap3A_56 = arith.index_cast %mul3A_55 : i32 to index
      %swap3A_57 = tpu.vector_load %arg25[%swap3A_56] {strides = array<i32>} : memref<4112xf32, #tpu.memory_space<vmem>>, vector<16xf32>,
      tpu.vector_store %arg25[%swap3A_56], %broadcast_in_dim3A_1 {strides = array<i32>} : memref<4112xf32, #tpu.memory_space<vmem>>, vector<16xf32>,
    }
    %scan3A_19 = arith.constant 257 : i32
    %scan3A_20 = arith.constant 0 : i32
    %scan3A_21 = arith.constant 0 : i32
    %scan3A_22 = arith.constant 33 : i32
    %scan3A_23 = arith.addi %scan3A_21, %scan3A_22 : i32
    %scan3A_24 = arith.constant 1 : i32
    scf.for %scan3A_53 = %scan3A_21 to %scan3A_23 step %scan3A_24  : i32 {
      %mul3A_54 = arith.constant 16 : i32
      %mul3A_55 = arith.muli %scan3A_53, %mul3A_54 : i32
      %swap3A_56 = arith.index_cast %mul3A_55 : i32 to index
      %swap3A_57 = tpu.vector_load %arg15[%swap3A_56] {strides = array<i32>} : memref<528xf32, #tpu.memory_space<vmem>>, vector<16xf32>,
      tpu.vector_store %arg15[%swap3A_56], %broadcast_in_dim3A_1 {strides = array<i32>} : memref<528xf32, #tpu.memory_space<vmem>>, vector<16xf32>,
      %mul3A_58 = arith.constant 16 : i32
      %mul3A_59 = arith.muli %scan3A_53, %mul3A_58 : i32
      %swap3A_60 = arith.index_cast %mul3A_59 : i32 to index
      %swap3A_61 = tpu.vector_load %arg16[%swap3A_60] {strides = array<i32>} : memref<528xf32, #tpu.memory_space<vmem>>, vector<16xf32>,
      tpu.vector_store %arg16[%swap3A_60], %broadcast_in_dim3A_1 {strides = array<i32>} : memref<528xf32, #tpu.memory_space<vmem>>, vector<16xf32>,
      %mul3A_62 = arith.constant 16 : i32
      %mul3A_63 = arith.muli %scan3A_53, %mul3A_62 : i32
      %swap3A_64 = arith.index_cast %mul3A_63 : i32 to index
      %swap3A_65 = tpu.vector_load %arg17[%swap3A_64] {strides = array<i32>} : memref<528xf32, #tpu.memory_space<vmem>>, vector<16xf32>,
      tpu.vector_store %arg17[%swap3A_64], %broadcast_in_dim3A_1 {strides = array<i32>} : memref<528xf32, #tpu.memory_space<vmem>>, vector<16xf32>,
      %mul3A_66 = arith.constant 16 : i32
      %mul3A_67 = arith.muli %scan3A_53, %mul3A_66 : i32
      %swap3A_68 = arith.index_cast %mul3A_67 : i32 to index
      %swap3A_69 = tpu.vector_load %arg18[%swap3A_68] {strides = array<i32>} : memref<528xf32, #tpu.memory_space<vmem>>, vector<16xf32>,
      tpu.vector_store %arg18[%swap3A_68], %broadcast_in_dim3A_1 {strides = array<i32>} : memref<528xf32, #tpu.memory_space<vmem>>, vector<16xf32>,
      %broadcast_in_dim3A_70 = arith.constant 0 : i32
      %broadcast_in_dim3A_71 = vector.broadcast %broadcast_in_dim3A_70 : i32 to vector<16xi32>
      %mul3A_72 = arith.constant 16 : i32
      %mul3A_73 = arith.muli %scan3A_53, %mul3A_72 : i32
      %swap3A_74 = arith.index_cast %mul3A_73 : i32 to index
      %swap3A_75 = tpu.vector_load %arg20[%swap3A_74] {strides = array<i32>} : memref<528xi32, #tpu.memory_space<vmem>>, vector<16xi32>,
      tpu.vector_store %arg20[%swap3A_74], %broadcast_in_dim3A_71 {strides = array<i32>} : memref<528xi32, #tpu.memory_space<vmem>>, vector<16xi32>,
    }
    %scan3A_25 = arith.constant 33 : i32
    %scan3A_26 = arith.constant 0 : i32
    %scan3A_27 = arith.constant 0 : i32
    %scan3A_28 = arith.constant 5 : i32
    %scan3A_29 = arith.addi %scan3A_27, %scan3A_28 : i32
    %scan3A_30 = arith.constant 1 : i32
    scf.for %scan3A_53 = %scan3A_27 to %scan3A_29 step %scan3A_30  : i32 {
      %mul3A_54 = arith.constant 16 : i32
      %mul3A_55 = arith.muli %scan3A_53, %mul3A_54 : i32
      %swap3A_56 = arith.index_cast %mul3A_55 : i32 to index
      %swap3A_57 = tpu.vector_load %arg21[%swap3A_56] {strides = array<i32>} : memref<80xf32, #tpu.memory_space<vmem>>, vector<16xf32>,
      tpu.vector_store %arg21[%swap3A_56], %broadcast_in_dim3A_1 {strides = array<i32>} : memref<80xf32, #tpu.memory_space<vmem>>, vector<16xf32>,
      %mul3A_58 = arith.constant 16 : i32
      %mul3A_59 = arith.muli %scan3A_53, %mul3A_58 : i32
      %swap3A_60 = arith.index_cast %mul3A_59 : i32 to index
      %swap3A_61 = tpu.vector_load %arg22[%swap3A_60] {strides = array<i32>} : memref<80xf32, #tpu.memory_space<vmem>>, vector<16xf32>,
      tpu.vector_store %arg22[%swap3A_60], %broadcast_in_dim3A_1 {strides = array<i32>} : memref<80xf32, #tpu.memory_space<vmem>>, vector<16xf32>,
      %mul3A_62 = arith.constant 16 : i32
      %mul3A_63 = arith.muli %scan3A_53, %mul3A_62 : i32
      %swap3A_64 = arith.index_cast %mul3A_63 : i32 to index
      %swap3A_65 = tpu.vector_load %arg23[%swap3A_64] {strides = array<i32>} : memref<80xf32, #tpu.memory_space<vmem>>, vector<16xf32>,
      tpu.vector_store %arg23[%swap3A_64], %broadcast_in_dim3A_1 {strides = array<i32>} : memref<80xf32, #tpu.memory_space<vmem>>, vector<16xf32>,
      %mul3A_66 = arith.constant 16 : i32
      %mul3A_67 = arith.muli %scan3A_53, %mul3A_66 : i32
      %swap3A_68 = arith.index_cast %mul3A_67 : i32 to index
      %swap3A_69 = tpu.vector_load %arg24[%swap3A_68] {strides = array<i32>} : memref<80xf32, #tpu.memory_space<vmem>>, vector<16xf32>,
      tpu.vector_store %arg24[%swap3A_68], %broadcast_in_dim3A_1 {strides = array<i32>} : memref<80xf32, #tpu.memory_space<vmem>>, vector<16xf32>,
    }
    %scan3A_31 = arith.constant 5 : i32
    %swap3A = arith.constant 0 : index
    %swap3A_32 = tpu.vector_load %arg28[%swap3A] {strides = array<i32>} : memref<128xf32, #tpu.memory_space<vmem>>, vector<16xf32>,
    tpu.vector_store %arg28[%swap3A], %broadcast_in_dim3A_1 {strides = array<i32>} : memref<128xf32, #tpu.memory_space<vmem>>, vector<16xf32>,
    %swap3A_33 = arith.constant 16 : index
    %swap3A_34 = tpu.vector_load %arg28[%swap3A_33] {strides = array<i32>} : memref<128xf32, #tpu.memory_space<vmem>>, vector<16xf32>,
    tpu.vector_store %arg28[%swap3A_33], %broadcast_in_dim3A_1 {strides = array<i32>} : memref<128xf32, #tpu.memory_space<vmem>>, vector<16xf32>,
    %swap3A_35 = arith.constant 32 : index
    %swap3A_36 = tpu.vector_load %arg28[%swap3A_35] {strides = array<i32>} : memref<128xf32, #tpu.memory_space<vmem>>, vector<16xf32>,
    tpu.vector_store %arg28[%swap3A_35], %broadcast_in_dim3A_1 {strides = array<i32>} : memref<128xf32, #tpu.memory_space<vmem>>, vector<16xf32>,
    %swap3A_37 = arith.constant 48 : index
    %swap3A_38 = tpu.vector_load %arg28[%swap3A_37] {strides = array<i32>} : memref<128xf32, #tpu.memory_space<vmem>>, vector<16xf32>,
    tpu.vector_store %arg28[%swap3A_37], %broadcast_in_dim3A_1 {strides = array<i32>} : memref<128xf32, #tpu.memory_space<vmem>>, vector<16xf32>,
    %swap3A_39 = arith.constant 64 : index
    %swap3A_40 = tpu.vector_load %arg28[%swap3A_39] {strides = array<i32>} : memref<128xf32, #tpu.memory_space<vmem>>, vector<16xf32>,
    tpu.vector_store %arg28[%swap3A_39], %broadcast_in_dim3A_1 {strides = array<i32>} : memref<128xf32, #tpu.memory_space<vmem>>, vector<16xf32>,
    %swap3A_41 = arith.constant 80 : index
    %swap3A_42 = tpu.vector_load %arg28[%swap3A_41] {strides = array<i32>} : memref<128xf32, #tpu.memory_space<vmem>>, vector<16xf32>,
    tpu.vector_store %arg28[%swap3A_41], %broadcast_in_dim3A_1 {strides = array<i32>} : memref<128xf32, #tpu.memory_space<vmem>>, vector<16xf32>,
    %swap3A_43 = arith.constant 96 : index
    %swap3A_44 = tpu.vector_load %arg28[%swap3A_43] {strides = array<i32>} : memref<128xf32, #tpu.memory_space<vmem>>, vector<16xf32>,
    tpu.vector_store %arg28[%swap3A_43], %broadcast_in_dim3A_1 {strides = array<i32>} : memref<128xf32, #tpu.memory_space<vmem>>, vector<16xf32>,
    %swap3A_45 = arith.constant 112 : index
    %swap3A_46 = tpu.vector_load %arg28[%swap3A_45] {strides = array<i32>} : memref<128xf32, #tpu.memory_space<vmem>>, vector<16xf32>,
    tpu.vector_store %arg28[%swap3A_45], %broadcast_in_dim3A_1 {strides = array<i32>} : memref<128xf32, #tpu.memory_space<vmem>>, vector<16xf32>,
    %scan3A_47 = arith.constant 0 : i32
    %scan3A_48 = arith.constant 0 : i32
    %scan3A_49 = arith.constant 32 : i32
    %scan3A_50 = arith.addi %scan3A_48, %scan3A_49 : i32
    %scan3A_51 = arith.constant 1 : i32
    scf.for %scan3A_53 = %scan3A_48 to %scan3A_50 step %scan3A_51  : i32 {
      %mul3A_54 = arith.constant 32 : i32
      %mul3A_55 = arith.muli %add3A, %mul3A_54 : i32
      %add3A_56 = arith.addi %mul3A_55, %scan3A_53 : i32
      %get3A_57 = arith.index_cast %add3A_56 : i32 to index
      %get3A_58 = tpu.vector_load %arg9[%get3A_57] {strides = array<i32>} : memref<1152xi32, #tpu.memory_space<vmem>>, vector<16xi32>,
      %slice3A = vector.extract_strided_slice %get3A_58 {offsets = [0], sizes = [1], strides = [1]} : vector<16xi32> to vector<1xi32>
      %squeeze3A = vector.extract %slice3A[0] : i32 from vector<1xi32>
      %slice3A_59 = vector.extract_strided_slice %get3A_58 {offsets = [1], sizes = [1], strides = [1]} : vector<16xi32> to vector<1xi32>
      %squeeze3A_60 = vector.extract %slice3A_59[0] : i32 from vector<1xi32>
      %and3A = arith.constant -8 : i32
      %and3A_61 = arith.andi %squeeze3A, %and3A : i32
      %sub3A = arith.subi %squeeze3A_60, %and3A_61 : i32
      %add3A_62 = arith.constant 256 : i32
      %add3A_63 = arith.addi %sub3A, %add3A_62 : i32
      %sub3A_64 = arith.constant 1 : i32
      %sub3A_65 = arith.subi %add3A_63, %sub3A_64 : i32
      %jit3A = arith.constant 256 : i32
      %div3A = arith.divsi %sub3A_65, %jit3A : i32
      %sign3A = arith.constant 0 : i32
      %sign3A_66 = arith.cmpi sgt, %sub3A_65, %sign3A : i32
      %sign3A_67 = arith.extui %sign3A_66 : i1 to i32
      %sign3A_68 = arith.constant 0 : i32
      %sign3A_69 = arith.cmpi slt, %sub3A_65, %sign3A_68 : i32
      %sign3A_70 = arith.extui %sign3A_69 : i1 to i32
      %sign3A_71 = arith.subi %sign3A_67, %sign3A_70 : i32
      %sign3A_72 = arith.constant 0 : i32
      %sign3A_73 = arith.cmpi sgt, %jit3A, %sign3A_72 : i32
      %sign3A_74 = arith.extui %sign3A_73 : i1 to i32
      %sign3A_75 = arith.constant 0 : i32
      %sign3A_76 = arith.cmpi slt, %jit3A, %sign3A_75 : i32
      %sign3A_77 = arith.extui %sign3A_76 : i1 to i32
      %sign3A_78 = arith.subi %sign3A_74, %sign3A_77 : i32
      %ne3A = arith.cmpi ne, %sign3A_71, %sign3A_78 : i32
      %rem3A = arith.remsi %sub3A_65, %jit3A : i32
      %ne3A_79 = arith.constant 0 : i32
      %ne3A_80 = arith.cmpi ne, %rem3A, %ne3A_79 : i32
      %and3A_81 = arith.andi %ne3A, %ne3A_80 : i1
      %sub3A_82 = arith.constant 1 : i32
      %sub3A_83 = arith.subi %div3A, %sub3A_82 : i32
      %select_n3A = arith.select %and3A_81, %sub3A_83, %div3A : i32
      %while3A = arith.constant 0 : i32
      %while3A_84 = arith.constant 0 : i32
      %while3A_85 = arith.subi %select_n3A, %while3A_84 : i32
      %while3A_86 = arith.addi %while3A_84, %while3A_85 : i32
      %while3A_87 = arith.constant 1 : i32
      %while3A_88 = arith.divsi %while3A_85, %while3A_87 : i32
      %while3A_89 = arith.muli %while3A_88, %while3A_87 : i32
      %while3A_90 = arith.addi %while3A_84, %while3A_89 : i32
      %while3A_91 = arith.constant 1 : i32
      scf.for %while3A_157 = %while3A_84 to %while3A_90 step %while3A_91  : i32 {
        %mul3A_158 = arith.constant 256 : i32
        %mul3A_159 = arith.muli %while3A_157, %mul3A_158 : i32
        %add3A_160 = arith.addi %and3A_61, %mul3A_159 : i32
        %multiple_of3A_161 = tpu.assume_multiple %add3A_160, 8 : i32
        "tpu.region"() ({
          %run_scoped3A = tpu.sem_alloc : memref<!tpu.dma_semaphore, #tpu.memory_space<semaphore_mem>>
          %dma_start3A = tpu.memref_slice %arg2[%multiple_of3A_161] : memref<100512xf32, #tpu.memory_space<hbm>> -> memref<256xf32, #tpu.memory_space<hbm>>
          %dma_start3A_168 = tpu.memref_slice %arg2[%multiple_of3A_161] : memref<100512xf32, #tpu.memory_space<hbm>> -> memref<256xf32, #tpu.memory_space<hbm>>
          tpu.enqueue_dma source(%dma_start3A_168 : memref<256xf32, #tpu.memory_space<hbm>>) target(%arg11 : memref<256xf32, #tpu.memory_space<vmem>>) target_semaphore(%run_scoped3A : memref<!tpu.dma_semaphore, #tpu.memory_space<semaphore_mem>>)
          %dma_wait3A = tpu.memref_slice %arg2[%multiple_of3A_161] : memref<100512xf32, #tpu.memory_space<hbm>> -> memref<256xf32, #tpu.memory_space<hbm>>
          %dma_wait3A_169 = tpu.memref_slice %arg2[%multiple_of3A_161] : memref<100512xf32, #tpu.memory_space<hbm>> -> memref<256xf32, #tpu.memory_space<hbm>>
          tpu.wait_dma2 semaphore(%run_scoped3A : memref<!tpu.dma_semaphore, #tpu.memory_space<semaphore_mem>>) src(%dma_wait3A_169 : memref<256xf32, #tpu.memory_space<hbm>>) dst(%arg11 : memref<256xf32, #tpu.memory_space<vmem>>)
          tpu.yield
        }) : () -> ()
        "tpu.region"() ({
          %run_scoped3A = tpu.sem_alloc : memref<!tpu.dma_semaphore, #tpu.memory_space<semaphore_mem>>
          %dma_start3A = tpu.memref_slice %arg3[%multiple_of3A_161] : memref<100512xf32, #tpu.memory_space<hbm>> -> memref<256xf32, #tpu.memory_space<hbm>>
          %dma_start3A_168 = tpu.memref_slice %arg3[%multiple_of3A_161] : memref<100512xf32, #tpu.memory_space<hbm>> -> memref<256xf32, #tpu.memory_space<hbm>>
          tpu.enqueue_dma source(%dma_start3A_168 : memref<256xf32, #tpu.memory_space<hbm>>) target(%arg12 : memref<256xf32, #tpu.memory_space<vmem>>) target_semaphore(%run_scoped3A : memref<!tpu.dma_semaphore, #tpu.memory_space<semaphore_mem>>)
          %dma_wait3A = tpu.memref_slice %arg3[%multiple_of3A_161] : memref<100512xf32, #tpu.memory_space<hbm>> -> memref<256xf32, #tpu.memory_space<hbm>>
          %dma_wait3A_169 = tpu.memref_slice %arg3[%multiple_of3A_161] : memref<100512xf32, #tpu.memory_space<hbm>> -> memref<256xf32, #tpu.memory_space<hbm>>
          tpu.wait_dma2 semaphore(%run_scoped3A : memref<!tpu.dma_semaphore, #tpu.memory_space<semaphore_mem>>) src(%dma_wait3A_169 : memref<256xf32, #tpu.memory_space<hbm>>) dst(%arg12 : memref<256xf32, #tpu.memory_space<vmem>>)
          tpu.yield
        }) : () -> ()
        "tpu.region"() ({
          %run_scoped3A = tpu.sem_alloc : memref<!tpu.dma_semaphore, #tpu.memory_space<semaphore_mem>>
          %dma_start3A = tpu.memref_slice %arg4[%multiple_of3A_161] : memref<100512xf32, #tpu.memory_space<hbm>> -> memref<256xf32, #tpu.memory_space<hbm>>
          %dma_start3A_168 = tpu.memref_slice %arg4[%multiple_of3A_161] : memref<100512xf32, #tpu.memory_space<hbm>> -> memref<256xf32, #tpu.memory_space<hbm>>
          tpu.enqueue_dma source(%dma_start3A_168 : memref<256xf32, #tpu.memory_space<hbm>>) target(%arg13 : memref<256xf32, #tpu.memory_space<vmem>>) target_semaphore(%run_scoped3A : memref<!tpu.dma_semaphore, #tpu.memory_space<semaphore_mem>>)
          %dma_wait3A = tpu.memref_slice %arg4[%multiple_of3A_161] : memref<100512xf32, #tpu.memory_space<hbm>> -> memref<256xf32, #tpu.memory_space<hbm>>
          %dma_wait3A_169 = tpu.memref_slice %arg4[%multiple_of3A_161] : memref<100512xf32, #tpu.memory_space<hbm>> -> memref<256xf32, #tpu.memory_space<hbm>>
          tpu.wait_dma2 semaphore(%run_scoped3A : memref<!tpu.dma_semaphore, #tpu.memory_space<semaphore_mem>>) src(%dma_wait3A_169 : memref<256xf32, #tpu.memory_space<hbm>>) dst(%arg13 : memref<256xf32, #tpu.memory_space<vmem>>)
          tpu.yield
        }) : () -> ()
        "tpu.region"() ({
          %run_scoped3A = tpu.sem_alloc : memref<!tpu.dma_semaphore, #tpu.memory_space<semaphore_mem>>
          %dma_start3A = tpu.memref_slice %arg5[%multiple_of3A_161] : memref<100512xf32, #tpu.memory_space<hbm>> -> memref<256xf32, #tpu.memory_space<hbm>>
          %dma_start3A_168 = tpu.memref_slice %arg5[%multiple_of3A_161] : memref<100512xf32, #tpu.memory_space<hbm>> -> memref<256xf32, #tpu.memory_space<hbm>>
          tpu.enqueue_dma source(%dma_start3A_168 : memref<256xf32, #tpu.memory_space<hbm>>) target(%arg14 : memref<256xf32, #tpu.memory_space<vmem>>) target_semaphore(%run_scoped3A : memref<!tpu.dma_semaphore, #tpu.memory_space<semaphore_mem>>)
          %dma_wait3A = tpu.memref_slice %arg5[%multiple_of3A_161] : memref<100512xf32, #tpu.memory_space<hbm>> -> memref<256xf32, #tpu.memory_space<hbm>>
          %dma_wait3A_169 = tpu.memref_slice %arg5[%multiple_of3A_161] : memref<100512xf32, #tpu.memory_space<hbm>> -> memref<256xf32, #tpu.memory_space<hbm>>
          tpu.wait_dma2 semaphore(%run_scoped3A : memref<!tpu.dma_semaphore, #tpu.memory_space<semaphore_mem>>) src(%dma_wait3A_169 : memref<256xf32, #tpu.memory_space<hbm>>) dst(%arg14 : memref<256xf32, #tpu.memory_space<vmem>>)
          tpu.yield
        }) : () -> ()
        %scan3A_162 = arith.constant 0 : i32
        %scan3A_163 = arith.constant 0 : i32
        %scan3A_164 = arith.constant 16 : i32
        %scan3A_165 = arith.addi %scan3A_163, %scan3A_164 : i32
        %scan3A_166 = arith.constant 1 : i32
        scf.for %scan3A_168 = %scan3A_163 to %scan3A_165 step %scan3A_166  : i32 {
          %mul3A_169 = arith.constant 16 : i32
          %mul3A_170 = arith.muli %scan3A_168, %mul3A_169 : i32
          %get3A_171 = arith.index_cast %mul3A_170 : i32 to index
          %get3A_172 = tpu.vector_load %arg11[%get3A_171] {strides = array<i32>} : memref<256xf32, #tpu.memory_space<vmem>>, vector<16xf32>,
          %get3A_173 = arith.index_cast %mul3A_170 : i32 to index
          %get3A_174 = tpu.vector_load %arg12[%get3A_173] {strides = array<i32>} : memref<256xf32, #tpu.memory_space<vmem>>, vector<16xf32>,
          %get3A_175 = arith.index_cast %mul3A_170 : i32 to index
          %get3A_176 = tpu.vector_load %arg13[%get3A_175] {strides = array<i32>} : memref<256xf32, #tpu.memory_space<vmem>>, vector<16xf32>,
          %mul3A_177 = arith.constant 16 : i32
          %mul3A_178 = arith.muli %scan3A_168, %mul3A_177 : i32
          %add3A_179 = arith.addi %multiple_of3A_161, %mul3A_178 : i32
          %add3A_180 = vector.broadcast %add3A_179 : i32 to vector<16xi32>
          %add3A_181 = arith.addi %add3A_180, %iota3A : vector<16xi32>
          %ge3A = vector.broadcast %squeeze3A : i32 to vector<16xi32>
          %ge3A_182 = arith.cmpi sge, %add3A_181, %ge3A : vector<16xi32>
          %lt3A = vector.broadcast %squeeze3A_60 : i32 to vector<16xi32>
          %lt3A_183 = arith.cmpi slt, %add3A_181, %lt3A : vector<16xi32>
          %and3A_184 = arith.andi %ge3A_182, %lt3A_183 : vector<16xi1>
          %sub3A_185 = arith.subf %get3A_172, %get3A_4 : vector<16xf32>
          %mul3A_186 = arith.constant 4.000000e+00 : f32
          %mul3A_187 = vector.broadcast %mul3A_186 : f32 to vector<16xf32>
          %mul3A_188 = arith.mulf %sub3A_185, %mul3A_187 : vector<16xf32>
          %convert_element_type3A = arith.fptosi %mul3A_188 : vector<16xf32> to vector<16xi32>
          %jit3A_189 = arith.constant 0 : i32
          %jit3A_190 = arith.constant 7 : i32
          %max3A = vector.broadcast %jit3A_189 : i32 to vector<16xi32>
          %max3A_191 = arith.maxsi %max3A, %convert_element_type3A : vector<16xi32>
          %min3A = vector.broadcast %jit3A_190 : i32 to vector<16xi32>
          %min3A_192 = arith.minsi %min3A, %max3A_191 : vector<16xi32>
          %sub3A_193 = arith.subf %get3A_174, %get3A_6 : vector<16xf32>
          %mul3A_194 = arith.constant 4.000000e+00 : f32
          %mul3A_195 = vector.broadcast %mul3A_194 : f32 to vector<16xf32>
          %mul3A_196 = arith.mulf %sub3A_193, %mul3A_195 : vector<16xf32>
          %convert_element_type3A_197 = arith.fptosi %mul3A_196 : vector<16xf32> to vector<16xi32>
          %jit3A_198 = arith.constant 0 : i32
          %jit3A_199 = arith.constant 7 : i32
          %max3A_200 = vector.broadcast %jit3A_198 : i32 to vector<16xi32>
          %max3A_201 = arith.maxsi %max3A_200, %convert_element_type3A_197 : vector<16xi32>
          %min3A_202 = vector.broadcast %jit3A_199 : i32 to vector<16xi32>
          %min3A_203 = arith.minsi %min3A_202, %max3A_201 : vector<16xi32>
          %sub3A_204 = arith.subf %get3A_176, %get3A_8 : vector<16xf32>
          %mul3A_205 = arith.constant 4.000000e+00 : f32
          %mul3A_206 = vector.broadcast %mul3A_205 : f32 to vector<16xf32>
          %mul3A_207 = arith.mulf %sub3A_204, %mul3A_206 : vector<16xf32>
          %convert_element_type3A_208 = arith.fptosi %mul3A_207 : vector<16xf32> to vector<16xi32>
          %jit3A_209 = arith.constant 0 : i32
          %jit3A_210 = arith.constant 7 : i32
          %max3A_211 = vector.broadcast %jit3A_209 : i32 to vector<16xi32>
          %max3A_212 = arith.maxsi %max3A_211, %convert_element_type3A_208 : vector<16xi32>
          %min3A_213 = vector.broadcast %jit3A_210 : i32 to vector<16xi32>
          %min3A_214 = arith.minsi %min3A_213, %max3A_212 : vector<16xi32>
          %mul3A_215 = arith.constant 8 : i32
          %mul3A_216 = vector.broadcast %mul3A_215 : i32 to vector<16xi32>
          %mul3A_217 = arith.muli %min3A_192, %mul3A_216 : vector<16xi32>
          %add3A_218 = arith.addi %mul3A_217, %min3A_203 : vector<16xi32>
          %mul3A_219 = arith.constant 8 : i32
          %mul3A_220 = vector.broadcast %mul3A_219 : i32 to vector<16xi32>
          %mul3A_221 = arith.muli %add3A_218, %mul3A_220 : vector<16xi32>
          %add3A_222 = arith.addi %mul3A_221, %min3A_214 : vector<16xi32>
          %jit3A_223 = arith.constant 512 : i32
          %broadcast_in_dim3A_224 = vector.broadcast %jit3A_223 : i32 to vector<16xi32>
          %select_n3A_225 = arith.select %and3A_184, %add3A_222, %broadcast_in_dim3A_224 : vector<16xi1>, vector<16xi32>
          tpu.vector_store_idx %arg15[%select_n3A_225], %broadcast_in_dim3A_3 masked %and3A_184 {add = true} : memref<528xf32, #tpu.memory_space<vmem>>[vector<16xi32>], vector<16xf32>, vector<16xi1>
          tpu.vector_store_idx %arg16[%select_n3A_225], %get3A_172 masked %and3A_184 {add = true} : memref<528xf32, #tpu.memory_space<vmem>>[vector<16xi32>], vector<16xf32>, vector<16xi1>
          tpu.vector_store_idx %arg17[%select_n3A_225], %get3A_174 masked %and3A_184 {add = true} : memref<528xf32, #tpu.memory_space<vmem>>[vector<16xi32>], vector<16xf32>, vector<16xi1>
          tpu.vector_store_idx %arg18[%select_n3A_225], %get3A_176 masked %and3A_184 {add = true} : memref<528xf32, #tpu.memory_space<vmem>>[vector<16xi32>], vector<16xf32>, vector<16xi1>
        }
        %scan3A_167 = arith.constant 16 : i32
      }
      %while3A_92 = arith.constant 1 : i32
      scf.for %while3A_157 = %while3A_90 to %while3A_86 step %while3A_92  : i32 {
        %mul3A_158 = arith.constant 256 : i32
        %mul3A_159 = arith.muli %while3A_157, %mul3A_158 : i32
        %add3A_160 = arith.addi %and3A_61, %mul3A_159 : i32
        %multiple_of3A_161 = tpu.assume_multiple %add3A_160, 8 : i32
        "tpu.region"() ({
          %run_scoped3A = tpu.sem_alloc : memref<!tpu.dma_semaphore, #tpu.memory_space<semaphore_mem>>
          %dma_start3A = tpu.memref_slice %arg2[%multiple_of3A_161] : memref<100512xf32, #tpu.memory_space<hbm>> -> memref<256xf32, #tpu.memory_space<hbm>>
          %dma_start3A_168 = tpu.memref_slice %arg2[%multiple_of3A_161] : memref<100512xf32, #tpu.memory_space<hbm>> -> memref<256xf32, #tpu.memory_space<hbm>>
          tpu.enqueue_dma source(%dma_start3A_168 : memref<256xf32, #tpu.memory_space<hbm>>) target(%arg11 : memref<256xf32, #tpu.memory_space<vmem>>) target_semaphore(%run_scoped3A : memref<!tpu.dma_semaphore, #tpu.memory_space<semaphore_mem>>)
          %dma_wait3A = tpu.memref_slice %arg2[%multiple_of3A_161] : memref<100512xf32, #tpu.memory_space<hbm>> -> memref<256xf32, #tpu.memory_space<hbm>>
          %dma_wait3A_169 = tpu.memref_slice %arg2[%multiple_of3A_161] : memref<100512xf32, #tpu.memory_space<hbm>> -> memref<256xf32, #tpu.memory_space<hbm>>
          tpu.wait_dma2 semaphore(%run_scoped3A : memref<!tpu.dma_semaphore, #tpu.memory_space<semaphore_mem>>) src(%dma_wait3A_169 : memref<256xf32, #tpu.memory_space<hbm>>) dst(%arg11 : memref<256xf32, #tpu.memory_space<vmem>>)
          tpu.yield
        }) : () -> ()
        "tpu.region"() ({
          %run_scoped3A = tpu.sem_alloc : memref<!tpu.dma_semaphore, #tpu.memory_space<semaphore_mem>>
          %dma_start3A = tpu.memref_slice %arg3[%multiple_of3A_161] : memref<100512xf32, #tpu.memory_space<hbm>> -> memref<256xf32, #tpu.memory_space<hbm>>
          %dma_start3A_168 = tpu.memref_slice %arg3[%multiple_of3A_161] : memref<100512xf32, #tpu.memory_space<hbm>> -> memref<256xf32, #tpu.memory_space<hbm>>
          tpu.enqueue_dma source(%dma_start3A_168 : memref<256xf32, #tpu.memory_space<hbm>>) target(%arg12 : memref<256xf32, #tpu.memory_space<vmem>>) target_semaphore(%run_scoped3A : memref<!tpu.dma_semaphore, #tpu.memory_space<semaphore_mem>>)
          %dma_wait3A = tpu.memref_slice %arg3[%multiple_of3A_161] : memref<100512xf32, #tpu.memory_space<hbm>> -> memref<256xf32, #tpu.memory_space<hbm>>
          %dma_wait3A_169 = tpu.memref_slice %arg3[%multiple_of3A_161] : memref<100512xf32, #tpu.memory_space<hbm>> -> memref<256xf32, #tpu.memory_space<hbm>>
          tpu.wait_dma2 semaphore(%run_scoped3A : memref<!tpu.dma_semaphore, #tpu.memory_space<semaphore_mem>>) src(%dma_wait3A_169 : memref<256xf32, #tpu.memory_space<hbm>>) dst(%arg12 : memref<256xf32, #tpu.memory_space<vmem>>)
          tpu.yield
        }) : () -> ()
        "tpu.region"() ({
          %run_scoped3A = tpu.sem_alloc : memref<!tpu.dma_semaphore, #tpu.memory_space<semaphore_mem>>
          %dma_start3A = tpu.memref_slice %arg4[%multiple_of3A_161] : memref<100512xf32, #tpu.memory_space<hbm>> -> memref<256xf32, #tpu.memory_space<hbm>>
          %dma_start3A_168 = tpu.memref_slice %arg4[%multiple_of3A_161] : memref<100512xf32, #tpu.memory_space<hbm>> -> memref<256xf32, #tpu.memory_space<hbm>>
          tpu.enqueue_dma source(%dma_start3A_168 : memref<256xf32, #tpu.memory_space<hbm>>) target(%arg13 : memref<256xf32, #tpu.memory_space<vmem>>) target_semaphore(%run_scoped3A : memref<!tpu.dma_semaphore, #tpu.memory_space<semaphore_mem>>)
          %dma_wait3A = tpu.memref_slice %arg4[%multiple_of3A_161] : memref<100512xf32, #tpu.memory_space<hbm>> -> memref<256xf32, #tpu.memory_space<hbm>>
          %dma_wait3A_169 = tpu.memref_slice %arg4[%multiple_of3A_161] : memref<100512xf32, #tpu.memory_space<hbm>> -> memref<256xf32, #tpu.memory_space<hbm>>
          tpu.wait_dma2 semaphore(%run_scoped3A : memref<!tpu.dma_semaphore, #tpu.memory_space<semaphore_mem>>) src(%dma_wait3A_169 : memref<256xf32, #tpu.memory_space<hbm>>) dst(%arg13 : memref<256xf32, #tpu.memory_space<vmem>>)
          tpu.yield
        }) : () -> ()
        "tpu.region"() ({
          %run_scoped3A = tpu.sem_alloc : memref<!tpu.dma_semaphore, #tpu.memory_space<semaphore_mem>>
          %dma_start3A = tpu.memref_slice %arg5[%multiple_of3A_161] : memref<100512xf32, #tpu.memory_space<hbm>> -> memref<256xf32, #tpu.memory_space<hbm>>
          %dma_start3A_168 = tpu.memref_slice %arg5[%multiple_of3A_161] : memref<100512xf32, #tpu.memory_space<hbm>> -> memref<256xf32, #tpu.memory_space<hbm>>
          tpu.enqueue_dma source(%dma_start3A_168 : memref<256xf32, #tpu.memory_space<hbm>>) target(%arg14 : memref<256xf32, #tpu.memory_space<vmem>>) target_semaphore(%run_scoped3A : memref<!tpu.dma_semaphore, #tpu.memory_space<semaphore_mem>>)
          %dma_wait3A = tpu.memref_slice %arg5[%multiple_of3A_161] : memref<100512xf32, #tpu.memory_space<hbm>> -> memref<256xf32, #tpu.memory_space<hbm>>
          %dma_wait3A_169 = tpu.memref_slice %arg5[%multiple_of3A_161] : memref<100512xf32, #tpu.memory_space<hbm>> -> memref<256xf32, #tpu.memory_space<hbm>>
          tpu.wait_dma2 semaphore(%run_scoped3A : memref<!tpu.dma_semaphore, #tpu.memory_space<semaphore_mem>>) src(%dma_wait3A_169 : memref<256xf32, #tpu.memory_space<hbm>>) dst(%arg14 : memref<256xf32, #tpu.memory_space<vmem>>)
          tpu.yield
        }) : () -> ()
        %scan3A_162 = arith.constant 0 : i32
        %scan3A_163 = arith.constant 0 : i32
        %scan3A_164 = arith.constant 16 : i32
        %scan3A_165 = arith.addi %scan3A_163, %scan3A_164 : i32
        %scan3A_166 = arith.constant 1 : i32
        scf.for %scan3A_168 = %scan3A_163 to %scan3A_165 step %scan3A_166  : i32 {
          %mul3A_169 = arith.constant 16 : i32
          %mul3A_170 = arith.muli %scan3A_168, %mul3A_169 : i32
          %get3A_171 = arith.index_cast %mul3A_170 : i32 to index
          %get3A_172 = tpu.vector_load %arg11[%get3A_171] {strides = array<i32>} : memref<256xf32, #tpu.memory_space<vmem>>, vector<16xf32>,
          %get3A_173 = arith.index_cast %mul3A_170 : i32 to index
          %get3A_174 = tpu.vector_load %arg12[%get3A_173] {strides = array<i32>} : memref<256xf32, #tpu.memory_space<vmem>>, vector<16xf32>,
          %get3A_175 = arith.index_cast %mul3A_170 : i32 to index
          %get3A_176 = tpu.vector_load %arg13[%get3A_175] {strides = array<i32>} : memref<256xf32, #tpu.memory_space<vmem>>, vector<16xf32>,
          %mul3A_177 = arith.constant 16 : i32
          %mul3A_178 = arith.muli %scan3A_168, %mul3A_177 : i32
          %add3A_179 = arith.addi %multiple_of3A_161, %mul3A_178 : i32
          %add3A_180 = vector.broadcast %add3A_179 : i32 to vector<16xi32>
          %add3A_181 = arith.addi %add3A_180, %iota3A : vector<16xi32>
          %ge3A = vector.broadcast %squeeze3A : i32 to vector<16xi32>
          %ge3A_182 = arith.cmpi sge, %add3A_181, %ge3A : vector<16xi32>
          %lt3A = vector.broadcast %squeeze3A_60 : i32 to vector<16xi32>
          %lt3A_183 = arith.cmpi slt, %add3A_181, %lt3A : vector<16xi32>
          %and3A_184 = arith.andi %ge3A_182, %lt3A_183 : vector<16xi1>
          %sub3A_185 = arith.subf %get3A_172, %get3A_4 : vector<16xf32>
          %mul3A_186 = arith.constant 4.000000e+00 : f32
          %mul3A_187 = vector.broadcast %mul3A_186 : f32 to vector<16xf32>
          %mul3A_188 = arith.mulf %sub3A_185, %mul3A_187 : vector<16xf32>
          %convert_element_type3A = arith.fptosi %mul3A_188 : vector<16xf32> to vector<16xi32>
          %jit3A_189 = arith.constant 0 : i32
          %jit3A_190 = arith.constant 7 : i32
          %max3A = vector.broadcast %jit3A_189 : i32 to vector<16xi32>
          %max3A_191 = arith.maxsi %max3A, %convert_element_type3A : vector<16xi32>
          %min3A = vector.broadcast %jit3A_190 : i32 to vector<16xi32>
          %min3A_192 = arith.minsi %min3A, %max3A_191 : vector<16xi32>
          %sub3A_193 = arith.subf %get3A_174, %get3A_6 : vector<16xf32>
          %mul3A_194 = arith.constant 4.000000e+00 : f32
          %mul3A_195 = vector.broadcast %mul3A_194 : f32 to vector<16xf32>
          %mul3A_196 = arith.mulf %sub3A_193, %mul3A_195 : vector<16xf32>
          %convert_element_type3A_197 = arith.fptosi %mul3A_196 : vector<16xf32> to vector<16xi32>
          %jit3A_198 = arith.constant 0 : i32
          %jit3A_199 = arith.constant 7 : i32
          %max3A_200 = vector.broadcast %jit3A_198 : i32 to vector<16xi32>
          %max3A_201 = arith.maxsi %max3A_200, %convert_element_type3A_197 : vector<16xi32>
          %min3A_202 = vector.broadcast %jit3A_199 : i32 to vector<16xi32>
          %min3A_203 = arith.minsi %min3A_202, %max3A_201 : vector<16xi32>
          %sub3A_204 = arith.subf %get3A_176, %get3A_8 : vector<16xf32>
          %mul3A_205 = arith.constant 4.000000e+00 : f32
          %mul3A_206 = vector.broadcast %mul3A_205 : f32 to vector<16xf32>
          %mul3A_207 = arith.mulf %sub3A_204, %mul3A_206 : vector<16xf32>
          %convert_element_type3A_208 = arith.fptosi %mul3A_207 : vector<16xf32> to vector<16xi32>
          %jit3A_209 = arith.constant 0 : i32
          %jit3A_210 = arith.constant 7 : i32
          %max3A_211 = vector.broadcast %jit3A_209 : i32 to vector<16xi32>
          %max3A_212 = arith.maxsi %max3A_211, %convert_element_type3A_208 : vector<16xi32>
          %min3A_213 = vector.broadcast %jit3A_210 : i32 to vector<16xi32>
          %min3A_214 = arith.minsi %min3A_213, %max3A_212 : vector<16xi32>
          %mul3A_215 = arith.constant 8 : i32
          %mul3A_216 = vector.broadcast %mul3A_215 : i32 to vector<16xi32>
          %mul3A_217 = arith.muli %min3A_192, %mul3A_216 : vector<16xi32>
          %add3A_218 = arith.addi %mul3A_217, %min3A_203 : vector<16xi32>
          %mul3A_219 = arith.constant 8 : i32
          %mul3A_220 = vector.broadcast %mul3A_219 : i32 to vector<16xi32>
          %mul3A_221 = arith.muli %add3A_218, %mul3A_220 : vector<16xi32>
          %add3A_222 = arith.addi %mul3A_221, %min3A_214 : vector<16xi32>
          %jit3A_223 = arith.constant 512 : i32
          %broadcast_in_dim3A_224 = vector.broadcast %jit3A_223 : i32 to vector<16xi32>
          %select_n3A_225 = arith.select %and3A_184, %add3A_222, %broadcast_in_dim3A_224 : vector<16xi1>, vector<16xi32>
          tpu.vector_store_idx %arg15[%select_n3A_225], %broadcast_in_dim3A_3 masked %and3A_184 {add = true} : memref<528xf32, #tpu.memory_space<vmem>>[vector<16xi32>], vector<16xf32>, vector<16xi1>
          tpu.vector_store_idx %arg16[%select_n3A_225], %get3A_172 masked %and3A_184 {add = true} : memref<528xf32, #tpu.memory_space<vmem>>[vector<16xi32>], vector<16xf32>, vector<16xi1>
          tpu.vector_store_idx %arg17[%select_n3A_225], %get3A_174 masked %and3A_184 {add = true} : memref<528xf32, #tpu.memory_space<vmem>>[vector<16xi32>], vector<16xf32>, vector<16xi1>
          tpu.vector_store_idx %arg18[%select_n3A_225], %get3A_176 masked %and3A_184 {add = true} : memref<528xf32, #tpu.memory_space<vmem>>[vector<16xi32>], vector<16xf32>, vector<16xi1>
        }
        %scan3A_167 = arith.constant 16 : i32
      }
      %while3A_93 = arith.constant 0 : i32
      %while3A_94 = arith.constant 0 : i32
      %while3A_95 = arith.subi %select_n3A, %while3A_94 : i32
      %while3A_96 = arith.addi %while3A_94, %while3A_95 : i32
      %while3A_97 = arith.constant 1 : i32
      %while3A_98 = arith.divsi %while3A_95, %while3A_97 : i32
      %while3A_99 = arith.muli %while3A_98, %while3A_97 : i32
      %while3A_100 = arith.addi %while3A_94, %while3A_99 : i32
      %while3A_101 = arith.constant 1 : i32
      scf.for %while3A_157 = %while3A_94 to %while3A_100 step %while3A_101  : i32 {
        %mul3A_158 = arith.constant 256 : i32
        %mul3A_159 = arith.muli %while3A_157, %mul3A_158 : i32
        %add3A_160 = arith.addi %and3A_61, %mul3A_159 : i32
        %multiple_of3A_161 = tpu.assume_multiple %add3A_160, 8 : i32
        %gt3A = arith.constant 1 : i32
        %gt3A_162 = arith.cmpi sgt, %select_n3A, %gt3A : i32
        %convert_element_type3A = arith.extui %gt3A_162 : i1 to i32
        %cond3A = arith.constant 0 : i32
        %cond3A_163 = arith.cmpi ne, %convert_element_type3A, %cond3A : i32
        scf.if %cond3A_163 {
          "tpu.region"() ({
            %run_scoped3A = tpu.sem_alloc : memref<!tpu.dma_semaphore, #tpu.memory_space<semaphore_mem>>
            %dma_start3A = tpu.memref_slice %arg2[%multiple_of3A_161] : memref<100512xf32, #tpu.memory_space<hbm>> -> memref<256xf32, #tpu.memory_space<hbm>>
            %dma_start3A_170 = tpu.memref_slice %arg2[%multiple_of3A_161] : memref<100512xf32, #tpu.memory_space<hbm>> -> memref<256xf32, #tpu.memory_space<hbm>>
            tpu.enqueue_dma source(%dma_start3A_170 : memref<256xf32, #tpu.memory_space<hbm>>) target(%arg11 : memref<256xf32, #tpu.memory_space<vmem>>) target_semaphore(%run_scoped3A : memref<!tpu.dma_semaphore, #tpu.memory_space<semaphore_mem>>)
            %dma_wait3A = tpu.memref_slice %arg2[%multiple_of3A_161] : memref<100512xf32, #tpu.memory_space<hbm>> -> memref<256xf32, #tpu.memory_space<hbm>>
            %dma_wait3A_171 = tpu.memref_slice %arg2[%multiple_of3A_161] : memref<100512xf32, #tpu.memory_space<hbm>> -> memref<256xf32, #tpu.memory_space<hbm>>
            tpu.wait_dma2 semaphore(%run_scoped3A : memref<!tpu.dma_semaphore, #tpu.memory_space<semaphore_mem>>) src(%dma_wait3A_171 : memref<256xf32, #tpu.memory_space<hbm>>) dst(%arg11 : memref<256xf32, #tpu.memory_space<vmem>>)
            tpu.yield
          }) : () -> ()
          "tpu.region"() ({
            %run_scoped3A = tpu.sem_alloc : memref<!tpu.dma_semaphore, #tpu.memory_space<semaphore_mem>>
            %dma_start3A = tpu.memref_slice %arg3[%multiple_of3A_161] : memref<100512xf32, #tpu.memory_space<hbm>> -> memref<256xf32, #tpu.memory_space<hbm>>
            %dma_start3A_170 = tpu.memref_slice %arg3[%multiple_of3A_161] : memref<100512xf32, #tpu.memory_space<hbm>> -> memref<256xf32, #tpu.memory_space<hbm>>
            tpu.enqueue_dma source(%dma_start3A_170 : memref<256xf32, #tpu.memory_space<hbm>>) target(%arg12 : memref<256xf32, #tpu.memory_space<vmem>>) target_semaphore(%run_scoped3A : memref<!tpu.dma_semaphore, #tpu.memory_space<semaphore_mem>>)
            %dma_wait3A = tpu.memref_slice %arg3[%multiple_of3A_161] : memref<100512xf32, #tpu.memory_space<hbm>> -> memref<256xf32, #tpu.memory_space<hbm>>
            %dma_wait3A_171 = tpu.memref_slice %arg3[%multiple_of3A_161] : memref<100512xf32, #tpu.memory_space<hbm>> -> memref<256xf32, #tpu.memory_space<hbm>>
            tpu.wait_dma2 semaphore(%run_scoped3A : memref<!tpu.dma_semaphore, #tpu.memory_space<semaphore_mem>>) src(%dma_wait3A_171 : memref<256xf32, #tpu.memory_space<hbm>>) dst(%arg12 : memref<256xf32, #tpu.memory_space<vmem>>)
            tpu.yield
          }) : () -> ()
          "tpu.region"() ({
            %run_scoped3A = tpu.sem_alloc : memref<!tpu.dma_semaphore, #tpu.memory_space<semaphore_mem>>
            %dma_start3A = tpu.memref_slice %arg4[%multiple_of3A_161] : memref<100512xf32, #tpu.memory_space<hbm>> -> memref<256xf32, #tpu.memory_space<hbm>>
            %dma_start3A_170 = tpu.memref_slice %arg4[%multiple_of3A_161] : memref<100512xf32, #tpu.memory_space<hbm>> -> memref<256xf32, #tpu.memory_space<hbm>>
            tpu.enqueue_dma source(%dma_start3A_170 : memref<256xf32, #tpu.memory_space<hbm>>) target(%arg13 : memref<256xf32, #tpu.memory_space<vmem>>) target_semaphore(%run_scoped3A : memref<!tpu.dma_semaphore, #tpu.memory_space<semaphore_mem>>)
            %dma_wait3A = tpu.memref_slice %arg4[%multiple_of3A_161] : memref<100512xf32, #tpu.memory_space<hbm>> -> memref<256xf32, #tpu.memory_space<hbm>>
            %dma_wait3A_171 = tpu.memref_slice %arg4[%multiple_of3A_161] : memref<100512xf32, #tpu.memory_space<hbm>> -> memref<256xf32, #tpu.memory_space<hbm>>
            tpu.wait_dma2 semaphore(%run_scoped3A : memref<!tpu.dma_semaphore, #tpu.memory_space<semaphore_mem>>) src(%dma_wait3A_171 : memref<256xf32, #tpu.memory_space<hbm>>) dst(%arg13 : memref<256xf32, #tpu.memory_space<vmem>>)
            tpu.yield
          }) : () -> ()
          "tpu.region"() ({
            %run_scoped3A = tpu.sem_alloc : memref<!tpu.dma_semaphore, #tpu.memory_space<semaphore_mem>>
            %dma_start3A = tpu.memref_slice %arg5[%multiple_of3A_161] : memref<100512xf32, #tpu.memory_space<hbm>> -> memref<256xf32, #tpu.memory_space<hbm>>
            %dma_start3A_170 = tpu.memref_slice %arg5[%multiple_of3A_161] : memref<100512xf32, #tpu.memory_space<hbm>> -> memref<256xf32, #tpu.memory_space<hbm>>
            tpu.enqueue_dma source(%dma_start3A_170 : memref<256xf32, #tpu.memory_space<hbm>>) target(%arg14 : memref<256xf32, #tpu.memory_space<vmem>>) target_semaphore(%run_scoped3A : memref<!tpu.dma_semaphore, #tpu.memory_space<semaphore_mem>>)
            %dma_wait3A = tpu.memref_slice %arg5[%multiple_of3A_161] : memref<100512xf32, #tpu.memory_space<hbm>> -> memref<256xf32, #tpu.memory_space<hbm>>
            %dma_wait3A_171 = tpu.memref_slice %arg5[%multiple_of3A_161] : memref<100512xf32, #tpu.memory_space<hbm>> -> memref<256xf32, #tpu.memory_space<hbm>>
            tpu.wait_dma2 semaphore(%run_scoped3A : memref<!tpu.dma_semaphore, #tpu.memory_space<semaphore_mem>>) src(%dma_wait3A_171 : memref<256xf32, #tpu.memory_space<hbm>>) dst(%arg14 : memref<256xf32, #tpu.memory_space<vmem>>)
            tpu.yield
          }) : () -> ()
        } else {
        }
        %scan3A_164 = arith.constant 0 : i32
        %scan3A_165 = arith.constant 0 : i32
        %scan3A_166 = arith.constant 16 : i32
        %scan3A_167 = arith.addi %scan3A_165, %scan3A_166 : i32
        %scan3A_168 = arith.constant 1 : i32
        scf.for %scan3A_170 = %scan3A_165 to %scan3A_167 step %scan3A_168  : i32 {
          %mul3A_171 = arith.constant 16 : i32
          %mul3A_172 = arith.muli %scan3A_170, %mul3A_171 : i32
          %get3A_173 = arith.index_cast %mul3A_172 : i32 to index
          %get3A_174 = tpu.vector_load %arg11[%get3A_173] {strides = array<i32>} : memref<256xf32, #tpu.memory_space<vmem>>, vector<16xf32>,
          %get3A_175 = arith.index_cast %mul3A_172 : i32 to index
          %get3A_176 = tpu.vector_load %arg12[%get3A_175] {strides = array<i32>} : memref<256xf32, #tpu.memory_space<vmem>>, vector<16xf32>,
          %get3A_177 = arith.index_cast %mul3A_172 : i32 to index
          %get3A_178 = tpu.vector_load %arg13[%get3A_177] {strides = array<i32>} : memref<256xf32, #tpu.memory_space<vmem>>, vector<16xf32>,
          %mul3A_179 = arith.constant 16 : i32
          %mul3A_180 = arith.muli %scan3A_170, %mul3A_179 : i32
          %add3A_181 = arith.addi %multiple_of3A_161, %mul3A_180 : i32
          %add3A_182 = vector.broadcast %add3A_181 : i32 to vector<16xi32>
          %add3A_183 = arith.addi %add3A_182, %iota3A : vector<16xi32>
          %ge3A = vector.broadcast %squeeze3A : i32 to vector<16xi32>
          %ge3A_184 = arith.cmpi sge, %add3A_183, %ge3A : vector<16xi32>
          %lt3A = vector.broadcast %squeeze3A_60 : i32 to vector<16xi32>
          %lt3A_185 = arith.cmpi slt, %add3A_183, %lt3A : vector<16xi32>
          %and3A_186 = arith.andi %ge3A_184, %lt3A_185 : vector<16xi1>
          %sub3A_187 = arith.subf %get3A_174, %get3A_4 : vector<16xf32>
          %mul3A_188 = arith.constant 4.000000e+00 : f32
          %mul3A_189 = vector.broadcast %mul3A_188 : f32 to vector<16xf32>
          %mul3A_190 = arith.mulf %sub3A_187, %mul3A_189 : vector<16xf32>
          %convert_element_type3A_191 = arith.fptosi %mul3A_190 : vector<16xf32> to vector<16xi32>
          %jit3A_192 = arith.constant 0 : i32
          %jit3A_193 = arith.constant 7 : i32
          %max3A = vector.broadcast %jit3A_192 : i32 to vector<16xi32>
          %max3A_194 = arith.maxsi %max3A, %convert_element_type3A_191 : vector<16xi32>
          %min3A = vector.broadcast %jit3A_193 : i32 to vector<16xi32>
          %min3A_195 = arith.minsi %min3A, %max3A_194 : vector<16xi32>
          %sub3A_196 = arith.subf %get3A_176, %get3A_6 : vector<16xf32>
          %mul3A_197 = arith.constant 4.000000e+00 : f32
          %mul3A_198 = vector.broadcast %mul3A_197 : f32 to vector<16xf32>
          %mul3A_199 = arith.mulf %sub3A_196, %mul3A_198 : vector<16xf32>
          %convert_element_type3A_200 = arith.fptosi %mul3A_199 : vector<16xf32> to vector<16xi32>
          %jit3A_201 = arith.constant 0 : i32
          %jit3A_202 = arith.constant 7 : i32
          %max3A_203 = vector.broadcast %jit3A_201 : i32 to vector<16xi32>
          %max3A_204 = arith.maxsi %max3A_203, %convert_element_type3A_200 : vector<16xi32>
          %min3A_205 = vector.broadcast %jit3A_202 : i32 to vector<16xi32>
          %min3A_206 = arith.minsi %min3A_205, %max3A_204 : vector<16xi32>
          %sub3A_207 = arith.subf %get3A_178, %get3A_8 : vector<16xf32>
          %mul3A_208 = arith.constant 4.000000e+00 : f32
          %mul3A_209 = vector.broadcast %mul3A_208 : f32 to vector<16xf32>
          %mul3A_210 = arith.mulf %sub3A_207, %mul3A_209 : vector<16xf32>
          %convert_element_type3A_211 = arith.fptosi %mul3A_210 : vector<16xf32> to vector<16xi32>
          %jit3A_212 = arith.constant 0 : i32
          %jit3A_213 = arith.constant 7 : i32
          %max3A_214 = vector.broadcast %jit3A_212 : i32 to vector<16xi32>
          %max3A_215 = arith.maxsi %max3A_214, %convert_element_type3A_211 : vector<16xi32>
          %min3A_216 = vector.broadcast %jit3A_213 : i32 to vector<16xi32>
          %min3A_217 = arith.minsi %min3A_216, %max3A_215 : vector<16xi32>
          %mul3A_218 = arith.constant 8 : i32
          %mul3A_219 = vector.broadcast %mul3A_218 : i32 to vector<16xi32>
          %mul3A_220 = arith.muli %min3A_195, %mul3A_219 : vector<16xi32>
          %add3A_221 = arith.addi %mul3A_220, %min3A_206 : vector<16xi32>
          %mul3A_222 = arith.constant 8 : i32
          %mul3A_223 = vector.broadcast %mul3A_222 : i32 to vector<16xi32>
          %mul3A_224 = arith.muli %add3A_221, %mul3A_223 : vector<16xi32>
          %add3A_225 = arith.addi %mul3A_224, %min3A_217 : vector<16xi32>
          %jit3A_226 = arith.constant 512 : i32
          %broadcast_in_dim3A_227 = vector.broadcast %jit3A_226 : i32 to vector<16xi32>
          %select_n3A_228 = arith.select %and3A_186, %add3A_225, %broadcast_in_dim3A_227 : vector<16xi1>, vector<16xi32>
          %get3A_229 = arith.index_cast %mul3A_172 : i32 to index
          %get3A_230 = tpu.vector_load %arg14[%get3A_229] {strides = array<i32>} : memref<256xf32, #tpu.memory_space<vmem>>, vector<16xf32>,
          %gather3A = tpu.vector_load_idx %arg15[%select_n3A_228] : memref<528xf32, #tpu.memory_space<vmem>>[vector<16xi32>], vector<16xf32>,
          %max3A_231 = arith.constant 1.000000e+00 : f32
          %max3A_232 = vector.broadcast %max3A_231 : f32 to vector<16xf32>
          %max3A_233 = arith.maximumf %gather3A, %max3A_232 : vector<16xf32>
          %gather3A_234 = tpu.vector_load_idx %arg16[%select_n3A_228] : memref<528xf32, #tpu.memory_space<vmem>>[vector<16xi32>], vector<16xf32>,
          %div3A_235 = arith.divf %gather3A_234, %max3A_233 : vector<16xf32>
          %sub3A_236 = arith.subf %get3A_174, %div3A_235 : vector<16xf32>
          %gather3A_237 = tpu.vector_load_idx %arg17[%select_n3A_228] : memref<528xf32, #tpu.memory_space<vmem>>[vector<16xi32>], vector<16xf32>,
          %div3A_238 = arith.divf %gather3A_237, %max3A_233 : vector<16xf32>
          %sub3A_239 = arith.subf %get3A_176, %div3A_238 : vector<16xf32>
          %gather3A_240 = tpu.vector_load_idx %arg18[%select_n3A_228] : memref<528xf32, #tpu.memory_space<vmem>>[vector<16xi32>], vector<16xf32>,
          %div3A_241 = arith.divf %gather3A_240, %max3A_233 : vector<16xf32>
          %sub3A_242 = arith.subf %get3A_178, %div3A_241 : vector<16xf32>
          %get3A_243 = arith.constant 64 : index
          %get3A_244 = tpu.vector_load %arg10[%get3A_243] {strides = array<i32>} : memref<28192xf32, #tpu.memory_space<vmem>>, vector<16xf32>,
          %get3A_245 = arith.constant 0 : index
          %get3A_246 = tpu.vector_load %arg10[%get3A_245] {strides = array<i32>} : memref<28192xf32, #tpu.memory_space<vmem>>, vector<16xf32>,
          %get3A_247 = arith.constant 16 : index
          %get3A_248 = tpu.vector_load %arg10[%get3A_247] {strides = array<i32>} : memref<28192xf32, #tpu.memory_space<vmem>>, vector<16xf32>,
          %get3A_249 = arith.constant 32 : index
          %get3A_250 = tpu.vector_load %arg10[%get3A_249] {strides = array<i32>} : memref<28192xf32, #tpu.memory_space<vmem>>, vector<16xf32>,
          %get3A_251 = arith.constant 48 : index
          %get3A_252 = tpu.vector_load %arg10[%get3A_251] {strides = array<i32>} : memref<28192xf32, #tpu.memory_space<vmem>>, vector<16xf32>,
          %slice3A_253 = vector.extract_strided_slice %get3A_230 {offsets = [0], sizes = [1], strides = [1]} : vector<16xf32> to vector<1xf32>
          %squeeze3A_254 = vector.extract %slice3A_253[0] : f32 from vector<1xf32>
          %mul3A_255 = vector.broadcast %squeeze3A_254 : f32 to vector<16xf32>
          %mul3A_256 = arith.mulf %mul3A_255, %get3A_246 : vector<16xf32>
          %add3A_257 = arith.addf %get3A_244, %mul3A_256 : vector<16xf32>
          %slice3A_258 = vector.extract_strided_slice %sub3A_236 {offsets = [0], sizes = [1], strides = [1]} : vector<16xf32> to vector<1xf32>
          %squeeze3A_259 = vector.extract %slice3A_258[0] : f32 from vector<1xf32>
          %mul3A_260 = vector.broadcast %squeeze3A_259 : f32 to vector<16xf32>
          %mul3A_261 = arith.mulf %mul3A_260, %get3A_248 : vector<16xf32>
          %add3A_262 = arith.addf %add3A_257, %mul3A_261 : vector<16xf32>
          %slice3A_263 = vector.extract_strided_slice %sub3A_239 {offsets = [0], sizes = [1], strides = [1]} : vector<16xf32> to vector<1xf32>
          %squeeze3A_264 = vector.extract %slice3A_263[0] : f32 from vector<1xf32>
          %mul3A_265 = vector.broadcast %squeeze3A_264 : f32 to vector<16xf32>
          %mul3A_266 = arith.mulf %mul3A_265, %get3A_250 : vector<16xf32>
          %add3A_267 = arith.addf %add3A_262, %mul3A_266 : vector<16xf32>
          %slice3A_268 = vector.extract_strided_slice %sub3A_242 {offsets = [0], sizes = [1], strides = [1]} : vector<16xf32> to vector<1xf32>
          %squeeze3A_269 = vector.extract %slice3A_268[0] : f32 from vector<1xf32>
          %mul3A_270 = vector.broadcast %squeeze3A_269 : f32 to vector<16xf32>
          %mul3A_271 = arith.mulf %mul3A_270, %get3A_252 : vector<16xf32>
          %add3A_272 = arith.addf %add3A_267, %mul3A_271 : vector<16xf32>
          %max3A_273 = arith.constant 0.000000e+00 : f32
          %max3A_274 = vector.broadcast %max3A_273 : f32 to vector<16xf32>
          %max3A_275 = arith.maximumf %add3A_272, %max3A_274 : vector<16xf32>
          %slice3A_276 = vector.extract_strided_slice %select_n3A_228 {offsets = [0], sizes = [1], strides = [1]} : vector<16xi32> to vector<1xi32>
          %squeeze3A_277 = vector.extract %slice3A_276[0] : i32 from vector<1xi32>
          %mul3A_278 = arith.constant 16 : i32
          %mul3A_279 = arith.muli %squeeze3A_277, %mul3A_278 : i32
          %get3A_280 = arith.index_cast %mul3A_279 : i32 to index
          %get3A_281 = tpu.vector_load %arg19[%get3A_280] {strides = array<i32>} : memref<8448xf32, #tpu.memory_space<vmem>>, vector<16xf32>,
          %max3A_282 = arith.maximumf %get3A_281, %max3A_275 : vector<16xf32>
          %swap3A_283 = arith.index_cast %mul3A_279 : i32 to index
          %swap3A_284 = tpu.vector_load %arg19[%swap3A_283] {strides = array<i32>} : memref<8448xf32, #tpu.memory_space<vmem>>, vector<16xf32>,
          tpu.vector_store %arg19[%swap3A_283], %max3A_282 {strides = array<i32>} : memref<8448xf32, #tpu.memory_space<vmem>>, vector<16xf32>,
          %slice3A_285 = vector.extract_strided_slice %get3A_230 {offsets = [1], sizes = [1], strides = [1]} : vector<16xf32> to vector<1xf32>
          %squeeze3A_286 = vector.extract %slice3A_285[0] : f32 from vector<1xf32>
          %mul3A_287 = vector.broadcast %squeeze3A_286 : f32 to vector<16xf32>
          %mul3A_288 = arith.mulf %mul3A_287, %get3A_246 : vector<16xf32>
          %add3A_289 = arith.addf %get3A_244, %mul3A_288 : vector<16xf32>
          %slice3A_290 = vector.extract_strided_slice %sub3A_236 {offsets = [1], sizes = [1], strides = [1]} : vector<16xf32> to vector<1xf32>
          %squeeze3A_291 = vector.extract %slice3A_290[0] : f32 from vector<1xf32>
          %mul3A_292 = vector.broadcast %squeeze3A_291 : f32 to vector<16xf32>
          %mul3A_293 = arith.mulf %mul3A_292, %get3A_248 : vector<16xf32>
          %add3A_294 = arith.addf %add3A_289, %mul3A_293 : vector<16xf32>
          %slice3A_295 = vector.extract_strided_slice %sub3A_239 {offsets = [1], sizes = [1], strides = [1]} : vector<16xf32> to vector<1xf32>
          %squeeze3A_296 = vector.extract %slice3A_295[0] : f32 from vector<1xf32>
          %mul3A_297 = vector.broadcast %squeeze3A_296 : f32 to vector<16xf32>
          %mul3A_298 = arith.mulf %mul3A_297, %get3A_250 : vector<16xf32>
          %add3A_299 = arith.addf %add3A_294, %mul3A_298 : vector<16xf32>
          %slice3A_300 = vector.extract_strided_slice %sub3A_242 {offsets = [1], sizes = [1], strides = [1]} : vector<16xf32> to vector<1xf32>
          %squeeze3A_301 = vector.extract %slice3A_300[0] : f32 from vector<1xf32>
          %mul3A_302 = vector.broadcast %squeeze3A_301 : f32 to vector<16xf32>
          %mul3A_303 = arith.mulf %mul3A_302, %get3A_252 : vector<16xf32>
          %add3A_304 = arith.addf %add3A_299, %mul3A_303 : vector<16xf32>
          %max3A_305 = arith.constant 0.000000e+00 : f32
          %max3A_306 = vector.broadcast %max3A_305 : f32 to vector<16xf32>
          %max3A_307 = arith.maximumf %add3A_304, %max3A_306 : vector<16xf32>
          %slice3A_308 = vector.extract_strided_slice %select_n3A_228 {offsets = [1], sizes = [1], strides = [1]} : vector<16xi32> to vector<1xi32>
          %squeeze3A_309 = vector.extract %slice3A_308[0] : i32 from vector<1xi32>
          %mul3A_310 = arith.constant 16 : i32
          %mul3A_311 = arith.muli %squeeze3A_309, %mul3A_310 : i32
          %get3A_312 = arith.index_cast %mul3A_311 : i32 to index
          %get3A_313 = tpu.vector_load %arg19[%get3A_312] {strides = array<i32>} : memref<8448xf32, #tpu.memory_space<vmem>>, vector<16xf32>,
          %max3A_314 = arith.maximumf %get3A_313, %max3A_307 : vector<16xf32>
          %swap3A_315 = arith.index_cast %mul3A_311 : i32 to index
          %swap3A_316 = tpu.vector_load %arg19[%swap3A_315] {strides = array<i32>} : memref<8448xf32, #tpu.memory_space<vmem>>, vector<16xf32>,
          tpu.vector_store %arg19[%swap3A_315], %max3A_314 {strides = array<i32>} : memref<8448xf32, #tpu.memory_space<vmem>>, vector<16xf32>,
          %slice3A_317 = vector.extract_strided_slice %get3A_230 {offsets = [2], sizes = [1], strides = [1]} : vector<16xf32> to vector<1xf32>
          %squeeze3A_318 = vector.extract %slice3A_317[0] : f32 from vector<1xf32>
          %mul3A_319 = vector.broadcast %squeeze3A_318 : f32 to vector<16xf32>
          %mul3A_320 = arith.mulf %mul3A_319, %get3A_246 : vector<16xf32>
          %add3A_321 = arith.addf %get3A_244, %mul3A_320 : vector<16xf32>
          %slice3A_322 = vector.extract_strided_slice %sub3A_236 {offsets = [2], sizes = [1], strides = [1]} : vector<16xf32> to vector<1xf32>
          %squeeze3A_323 = vector.extract %slice3A_322[0] : f32 from vector<1xf32>
          %mul3A_324 = vector.broadcast %squeeze3A_323 : f32 to vector<16xf32>
          %mul3A_325 = arith.mulf %mul3A_324, %get3A_248 : vector<16xf32>
          %add3A_326 = arith.addf %add3A_321, %mul3A_325 : vector<16xf32>
          %slice3A_327 = vector.extract_strided_slice %sub3A_239 {offsets = [2], sizes = [1], strides = [1]} : vector<16xf32> to vector<1xf32>
          %squeeze3A_328 = vector.extract %slice3A_327[0] : f32 from vector<1xf32>
          %mul3A_329 = vector.broadcast %squeeze3A_328 : f32 to vector<16xf32>
          %mul3A_330 = arith.mulf %mul3A_329, %get3A_250 : vector<16xf32>
          %add3A_331 = arith.addf %add3A_326, %mul3A_330 : vector<16xf32>
          %slice3A_332 = vector.extract_strided_slice %sub3A_242 {offsets = [2], sizes = [1], strides = [1]} : vector<16xf32> to vector<1xf32>
          %squeeze3A_333 = vector.extract %slice3A_332[0] : f32 from vector<1xf32>
          %mul3A_334 = vector.broadcast %squeeze3A_333 : f32 to vector<16xf32>
          %mul3A_335 = arith.mulf %mul3A_334, %get3A_252 : vector<16xf32>
          %add3A_336 = arith.addf %add3A_331, %mul3A_335 : vector<16xf32>
          %max3A_337 = arith.constant 0.000000e+00 : f32
          %max3A_338 = vector.broadcast %max3A_337 : f32 to vector<16xf32>
          %max3A_339 = arith.maximumf %add3A_336, %max3A_338 : vector<16xf32>
          %slice3A_340 = vector.extract_strided_slice %select_n3A_228 {offsets = [2], sizes = [1], strides = [1]} : vector<16xi32> to vector<1xi32>
          %squeeze3A_341 = vector.extract %slice3A_340[0] : i32 from vector<1xi32>
          %mul3A_342 = arith.constant 16 : i32
          %mul3A_343 = arith.muli %squeeze3A_341, %mul3A_342 : i32
          %get3A_344 = arith.index_cast %mul3A_343 : i32 to index
          %get3A_345 = tpu.vector_load %arg19[%get3A_344] {strides = array<i32>} : memref<8448xf32, #tpu.memory_space<vmem>>, vector<16xf32>,
          %max3A_346 = arith.maximumf %get3A_345, %max3A_339 : vector<16xf32>
          %swap3A_347 = arith.index_cast %mul3A_343 : i32 to index
          %swap3A_348 = tpu.vector_load %arg19[%swap3A_347] {strides = array<i32>} : memref<8448xf32, #tpu.memory_space<vmem>>, vector<16xf32>,
          tpu.vector_store %arg19[%swap3A_347], %max3A_346 {strides = array<i32>} : memref<8448xf32, #tpu.memory_space<vmem>>, vector<16xf32>,
          %slice3A_349 = vector.extract_strided_slice %get3A_230 {offsets = [3], sizes = [1], strides = [1]} : vector<16xf32> to vector<1xf32>
          %squeeze3A_350 = vector.extract %slice3A_349[0] : f32 from vector<1xf32>
          %mul3A_351 = vector.broadcast %squeeze3A_350 : f32 to vector<16xf32>
          %mul3A_352 = arith.mulf %mul3A_351, %get3A_246 : vector<16xf32>
          %add3A_353 = arith.addf %get3A_244, %mul3A_352 : vector<16xf32>
          %slice3A_354 = vector.extract_strided_slice %sub3A_236 {offsets = [3], sizes = [1], strides = [1]} : vector<16xf32> to vector<1xf32>
          %squeeze3A_355 = vector.extract %slice3A_354[0] : f32 from vector<1xf32>
          %mul3A_356 = vector.broadcast %squeeze3A_355 : f32 to vector<16xf32>
          %mul3A_357 = arith.mulf %mul3A_356, %get3A_248 : vector<16xf32>
          %add3A_358 = arith.addf %add3A_353, %mul3A_357 : vector<16xf32>
          %slice3A_359 = vector.extract_strided_slice %sub3A_239 {offsets = [3], sizes = [1], strides = [1]} : vector<16xf32> to vector<1xf32>
          %squeeze3A_360 = vector.extract %slice3A_359[0] : f32 from vector<1xf32>
          %mul3A_361 = vector.broadcast %squeeze3A_360 : f32 to vector<16xf32>
          %mul3A_362 = arith.mulf %mul3A_361, %get3A_250 : vector<16xf32>
          %add3A_363 = arith.addf %add3A_358, %mul3A_362 : vector<16xf32>
          %slice3A_364 = vector.extract_strided_slice %sub3A_242 {offsets = [3], sizes = [1], strides = [1]} : vector<16xf32> to vector<1xf32>
          %squeeze3A_365 = vector.extract %slice3A_364[0] : f32 from vector<1xf32>
          %mul3A_366 = vector.broadcast %squeeze3A_365 : f32 to vector<16xf32>
          %mul3A_367 = arith.mulf %mul3A_366, %get3A_252 : vector<16xf32>
          %add3A_368 = arith.addf %add3A_363, %mul3A_367 : vector<16xf32>
          %max3A_369 = arith.constant 0.000000e+00 : f32
          %max3A_370 = vector.broadcast %max3A_369 : f32 to vector<16xf32>
          %max3A_371 = arith.maximumf %add3A_368, %max3A_370 : vector<16xf32>
          %slice3A_372 = vector.extract_strided_slice %select_n3A_228 {offsets = [3], sizes = [1], strides = [1]} : vector<16xi32> to vector<1xi32>
          %squeeze3A_373 = vector.extract %slice3A_372[0] : i32 from vector<1xi32>
          %mul3A_374 = arith.constant 16 : i32
          %mul3A_375 = arith.muli %squeeze3A_373, %mul3A_374 : i32
          %get3A_376 = arith.index_cast %mul3A_375 : i32 to index
          %get3A_377 = tpu.vector_load %arg19[%get3A_376] {strides = array<i32>} : memref<8448xf32, #tpu.memory_space<vmem>>, vector<16xf32>,
          %max3A_378 = arith.maximumf %get3A_377, %max3A_371 : vector<16xf32>
          %swap3A_379 = arith.index_cast %mul3A_375 : i32 to index
          %swap3A_380 = tpu.vector_load %arg19[%swap3A_379] {strides = array<i32>} : memref<8448xf32, #tpu.memory_space<vmem>>, vector<16xf32>,
          tpu.vector_store %arg19[%swap3A_379], %max3A_378 {strides = array<i32>} : memref<8448xf32, #tpu.memory_space<vmem>>, vector<16xf32>,
          %slice3A_381 = vector.extract_strided_slice %get3A_230 {offsets = [4], sizes = [1], strides = [1]} : vector<16xf32> to vector<1xf32>
          %squeeze3A_382 = vector.extract %slice3A_381[0] : f32 from vector<1xf32>
          %mul3A_383 = vector.broadcast %squeeze3A_382 : f32 to vector<16xf32>
          %mul3A_384 = arith.mulf %mul3A_383, %get3A_246 : vector<16xf32>
          %add3A_385 = arith.addf %get3A_244, %mul3A_384 : vector<16xf32>
          %slice3A_386 = vector.extract_strided_slice %sub3A_236 {offsets = [4], sizes = [1], strides = [1]} : vector<16xf32> to vector<1xf32>
          %squeeze3A_387 = vector.extract %slice3A_386[0] : f32 from vector<1xf32>
          %mul3A_388 = vector.broadcast %squeeze3A_387 : f32 to vector<16xf32>
          %mul3A_389 = arith.mulf %mul3A_388, %get3A_248 : vector<16xf32>
          %add3A_390 = arith.addf %add3A_385, %mul3A_389 : vector<16xf32>
          %slice3A_391 = vector.extract_strided_slice %sub3A_239 {offsets = [4], sizes = [1], strides = [1]} : vector<16xf32> to vector<1xf32>
          %squeeze3A_392 = vector.extract %slice3A_391[0] : f32 from vector<1xf32>
          %mul3A_393 = vector.broadcast %squeeze3A_392 : f32 to vector<16xf32>
          %mul3A_394 = arith.mulf %mul3A_393, %get3A_250 : vector<16xf32>
          %add3A_395 = arith.addf %add3A_390, %mul3A_394 : vector<16xf32>
          %slice3A_396 = vector.extract_strided_slice %sub3A_242 {offsets = [4], sizes = [1], strides = [1]} : vector<16xf32> to vector<1xf32>
          %squeeze3A_397 = vector.extract %slice3A_396[0] : f32 from vector<1xf32>
          %mul3A_398 = vector.broadcast %squeeze3A_397 : f32 to vector<16xf32>
          %mul3A_399 = arith.mulf %mul3A_398, %get3A_252 : vector<16xf32>
          %add3A_400 = arith.addf %add3A_395, %mul3A_399 : vector<16xf32>
          %max3A_401 = arith.constant 0.000000e+00 : f32
          %max3A_402 = vector.broadcast %max3A_401 : f32 to vector<16xf32>
          %max3A_403 = arith.maximumf %add3A_400, %max3A_402 : vector<16xf32>
          %slice3A_404 = vector.extract_strided_slice %select_n3A_228 {offsets = [4], sizes = [1], strides = [1]} : vector<16xi32> to vector<1xi32>
          %squeeze3A_405 = vector.extract %slice3A_404[0] : i32 from vector<1xi32>
          %mul3A_406 = arith.constant 16 : i32
          %mul3A_407 = arith.muli %squeeze3A_405, %mul3A_406 : i32
          %get3A_408 = arith.index_cast %mul3A_407 : i32 to index
          %get3A_409 = tpu.vector_load %arg19[%get3A_408] {strides = array<i32>} : memref<8448xf32, #tpu.memory_space<vmem>>, vector<16xf32>,
          %max3A_410 = arith.maximumf %get3A_409, %max3A_403 : vector<16xf32>
          %swap3A_411 = arith.index_cast %mul3A_407 : i32 to index
          %swap3A_412 = tpu.vector_load %arg19[%swap3A_411] {strides = array<i32>} : memref<8448xf32, #tpu.memory_space<vmem>>, vector<16xf32>,
          tpu.vector_store %arg19[%swap3A_411], %max3A_410 {strides = array<i32>} : memref<8448xf32, #tpu.memory_space<vmem>>, vector<16xf32>,
          %slice3A_413 = vector.extract_strided_slice %get3A_230 {offsets = [5], sizes = [1], strides = [1]} : vector<16xf32> to vector<1xf32>
          %squeeze3A_414 = vector.extract %slice3A_413[0] : f32 from vector<1xf32>
          %mul3A_415 = vector.broadcast %squeeze3A_414 : f32 to vector<16xf32>
          %mul3A_416 = arith.mulf %mul3A_415, %get3A_246 : vector<16xf32>
          %add3A_417 = arith.addf %get3A_244, %mul3A_416 : vector<16xf32>
          %slice3A_418 = vector.extract_strided_slice %sub3A_236 {offsets = [5], sizes = [1], strides = [1]} : vector<16xf32> to vector<1xf32>
          %squeeze3A_419 = vector.extract %slice3A_418[0] : f32 from vector<1xf32>
          %mul3A_420 = vector.broadcast %squeeze3A_419 : f32 to vector<16xf32>
          %mul3A_421 = arith.mulf %mul3A_420, %get3A_248 : vector<16xf32>
          %add3A_422 = arith.addf %add3A_417, %mul3A_421 : vector<16xf32>
          %slice3A_423 = vector.extract_strided_slice %sub3A_239 {offsets = [5], sizes = [1], strides = [1]} : vector<16xf32> to vector<1xf32>
          %squeeze3A_424 = vector.extract %slice3A_423[0] : f32 from vector<1xf32>
          %mul3A_425 = vector.broadcast %squeeze3A_424 : f32 to vector<16xf32>
          %mul3A_426 = arith.mulf %mul3A_425, %get3A_250 : vector<16xf32>
          %add3A_427 = arith.addf %add3A_422, %mul3A_426 : vector<16xf32>
          %slice3A_428 = vector.extract_strided_slice %sub3A_242 {offsets = [5], sizes = [1], strides = [1]} : vector<16xf32> to vector<1xf32>
          %squeeze3A_429 = vector.extract %slice3A_428[0] : f32 from vector<1xf32>
          %mul3A_430 = vector.broadcast %squeeze3A_429 : f32 to vector<16xf32>
          %mul3A_431 = arith.mulf %mul3A_430, %get3A_252 : vector<16xf32>
          %add3A_432 = arith.addf %add3A_427, %mul3A_431 : vector<16xf32>
          %max3A_433 = arith.constant 0.000000e+00 : f32
          %max3A_434 = vector.broadcast %max3A_433 : f32 to vector<16xf32>
          %max3A_435 = arith.maximumf %add3A_432, %max3A_434 : vector<16xf32>
          %slice3A_436 = vector.extract_strided_slice %select_n3A_228 {offsets = [5], sizes = [1], strides = [1]} : vector<16xi32> to vector<1xi32>
          %squeeze3A_437 = vector.extract %slice3A_436[0] : i32 from vector<1xi32>
          %mul3A_438 = arith.constant 16 : i32
          %mul3A_439 = arith.muli %squeeze3A_437, %mul3A_438 : i32
          %get3A_440 = arith.index_cast %mul3A_439 : i32 to index
          %get3A_441 = tpu.vector_load %arg19[%get3A_440] {strides = array<i32>} : memref<8448xf32, #tpu.memory_space<vmem>>, vector<16xf32>,
          %max3A_442 = arith.maximumf %get3A_441, %max3A_435 : vector<16xf32>
          %swap3A_443 = arith.index_cast %mul3A_439 : i32 to index
          %swap3A_444 = tpu.vector_load %arg19[%swap3A_443] {strides = array<i32>} : memref<8448xf32, #tpu.memory_space<vmem>>, vector<16xf32>,
          tpu.vector_store %arg19[%swap3A_443], %max3A_442 {strides = array<i32>} : memref<8448xf32, #tpu.memory_space<vmem>>, vector<16xf32>,
          %slice3A_445 = vector.extract_strided_slice %get3A_230 {offsets = [6], sizes = [1], strides = [1]} : vector<16xf32> to vector<1xf32>
          %squeeze3A_446 = vector.extract %slice3A_445[0] : f32 from vector<1xf32>
          %mul3A_447 = vector.broadcast %squeeze3A_446 : f32 to vector<16xf32>
          %mul3A_448 = arith.mulf %mul3A_447, %get3A_246 : vector<16xf32>
          %add3A_449 = arith.addf %get3A_244, %mul3A_448 : vector<16xf32>
          %slice3A_450 = vector.extract_strided_slice %sub3A_236 {offsets = [6], sizes = [1], strides = [1]} : vector<16xf32> to vector<1xf32>
          %squeeze3A_451 = vector.extract %slice3A_450[0] : f32 from vector<1xf32>
          %mul3A_452 = vector.broadcast %squeeze3A_451 : f32 to vector<16xf32>
          %mul3A_453 = arith.mulf %mul3A_452, %get3A_248 : vector<16xf32>
          %add3A_454 = arith.addf %add3A_449, %mul3A_453 : vector<16xf32>
          %slice3A_455 = vector.extract_strided_slice %sub3A_239 {offsets = [6], sizes = [1], strides = [1]} : vector<16xf32> to vector<1xf32>
          %squeeze3A_456 = vector.extract %slice3A_455[0] : f32 from vector<1xf32>
          %mul3A_457 = vector.broadcast %squeeze3A_456 : f32 to vector<16xf32>
          %mul3A_458 = arith.mulf %mul3A_457, %get3A_250 : vector<16xf32>
          %add3A_459 = arith.addf %add3A_454, %mul3A_458 : vector<16xf32>
          %slice3A_460 = vector.extract_strided_slice %sub3A_242 {offsets = [6], sizes = [1], strides = [1]} : vector<16xf32> to vector<1xf32>
          %squeeze3A_461 = vector.extract %slice3A_460[0] : f32 from vector<1xf32>
          %mul3A_462 = vector.broadcast %squeeze3A_461 : f32 to vector<16xf32>
          %mul3A_463 = arith.mulf %mul3A_462, %get3A_252 : vector<16xf32>
          %add3A_464 = arith.addf %add3A_459, %mul3A_463 : vector<16xf32>
          %max3A_465 = arith.constant 0.000000e+00 : f32
          %max3A_466 = vector.broadcast %max3A_465 : f32 to vector<16xf32>
          %max3A_467 = arith.maximumf %add3A_464, %max3A_466 : vector<16xf32>
          %slice3A_468 = vector.extract_strided_slice %select_n3A_228 {offsets = [6], sizes = [1], strides = [1]} : vector<16xi32> to vector<1xi32>
          %squeeze3A_469 = vector.extract %slice3A_468[0] : i32 from vector<1xi32>
          %mul3A_470 = arith.constant 16 : i32
          %mul3A_471 = arith.muli %squeeze3A_469, %mul3A_470 : i32
          %get3A_472 = arith.index_cast %mul3A_471 : i32 to index
          %get3A_473 = tpu.vector_load %arg19[%get3A_472] {strides = array<i32>} : memref<8448xf32, #tpu.memory_space<vmem>>, vector<16xf32>,
          %max3A_474 = arith.maximumf %get3A_473, %max3A_467 : vector<16xf32>
          %swap3A_475 = arith.index_cast %mul3A_471 : i32 to index
          %swap3A_476 = tpu.vector_load %arg19[%swap3A_475] {strides = array<i32>} : memref<8448xf32, #tpu.memory_space<vmem>>, vector<16xf32>,
          tpu.vector_store %arg19[%swap3A_475], %max3A_474 {strides = array<i32>} : memref<8448xf32, #tpu.memory_space<vmem>>, vector<16xf32>,
          %slice3A_477 = vector.extract_strided_slice %get3A_230 {offsets = [7], sizes = [1], strides = [1]} : vector<16xf32> to vector<1xf32>
          %squeeze3A_478 = vector.extract %slice3A_477[0] : f32 from vector<1xf32>
          %mul3A_479 = vector.broadcast %squeeze3A_478 : f32 to vector<16xf32>
          %mul3A_480 = arith.mulf %mul3A_479, %get3A_246 : vector<16xf32>
          %add3A_481 = arith.addf %get3A_244, %mul3A_480 : vector<16xf32>
          %slice3A_482 = vector.extract_strided_slice %sub3A_236 {offsets = [7], sizes = [1], strides = [1]} : vector<16xf32> to vector<1xf32>
          %squeeze3A_483 = vector.extract %slice3A_482[0] : f32 from vector<1xf32>
          %mul3A_484 = vector.broadcast %squeeze3A_483 : f32 to vector<16xf32>
          %mul3A_485 = arith.mulf %mul3A_484, %get3A_248 : vector<16xf32>
          %add3A_486 = arith.addf %add3A_481, %mul3A_485 : vector<16xf32>
          %slice3A_487 = vector.extract_strided_slice %sub3A_239 {offsets = [7], sizes = [1], strides = [1]} : vector<16xf32> to vector<1xf32>
          %squeeze3A_488 = vector.extract %slice3A_487[0] : f32 from vector<1xf32>
          %mul3A_489 = vector.broadcast %squeeze3A_488 : f32 to vector<16xf32>
          %mul3A_490 = arith.mulf %mul3A_489, %get3A_250 : vector<16xf32>
          %add3A_491 = arith.addf %add3A_486, %mul3A_490 : vector<16xf32>
          %slice3A_492 = vector.extract_strided_slice %sub3A_242 {offsets = [7], sizes = [1], strides = [1]} : vector<16xf32> to vector<1xf32>
          %squeeze3A_493 = vector.extract %slice3A_492[0] : f32 from vector<1xf32>
          %mul3A_494 = vector.broadcast %squeeze3A_493 : f32 to vector<16xf32>
          %mul3A_495 = arith.mulf %mul3A_494, %get3A_252 : vector<16xf32>
          %add3A_496 = arith.addf %add3A_491, %mul3A_495 : vector<16xf32>
          %max3A_497 = arith.constant 0.000000e+00 : f32
          %max3A_498 = vector.broadcast %max3A_497 : f32 to vector<16xf32>
          %max3A_499 = arith.maximumf %add3A_496, %max3A_498 : vector<16xf32>
          %slice3A_500 = vector.extract_strided_slice %select_n3A_228 {offsets = [7], sizes = [1], strides = [1]} : vector<16xi32> to vector<1xi32>
          %squeeze3A_501 = vector.extract %slice3A_500[0] : i32 from vector<1xi32>
          %mul3A_502 = arith.constant 16 : i32
          %mul3A_503 = arith.muli %squeeze3A_501, %mul3A_502 : i32
          %get3A_504 = arith.index_cast %mul3A_503 : i32 to index
          %get3A_505 = tpu.vector_load %arg19[%get3A_504] {strides = array<i32>} : memref<8448xf32, #tpu.memory_space<vmem>>, vector<16xf32>,
          %max3A_506 = arith.maximumf %get3A_505, %max3A_499 : vector<16xf32>
          %swap3A_507 = arith.index_cast %mul3A_503 : i32 to index
          %swap3A_508 = tpu.vector_load %arg19[%swap3A_507] {strides = array<i32>} : memref<8448xf32, #tpu.memory_space<vmem>>, vector<16xf32>,
          tpu.vector_store %arg19[%swap3A_507], %max3A_506 {strides = array<i32>} : memref<8448xf32, #tpu.memory_space<vmem>>, vector<16xf32>,
          %slice3A_509 = vector.extract_strided_slice %get3A_230 {offsets = [8], sizes = [1], strides = [1]} : vector<16xf32> to vector<1xf32>
          %squeeze3A_510 = vector.extract %slice3A_509[0] : f32 from vector<1xf32>
          %mul3A_511 = vector.broadcast %squeeze3A_510 : f32 to vector<16xf32>
          %mul3A_512 = arith.mulf %mul3A_511, %get3A_246 : vector<16xf32>
          %add3A_513 = arith.addf %get3A_244, %mul3A_512 : vector<16xf32>
          %slice3A_514 = vector.extract_strided_slice %sub3A_236 {offsets = [8], sizes = [1], strides = [1]} : vector<16xf32> to vector<1xf32>
          %squeeze3A_515 = vector.extract %slice3A_514[0] : f32 from vector<1xf32>
          %mul3A_516 = vector.broadcast %squeeze3A_515 : f32 to vector<16xf32>
          %mul3A_517 = arith.mulf %mul3A_516, %get3A_248 : vector<16xf32>
          %add3A_518 = arith.addf %add3A_513, %mul3A_517 : vector<16xf32>
          %slice3A_519 = vector.extract_strided_slice %sub3A_239 {offsets = [8], sizes = [1], strides = [1]} : vector<16xf32> to vector<1xf32>
          %squeeze3A_520 = vector.extract %slice3A_519[0] : f32 from vector<1xf32>
          %mul3A_521 = vector.broadcast %squeeze3A_520 : f32 to vector<16xf32>
          %mul3A_522 = arith.mulf %mul3A_521, %get3A_250 : vector<16xf32>
          %add3A_523 = arith.addf %add3A_518, %mul3A_522 : vector<16xf32>
          %slice3A_524 = vector.extract_strided_slice %sub3A_242 {offsets = [8], sizes = [1], strides = [1]} : vector<16xf32> to vector<1xf32>
          %squeeze3A_525 = vector.extract %slice3A_524[0] : f32 from vector<1xf32>
          %mul3A_526 = vector.broadcast %squeeze3A_525 : f32 to vector<16xf32>
          %mul3A_527 = arith.mulf %mul3A_526, %get3A_252 : vector<16xf32>
          %add3A_528 = arith.addf %add3A_523, %mul3A_527 : vector<16xf32>
          %max3A_529 = arith.constant 0.000000e+00 : f32
          %max3A_530 = vector.broadcast %max3A_529 : f32 to vector<16xf32>
          %max3A_531 = arith.maximumf %add3A_528, %max3A_530 : vector<16xf32>
          %slice3A_532 = vector.extract_strided_slice %select_n3A_228 {offsets = [8], sizes = [1], strides = [1]} : vector<16xi32> to vector<1xi32>
          %squeeze3A_533 = vector.extract %slice3A_532[0] : i32 from vector<1xi32>
          %mul3A_534 = arith.constant 16 : i32
          %mul3A_535 = arith.muli %squeeze3A_533, %mul3A_534 : i32
          %get3A_536 = arith.index_cast %mul3A_535 : i32 to index
          %get3A_537 = tpu.vector_load %arg19[%get3A_536] {strides = array<i32>} : memref<8448xf32, #tpu.memory_space<vmem>>, vector<16xf32>,
          %max3A_538 = arith.maximumf %get3A_537, %max3A_531 : vector<16xf32>
          %swap3A_539 = arith.index_cast %mul3A_535 : i32 to index
          %swap3A_540 = tpu.vector_load %arg19[%swap3A_539] {strides = array<i32>} : memref<8448xf32, #tpu.memory_space<vmem>>, vector<16xf32>,
          tpu.vector_store %arg19[%swap3A_539], %max3A_538 {strides = array<i32>} : memref<8448xf32, #tpu.memory_space<vmem>>, vector<16xf32>,
          %slice3A_541 = vector.extract_strided_slice %get3A_230 {offsets = [9], sizes = [1], strides = [1]} : vector<16xf32> to vector<1xf32>
          %squeeze3A_542 = vector.extract %slice3A_541[0] : f32 from vector<1xf32>
          %mul3A_543 = vector.broadcast %squeeze3A_542 : f32 to vector<16xf32>
          %mul3A_544 = arith.mulf %mul3A_543, %get3A_246 : vector<16xf32>
          %add3A_545 = arith.addf %get3A_244, %mul3A_544 : vector<16xf32>
          %slice3A_546 = vector.extract_strided_slice %sub3A_236 {offsets = [9], sizes = [1], strides = [1]} : vector<16xf32> to vector<1xf32>
          %squeeze3A_547 = vector.extract %slice3A_546[0] : f32 from vector<1xf32>
          %mul3A_548 = vector.broadcast %squeeze3A_547 : f32 to vector<16xf32>
          %mul3A_549 = arith.mulf %mul3A_548, %get3A_248 : vector<16xf32>
          %add3A_550 = arith.addf %add3A_545, %mul3A_549 : vector<16xf32>
          %slice3A_551 = vector.extract_strided_slice %sub3A_239 {offsets = [9], sizes = [1], strides = [1]} : vector<16xf32> to vector<1xf32>
          %squeeze3A_552 = vector.extract %slice3A_551[0] : f32 from vector<1xf32>
          %mul3A_553 = vector.broadcast %squeeze3A_552 : f32 to vector<16xf32>
          %mul3A_554 = arith.mulf %mul3A_553, %get3A_250 : vector<16xf32>
          %add3A_555 = arith.addf %add3A_550, %mul3A_554 : vector<16xf32>
          %slice3A_556 = vector.extract_strided_slice %sub3A_242 {offsets = [9], sizes = [1], strides = [1]} : vector<16xf32> to vector<1xf32>
          %squeeze3A_557 = vector.extract %slice3A_556[0] : f32 from vector<1xf32>
          %mul3A_558 = vector.broadcast %squeeze3A_557 : f32 to vector<16xf32>
          %mul3A_559 = arith.mulf %mul3A_558, %get3A_252 : vector<16xf32>
          %add3A_560 = arith.addf %add3A_555, %mul3A_559 : vector<16xf32>
          %max3A_561 = arith.constant 0.000000e+00 : f32
          %max3A_562 = vector.broadcast %max3A_561 : f32 to vector<16xf32>
          %max3A_563 = arith.maximumf %add3A_560, %max3A_562 : vector<16xf32>
          %slice3A_564 = vector.extract_strided_slice %select_n3A_228 {offsets = [9], sizes = [1], strides = [1]} : vector<16xi32> to vector<1xi32>
          %squeeze3A_565 = vector.extract %slice3A_564[0] : i32 from vector<1xi32>
          %mul3A_566 = arith.constant 16 : i32
          %mul3A_567 = arith.muli %squeeze3A_565, %mul3A_566 : i32
          %get3A_568 = arith.index_cast %mul3A_567 : i32 to index
          %get3A_569 = tpu.vector_load %arg19[%get3A_568] {strides = array<i32>} : memref<8448xf32, #tpu.memory_space<vmem>>, vector<16xf32>,
          %max3A_570 = arith.maximumf %get3A_569, %max3A_563 : vector<16xf32>
          %swap3A_571 = arith.index_cast %mul3A_567 : i32 to index
          %swap3A_572 = tpu.vector_load %arg19[%swap3A_571] {strides = array<i32>} : memref<8448xf32, #tpu.memory_space<vmem>>, vector<16xf32>,
          tpu.vector_store %arg19[%swap3A_571], %max3A_570 {strides = array<i32>} : memref<8448xf32, #tpu.memory_space<vmem>>, vector<16xf32>,
          %slice3A_573 = vector.extract_strided_slice %get3A_230 {offsets = [10], sizes = [1], strides = [1]} : vector<16xf32> to vector<1xf32>
          %squeeze3A_574 = vector.extract %slice3A_573[0] : f32 from vector<1xf32>
          %mul3A_575 = vector.broadcast %squeeze3A_574 : f32 to vector<16xf32>
          %mul3A_576 = arith.mulf %mul3A_575, %get3A_246 : vector<16xf32>
          %add3A_577 = arith.addf %get3A_244, %mul3A_576 : vector<16xf32>
          %slice3A_578 = vector.extract_strided_slice %sub3A_236 {offsets = [10], sizes = [1], strides = [1]} : vector<16xf32> to vector<1xf32>
          %squeeze3A_579 = vector.extract %slice3A_578[0] : f32 from vector<1xf32>
          %mul3A_580 = vector.broadcast %squeeze3A_579 : f32 to vector<16xf32>
          %mul3A_581 = arith.mulf %mul3A_580, %get3A_248 : vector<16xf32>
          %add3A_582 = arith.addf %add3A_577, %mul3A_581 : vector<16xf32>
          %slice3A_583 = vector.extract_strided_slice %sub3A_239 {offsets = [10], sizes = [1], strides = [1]} : vector<16xf32> to vector<1xf32>
          %squeeze3A_584 = vector.extract %slice3A_583[0] : f32 from vector<1xf32>
          %mul3A_585 = vector.broadcast %squeeze3A_584 : f32 to vector<16xf32>
          %mul3A_586 = arith.mulf %mul3A_585, %get3A_250 : vector<16xf32>
          %add3A_587 = arith.addf %add3A_582, %mul3A_586 : vector<16xf32>
          %slice3A_588 = vector.extract_strided_slice %sub3A_242 {offsets = [10], sizes = [1], strides = [1]} : vector<16xf32> to vector<1xf32>
          %squeeze3A_589 = vector.extract %slice3A_588[0] : f32 from vector<1xf32>
          %mul3A_590 = vector.broadcast %squeeze3A_589 : f32 to vector<16xf32>
          %mul3A_591 = arith.mulf %mul3A_590, %get3A_252 : vector<16xf32>
          %add3A_592 = arith.addf %add3A_587, %mul3A_591 : vector<16xf32>
          %max3A_593 = arith.constant 0.000000e+00 : f32
          %max3A_594 = vector.broadcast %max3A_593 : f32 to vector<16xf32>
          %max3A_595 = arith.maximumf %add3A_592, %max3A_594 : vector<16xf32>
          %slice3A_596 = vector.extract_strided_slice %select_n3A_228 {offsets = [10], sizes = [1], strides = [1]} : vector<16xi32> to vector<1xi32>
          %squeeze3A_597 = vector.extract %slice3A_596[0] : i32 from vector<1xi32>
          %mul3A_598 = arith.constant 16 : i32
          %mul3A_599 = arith.muli %squeeze3A_597, %mul3A_598 : i32
          %get3A_600 = arith.index_cast %mul3A_599 : i32 to index
          %get3A_601 = tpu.vector_load %arg19[%get3A_600] {strides = array<i32>} : memref<8448xf32, #tpu.memory_space<vmem>>, vector<16xf32>,
          %max3A_602 = arith.maximumf %get3A_601, %max3A_595 : vector<16xf32>
          %swap3A_603 = arith.index_cast %mul3A_599 : i32 to index
          %swap3A_604 = tpu.vector_load %arg19[%swap3A_603] {strides = array<i32>} : memref<8448xf32, #tpu.memory_space<vmem>>, vector<16xf32>,
          tpu.vector_store %arg19[%swap3A_603], %max3A_602 {strides = array<i32>} : memref<8448xf32, #tpu.memory_space<vmem>>, vector<16xf32>,
          %slice3A_605 = vector.extract_strided_slice %get3A_230 {offsets = [11], sizes = [1], strides = [1]} : vector<16xf32> to vector<1xf32>
          %squeeze3A_606 = vector.extract %slice3A_605[0] : f32 from vector<1xf32>
          %mul3A_607 = vector.broadcast %squeeze3A_606 : f32 to vector<16xf32>
          %mul3A_608 = arith.mulf %mul3A_607, %get3A_246 : vector<16xf32>
          %add3A_609 = arith.addf %get3A_244, %mul3A_608 : vector<16xf32>
          %slice3A_610 = vector.extract_strided_slice %sub3A_236 {offsets = [11], sizes = [1], strides = [1]} : vector<16xf32> to vector<1xf32>
          %squeeze3A_611 = vector.extract %slice3A_610[0] : f32 from vector<1xf32>
          %mul3A_612 = vector.broadcast %squeeze3A_611 : f32 to vector<16xf32>
          %mul3A_613 = arith.mulf %mul3A_612, %get3A_248 : vector<16xf32>
          %add3A_614 = arith.addf %add3A_609, %mul3A_613 : vector<16xf32>
          %slice3A_615 = vector.extract_strided_slice %sub3A_239 {offsets = [11], sizes = [1], strides = [1]} : vector<16xf32> to vector<1xf32>
          %squeeze3A_616 = vector.extract %slice3A_615[0] : f32 from vector<1xf32>
          %mul3A_617 = vector.broadcast %squeeze3A_616 : f32 to vector<16xf32>
          %mul3A_618 = arith.mulf %mul3A_617, %get3A_250 : vector<16xf32>
          %add3A_619 = arith.addf %add3A_614, %mul3A_618 : vector<16xf32>
          %slice3A_620 = vector.extract_strided_slice %sub3A_242 {offsets = [11], sizes = [1], strides = [1]} : vector<16xf32> to vector<1xf32>
          %squeeze3A_621 = vector.extract %slice3A_620[0] : f32 from vector<1xf32>
          %mul3A_622 = vector.broadcast %squeeze3A_621 : f32 to vector<16xf32>
          %mul3A_623 = arith.mulf %mul3A_622, %get3A_252 : vector<16xf32>
          %add3A_624 = arith.addf %add3A_619, %mul3A_623 : vector<16xf32>
          %max3A_625 = arith.constant 0.000000e+00 : f32
          %max3A_626 = vector.broadcast %max3A_625 : f32 to vector<16xf32>
          %max3A_627 = arith.maximumf %add3A_624, %max3A_626 : vector<16xf32>
          %slice3A_628 = vector.extract_strided_slice %select_n3A_228 {offsets = [11], sizes = [1], strides = [1]} : vector<16xi32> to vector<1xi32>
          %squeeze3A_629 = vector.extract %slice3A_628[0] : i32 from vector<1xi32>
          %mul3A_630 = arith.constant 16 : i32
          %mul3A_631 = arith.muli %squeeze3A_629, %mul3A_630 : i32
          %get3A_632 = arith.index_cast %mul3A_631 : i32 to index
          %get3A_633 = tpu.vector_load %arg19[%get3A_632] {strides = array<i32>} : memref<8448xf32, #tpu.memory_space<vmem>>, vector<16xf32>,
          %max3A_634 = arith.maximumf %get3A_633, %max3A_627 : vector<16xf32>
          %swap3A_635 = arith.index_cast %mul3A_631 : i32 to index
          %swap3A_636 = tpu.vector_load %arg19[%swap3A_635] {strides = array<i32>} : memref<8448xf32, #tpu.memory_space<vmem>>, vector<16xf32>,
          tpu.vector_store %arg19[%swap3A_635], %max3A_634 {strides = array<i32>} : memref<8448xf32, #tpu.memory_space<vmem>>, vector<16xf32>,
          %slice3A_637 = vector.extract_strided_slice %get3A_230 {offsets = [12], sizes = [1], strides = [1]} : vector<16xf32> to vector<1xf32>
          %squeeze3A_638 = vector.extract %slice3A_637[0] : f32 from vector<1xf32>
          %mul3A_639 = vector.broadcast %squeeze3A_638 : f32 to vector<16xf32>
          %mul3A_640 = arith.mulf %mul3A_639, %get3A_246 : vector<16xf32>
          %add3A_641 = arith.addf %get3A_244, %mul3A_640 : vector<16xf32>
          %slice3A_642 = vector.extract_strided_slice %sub3A_236 {offsets = [12], sizes = [1], strides = [1]} : vector<16xf32> to vector<1xf32>
          %squeeze3A_643 = vector.extract %slice3A_642[0] : f32 from vector<1xf32>
          %mul3A_644 = vector.broadcast %squeeze3A_643 : f32 to vector<16xf32>
          %mul3A_645 = arith.mulf %mul3A_644, %get3A_248 : vector<16xf32>
          %add3A_646 = arith.addf %add3A_641, %mul3A_645 : vector<16xf32>
          %slice3A_647 = vector.extract_strided_slice %sub3A_239 {offsets = [12], sizes = [1], strides = [1]} : vector<16xf32> to vector<1xf32>
          %squeeze3A_648 = vector.extract %slice3A_647[0] : f32 from vector<1xf32>
          %mul3A_649 = vector.broadcast %squeeze3A_648 : f32 to vector<16xf32>
          %mul3A_650 = arith.mulf %mul3A_649, %get3A_250 : vector<16xf32>
          %add3A_651 = arith.addf %add3A_646, %mul3A_650 : vector<16xf32>
          %slice3A_652 = vector.extract_strided_slice %sub3A_242 {offsets = [12], sizes = [1], strides = [1]} : vector<16xf32> to vector<1xf32>
          %squeeze3A_653 = vector.extract %slice3A_652[0] : f32 from vector<1xf32>
          %mul3A_654 = vector.broadcast %squeeze3A_653 : f32 to vector<16xf32>
          %mul3A_655 = arith.mulf %mul3A_654, %get3A_252 : vector<16xf32>
          %add3A_656 = arith.addf %add3A_651, %mul3A_655 : vector<16xf32>
          %max3A_657 = arith.constant 0.000000e+00 : f32
          %max3A_658 = vector.broadcast %max3A_657 : f32 to vector<16xf32>
          %max3A_659 = arith.maximumf %add3A_656, %max3A_658 : vector<16xf32>
          %slice3A_660 = vector.extract_strided_slice %select_n3A_228 {offsets = [12], sizes = [1], strides = [1]} : vector<16xi32> to vector<1xi32>
          %squeeze3A_661 = vector.extract %slice3A_660[0] : i32 from vector<1xi32>
          %mul3A_662 = arith.constant 16 : i32
          %mul3A_663 = arith.muli %squeeze3A_661, %mul3A_662 : i32
          %get3A_664 = arith.index_cast %mul3A_663 : i32 to index
          %get3A_665 = tpu.vector_load %arg19[%get3A_664] {strides = array<i32>} : memref<8448xf32, #tpu.memory_space<vmem>>, vector<16xf32>,
          %max3A_666 = arith.maximumf %get3A_665, %max3A_659 : vector<16xf32>
          %swap3A_667 = arith.index_cast %mul3A_663 : i32 to index
          %swap3A_668 = tpu.vector_load %arg19[%swap3A_667] {strides = array<i32>} : memref<8448xf32, #tpu.memory_space<vmem>>, vector<16xf32>,
          tpu.vector_store %arg19[%swap3A_667], %max3A_666 {strides = array<i32>} : memref<8448xf32, #tpu.memory_space<vmem>>, vector<16xf32>,
          %slice3A_669 = vector.extract_strided_slice %get3A_230 {offsets = [13], sizes = [1], strides = [1]} : vector<16xf32> to vector<1xf32>
          %squeeze3A_670 = vector.extract %slice3A_669[0] : f32 from vector<1xf32>
          %mul3A_671 = vector.broadcast %squeeze3A_670 : f32 to vector<16xf32>
          %mul3A_672 = arith.mulf %mul3A_671, %get3A_246 : vector<16xf32>
          %add3A_673 = arith.addf %get3A_244, %mul3A_672 : vector<16xf32>
          %slice3A_674 = vector.extract_strided_slice %sub3A_236 {offsets = [13], sizes = [1], strides = [1]} : vector<16xf32> to vector<1xf32>
          %squeeze3A_675 = vector.extract %slice3A_674[0] : f32 from vector<1xf32>
          %mul3A_676 = vector.broadcast %squeeze3A_675 : f32 to vector<16xf32>
          %mul3A_677 = arith.mulf %mul3A_676, %get3A_248 : vector<16xf32>
          %add3A_678 = arith.addf %add3A_673, %mul3A_677 : vector<16xf32>
          %slice3A_679 = vector.extract_strided_slice %sub3A_239 {offsets = [13], sizes = [1], strides = [1]} : vector<16xf32> to vector<1xf32>
          %squeeze3A_680 = vector.extract %slice3A_679[0] : f32 from vector<1xf32>
          %mul3A_681 = vector.broadcast %squeeze3A_680 : f32 to vector<16xf32>
          %mul3A_682 = arith.mulf %mul3A_681, %get3A_250 : vector<16xf32>
          %add3A_683 = arith.addf %add3A_678, %mul3A_682 : vector<16xf32>
          %slice3A_684 = vector.extract_strided_slice %sub3A_242 {offsets = [13], sizes = [1], strides = [1]} : vector<16xf32> to vector<1xf32>
          %squeeze3A_685 = vector.extract %slice3A_684[0] : f32 from vector<1xf32>
          %mul3A_686 = vector.broadcast %squeeze3A_685 : f32 to vector<16xf32>
          %mul3A_687 = arith.mulf %mul3A_686, %get3A_252 : vector<16xf32>
          %add3A_688 = arith.addf %add3A_683, %mul3A_687 : vector<16xf32>
          %max3A_689 = arith.constant 0.000000e+00 : f32
          %max3A_690 = vector.broadcast %max3A_689 : f32 to vector<16xf32>
          %max3A_691 = arith.maximumf %add3A_688, %max3A_690 : vector<16xf32>
          %slice3A_692 = vector.extract_strided_slice %select_n3A_228 {offsets = [13], sizes = [1], strides = [1]} : vector<16xi32> to vector<1xi32>
          %squeeze3A_693 = vector.extract %slice3A_692[0] : i32 from vector<1xi32>
          %mul3A_694 = arith.constant 16 : i32
          %mul3A_695 = arith.muli %squeeze3A_693, %mul3A_694 : i32
          %get3A_696 = arith.index_cast %mul3A_695 : i32 to index
          %get3A_697 = tpu.vector_load %arg19[%get3A_696] {strides = array<i32>} : memref<8448xf32, #tpu.memory_space<vmem>>, vector<16xf32>,
          %max3A_698 = arith.maximumf %get3A_697, %max3A_691 : vector<16xf32>
          %swap3A_699 = arith.index_cast %mul3A_695 : i32 to index
          %swap3A_700 = tpu.vector_load %arg19[%swap3A_699] {strides = array<i32>} : memref<8448xf32, #tpu.memory_space<vmem>>, vector<16xf32>,
          tpu.vector_store %arg19[%swap3A_699], %max3A_698 {strides = array<i32>} : memref<8448xf32, #tpu.memory_space<vmem>>, vector<16xf32>,
          %slice3A_701 = vector.extract_strided_slice %get3A_230 {offsets = [14], sizes = [1], strides = [1]} : vector<16xf32> to vector<1xf32>
          %squeeze3A_702 = vector.extract %slice3A_701[0] : f32 from vector<1xf32>
          %mul3A_703 = vector.broadcast %squeeze3A_702 : f32 to vector<16xf32>
          %mul3A_704 = arith.mulf %mul3A_703, %get3A_246 : vector<16xf32>
          %add3A_705 = arith.addf %get3A_244, %mul3A_704 : vector<16xf32>
          %slice3A_706 = vector.extract_strided_slice %sub3A_236 {offsets = [14], sizes = [1], strides = [1]} : vector<16xf32> to vector<1xf32>
          %squeeze3A_707 = vector.extract %slice3A_706[0] : f32 from vector<1xf32>
          %mul3A_708 = vector.broadcast %squeeze3A_707 : f32 to vector<16xf32>
          %mul3A_709 = arith.mulf %mul3A_708, %get3A_248 : vector<16xf32>
          %add3A_710 = arith.addf %add3A_705, %mul3A_709 : vector<16xf32>
          %slice3A_711 = vector.extract_strided_slice %sub3A_239 {offsets = [14], sizes = [1], strides = [1]} : vector<16xf32> to vector<1xf32>
          %squeeze3A_712 = vector.extract %slice3A_711[0] : f32 from vector<1xf32>
          %mul3A_713 = vector.broadcast %squeeze3A_712 : f32 to vector<16xf32>
          %mul3A_714 = arith.mulf %mul3A_713, %get3A_250 : vector<16xf32>
          %add3A_715 = arith.addf %add3A_710, %mul3A_714 : vector<16xf32>
          %slice3A_716 = vector.extract_strided_slice %sub3A_242 {offsets = [14], sizes = [1], strides = [1]} : vector<16xf32> to vector<1xf32>
          %squeeze3A_717 = vector.extract %slice3A_716[0] : f32 from vector<1xf32>
          %mul3A_718 = vector.broadcast %squeeze3A_717 : f32 to vector<16xf32>
          %mul3A_719 = arith.mulf %mul3A_718, %get3A_252 : vector<16xf32>
          %add3A_720 = arith.addf %add3A_715, %mul3A_719 : vector<16xf32>
          %max3A_721 = arith.constant 0.000000e+00 : f32
          %max3A_722 = vector.broadcast %max3A_721 : f32 to vector<16xf32>
          %max3A_723 = arith.maximumf %add3A_720, %max3A_722 : vector<16xf32>
          %slice3A_724 = vector.extract_strided_slice %select_n3A_228 {offsets = [14], sizes = [1], strides = [1]} : vector<16xi32> to vector<1xi32>
          %squeeze3A_725 = vector.extract %slice3A_724[0] : i32 from vector<1xi32>
          %mul3A_726 = arith.constant 16 : i32
          %mul3A_727 = arith.muli %squeeze3A_725, %mul3A_726 : i32
          %get3A_728 = arith.index_cast %mul3A_727 : i32 to index
          %get3A_729 = tpu.vector_load %arg19[%get3A_728] {strides = array<i32>} : memref<8448xf32, #tpu.memory_space<vmem>>, vector<16xf32>,
          %max3A_730 = arith.maximumf %get3A_729, %max3A_723 : vector<16xf32>
          %swap3A_731 = arith.index_cast %mul3A_727 : i32 to index
          %swap3A_732 = tpu.vector_load %arg19[%swap3A_731] {strides = array<i32>} : memref<8448xf32, #tpu.memory_space<vmem>>, vector<16xf32>,
          tpu.vector_store %arg19[%swap3A_731], %max3A_730 {strides = array<i32>} : memref<8448xf32, #tpu.memory_space<vmem>>, vector<16xf32>,
          %slice3A_733 = vector.extract_strided_slice %get3A_230 {offsets = [15], sizes = [1], strides = [1]} : vector<16xf32> to vector<1xf32>
          %squeeze3A_734 = vector.extract %slice3A_733[0] : f32 from vector<1xf32>
          %mul3A_735 = vector.broadcast %squeeze3A_734 : f32 to vector<16xf32>
          %mul3A_736 = arith.mulf %mul3A_735, %get3A_246 : vector<16xf32>
          %add3A_737 = arith.addf %get3A_244, %mul3A_736 : vector<16xf32>
          %slice3A_738 = vector.extract_strided_slice %sub3A_236 {offsets = [15], sizes = [1], strides = [1]} : vector<16xf32> to vector<1xf32>
          %squeeze3A_739 = vector.extract %slice3A_738[0] : f32 from vector<1xf32>
          %mul3A_740 = vector.broadcast %squeeze3A_739 : f32 to vector<16xf32>
          %mul3A_741 = arith.mulf %mul3A_740, %get3A_248 : vector<16xf32>
          %add3A_742 = arith.addf %add3A_737, %mul3A_741 : vector<16xf32>
          %slice3A_743 = vector.extract_strided_slice %sub3A_239 {offsets = [15], sizes = [1], strides = [1]} : vector<16xf32> to vector<1xf32>
          %squeeze3A_744 = vector.extract %slice3A_743[0] : f32 from vector<1xf32>
          %mul3A_745 = vector.broadcast %squeeze3A_744 : f32 to vector<16xf32>
          %mul3A_746 = arith.mulf %mul3A_745, %get3A_250 : vector<16xf32>
          %add3A_747 = arith.addf %add3A_742, %mul3A_746 : vector<16xf32>
          %slice3A_748 = vector.extract_strided_slice %sub3A_242 {offsets = [15], sizes = [1], strides = [1]} : vector<16xf32> to vector<1xf32>
          %squeeze3A_749 = vector.extract %slice3A_748[0] : f32 from vector<1xf32>
          %mul3A_750 = vector.broadcast %squeeze3A_749 : f32 to vector<16xf32>
          %mul3A_751 = arith.mulf %mul3A_750, %get3A_252 : vector<16xf32>
          %add3A_752 = arith.addf %add3A_747, %mul3A_751 : vector<16xf32>
          %max3A_753 = arith.constant 0.000000e+00 : f32
          %max3A_754 = vector.broadcast %max3A_753 : f32 to vector<16xf32>
          %max3A_755 = arith.maximumf %add3A_752, %max3A_754 : vector<16xf32>
          %slice3A_756 = vector.extract_strided_slice %select_n3A_228 {offsets = [15], sizes = [1], strides = [1]} : vector<16xi32> to vector<1xi32>
          %squeeze3A_757 = vector.extract %slice3A_756[0] : i32 from vector<1xi32>
          %mul3A_758 = arith.constant 16 : i32
          %mul3A_759 = arith.muli %squeeze3A_757, %mul3A_758 : i32
          %get3A_760 = arith.index_cast %mul3A_759 : i32 to index
          %get3A_761 = tpu.vector_load %arg19[%get3A_760] {strides = array<i32>} : memref<8448xf32, #tpu.memory_space<vmem>>, vector<16xf32>,
          %max3A_762 = arith.maximumf %get3A_761, %max3A_755 : vector<16xf32>
          %swap3A_763 = arith.index_cast %mul3A_759 : i32 to index
          %swap3A_764 = tpu.vector_load %arg19[%swap3A_763] {strides = array<i32>} : memref<8448xf32, #tpu.memory_space<vmem>>, vector<16xf32>,
          tpu.vector_store %arg19[%swap3A_763], %max3A_762 {strides = array<i32>} : memref<8448xf32, #tpu.memory_space<vmem>>, vector<16xf32>,
        }
        %scan3A_169 = arith.constant 16 : i32
      }
      %while3A_102 = arith.constant 1 : i32
      scf.for %while3A_157 = %while3A_100 to %while3A_96 step %while3A_102  : i32 {
        %mul3A_158 = arith.constant 256 : i32
        %mul3A_159 = arith.muli %while3A_157, %mul3A_158 : i32
        %add3A_160 = arith.addi %and3A_61, %mul3A_159 : i32
        %multiple_of3A_161 = tpu.assume_multiple %add3A_160, 8 : i32
        %gt3A = arith.constant 1 : i32
        %gt3A_162 = arith.cmpi sgt, %select_n3A, %gt3A : i32
        %convert_element_type3A = arith.extui %gt3A_162 : i1 to i32
        %cond3A = arith.constant 0 : i32
        %cond3A_163 = arith.cmpi ne, %convert_element_type3A, %cond3A : i32
        scf.if %cond3A_163 {
          "tpu.region"() ({
            %run_scoped3A = tpu.sem_alloc : memref<!tpu.dma_semaphore, #tpu.memory_space<semaphore_mem>>
            %dma_start3A = tpu.memref_slice %arg2[%multiple_of3A_161] : memref<100512xf32, #tpu.memory_space<hbm>> -> memref<256xf32, #tpu.memory_space<hbm>>
            %dma_start3A_170 = tpu.memref_slice %arg2[%multiple_of3A_161] : memref<100512xf32, #tpu.memory_space<hbm>> -> memref<256xf32, #tpu.memory_space<hbm>>
            tpu.enqueue_dma source(%dma_start3A_170 : memref<256xf32, #tpu.memory_space<hbm>>) target(%arg11 : memref<256xf32, #tpu.memory_space<vmem>>) target_semaphore(%run_scoped3A : memref<!tpu.dma_semaphore, #tpu.memory_space<semaphore_mem>>)
            %dma_wait3A = tpu.memref_slice %arg2[%multiple_of3A_161] : memref<100512xf32, #tpu.memory_space<hbm>> -> memref<256xf32, #tpu.memory_space<hbm>>
            %dma_wait3A_171 = tpu.memref_slice %arg2[%multiple_of3A_161] : memref<100512xf32, #tpu.memory_space<hbm>> -> memref<256xf32, #tpu.memory_space<hbm>>
            tpu.wait_dma2 semaphore(%run_scoped3A : memref<!tpu.dma_semaphore, #tpu.memory_space<semaphore_mem>>) src(%dma_wait3A_171 : memref<256xf32, #tpu.memory_space<hbm>>) dst(%arg11 : memref<256xf32, #tpu.memory_space<vmem>>)
            tpu.yield
          }) : () -> ()
          "tpu.region"() ({
            %run_scoped3A = tpu.sem_alloc : memref<!tpu.dma_semaphore, #tpu.memory_space<semaphore_mem>>
            %dma_start3A = tpu.memref_slice %arg3[%multiple_of3A_161] : memref<100512xf32, #tpu.memory_space<hbm>> -> memref<256xf32, #tpu.memory_space<hbm>>
            %dma_start3A_170 = tpu.memref_slice %arg3[%multiple_of3A_161] : memref<100512xf32, #tpu.memory_space<hbm>> -> memref<256xf32, #tpu.memory_space<hbm>>
            tpu.enqueue_dma source(%dma_start3A_170 : memref<256xf32, #tpu.memory_space<hbm>>) target(%arg12 : memref<256xf32, #tpu.memory_space<vmem>>) target_semaphore(%run_scoped3A : memref<!tpu.dma_semaphore, #tpu.memory_space<semaphore_mem>>)
            %dma_wait3A = tpu.memref_slice %arg3[%multiple_of3A_161] : memref<100512xf32, #tpu.memory_space<hbm>> -> memref<256xf32, #tpu.memory_space<hbm>>
            %dma_wait3A_171 = tpu.memref_slice %arg3[%multiple_of3A_161] : memref<100512xf32, #tpu.memory_space<hbm>> -> memref<256xf32, #tpu.memory_space<hbm>>
            tpu.wait_dma2 semaphore(%run_scoped3A : memref<!tpu.dma_semaphore, #tpu.memory_space<semaphore_mem>>) src(%dma_wait3A_171 : memref<256xf32, #tpu.memory_space<hbm>>) dst(%arg12 : memref<256xf32, #tpu.memory_space<vmem>>)
            tpu.yield
          }) : () -> ()
          "tpu.region"() ({
            %run_scoped3A = tpu.sem_alloc : memref<!tpu.dma_semaphore, #tpu.memory_space<semaphore_mem>>
            %dma_start3A = tpu.memref_slice %arg4[%multiple_of3A_161] : memref<100512xf32, #tpu.memory_space<hbm>> -> memref<256xf32, #tpu.memory_space<hbm>>
            %dma_start3A_170 = tpu.memref_slice %arg4[%multiple_of3A_161] : memref<100512xf32, #tpu.memory_space<hbm>> -> memref<256xf32, #tpu.memory_space<hbm>>
            tpu.enqueue_dma source(%dma_start3A_170 : memref<256xf32, #tpu.memory_space<hbm>>) target(%arg13 : memref<256xf32, #tpu.memory_space<vmem>>) target_semaphore(%run_scoped3A : memref<!tpu.dma_semaphore, #tpu.memory_space<semaphore_mem>>)
            %dma_wait3A = tpu.memref_slice %arg4[%multiple_of3A_161] : memref<100512xf32, #tpu.memory_space<hbm>> -> memref<256xf32, #tpu.memory_space<hbm>>
            %dma_wait3A_171 = tpu.memref_slice %arg4[%multiple_of3A_161] : memref<100512xf32, #tpu.memory_space<hbm>> -> memref<256xf32, #tpu.memory_space<hbm>>
            tpu.wait_dma2 semaphore(%run_scoped3A : memref<!tpu.dma_semaphore, #tpu.memory_space<semaphore_mem>>) src(%dma_wait3A_171 : memref<256xf32, #tpu.memory_space<hbm>>) dst(%arg13 : memref<256xf32, #tpu.memory_space<vmem>>)
            tpu.yield
          }) : () -> ()
          "tpu.region"() ({
            %run_scoped3A = tpu.sem_alloc : memref<!tpu.dma_semaphore, #tpu.memory_space<semaphore_mem>>
            %dma_start3A = tpu.memref_slice %arg5[%multiple_of3A_161] : memref<100512xf32, #tpu.memory_space<hbm>> -> memref<256xf32, #tpu.memory_space<hbm>>
            %dma_start3A_170 = tpu.memref_slice %arg5[%multiple_of3A_161] : memref<100512xf32, #tpu.memory_space<hbm>> -> memref<256xf32, #tpu.memory_space<hbm>>
            tpu.enqueue_dma source(%dma_start3A_170 : memref<256xf32, #tpu.memory_space<hbm>>) target(%arg14 : memref<256xf32, #tpu.memory_space<vmem>>) target_semaphore(%run_scoped3A : memref<!tpu.dma_semaphore, #tpu.memory_space<semaphore_mem>>)
            %dma_wait3A = tpu.memref_slice %arg5[%multiple_of3A_161] : memref<100512xf32, #tpu.memory_space<hbm>> -> memref<256xf32, #tpu.memory_space<hbm>>
            %dma_wait3A_171 = tpu.memref_slice %arg5[%multiple_of3A_161] : memref<100512xf32, #tpu.memory_space<hbm>> -> memref<256xf32, #tpu.memory_space<hbm>>
            tpu.wait_dma2 semaphore(%run_scoped3A : memref<!tpu.dma_semaphore, #tpu.memory_space<semaphore_mem>>) src(%dma_wait3A_171 : memref<256xf32, #tpu.memory_space<hbm>>) dst(%arg14 : memref<256xf32, #tpu.memory_space<vmem>>)
            tpu.yield
          }) : () -> ()
        } else {
        }
        %scan3A_164 = arith.constant 0 : i32
        %scan3A_165 = arith.constant 0 : i32
        %scan3A_166 = arith.constant 16 : i32
        %scan3A_167 = arith.addi %scan3A_165, %scan3A_166 : i32
        %scan3A_168 = arith.constant 1 : i32
        scf.for %scan3A_170 = %scan3A_165 to %scan3A_167 step %scan3A_168  : i32 {
          %mul3A_171 = arith.constant 16 : i32
          %mul3A_172 = arith.muli %scan3A_170, %mul3A_171 : i32
          %get3A_173 = arith.index_cast %mul3A_172 : i32 to index
          %get3A_174 = tpu.vector_load %arg11[%get3A_173] {strides = array<i32>} : memref<256xf32, #tpu.memory_space<vmem>>, vector<16xf32>,
          %get3A_175 = arith.index_cast %mul3A_172 : i32 to index
          %get3A_176 = tpu.vector_load %arg12[%get3A_175] {strides = array<i32>} : memref<256xf32, #tpu.memory_space<vmem>>, vector<16xf32>,
          %get3A_177 = arith.index_cast %mul3A_172 : i32 to index
          %get3A_178 = tpu.vector_load %arg13[%get3A_177] {strides = array<i32>} : memref<256xf32, #tpu.memory_space<vmem>>, vector<16xf32>,
          %mul3A_179 = arith.constant 16 : i32
          %mul3A_180 = arith.muli %scan3A_170, %mul3A_179 : i32
          %add3A_181 = arith.addi %multiple_of3A_161, %mul3A_180 : i32
          %add3A_182 = vector.broadcast %add3A_181 : i32 to vector<16xi32>
          %add3A_183 = arith.addi %add3A_182, %iota3A : vector<16xi32>
          %ge3A = vector.broadcast %squeeze3A : i32 to vector<16xi32>
          %ge3A_184 = arith.cmpi sge, %add3A_183, %ge3A : vector<16xi32>
          %lt3A = vector.broadcast %squeeze3A_60 : i32 to vector<16xi32>
          %lt3A_185 = arith.cmpi slt, %add3A_183, %lt3A : vector<16xi32>
          %and3A_186 = arith.andi %ge3A_184, %lt3A_185 : vector<16xi1>
          %sub3A_187 = arith.subf %get3A_174, %get3A_4 : vector<16xf32>
          %mul3A_188 = arith.constant 4.000000e+00 : f32
          %mul3A_189 = vector.broadcast %mul3A_188 : f32 to vector<16xf32>
          %mul3A_190 = arith.mulf %sub3A_187, %mul3A_189 : vector<16xf32>
          %convert_element_type3A_191 = arith.fptosi %mul3A_190 : vector<16xf32> to vector<16xi32>
          %jit3A_192 = arith.constant 0 : i32
          %jit3A_193 = arith.constant 7 : i32
          %max3A = vector.broadcast %jit3A_192 : i32 to vector<16xi32>
          %max3A_194 = arith.maxsi %max3A, %convert_element_type3A_191 : vector<16xi32>
          %min3A = vector.broadcast %jit3A_193 : i32 to vector<16xi32>
          %min3A_195 = arith.minsi %min3A, %max3A_194 : vector<16xi32>
          %sub3A_196 = arith.subf %get3A_176, %get3A_6 : vector<16xf32>
          %mul3A_197 = arith.constant 4.000000e+00 : f32
          %mul3A_198 = vector.broadcast %mul3A_197 : f32 to vector<16xf32>
          %mul3A_199 = arith.mulf %sub3A_196, %mul3A_198 : vector<16xf32>
          %convert_element_type3A_200 = arith.fptosi %mul3A_199 : vector<16xf32> to vector<16xi32>
          %jit3A_201 = arith.constant 0 : i32
          %jit3A_202 = arith.constant 7 : i32
          %max3A_203 = vector.broadcast %jit3A_201 : i32 to vector<16xi32>
          %max3A_204 = arith.maxsi %max3A_203, %convert_element_type3A_200 : vector<16xi32>
          %min3A_205 = vector.broadcast %jit3A_202 : i32 to vector<16xi32>
          %min3A_206 = arith.minsi %min3A_205, %max3A_204 : vector<16xi32>
          %sub3A_207 = arith.subf %get3A_178, %get3A_8 : vector<16xf32>
          %mul3A_208 = arith.constant 4.000000e+00 : f32
          %mul3A_209 = vector.broadcast %mul3A_208 : f32 to vector<16xf32>
          %mul3A_210 = arith.mulf %sub3A_207, %mul3A_209 : vector<16xf32>
          %convert_element_type3A_211 = arith.fptosi %mul3A_210 : vector<16xf32> to vector<16xi32>
          %jit3A_212 = arith.constant 0 : i32
          %jit3A_213 = arith.constant 7 : i32
          %max3A_214 = vector.broadcast %jit3A_212 : i32 to vector<16xi32>
          %max3A_215 = arith.maxsi %max3A_214, %convert_element_type3A_211 : vector<16xi32>
          %min3A_216 = vector.broadcast %jit3A_213 : i32 to vector<16xi32>
          %min3A_217 = arith.minsi %min3A_216, %max3A_215 : vector<16xi32>
          %mul3A_218 = arith.constant 8 : i32
          %mul3A_219 = vector.broadcast %mul3A_218 : i32 to vector<16xi32>
          %mul3A_220 = arith.muli %min3A_195, %mul3A_219 : vector<16xi32>
          %add3A_221 = arith.addi %mul3A_220, %min3A_206 : vector<16xi32>
          %mul3A_222 = arith.constant 8 : i32
          %mul3A_223 = vector.broadcast %mul3A_222 : i32 to vector<16xi32>
          %mul3A_224 = arith.muli %add3A_221, %mul3A_223 : vector<16xi32>
          %add3A_225 = arith.addi %mul3A_224, %min3A_217 : vector<16xi32>
          %jit3A_226 = arith.constant 512 : i32
          %broadcast_in_dim3A_227 = vector.broadcast %jit3A_226 : i32 to vector<16xi32>
          %select_n3A_228 = arith.select %and3A_186, %add3A_225, %broadcast_in_dim3A_227 : vector<16xi1>, vector<16xi32>
          %get3A_229 = arith.index_cast %mul3A_172 : i32 to index
          %get3A_230 = tpu.vector_load %arg14[%get3A_229] {strides = array<i32>} : memref<256xf32, #tpu.memory_space<vmem>>, vector<16xf32>,
          %gather3A = tpu.vector_load_idx %arg15[%select_n3A_228] : memref<528xf32, #tpu.memory_space<vmem>>[vector<16xi32>], vector<16xf32>,
          %max3A_231 = arith.constant 1.000000e+00 : f32
          %max3A_232 = vector.broadcast %max3A_231 : f32 to vector<16xf32>
          %max3A_233 = arith.maximumf %gather3A, %max3A_232 : vector<16xf32>
          %gather3A_234 = tpu.vector_load_idx %arg16[%select_n3A_228] : memref<528xf32, #tpu.memory_space<vmem>>[vector<16xi32>], vector<16xf32>,
          %div3A_235 = arith.divf %gather3A_234, %max3A_233 : vector<16xf32>
          %sub3A_236 = arith.subf %get3A_174, %div3A_235 : vector<16xf32>
          %gather3A_237 = tpu.vector_load_idx %arg17[%select_n3A_228] : memref<528xf32, #tpu.memory_space<vmem>>[vector<16xi32>], vector<16xf32>,
          %div3A_238 = arith.divf %gather3A_237, %max3A_233 : vector<16xf32>
          %sub3A_239 = arith.subf %get3A_176, %div3A_238 : vector<16xf32>
          %gather3A_240 = tpu.vector_load_idx %arg18[%select_n3A_228] : memref<528xf32, #tpu.memory_space<vmem>>[vector<16xi32>], vector<16xf32>,
          %div3A_241 = arith.divf %gather3A_240, %max3A_233 : vector<16xf32>
          %sub3A_242 = arith.subf %get3A_178, %div3A_241 : vector<16xf32>
          %get3A_243 = arith.constant 64 : index
          %get3A_244 = tpu.vector_load %arg10[%get3A_243] {strides = array<i32>} : memref<28192xf32, #tpu.memory_space<vmem>>, vector<16xf32>,
          %get3A_245 = arith.constant 0 : index
          %get3A_246 = tpu.vector_load %arg10[%get3A_245] {strides = array<i32>} : memref<28192xf32, #tpu.memory_space<vmem>>, vector<16xf32>,
          %get3A_247 = arith.constant 16 : index
          %get3A_248 = tpu.vector_load %arg10[%get3A_247] {strides = array<i32>} : memref<28192xf32, #tpu.memory_space<vmem>>, vector<16xf32>,
          %get3A_249 = arith.constant 32 : index
          %get3A_250 = tpu.vector_load %arg10[%get3A_249] {strides = array<i32>} : memref<28192xf32, #tpu.memory_space<vmem>>, vector<16xf32>,
          %get3A_251 = arith.constant 48 : index
          %get3A_252 = tpu.vector_load %arg10[%get3A_251] {strides = array<i32>} : memref<28192xf32, #tpu.memory_space<vmem>>, vector<16xf32>,
          %slice3A_253 = vector.extract_strided_slice %get3A_230 {offsets = [0], sizes = [1], strides = [1]} : vector<16xf32> to vector<1xf32>
          %squeeze3A_254 = vector.extract %slice3A_253[0] : f32 from vector<1xf32>
          %mul3A_255 = vector.broadcast %squeeze3A_254 : f32 to vector<16xf32>
          %mul3A_256 = arith.mulf %mul3A_255, %get3A_246 : vector<16xf32>
          %add3A_257 = arith.addf %get3A_244, %mul3A_256 : vector<16xf32>
          %slice3A_258 = vector.extract_strided_slice %sub3A_236 {offsets = [0], sizes = [1], strides = [1]} : vector<16xf32> to vector<1xf32>
          %squeeze3A_259 = vector.extract %slice3A_258[0] : f32 from vector<1xf32>
          %mul3A_260 = vector.broadcast %squeeze3A_259 : f32 to vector<16xf32>
          %mul3A_261 = arith.mulf %mul3A_260, %get3A_248 : vector<16xf32>
          %add3A_262 = arith.addf %add3A_257, %mul3A_261 : vector<16xf32>
          %slice3A_263 = vector.extract_strided_slice %sub3A_239 {offsets = [0], sizes = [1], strides = [1]} : vector<16xf32> to vector<1xf32>
          %squeeze3A_264 = vector.extract %slice3A_263[0] : f32 from vector<1xf32>
          %mul3A_265 = vector.broadcast %squeeze3A_264 : f32 to vector<16xf32>
          %mul3A_266 = arith.mulf %mul3A_265, %get3A_250 : vector<16xf32>
          %add3A_267 = arith.addf %add3A_262, %mul3A_266 : vector<16xf32>
          %slice3A_268 = vector.extract_strided_slice %sub3A_242 {offsets = [0], sizes = [1], strides = [1]} : vector<16xf32> to vector<1xf32>
          %squeeze3A_269 = vector.extract %slice3A_268[0] : f32 from vector<1xf32>
          %mul3A_270 = vector.broadcast %squeeze3A_269 : f32 to vector<16xf32>
          %mul3A_271 = arith.mulf %mul3A_270, %get3A_252 : vector<16xf32>
          %add3A_272 = arith.addf %add3A_267, %mul3A_271 : vector<16xf32>
          %max3A_273 = arith.constant 0.000000e+00 : f32
          %max3A_274 = vector.broadcast %max3A_273 : f32 to vector<16xf32>
          %max3A_275 = arith.maximumf %add3A_272, %max3A_274 : vector<16xf32>
          %slice3A_276 = vector.extract_strided_slice %select_n3A_228 {offsets = [0], sizes = [1], strides = [1]} : vector<16xi32> to vector<1xi32>
          %squeeze3A_277 = vector.extract %slice3A_276[0] : i32 from vector<1xi32>
          %mul3A_278 = arith.constant 16 : i32
          %mul3A_279 = arith.muli %squeeze3A_277, %mul3A_278 : i32
          %get3A_280 = arith.index_cast %mul3A_279 : i32 to index
          %get3A_281 = tpu.vector_load %arg19[%get3A_280] {strides = array<i32>} : memref<8448xf32, #tpu.memory_space<vmem>>, vector<16xf32>,
          %max3A_282 = arith.maximumf %get3A_281, %max3A_275 : vector<16xf32>
          %swap3A_283 = arith.index_cast %mul3A_279 : i32 to index
          %swap3A_284 = tpu.vector_load %arg19[%swap3A_283] {strides = array<i32>} : memref<8448xf32, #tpu.memory_space<vmem>>, vector<16xf32>,
          tpu.vector_store %arg19[%swap3A_283], %max3A_282 {strides = array<i32>} : memref<8448xf32, #tpu.memory_space<vmem>>, vector<16xf32>,
          %slice3A_285 = vector.extract_strided_slice %get3A_230 {offsets = [1], sizes = [1], strides = [1]} : vector<16xf32> to vector<1xf32>
          %squeeze3A_286 = vector.extract %slice3A_285[0] : f32 from vector<1xf32>
          %mul3A_287 = vector.broadcast %squeeze3A_286 : f32 to vector<16xf32>
          %mul3A_288 = arith.mulf %mul3A_287, %get3A_246 : vector<16xf32>
          %add3A_289 = arith.addf %get3A_244, %mul3A_288 : vector<16xf32>
          %slice3A_290 = vector.extract_strided_slice %sub3A_236 {offsets = [1], sizes = [1], strides = [1]} : vector<16xf32> to vector<1xf32>
          %squeeze3A_291 = vector.extract %slice3A_290[0] : f32 from vector<1xf32>
          %mul3A_292 = vector.broadcast %squeeze3A_291 : f32 to vector<16xf32>
          %mul3A_293 = arith.mulf %mul3A_292, %get3A_248 : vector<16xf32>
          %add3A_294 = arith.addf %add3A_289, %mul3A_293 : vector<16xf32>
          %slice3A_295 = vector.extract_strided_slice %sub3A_239 {offsets = [1], sizes = [1], strides = [1]} : vector<16xf32> to vector<1xf32>
          %squeeze3A_296 = vector.extract %slice3A_295[0] : f32 from vector<1xf32>
          %mul3A_297 = vector.broadcast %squeeze3A_296 : f32 to vector<16xf32>
          %mul3A_298 = arith.mulf %mul3A_297, %get3A_250 : vector<16xf32>
          %add3A_299 = arith.addf %add3A_294, %mul3A_298 : vector<16xf32>
          %slice3A_300 = vector.extract_strided_slice %sub3A_242 {offsets = [1], sizes = [1], strides = [1]} : vector<16xf32> to vector<1xf32>
          %squeeze3A_301 = vector.extract %slice3A_300[0] : f32 from vector<1xf32>
          %mul3A_302 = vector.broadcast %squeeze3A_301 : f32 to vector<16xf32>
          %mul3A_303 = arith.mulf %mul3A_302, %get3A_252 : vector<16xf32>
          %add3A_304 = arith.addf %add3A_299, %mul3A_303 : vector<16xf32>
          %max3A_305 = arith.constant 0.000000e+00 : f32
          %max3A_306 = vector.broadcast %max3A_305 : f32 to vector<16xf32>
          %max3A_307 = arith.maximumf %add3A_304, %max3A_306 : vector<16xf32>
          %slice3A_308 = vector.extract_strided_slice %select_n3A_228 {offsets = [1], sizes = [1], strides = [1]} : vector<16xi32> to vector<1xi32>
          %squeeze3A_309 = vector.extract %slice3A_308[0] : i32 from vector<1xi32>
          %mul3A_310 = arith.constant 16 : i32
          %mul3A_311 = arith.muli %squeeze3A_309, %mul3A_310 : i32
          %get3A_312 = arith.index_cast %mul3A_311 : i32 to index
          %get3A_313 = tpu.vector_load %arg19[%get3A_312] {strides = array<i32>} : memref<8448xf32, #tpu.memory_space<vmem>>, vector<16xf32>,
          %max3A_314 = arith.maximumf %get3A_313, %max3A_307 : vector<16xf32>
          %swap3A_315 = arith.index_cast %mul3A_311 : i32 to index
          %swap3A_316 = tpu.vector_load %arg19[%swap3A_315] {strides = array<i32>} : memref<8448xf32, #tpu.memory_space<vmem>>, vector<16xf32>,
          tpu.vector_store %arg19[%swap3A_315], %max3A_314 {strides = array<i32>} : memref<8448xf32, #tpu.memory_space<vmem>>, vector<16xf32>,
          %slice3A_317 = vector.extract_strided_slice %get3A_230 {offsets = [2], sizes = [1], strides = [1]} : vector<16xf32> to vector<1xf32>
          %squeeze3A_318 = vector.extract %slice3A_317[0] : f32 from vector<1xf32>
          %mul3A_319 = vector.broadcast %squeeze3A_318 : f32 to vector<16xf32>
          %mul3A_320 = arith.mulf %mul3A_319, %get3A_246 : vector<16xf32>
          %add3A_321 = arith.addf %get3A_244, %mul3A_320 : vector<16xf32>
          %slice3A_322 = vector.extract_strided_slice %sub3A_236 {offsets = [2], sizes = [1], strides = [1]} : vector<16xf32> to vector<1xf32>
          %squeeze3A_323 = vector.extract %slice3A_322[0] : f32 from vector<1xf32>
          %mul3A_324 = vector.broadcast %squeeze3A_323 : f32 to vector<16xf32>
          %mul3A_325 = arith.mulf %mul3A_324, %get3A_248 : vector<16xf32>
          %add3A_326 = arith.addf %add3A_321, %mul3A_325 : vector<16xf32>
          %slice3A_327 = vector.extract_strided_slice %sub3A_239 {offsets = [2], sizes = [1], strides = [1]} : vector<16xf32> to vector<1xf32>
          %squeeze3A_328 = vector.extract %slice3A_327[0] : f32 from vector<1xf32>
          %mul3A_329 = vector.broadcast %squeeze3A_328 : f32 to vector<16xf32>
          %mul3A_330 = arith.mulf %mul3A_329, %get3A_250 : vector<16xf32>
          %add3A_331 = arith.addf %add3A_326, %mul3A_330 : vector<16xf32>
          %slice3A_332 = vector.extract_strided_slice %sub3A_242 {offsets = [2], sizes = [1], strides = [1]} : vector<16xf32> to vector<1xf32>
          %squeeze3A_333 = vector.extract %slice3A_332[0] : f32 from vector<1xf32>
          %mul3A_334 = vector.broadcast %squeeze3A_333 : f32 to vector<16xf32>
          %mul3A_335 = arith.mulf %mul3A_334, %get3A_252 : vector<16xf32>
          %add3A_336 = arith.addf %add3A_331, %mul3A_335 : vector<16xf32>
          %max3A_337 = arith.constant 0.000000e+00 : f32
          %max3A_338 = vector.broadcast %max3A_337 : f32 to vector<16xf32>
          %max3A_339 = arith.maximumf %add3A_336, %max3A_338 : vector<16xf32>
          %slice3A_340 = vector.extract_strided_slice %select_n3A_228 {offsets = [2], sizes = [1], strides = [1]} : vector<16xi32> to vector<1xi32>
          %squeeze3A_341 = vector.extract %slice3A_340[0] : i32 from vector<1xi32>
          %mul3A_342 = arith.constant 16 : i32
          %mul3A_343 = arith.muli %squeeze3A_341, %mul3A_342 : i32
          %get3A_344 = arith.index_cast %mul3A_343 : i32 to index
          %get3A_345 = tpu.vector_load %arg19[%get3A_344] {strides = array<i32>} : memref<8448xf32, #tpu.memory_space<vmem>>, vector<16xf32>,
          %max3A_346 = arith.maximumf %get3A_345, %max3A_339 : vector<16xf32>
          %swap3A_347 = arith.index_cast %mul3A_343 : i32 to index
          %swap3A_348 = tpu.vector_load %arg19[%swap3A_347] {strides = array<i32>} : memref<8448xf32, #tpu.memory_space<vmem>>, vector<16xf32>,
          tpu.vector_store %arg19[%swap3A_347], %max3A_346 {strides = array<i32>} : memref<8448xf32, #tpu.memory_space<vmem>>, vector<16xf32>,
          %slice3A_349 = vector.extract_strided_slice %get3A_230 {offsets = [3], sizes = [1], strides = [1]} : vector<16xf32> to vector<1xf32>
          %squeeze3A_350 = vector.extract %slice3A_349[0] : f32 from vector<1xf32>
          %mul3A_351 = vector.broadcast %squeeze3A_350 : f32 to vector<16xf32>
          %mul3A_352 = arith.mulf %mul3A_351, %get3A_246 : vector<16xf32>
          %add3A_353 = arith.addf %get3A_244, %mul3A_352 : vector<16xf32>
          %slice3A_354 = vector.extract_strided_slice %sub3A_236 {offsets = [3], sizes = [1], strides = [1]} : vector<16xf32> to vector<1xf32>
          %squeeze3A_355 = vector.extract %slice3A_354[0] : f32 from vector<1xf32>
          %mul3A_356 = vector.broadcast %squeeze3A_355 : f32 to vector<16xf32>
          %mul3A_357 = arith.mulf %mul3A_356, %get3A_248 : vector<16xf32>
          %add3A_358 = arith.addf %add3A_353, %mul3A_357 : vector<16xf32>
          %slice3A_359 = vector.extract_strided_slice %sub3A_239 {offsets = [3], sizes = [1], strides = [1]} : vector<16xf32> to vector<1xf32>
          %squeeze3A_360 = vector.extract %slice3A_359[0] : f32 from vector<1xf32>
          %mul3A_361 = vector.broadcast %squeeze3A_360 : f32 to vector<16xf32>
          %mul3A_362 = arith.mulf %mul3A_361, %get3A_250 : vector<16xf32>
          %add3A_363 = arith.addf %add3A_358, %mul3A_362 : vector<16xf32>
          %slice3A_364 = vector.extract_strided_slice %sub3A_242 {offsets = [3], sizes = [1], strides = [1]} : vector<16xf32> to vector<1xf32>
          %squeeze3A_365 = vector.extract %slice3A_364[0] : f32 from vector<1xf32>
          %mul3A_366 = vector.broadcast %squeeze3A_365 : f32 to vector<16xf32>
          %mul3A_367 = arith.mulf %mul3A_366, %get3A_252 : vector<16xf32>
          %add3A_368 = arith.addf %add3A_363, %mul3A_367 : vector<16xf32>
          %max3A_369 = arith.constant 0.000000e+00 : f32
          %max3A_370 = vector.broadcast %max3A_369 : f32 to vector<16xf32>
          %max3A_371 = arith.maximumf %add3A_368, %max3A_370 : vector<16xf32>
          %slice3A_372 = vector.extract_strided_slice %select_n3A_228 {offsets = [3], sizes = [1], strides = [1]} : vector<16xi32> to vector<1xi32>
          %squeeze3A_373 = vector.extract %slice3A_372[0] : i32 from vector<1xi32>
          %mul3A_374 = arith.constant 16 : i32
          %mul3A_375 = arith.muli %squeeze3A_373, %mul3A_374 : i32
          %get3A_376 = arith.index_cast %mul3A_375 : i32 to index
          %get3A_377 = tpu.vector_load %arg19[%get3A_376] {strides = array<i32>} : memref<8448xf32, #tpu.memory_space<vmem>>, vector<16xf32>,
          %max3A_378 = arith.maximumf %get3A_377, %max3A_371 : vector<16xf32>
          %swap3A_379 = arith.index_cast %mul3A_375 : i32 to index
          %swap3A_380 = tpu.vector_load %arg19[%swap3A_379] {strides = array<i32>} : memref<8448xf32, #tpu.memory_space<vmem>>, vector<16xf32>,
          tpu.vector_store %arg19[%swap3A_379], %max3A_378 {strides = array<i32>} : memref<8448xf32, #tpu.memory_space<vmem>>, vector<16xf32>,
          %slice3A_381 = vector.extract_strided_slice %get3A_230 {offsets = [4], sizes = [1], strides = [1]} : vector<16xf32> to vector<1xf32>
          %squeeze3A_382 = vector.extract %slice3A_381[0] : f32 from vector<1xf32>
          %mul3A_383 = vector.broadcast %squeeze3A_382 : f32 to vector<16xf32>
          %mul3A_384 = arith.mulf %mul3A_383, %get3A_246 : vector<16xf32>
          %add3A_385 = arith.addf %get3A_244, %mul3A_384 : vector<16xf32>
          %slice3A_386 = vector.extract_strided_slice %sub3A_236 {offsets = [4], sizes = [1], strides = [1]} : vector<16xf32> to vector<1xf32>
          %squeeze3A_387 = vector.extract %slice3A_386[0] : f32 from vector<1xf32>
          %mul3A_388 = vector.broadcast %squeeze3A_387 : f32 to vector<16xf32>
          %mul3A_389 = arith.mulf %mul3A_388, %get3A_248 : vector<16xf32>
          %add3A_390 = arith.addf %add3A_385, %mul3A_389 : vector<16xf32>
          %slice3A_391 = vector.extract_strided_slice %sub3A_239 {offsets = [4], sizes = [1], strides = [1]} : vector<16xf32> to vector<1xf32>
          %squeeze3A_392 = vector.extract %slice3A_391[0] : f32 from vector<1xf32>
          %mul3A_393 = vector.broadcast %squeeze3A_392 : f32 to vector<16xf32>
          %mul3A_394 = arith.mulf %mul3A_393, %get3A_250 : vector<16xf32>
          %add3A_395 = arith.addf %add3A_390, %mul3A_394 : vector<16xf32>
          %slice3A_396 = vector.extract_strided_slice %sub3A_242 {offsets = [4], sizes = [1], strides = [1]} : vector<16xf32> to vector<1xf32>
          %squeeze3A_397 = vector.extract %slice3A_396[0] : f32 from vector<1xf32>
          %mul3A_398 = vector.broadcast %squeeze3A_397 : f32 to vector<16xf32>
          %mul3A_399 = arith.mulf %mul3A_398, %get3A_252 : vector<16xf32>
          %add3A_400 = arith.addf %add3A_395, %mul3A_399 : vector<16xf32>
          %max3A_401 = arith.constant 0.000000e+00 : f32
          %max3A_402 = vector.broadcast %max3A_401 : f32 to vector<16xf32>
          %max3A_403 = arith.maximumf %add3A_400, %max3A_402 : vector<16xf32>
          %slice3A_404 = vector.extract_strided_slice %select_n3A_228 {offsets = [4], sizes = [1], strides = [1]} : vector<16xi32> to vector<1xi32>
          %squeeze3A_405 = vector.extract %slice3A_404[0] : i32 from vector<1xi32>
          %mul3A_406 = arith.constant 16 : i32
          %mul3A_407 = arith.muli %squeeze3A_405, %mul3A_406 : i32
          %get3A_408 = arith.index_cast %mul3A_407 : i32 to index
          %get3A_409 = tpu.vector_load %arg19[%get3A_408] {strides = array<i32>} : memref<8448xf32, #tpu.memory_space<vmem>>, vector<16xf32>,
          %max3A_410 = arith.maximumf %get3A_409, %max3A_403 : vector<16xf32>
          %swap3A_411 = arith.index_cast %mul3A_407 : i32 to index
          %swap3A_412 = tpu.vector_load %arg19[%swap3A_411] {strides = array<i32>} : memref<8448xf32, #tpu.memory_space<vmem>>, vector<16xf32>,
          tpu.vector_store %arg19[%swap3A_411], %max3A_410 {strides = array<i32>} : memref<8448xf32, #tpu.memory_space<vmem>>, vector<16xf32>,
          %slice3A_413 = vector.extract_strided_slice %get3A_230 {offsets = [5], sizes = [1], strides = [1]} : vector<16xf32> to vector<1xf32>
          %squeeze3A_414 = vector.extract %slice3A_413[0] : f32 from vector<1xf32>
          %mul3A_415 = vector.broadcast %squeeze3A_414 : f32 to vector<16xf32>
          %mul3A_416 = arith.mulf %mul3A_415, %get3A_246 : vector<16xf32>
          %add3A_417 = arith.addf %get3A_244, %mul3A_416 : vector<16xf32>
          %slice3A_418 = vector.extract_strided_slice %sub3A_236 {offsets = [5], sizes = [1], strides = [1]} : vector<16xf32> to vector<1xf32>
          %squeeze3A_419 = vector.extract %slice3A_418[0] : f32 from vector<1xf32>
          %mul3A_420 = vector.broadcast %squeeze3A_419 : f32 to vector<16xf32>
          %mul3A_421 = arith.mulf %mul3A_420, %get3A_248 : vector<16xf32>
          %add3A_422 = arith.addf %add3A_417, %mul3A_421 : vector<16xf32>
          %slice3A_423 = vector.extract_strided_slice %sub3A_239 {offsets = [5], sizes = [1], strides = [1]} : vector<16xf32> to vector<1xf32>
          %squeeze3A_424 = vector.extract %slice3A_423[0] : f32 from vector<1xf32>
          %mul3A_425 = vector.broadcast %squeeze3A_424 : f32 to vector<16xf32>
          %mul3A_426 = arith.mulf %mul3A_425, %get3A_250 : vector<16xf32>
          %add3A_427 = arith.addf %add3A_422, %mul3A_426 : vector<16xf32>
          %slice3A_428 = vector.extract_strided_slice %sub3A_242 {offsets = [5], sizes = [1], strides = [1]} : vector<16xf32> to vector<1xf32>
          %squeeze3A_429 = vector.extract %slice3A_428[0] : f32 from vector<1xf32>
          %mul3A_430 = vector.broadcast %squeeze3A_429 : f32 to vector<16xf32>
          %mul3A_431 = arith.mulf %mul3A_430, %get3A_252 : vector<16xf32>
          %add3A_432 = arith.addf %add3A_427, %mul3A_431 : vector<16xf32>
          %max3A_433 = arith.constant 0.000000e+00 : f32
          %max3A_434 = vector.broadcast %max3A_433 : f32 to vector<16xf32>
          %max3A_435 = arith.maximumf %add3A_432, %max3A_434 : vector<16xf32>
          %slice3A_436 = vector.extract_strided_slice %select_n3A_228 {offsets = [5], sizes = [1], strides = [1]} : vector<16xi32> to vector<1xi32>
          %squeeze3A_437 = vector.extract %slice3A_436[0] : i32 from vector<1xi32>
          %mul3A_438 = arith.constant 16 : i32
          %mul3A_439 = arith.muli %squeeze3A_437, %mul3A_438 : i32
          %get3A_440 = arith.index_cast %mul3A_439 : i32 to index
          %get3A_441 = tpu.vector_load %arg19[%get3A_440] {strides = array<i32>} : memref<8448xf32, #tpu.memory_space<vmem>>, vector<16xf32>,
          %max3A_442 = arith.maximumf %get3A_441, %max3A_435 : vector<16xf32>
          %swap3A_443 = arith.index_cast %mul3A_439 : i32 to index
          %swap3A_444 = tpu.vector_load %arg19[%swap3A_443] {strides = array<i32>} : memref<8448xf32, #tpu.memory_space<vmem>>, vector<16xf32>,
          tpu.vector_store %arg19[%swap3A_443], %max3A_442 {strides = array<i32>} : memref<8448xf32, #tpu.memory_space<vmem>>, vector<16xf32>,
          %slice3A_445 = vector.extract_strided_slice %get3A_230 {offsets = [6], sizes = [1], strides = [1]} : vector<16xf32> to vector<1xf32>
          %squeeze3A_446 = vector.extract %slice3A_445[0] : f32 from vector<1xf32>
          %mul3A_447 = vector.broadcast %squeeze3A_446 : f32 to vector<16xf32>
          %mul3A_448 = arith.mulf %mul3A_447, %get3A_246 : vector<16xf32>
          %add3A_449 = arith.addf %get3A_244, %mul3A_448 : vector<16xf32>
          %slice3A_450 = vector.extract_strided_slice %sub3A_236 {offsets = [6], sizes = [1], strides = [1]} : vector<16xf32> to vector<1xf32>
          %squeeze3A_451 = vector.extract %slice3A_450[0] : f32 from vector<1xf32>
          %mul3A_452 = vector.broadcast %squeeze3A_451 : f32 to vector<16xf32>
          %mul3A_453 = arith.mulf %mul3A_452, %get3A_248 : vector<16xf32>
          %add3A_454 = arith.addf %add3A_449, %mul3A_453 : vector<16xf32>
          %slice3A_455 = vector.extract_strided_slice %sub3A_239 {offsets = [6], sizes = [1], strides = [1]} : vector<16xf32> to vector<1xf32>
          %squeeze3A_456 = vector.extract %slice3A_455[0] : f32 from vector<1xf32>
          %mul3A_457 = vector.broadcast %squeeze3A_456 : f32 to vector<16xf32>
          %mul3A_458 = arith.mulf %mul3A_457, %get3A_250 : vector<16xf32>
          %add3A_459 = arith.addf %add3A_454, %mul3A_458 : vector<16xf32>
          %slice3A_460 = vector.extract_strided_slice %sub3A_242 {offsets = [6], sizes = [1], strides = [1]} : vector<16xf32> to vector<1xf32>
          %squeeze3A_461 = vector.extract %slice3A_460[0] : f32 from vector<1xf32>
          %mul3A_462 = vector.broadcast %squeeze3A_461 : f32 to vector<16xf32>
          %mul3A_463 = arith.mulf %mul3A_462, %get3A_252 : vector<16xf32>
          %add3A_464 = arith.addf %add3A_459, %mul3A_463 : vector<16xf32>
          %max3A_465 = arith.constant 0.000000e+00 : f32
          %max3A_466 = vector.broadcast %max3A_465 : f32 to vector<16xf32>
          %max3A_467 = arith.maximumf %add3A_464, %max3A_466 : vector<16xf32>
          %slice3A_468 = vector.extract_strided_slice %select_n3A_228 {offsets = [6], sizes = [1], strides = [1]} : vector<16xi32> to vector<1xi32>
          %squeeze3A_469 = vector.extract %slice3A_468[0] : i32 from vector<1xi32>
          %mul3A_470 = arith.constant 16 : i32
          %mul3A_471 = arith.muli %squeeze3A_469, %mul3A_470 : i32
          %get3A_472 = arith.index_cast %mul3A_471 : i32 to index
          %get3A_473 = tpu.vector_load %arg19[%get3A_472] {strides = array<i32>} : memref<8448xf32, #tpu.memory_space<vmem>>, vector<16xf32>,
          %max3A_474 = arith.maximumf %get3A_473, %max3A_467 : vector<16xf32>
          %swap3A_475 = arith.index_cast %mul3A_471 : i32 to index
          %swap3A_476 = tpu.vector_load %arg19[%swap3A_475] {strides = array<i32>} : memref<8448xf32, #tpu.memory_space<vmem>>, vector<16xf32>,
          tpu.vector_store %arg19[%swap3A_475], %max3A_474 {strides = array<i32>} : memref<8448xf32, #tpu.memory_space<vmem>>, vector<16xf32>,
          %slice3A_477 = vector.extract_strided_slice %get3A_230 {offsets = [7], sizes = [1], strides = [1]} : vector<16xf32> to vector<1xf32>
          %squeeze3A_478 = vector.extract %slice3A_477[0] : f32 from vector<1xf32>
          %mul3A_479 = vector.broadcast %squeeze3A_478 : f32 to vector<16xf32>
          %mul3A_480 = arith.mulf %mul3A_479, %get3A_246 : vector<16xf32>
          %add3A_481 = arith.addf %get3A_244, %mul3A_480 : vector<16xf32>
          %slice3A_482 = vector.extract_strided_slice %sub3A_236 {offsets = [7], sizes = [1], strides = [1]} : vector<16xf32> to vector<1xf32>
          %squeeze3A_483 = vector.extract %slice3A_482[0] : f32 from vector<1xf32>
          %mul3A_484 = vector.broadcast %squeeze3A_483 : f32 to vector<16xf32>
          %mul3A_485 = arith.mulf %mul3A_484, %get3A_248 : vector<16xf32>
          %add3A_486 = arith.addf %add3A_481, %mul3A_485 : vector<16xf32>
          %slice3A_487 = vector.extract_strided_slice %sub3A_239 {offsets = [7], sizes = [1], strides = [1]} : vector<16xf32> to vector<1xf32>
          %squeeze3A_488 = vector.extract %slice3A_487[0] : f32 from vector<1xf32>
          %mul3A_489 = vector.broadcast %squeeze3A_488 : f32 to vector<16xf32>
          %mul3A_490 = arith.mulf %mul3A_489, %get3A_250 : vector<16xf32>
          %add3A_491 = arith.addf %add3A_486, %mul3A_490 : vector<16xf32>
          %slice3A_492 = vector.extract_strided_slice %sub3A_242 {offsets = [7], sizes = [1], strides = [1]} : vector<16xf32> to vector<1xf32>
          %squeeze3A_493 = vector.extract %slice3A_492[0] : f32 from vector<1xf32>
          %mul3A_494 = vector.broadcast %squeeze3A_493 : f32 to vector<16xf32>
          %mul3A_495 = arith.mulf %mul3A_494, %get3A_252 : vector<16xf32>
          %add3A_496 = arith.addf %add3A_491, %mul3A_495 : vector<16xf32>
          %max3A_497 = arith.constant 0.000000e+00 : f32
          %max3A_498 = vector.broadcast %max3A_497 : f32 to vector<16xf32>
          %max3A_499 = arith.maximumf %add3A_496, %max3A_498 : vector<16xf32>
          %slice3A_500 = vector.extract_strided_slice %select_n3A_228 {offsets = [7], sizes = [1], strides = [1]} : vector<16xi32> to vector<1xi32>
          %squeeze3A_501 = vector.extract %slice3A_500[0] : i32 from vector<1xi32>
          %mul3A_502 = arith.constant 16 : i32
          %mul3A_503 = arith.muli %squeeze3A_501, %mul3A_502 : i32
          %get3A_504 = arith.index_cast %mul3A_503 : i32 to index
          %get3A_505 = tpu.vector_load %arg19[%get3A_504] {strides = array<i32>} : memref<8448xf32, #tpu.memory_space<vmem>>, vector<16xf32>,
          %max3A_506 = arith.maximumf %get3A_505, %max3A_499 : vector<16xf32>
          %swap3A_507 = arith.index_cast %mul3A_503 : i32 to index
          %swap3A_508 = tpu.vector_load %arg19[%swap3A_507] {strides = array<i32>} : memref<8448xf32, #tpu.memory_space<vmem>>, vector<16xf32>,
          tpu.vector_store %arg19[%swap3A_507], %max3A_506 {strides = array<i32>} : memref<8448xf32, #tpu.memory_space<vmem>>, vector<16xf32>,
          %slice3A_509 = vector.extract_strided_slice %get3A_230 {offsets = [8], sizes = [1], strides = [1]} : vector<16xf32> to vector<1xf32>
          %squeeze3A_510 = vector.extract %slice3A_509[0] : f32 from vector<1xf32>
          %mul3A_511 = vector.broadcast %squeeze3A_510 : f32 to vector<16xf32>
          %mul3A_512 = arith.mulf %mul3A_511, %get3A_246 : vector<16xf32>
          %add3A_513 = arith.addf %get3A_244, %mul3A_512 : vector<16xf32>
          %slice3A_514 = vector.extract_strided_slice %sub3A_236 {offsets = [8], sizes = [1], strides = [1]} : vector<16xf32> to vector<1xf32>
          %squeeze3A_515 = vector.extract %slice3A_514[0] : f32 from vector<1xf32>
          %mul3A_516 = vector.broadcast %squeeze3A_515 : f32 to vector<16xf32>
          %mul3A_517 = arith.mulf %mul3A_516, %get3A_248 : vector<16xf32>
          %add3A_518 = arith.addf %add3A_513, %mul3A_517 : vector<16xf32>
          %slice3A_519 = vector.extract_strided_slice %sub3A_239 {offsets = [8], sizes = [1], strides = [1]} : vector<16xf32> to vector<1xf32>
          %squeeze3A_520 = vector.extract %slice3A_519[0] : f32 from vector<1xf32>
          %mul3A_521 = vector.broadcast %squeeze3A_520 : f32 to vector<16xf32>
          %mul3A_522 = arith.mulf %mul3A_521, %get3A_250 : vector<16xf32>
          %add3A_523 = arith.addf %add3A_518, %mul3A_522 : vector<16xf32>
          %slice3A_524 = vector.extract_strided_slice %sub3A_242 {offsets = [8], sizes = [1], strides = [1]} : vector<16xf32> to vector<1xf32>
          %squeeze3A_525 = vector.extract %slice3A_524[0] : f32 from vector<1xf32>
          %mul3A_526 = vector.broadcast %squeeze3A_525 : f32 to vector<16xf32>
          %mul3A_527 = arith.mulf %mul3A_526, %get3A_252 : vector<16xf32>
          %add3A_528 = arith.addf %add3A_523, %mul3A_527 : vector<16xf32>
          %max3A_529 = arith.constant 0.000000e+00 : f32
          %max3A_530 = vector.broadcast %max3A_529 : f32 to vector<16xf32>
          %max3A_531 = arith.maximumf %add3A_528, %max3A_530 : vector<16xf32>
          %slice3A_532 = vector.extract_strided_slice %select_n3A_228 {offsets = [8], sizes = [1], strides = [1]} : vector<16xi32> to vector<1xi32>
          %squeeze3A_533 = vector.extract %slice3A_532[0] : i32 from vector<1xi32>
          %mul3A_534 = arith.constant 16 : i32
          %mul3A_535 = arith.muli %squeeze3A_533, %mul3A_534 : i32
          %get3A_536 = arith.index_cast %mul3A_535 : i32 to index
          %get3A_537 = tpu.vector_load %arg19[%get3A_536] {strides = array<i32>} : memref<8448xf32, #tpu.memory_space<vmem>>, vector<16xf32>,
          %max3A_538 = arith.maximumf %get3A_537, %max3A_531 : vector<16xf32>
          %swap3A_539 = arith.index_cast %mul3A_535 : i32 to index
          %swap3A_540 = tpu.vector_load %arg19[%swap3A_539] {strides = array<i32>} : memref<8448xf32, #tpu.memory_space<vmem>>, vector<16xf32>,
          tpu.vector_store %arg19[%swap3A_539], %max3A_538 {strides = array<i32>} : memref<8448xf32, #tpu.memory_space<vmem>>, vector<16xf32>,
          %slice3A_541 = vector.extract_strided_slice %get3A_230 {offsets = [9], sizes = [1], strides = [1]} : vector<16xf32> to vector<1xf32>
          %squeeze3A_542 = vector.extract %slice3A_541[0] : f32 from vector<1xf32>
          %mul3A_543 = vector.broadcast %squeeze3A_542 : f32 to vector<16xf32>
          %mul3A_544 = arith.mulf %mul3A_543, %get3A_246 : vector<16xf32>
          %add3A_545 = arith.addf %get3A_244, %mul3A_544 : vector<16xf32>
          %slice3A_546 = vector.extract_strided_slice %sub3A_236 {offsets = [9], sizes = [1], strides = [1]} : vector<16xf32> to vector<1xf32>
          %squeeze3A_547 = vector.extract %slice3A_546[0] : f32 from vector<1xf32>
          %mul3A_548 = vector.broadcast %squeeze3A_547 : f32 to vector<16xf32>
          %mul3A_549 = arith.mulf %mul3A_548, %get3A_248 : vector<16xf32>
          %add3A_550 = arith.addf %add3A_545, %mul3A_549 : vector<16xf32>
          %slice3A_551 = vector.extract_strided_slice %sub3A_239 {offsets = [9], sizes = [1], strides = [1]} : vector<16xf32> to vector<1xf32>
          %squeeze3A_552 = vector.extract %slice3A_551[0] : f32 from vector<1xf32>
          %mul3A_553 = vector.broadcast %squeeze3A_552 : f32 to vector<16xf32>
          %mul3A_554 = arith.mulf %mul3A_553, %get3A_250 : vector<16xf32>
          %add3A_555 = arith.addf %add3A_550, %mul3A_554 : vector<16xf32>
          %slice3A_556 = vector.extract_strided_slice %sub3A_242 {offsets = [9], sizes = [1], strides = [1]} : vector<16xf32> to vector<1xf32>
          %squeeze3A_557 = vector.extract %slice3A_556[0] : f32 from vector<1xf32>
          %mul3A_558 = vector.broadcast %squeeze3A_557 : f32 to vector<16xf32>
          %mul3A_559 = arith.mulf %mul3A_558, %get3A_252 : vector<16xf32>
          %add3A_560 = arith.addf %add3A_555, %mul3A_559 : vector<16xf32>
          %max3A_561 = arith.constant 0.000000e+00 : f32
          %max3A_562 = vector.broadcast %max3A_561 : f32 to vector<16xf32>
          %max3A_563 = arith.maximumf %add3A_560, %max3A_562 : vector<16xf32>
          %slice3A_564 = vector.extract_strided_slice %select_n3A_228 {offsets = [9], sizes = [1], strides = [1]} : vector<16xi32> to vector<1xi32>
          %squeeze3A_565 = vector.extract %slice3A_564[0] : i32 from vector<1xi32>
          %mul3A_566 = arith.constant 16 : i32
          %mul3A_567 = arith.muli %squeeze3A_565, %mul3A_566 : i32
          %get3A_568 = arith.index_cast %mul3A_567 : i32 to index
          %get3A_569 = tpu.vector_load %arg19[%get3A_568] {strides = array<i32>} : memref<8448xf32, #tpu.memory_space<vmem>>, vector<16xf32>,
          %max3A_570 = arith.maximumf %get3A_569, %max3A_563 : vector<16xf32>
          %swap3A_571 = arith.index_cast %mul3A_567 : i32 to index
          %swap3A_572 = tpu.vector_load %arg19[%swap3A_571] {strides = array<i32>} : memref<8448xf32, #tpu.memory_space<vmem>>, vector<16xf32>,
          tpu.vector_store %arg19[%swap3A_571], %max3A_570 {strides = array<i32>} : memref<8448xf32, #tpu.memory_space<vmem>>, vector<16xf32>,
          %slice3A_573 = vector.extract_strided_slice %get3A_230 {offsets = [10], sizes = [1], strides = [1]} : vector<16xf32> to vector<1xf32>
          %squeeze3A_574 = vector.extract %slice3A_573[0] : f32 from vector<1xf32>
          %mul3A_575 = vector.broadcast %squeeze3A_574 : f32 to vector<16xf32>
          %mul3A_576 = arith.mulf %mul3A_575, %get3A_246 : vector<16xf32>
          %add3A_577 = arith.addf %get3A_244, %mul3A_576 : vector<16xf32>
          %slice3A_578 = vector.extract_strided_slice %sub3A_236 {offsets = [10], sizes = [1], strides = [1]} : vector<16xf32> to vector<1xf32>
          %squeeze3A_579 = vector.extract %slice3A_578[0] : f32 from vector<1xf32>
          %mul3A_580 = vector.broadcast %squeeze3A_579 : f32 to vector<16xf32>
          %mul3A_581 = arith.mulf %mul3A_580, %get3A_248 : vector<16xf32>
          %add3A_582 = arith.addf %add3A_577, %mul3A_581 : vector<16xf32>
          %slice3A_583 = vector.extract_strided_slice %sub3A_239 {offsets = [10], sizes = [1], strides = [1]} : vector<16xf32> to vector<1xf32>
          %squeeze3A_584 = vector.extract %slice3A_583[0] : f32 from vector<1xf32>
          %mul3A_585 = vector.broadcast %squeeze3A_584 : f32 to vector<16xf32>
          %mul3A_586 = arith.mulf %mul3A_585, %get3A_250 : vector<16xf32>
          %add3A_587 = arith.addf %add3A_582, %mul3A_586 : vector<16xf32>
          %slice3A_588 = vector.extract_strided_slice %sub3A_242 {offsets = [10], sizes = [1], strides = [1]} : vector<16xf32> to vector<1xf32>
          %squeeze3A_589 = vector.extract %slice3A_588[0] : f32 from vector<1xf32>
          %mul3A_590 = vector.broadcast %squeeze3A_589 : f32 to vector<16xf32>
          %mul3A_591 = arith.mulf %mul3A_590, %get3A_252 : vector<16xf32>
          %add3A_592 = arith.addf %add3A_587, %mul3A_591 : vector<16xf32>
          %max3A_593 = arith.constant 0.000000e+00 : f32
          %max3A_594 = vector.broadcast %max3A_593 : f32 to vector<16xf32>
          %max3A_595 = arith.maximumf %add3A_592, %max3A_594 : vector<16xf32>
          %slice3A_596 = vector.extract_strided_slice %select_n3A_228 {offsets = [10], sizes = [1], strides = [1]} : vector<16xi32> to vector<1xi32>
          %squeeze3A_597 = vector.extract %slice3A_596[0] : i32 from vector<1xi32>
          %mul3A_598 = arith.constant 16 : i32
          %mul3A_599 = arith.muli %squeeze3A_597, %mul3A_598 : i32
          %get3A_600 = arith.index_cast %mul3A_599 : i32 to index
          %get3A_601 = tpu.vector_load %arg19[%get3A_600] {strides = array<i32>} : memref<8448xf32, #tpu.memory_space<vmem>>, vector<16xf32>,
          %max3A_602 = arith.maximumf %get3A_601, %max3A_595 : vector<16xf32>
          %swap3A_603 = arith.index_cast %mul3A_599 : i32 to index
          %swap3A_604 = tpu.vector_load %arg19[%swap3A_603] {strides = array<i32>} : memref<8448xf32, #tpu.memory_space<vmem>>, vector<16xf32>,
          tpu.vector_store %arg19[%swap3A_603], %max3A_602 {strides = array<i32>} : memref<8448xf32, #tpu.memory_space<vmem>>, vector<16xf32>,
          %slice3A_605 = vector.extract_strided_slice %get3A_230 {offsets = [11], sizes = [1], strides = [1]} : vector<16xf32> to vector<1xf32>
          %squeeze3A_606 = vector.extract %slice3A_605[0] : f32 from vector<1xf32>
          %mul3A_607 = vector.broadcast %squeeze3A_606 : f32 to vector<16xf32>
          %mul3A_608 = arith.mulf %mul3A_607, %get3A_246 : vector<16xf32>
          %add3A_609 = arith.addf %get3A_244, %mul3A_608 : vector<16xf32>
          %slice3A_610 = vector.extract_strided_slice %sub3A_236 {offsets = [11], sizes = [1], strides = [1]} : vector<16xf32> to vector<1xf32>
          %squeeze3A_611 = vector.extract %slice3A_610[0] : f32 from vector<1xf32>
          %mul3A_612 = vector.broadcast %squeeze3A_611 : f32 to vector<16xf32>
          %mul3A_613 = arith.mulf %mul3A_612, %get3A_248 : vector<16xf32>
          %add3A_614 = arith.addf %add3A_609, %mul3A_613 : vector<16xf32>
          %slice3A_615 = vector.extract_strided_slice %sub3A_239 {offsets = [11], sizes = [1], strides = [1]} : vector<16xf32> to vector<1xf32>
          %squeeze3A_616 = vector.extract %slice3A_615[0] : f32 from vector<1xf32>
          %mul3A_617 = vector.broadcast %squeeze3A_616 : f32 to vector<16xf32>
          %mul3A_618 = arith.mulf %mul3A_617, %get3A_250 : vector<16xf32>
          %add3A_619 = arith.addf %add3A_614, %mul3A_618 : vector<16xf32>
          %slice3A_620 = vector.extract_strided_slice %sub3A_242 {offsets = [11], sizes = [1], strides = [1]} : vector<16xf32> to vector<1xf32>
          %squeeze3A_621 = vector.extract %slice3A_620[0] : f32 from vector<1xf32>
          %mul3A_622 = vector.broadcast %squeeze3A_621 : f32 to vector<16xf32>
          %mul3A_623 = arith.mulf %mul3A_622, %get3A_252 : vector<16xf32>
          %add3A_624 = arith.addf %add3A_619, %mul3A_623 : vector<16xf32>
          %max3A_625 = arith.constant 0.000000e+00 : f32
          %max3A_626 = vector.broadcast %max3A_625 : f32 to vector<16xf32>
          %max3A_627 = arith.maximumf %add3A_624, %max3A_626 : vector<16xf32>
          %slice3A_628 = vector.extract_strided_slice %select_n3A_228 {offsets = [11], sizes = [1], strides = [1]} : vector<16xi32> to vector<1xi32>
          %squeeze3A_629 = vector.extract %slice3A_628[0] : i32 from vector<1xi32>
          %mul3A_630 = arith.constant 16 : i32
          %mul3A_631 = arith.muli %squeeze3A_629, %mul3A_630 : i32
          %get3A_632 = arith.index_cast %mul3A_631 : i32 to index
          %get3A_633 = tpu.vector_load %arg19[%get3A_632] {strides = array<i32>} : memref<8448xf32, #tpu.memory_space<vmem>>, vector<16xf32>,
          %max3A_634 = arith.maximumf %get3A_633, %max3A_627 : vector<16xf32>
          %swap3A_635 = arith.index_cast %mul3A_631 : i32 to index
          %swap3A_636 = tpu.vector_load %arg19[%swap3A_635] {strides = array<i32>} : memref<8448xf32, #tpu.memory_space<vmem>>, vector<16xf32>,
          tpu.vector_store %arg19[%swap3A_635], %max3A_634 {strides = array<i32>} : memref<8448xf32, #tpu.memory_space<vmem>>, vector<16xf32>,
          %slice3A_637 = vector.extract_strided_slice %get3A_230 {offsets = [12], sizes = [1], strides = [1]} : vector<16xf32> to vector<1xf32>
          %squeeze3A_638 = vector.extract %slice3A_637[0] : f32 from vector<1xf32>
          %mul3A_639 = vector.broadcast %squeeze3A_638 : f32 to vector<16xf32>
          %mul3A_640 = arith.mulf %mul3A_639, %get3A_246 : vector<16xf32>
          %add3A_641 = arith.addf %get3A_244, %mul3A_640 : vector<16xf32>
          %slice3A_642 = vector.extract_strided_slice %sub3A_236 {offsets = [12], sizes = [1], strides = [1]} : vector<16xf32> to vector<1xf32>
          %squeeze3A_643 = vector.extract %slice3A_642[0] : f32 from vector<1xf32>
          %mul3A_644 = vector.broadcast %squeeze3A_643 : f32 to vector<16xf32>
          %mul3A_645 = arith.mulf %mul3A_644, %get3A_248 : vector<16xf32>
          %add3A_646 = arith.addf %add3A_641, %mul3A_645 : vector<16xf32>
          %slice3A_647 = vector.extract_strided_slice %sub3A_239 {offsets = [12], sizes = [1], strides = [1]} : vector<16xf32> to vector<1xf32>
          %squeeze3A_648 = vector.extract %slice3A_647[0] : f32 from vector<1xf32>
          %mul3A_649 = vector.broadcast %squeeze3A_648 : f32 to vector<16xf32>
          %mul3A_650 = arith.mulf %mul3A_649, %get3A_250 : vector<16xf32>
          %add3A_651 = arith.addf %add3A_646, %mul3A_650 : vector<16xf32>
          %slice3A_652 = vector.extract_strided_slice %sub3A_242 {offsets = [12], sizes = [1], strides = [1]} : vector<16xf32> to vector<1xf32>
          %squeeze3A_653 = vector.extract %slice3A_652[0] : f32 from vector<1xf32>
          %mul3A_654 = vector.broadcast %squeeze3A_653 : f32 to vector<16xf32>
          %mul3A_655 = arith.mulf %mul3A_654, %get3A_252 : vector<16xf32>
          %add3A_656 = arith.addf %add3A_651, %mul3A_655 : vector<16xf32>
          %max3A_657 = arith.constant 0.000000e+00 : f32
          %max3A_658 = vector.broadcast %max3A_657 : f32 to vector<16xf32>
          %max3A_659 = arith.maximumf %add3A_656, %max3A_658 : vector<16xf32>
          %slice3A_660 = vector.extract_strided_slice %select_n3A_228 {offsets = [12], sizes = [1], strides = [1]} : vector<16xi32> to vector<1xi32>
          %squeeze3A_661 = vector.extract %slice3A_660[0] : i32 from vector<1xi32>
          %mul3A_662 = arith.constant 16 : i32
          %mul3A_663 = arith.muli %squeeze3A_661, %mul3A_662 : i32
          %get3A_664 = arith.index_cast %mul3A_663 : i32 to index
          %get3A_665 = tpu.vector_load %arg19[%get3A_664] {strides = array<i32>} : memref<8448xf32, #tpu.memory_space<vmem>>, vector<16xf32>,
          %max3A_666 = arith.maximumf %get3A_665, %max3A_659 : vector<16xf32>
          %swap3A_667 = arith.index_cast %mul3A_663 : i32 to index
          %swap3A_668 = tpu.vector_load %arg19[%swap3A_667] {strides = array<i32>} : memref<8448xf32, #tpu.memory_space<vmem>>, vector<16xf32>,
          tpu.vector_store %arg19[%swap3A_667], %max3A_666 {strides = array<i32>} : memref<8448xf32, #tpu.memory_space<vmem>>, vector<16xf32>,
          %slice3A_669 = vector.extract_strided_slice %get3A_230 {offsets = [13], sizes = [1], strides = [1]} : vector<16xf32> to vector<1xf32>
          %squeeze3A_670 = vector.extract %slice3A_669[0] : f32 from vector<1xf32>
          %mul3A_671 = vector.broadcast %squeeze3A_670 : f32 to vector<16xf32>
          %mul3A_672 = arith.mulf %mul3A_671, %get3A_246 : vector<16xf32>
          %add3A_673 = arith.addf %get3A_244, %mul3A_672 : vector<16xf32>
          %slice3A_674 = vector.extract_strided_slice %sub3A_236 {offsets = [13], sizes = [1], strides = [1]} : vector<16xf32> to vector<1xf32>
          %squeeze3A_675 = vector.extract %slice3A_674[0] : f32 from vector<1xf32>
          %mul3A_676 = vector.broadcast %squeeze3A_675 : f32 to vector<16xf32>
          %mul3A_677 = arith.mulf %mul3A_676, %get3A_248 : vector<16xf32>
          %add3A_678 = arith.addf %add3A_673, %mul3A_677 : vector<16xf32>
          %slice3A_679 = vector.extract_strided_slice %sub3A_239 {offsets = [13], sizes = [1], strides = [1]} : vector<16xf32> to vector<1xf32>
          %squeeze3A_680 = vector.extract %slice3A_679[0] : f32 from vector<1xf32>
          %mul3A_681 = vector.broadcast %squeeze3A_680 : f32 to vector<16xf32>
          %mul3A_682 = arith.mulf %mul3A_681, %get3A_250 : vector<16xf32>
          %add3A_683 = arith.addf %add3A_678, %mul3A_682 : vector<16xf32>
          %slice3A_684 = vector.extract_strided_slice %sub3A_242 {offsets = [13], sizes = [1], strides = [1]} : vector<16xf32> to vector<1xf32>
          %squeeze3A_685 = vector.extract %slice3A_684[0] : f32 from vector<1xf32>
          %mul3A_686 = vector.broadcast %squeeze3A_685 : f32 to vector<16xf32>
          %mul3A_687 = arith.mulf %mul3A_686, %get3A_252 : vector<16xf32>
          %add3A_688 = arith.addf %add3A_683, %mul3A_687 : vector<16xf32>
          %max3A_689 = arith.constant 0.000000e+00 : f32
          %max3A_690 = vector.broadcast %max3A_689 : f32 to vector<16xf32>
          %max3A_691 = arith.maximumf %add3A_688, %max3A_690 : vector<16xf32>
          %slice3A_692 = vector.extract_strided_slice %select_n3A_228 {offsets = [13], sizes = [1], strides = [1]} : vector<16xi32> to vector<1xi32>
          %squeeze3A_693 = vector.extract %slice3A_692[0] : i32 from vector<1xi32>
          %mul3A_694 = arith.constant 16 : i32
          %mul3A_695 = arith.muli %squeeze3A_693, %mul3A_694 : i32
          %get3A_696 = arith.index_cast %mul3A_695 : i32 to index
          %get3A_697 = tpu.vector_load %arg19[%get3A_696] {strides = array<i32>} : memref<8448xf32, #tpu.memory_space<vmem>>, vector<16xf32>,
          %max3A_698 = arith.maximumf %get3A_697, %max3A_691 : vector<16xf32>
          %swap3A_699 = arith.index_cast %mul3A_695 : i32 to index
          %swap3A_700 = tpu.vector_load %arg19[%swap3A_699] {strides = array<i32>} : memref<8448xf32, #tpu.memory_space<vmem>>, vector<16xf32>,
          tpu.vector_store %arg19[%swap3A_699], %max3A_698 {strides = array<i32>} : memref<8448xf32, #tpu.memory_space<vmem>>, vector<16xf32>,
          %slice3A_701 = vector.extract_strided_slice %get3A_230 {offsets = [14], sizes = [1], strides = [1]} : vector<16xf32> to vector<1xf32>
          %squeeze3A_702 = vector.extract %slice3A_701[0] : f32 from vector<1xf32>
          %mul3A_703 = vector.broadcast %squeeze3A_702 : f32 to vector<16xf32>
          %mul3A_704 = arith.mulf %mul3A_703, %get3A_246 : vector<16xf32>
          %add3A_705 = arith.addf %get3A_244, %mul3A_704 : vector<16xf32>
          %slice3A_706 = vector.extract_strided_slice %sub3A_236 {offsets = [14], sizes = [1], strides = [1]} : vector<16xf32> to vector<1xf32>
          %squeeze3A_707 = vector.extract %slice3A_706[0] : f32 from vector<1xf32>
          %mul3A_708 = vector.broadcast %squeeze3A_707 : f32 to vector<16xf32>
          %mul3A_709 = arith.mulf %mul3A_708, %get3A_248 : vector<16xf32>
          %add3A_710 = arith.addf %add3A_705, %mul3A_709 : vector<16xf32>
          %slice3A_711 = vector.extract_strided_slice %sub3A_239 {offsets = [14], sizes = [1], strides = [1]} : vector<16xf32> to vector<1xf32>
          %squeeze3A_712 = vector.extract %slice3A_711[0] : f32 from vector<1xf32>
          %mul3A_713 = vector.broadcast %squeeze3A_712 : f32 to vector<16xf32>
          %mul3A_714 = arith.mulf %mul3A_713, %get3A_250 : vector<16xf32>
          %add3A_715 = arith.addf %add3A_710, %mul3A_714 : vector<16xf32>
          %slice3A_716 = vector.extract_strided_slice %sub3A_242 {offsets = [14], sizes = [1], strides = [1]} : vector<16xf32> to vector<1xf32>
          %squeeze3A_717 = vector.extract %slice3A_716[0] : f32 from vector<1xf32>
          %mul3A_718 = vector.broadcast %squeeze3A_717 : f32 to vector<16xf32>
          %mul3A_719 = arith.mulf %mul3A_718, %get3A_252 : vector<16xf32>
          %add3A_720 = arith.addf %add3A_715, %mul3A_719 : vector<16xf32>
          %max3A_721 = arith.constant 0.000000e+00 : f32
          %max3A_722 = vector.broadcast %max3A_721 : f32 to vector<16xf32>
          %max3A_723 = arith.maximumf %add3A_720, %max3A_722 : vector<16xf32>
          %slice3A_724 = vector.extract_strided_slice %select_n3A_228 {offsets = [14], sizes = [1], strides = [1]} : vector<16xi32> to vector<1xi32>
          %squeeze3A_725 = vector.extract %slice3A_724[0] : i32 from vector<1xi32>
          %mul3A_726 = arith.constant 16 : i32
          %mul3A_727 = arith.muli %squeeze3A_725, %mul3A_726 : i32
          %get3A_728 = arith.index_cast %mul3A_727 : i32 to index
          %get3A_729 = tpu.vector_load %arg19[%get3A_728] {strides = array<i32>} : memref<8448xf32, #tpu.memory_space<vmem>>, vector<16xf32>,
          %max3A_730 = arith.maximumf %get3A_729, %max3A_723 : vector<16xf32>
          %swap3A_731 = arith.index_cast %mul3A_727 : i32 to index
          %swap3A_732 = tpu.vector_load %arg19[%swap3A_731] {strides = array<i32>} : memref<8448xf32, #tpu.memory_space<vmem>>, vector<16xf32>,
          tpu.vector_store %arg19[%swap3A_731], %max3A_730 {strides = array<i32>} : memref<8448xf32, #tpu.memory_space<vmem>>, vector<16xf32>,
          %slice3A_733 = vector.extract_strided_slice %get3A_230 {offsets = [15], sizes = [1], strides = [1]} : vector<16xf32> to vector<1xf32>
          %squeeze3A_734 = vector.extract %slice3A_733[0] : f32 from vector<1xf32>
          %mul3A_735 = vector.broadcast %squeeze3A_734 : f32 to vector<16xf32>
          %mul3A_736 = arith.mulf %mul3A_735, %get3A_246 : vector<16xf32>
          %add3A_737 = arith.addf %get3A_244, %mul3A_736 : vector<16xf32>
          %slice3A_738 = vector.extract_strided_slice %sub3A_236 {offsets = [15], sizes = [1], strides = [1]} : vector<16xf32> to vector<1xf32>
          %squeeze3A_739 = vector.extract %slice3A_738[0] : f32 from vector<1xf32>
          %mul3A_740 = vector.broadcast %squeeze3A_739 : f32 to vector<16xf32>
          %mul3A_741 = arith.mulf %mul3A_740, %get3A_248 : vector<16xf32>
          %add3A_742 = arith.addf %add3A_737, %mul3A_741 : vector<16xf32>
          %slice3A_743 = vector.extract_strided_slice %sub3A_239 {offsets = [15], sizes = [1], strides = [1]} : vector<16xf32> to vector<1xf32>
          %squeeze3A_744 = vector.extract %slice3A_743[0] : f32 from vector<1xf32>
          %mul3A_745 = vector.broadcast %squeeze3A_744 : f32 to vector<16xf32>
          %mul3A_746 = arith.mulf %mul3A_745, %get3A_250 : vector<16xf32>
          %add3A_747 = arith.addf %add3A_742, %mul3A_746 : vector<16xf32>
          %slice3A_748 = vector.extract_strided_slice %sub3A_242 {offsets = [15], sizes = [1], strides = [1]} : vector<16xf32> to vector<1xf32>
          %squeeze3A_749 = vector.extract %slice3A_748[0] : f32 from vector<1xf32>
          %mul3A_750 = vector.broadcast %squeeze3A_749 : f32 to vector<16xf32>
          %mul3A_751 = arith.mulf %mul3A_750, %get3A_252 : vector<16xf32>
          %add3A_752 = arith.addf %add3A_747, %mul3A_751 : vector<16xf32>
          %max3A_753 = arith.constant 0.000000e+00 : f32
          %max3A_754 = vector.broadcast %max3A_753 : f32 to vector<16xf32>
          %max3A_755 = arith.maximumf %add3A_752, %max3A_754 : vector<16xf32>
          %slice3A_756 = vector.extract_strided_slice %select_n3A_228 {offsets = [15], sizes = [1], strides = [1]} : vector<16xi32> to vector<1xi32>
          %squeeze3A_757 = vector.extract %slice3A_756[0] : i32 from vector<1xi32>
          %mul3A_758 = arith.constant 16 : i32
          %mul3A_759 = arith.muli %squeeze3A_757, %mul3A_758 : i32
          %get3A_760 = arith.index_cast %mul3A_759 : i32 to index
          %get3A_761 = tpu.vector_load %arg19[%get3A_760] {strides = array<i32>} : memref<8448xf32, #tpu.memory_space<vmem>>, vector<16xf32>,
          %max3A_762 = arith.maximumf %get3A_761, %max3A_755 : vector<16xf32>
          %swap3A_763 = arith.index_cast %mul3A_759 : i32 to index
          %swap3A_764 = tpu.vector_load %arg19[%swap3A_763] {strides = array<i32>} : memref<8448xf32, #tpu.memory_space<vmem>>, vector<16xf32>,
          tpu.vector_store %arg19[%swap3A_763], %max3A_762 {strides = array<i32>} : memref<8448xf32, #tpu.memory_space<vmem>>, vector<16xf32>,
        }
        %scan3A_169 = arith.constant 16 : i32
      }
      %scan3A_103 = arith.constant 0 : i32
      %scan3A_104 = arith.constant 0 : i32
      %scan3A_105 = arith.constant 32 : i32
      %scan3A_106 = arith.addi %scan3A_104, %scan3A_105 : i32
      %scan3A_107 = arith.constant 1 : i32
      scf.for %scan3A_157 = %scan3A_104 to %scan3A_106 step %scan3A_107  : i32 {
        %mul3A_158 = arith.constant 16 : i32
        %mul3A_159 = arith.muli %scan3A_157, %mul3A_158 : i32
        %get3A_160 = arith.index_cast %mul3A_159 : i32 to index
        %get3A_161 = tpu.vector_load %arg15[%get3A_160] {strides = array<i32>} : memref<528xf32, #tpu.memory_space<vmem>>, vector<16xf32>,
        %gt3A = arith.constant 0.000000e+00 : f32
        %gt3A_162 = vector.broadcast %gt3A : f32 to vector<16xf32>
        %gt3A_163 = arith.cmpf ogt, %get3A_161, %gt3A_162 : vector<16xf32>
        %max3A = arith.constant 1.000000e+00 : f32
        %max3A_164 = vector.broadcast %max3A : f32 to vector<16xf32>
        %max3A_165 = arith.maximumf %get3A_161, %max3A_164 : vector<16xf32>
        %get3A_166 = arith.index_cast %mul3A_159 : i32 to index
        %get3A_167 = tpu.vector_load %arg16[%get3A_166] {strides = array<i32>} : memref<528xf32, #tpu.memory_space<vmem>>, vector<16xf32>,
        %div3A_168 = arith.divf %get3A_167, %max3A_165 : vector<16xf32>
        %get3A_169 = arith.index_cast %mul3A_159 : i32 to index
        %get3A_170 = tpu.vector_load %arg17[%get3A_169] {strides = array<i32>} : memref<528xf32, #tpu.memory_space<vmem>>, vector<16xf32>,
        %div3A_171 = arith.divf %get3A_170, %max3A_165 : vector<16xf32>
        %get3A_172 = arith.index_cast %mul3A_159 : i32 to index
        %get3A_173 = tpu.vector_load %arg18[%get3A_172] {strides = array<i32>} : memref<528xf32, #tpu.memory_space<vmem>>, vector<16xf32>,
        %div3A_174 = arith.divf %get3A_173, %max3A_165 : vector<16xf32>
        %swap3A_175 = arith.index_cast %mul3A_159 : i32 to index
        %swap3A_176 = tpu.vector_load %arg16[%swap3A_175] {strides = array<i32>} : memref<528xf32, #tpu.memory_space<vmem>>, vector<16xf32>,
        tpu.vector_store %arg16[%swap3A_175], %div3A_168 {strides = array<i32>} : memref<528xf32, #tpu.memory_space<vmem>>, vector<16xf32>,
        %swap3A_177 = arith.index_cast %mul3A_159 : i32 to index
        %swap3A_178 = tpu.vector_load %arg17[%swap3A_177] {strides = array<i32>} : memref<528xf32, #tpu.memory_space<vmem>>, vector<16xf32>,
        tpu.vector_store %arg17[%swap3A_177], %div3A_171 {strides = array<i32>} : memref<528xf32, #tpu.memory_space<vmem>>, vector<16xf32>,
        %swap3A_179 = arith.index_cast %mul3A_159 : i32 to index
        %swap3A_180 = tpu.vector_load %arg18[%swap3A_179] {strides = array<i32>} : memref<528xf32, #tpu.memory_space<vmem>>, vector<16xf32>,
        tpu.vector_store %arg18[%swap3A_179], %div3A_174 {strides = array<i32>} : memref<528xf32, #tpu.memory_space<vmem>>, vector<16xf32>,
        %sub3A_181 = arith.subf %div3A_168, %get3A_4 : vector<16xf32>
        %mul3A_182 = arith.constant 2.000000e+00 : f32
        %mul3A_183 = vector.broadcast %mul3A_182 : f32 to vector<16xf32>
        %mul3A_184 = arith.mulf %sub3A_181, %mul3A_183 : vector<16xf32>
        %convert_element_type3A = arith.fptosi %mul3A_184 : vector<16xf32> to vector<16xi32>
        %jit3A_185 = arith.constant 0 : i32
        %jit3A_186 = arith.constant 3 : i32
        %max3A_187 = vector.broadcast %jit3A_185 : i32 to vector<16xi32>
        %max3A_188 = arith.maxsi %max3A_187, %convert_element_type3A : vector<16xi32>
        %min3A = vector.broadcast %jit3A_186 : i32 to vector<16xi32>
        %min3A_189 = arith.minsi %min3A, %max3A_188 : vector<16xi32>
        %sub3A_190 = arith.subf %div3A_171, %get3A_6 : vector<16xf32>
        %mul3A_191 = arith.constant 2.000000e+00 : f32
        %mul3A_192 = vector.broadcast %mul3A_191 : f32 to vector<16xf32>
        %mul3A_193 = arith.mulf %sub3A_190, %mul3A_192 : vector<16xf32>
        %convert_element_type3A_194 = arith.fptosi %mul3A_193 : vector<16xf32> to vector<16xi32>
        %jit3A_195 = arith.constant 0 : i32
        %jit3A_196 = arith.constant 3 : i32
        %max3A_197 = vector.broadcast %jit3A_195 : i32 to vector<16xi32>
        %max3A_198 = arith.maxsi %max3A_197, %convert_element_type3A_194 : vector<16xi32>
        %min3A_199 = vector.broadcast %jit3A_196 : i32 to vector<16xi32>
        %min3A_200 = arith.minsi %min3A_199, %max3A_198 : vector<16xi32>
        %sub3A_201 = arith.subf %div3A_174, %get3A_8 : vector<16xf32>
        %mul3A_202 = arith.constant 2.000000e+00 : f32
        %mul3A_203 = vector.broadcast %mul3A_202 : f32 to vector<16xf32>
        %mul3A_204 = arith.mulf %sub3A_201, %mul3A_203 : vector<16xf32>
        %convert_element_type3A_205 = arith.fptosi %mul3A_204 : vector<16xf32> to vector<16xi32>
        %jit3A_206 = arith.constant 0 : i32
        %jit3A_207 = arith.constant 3 : i32
        %max3A_208 = vector.broadcast %jit3A_206 : i32 to vector<16xi32>
        %max3A_209 = arith.maxsi %max3A_208, %convert_element_type3A_205 : vector<16xi32>
        %min3A_210 = vector.broadcast %jit3A_207 : i32 to vector<16xi32>
        %min3A_211 = arith.minsi %min3A_210, %max3A_209 : vector<16xi32>
        %mul3A_212 = arith.constant 4 : i32
        %mul3A_213 = vector.broadcast %mul3A_212 : i32 to vector<16xi32>
        %mul3A_214 = arith.muli %min3A_189, %mul3A_213 : vector<16xi32>
        %add3A_215 = arith.addi %mul3A_214, %min3A_200 : vector<16xi32>
        %mul3A_216 = arith.constant 4 : i32
        %mul3A_217 = vector.broadcast %mul3A_216 : i32 to vector<16xi32>
        %mul3A_218 = arith.muli %add3A_215, %mul3A_217 : vector<16xi32>
        %add3A_219 = arith.addi %mul3A_218, %min3A_211 : vector<16xi32>
        %jit3A_220 = arith.constant 0 : i32
        %broadcast_in_dim3A_221 = vector.broadcast %jit3A_220 : i32 to vector<16xi32>
        %select_n3A_222 = arith.select %gt3A_163, %add3A_219, %broadcast_in_dim3A_221 : vector<16xi1>, vector<16xi32>
        %swap3A_223 = arith.index_cast %mul3A_159 : i32 to index
        %swap3A_224 = tpu.vector_load %arg20[%swap3A_223] {strides = array<i32>} : memref<528xi32, #tpu.memory_space<vmem>>, vector<16xi32>,
        tpu.vector_store %arg20[%swap3A_223], %select_n3A_222 {strides = array<i32>} : memref<528xi32, #tpu.memory_space<vmem>>, vector<16xi32>,
        tpu.vector_store_idx %arg21[%select_n3A_222], %broadcast_in_dim3A_3 masked %gt3A_163 {add = true} : memref<80xf32, #tpu.memory_space<vmem>>[vector<16xi32>], vector<16xf32>, vector<16xi1>
        tpu.vector_store_idx %arg22[%select_n3A_222], %div3A_168 masked %gt3A_163 {add = true} : memref<80xf32, #tpu.memory_space<vmem>>[vector<16xi32>], vector<16xf32>, vector<16xi1>
        tpu.vector_store_idx %arg23[%select_n3A_222], %div3A_171 masked %gt3A_163 {add = true} : memref<80xf32, #tpu.memory_space<vmem>>[vector<16xi32>], vector<16xf32>, vector<16xi1>
        tpu.vector_store_idx %arg24[%select_n3A_222], %div3A_174 masked %gt3A_163 {add = true} : memref<80xf32, #tpu.memory_space<vmem>>[vector<16xi32>], vector<16xf32>, vector<16xi1>
      }
      %scan3A_108 = arith.constant 32 : i32
      %scan3A_109 = arith.constant 0 : i32
      %scan3A_110 = arith.constant 0 : i32
      %scan3A_111 = arith.constant 4 : i32
      %scan3A_112 = arith.addi %scan3A_110, %scan3A_111 : i32
      %scan3A_113 = arith.constant 1 : i32
      scf.for %scan3A_157 = %scan3A_110 to %scan3A_112 step %scan3A_113  : i32 {
        %mul3A_158 = arith.constant 16 : i32
        %mul3A_159 = arith.muli %scan3A_157, %mul3A_158 : i32
        %get3A_160 = arith.index_cast %mul3A_159 : i32 to index
        %get3A_161 = tpu.vector_load %arg21[%get3A_160] {strides = array<i32>} : memref<80xf32, #tpu.memory_space<vmem>>, vector<16xf32>,
        %max3A = arith.constant 1.000000e+00 : f32
        %max3A_162 = vector.broadcast %max3A : f32 to vector<16xf32>
        %max3A_163 = arith.maximumf %get3A_161, %max3A_162 : vector<16xf32>
        %get3A_164 = arith.index_cast %mul3A_159 : i32 to index
        %get3A_165 = tpu.vector_load %arg22[%get3A_164] {strides = array<i32>} : memref<80xf32, #tpu.memory_space<vmem>>, vector<16xf32>,
        %div3A_166 = arith.divf %get3A_165, %max3A_163 : vector<16xf32>
        %swap3A_167 = arith.index_cast %mul3A_159 : i32 to index
        %swap3A_168 = tpu.vector_load %arg22[%swap3A_167] {strides = array<i32>} : memref<80xf32, #tpu.memory_space<vmem>>, vector<16xf32>,
        tpu.vector_store %arg22[%swap3A_167], %div3A_166 {strides = array<i32>} : memref<80xf32, #tpu.memory_space<vmem>>, vector<16xf32>,
        %get3A_169 = arith.index_cast %mul3A_159 : i32 to index
        %get3A_170 = tpu.vector_load %arg23[%get3A_169] {strides = array<i32>} : memref<80xf32, #tpu.memory_space<vmem>>, vector<16xf32>,
        %div3A_171 = arith.divf %get3A_170, %max3A_163 : vector<16xf32>
        %swap3A_172 = arith.index_cast %mul3A_159 : i32 to index
        %swap3A_173 = tpu.vector_load %arg23[%swap3A_172] {strides = array<i32>} : memref<80xf32, #tpu.memory_space<vmem>>, vector<16xf32>,
        tpu.vector_store %arg23[%swap3A_172], %div3A_171 {strides = array<i32>} : memref<80xf32, #tpu.memory_space<vmem>>, vector<16xf32>,
        %get3A_174 = arith.index_cast %mul3A_159 : i32 to index
        %get3A_175 = tpu.vector_load %arg24[%get3A_174] {strides = array<i32>} : memref<80xf32, #tpu.memory_space<vmem>>, vector<16xf32>,
        %div3A_176 = arith.divf %get3A_175, %max3A_163 : vector<16xf32>
        %swap3A_177 = arith.index_cast %mul3A_159 : i32 to index
        %swap3A_178 = tpu.vector_load %arg24[%swap3A_177] {strides = array<i32>} : memref<80xf32, #tpu.memory_space<vmem>>, vector<16xf32>,
        tpu.vector_store %arg24[%swap3A_177], %div3A_176 {strides = array<i32>} : memref<80xf32, #tpu.memory_space<vmem>>, vector<16xf32>,
      }
      %scan3A_114 = arith.constant 4 : i32
      %scan3A_115 = arith.constant 0 : i32
      %scan3A_116 = arith.constant 0 : i32
      %scan3A_117 = arith.constant 512 : i32
      %scan3A_118 = arith.addi %scan3A_116, %scan3A_117 : i32
      %scan3A_119 = arith.constant 1 : i32
      scf.for %scan3A_157 = %scan3A_116 to %scan3A_118 step %scan3A_119  : i32 {
        %get3A_158 = arith.index_cast %scan3A_157 : i32 to index
        %get3A_159 = tpu.vector_load %arg15[%get3A_158] {strides = array<i32>} : memref<528xf32, #tpu.memory_space<vmem>>, vector<16xf32>,
        %slice3A_160 = vector.extract_strided_slice %get3A_159 {offsets = [0], sizes = [1], strides = [1]} : vector<16xf32> to vector<1xf32>
        %squeeze3A_161 = vector.extract %slice3A_160[0] : f32 from vector<1xf32>
        %gt3A = arith.constant 0.000000e+00 : f32
        %gt3A_162 = arith.cmpf ogt, %squeeze3A_161, %gt3A : f32
        %convert_element_type3A = arith.extui %gt3A_162 : i1 to i32
        %cond3A = arith.constant 0 : i32
        %cond3A_163 = arith.cmpi ne, %convert_element_type3A, %cond3A : i32
        scf.if %cond3A_163 {
          %mul3A_164 = arith.constant 16 : i32
          %mul3A_165 = arith.muli %scan3A_157, %mul3A_164 : i32
          %get3A_166 = arith.index_cast %mul3A_165 : i32 to index
          %get3A_167 = tpu.vector_load %arg19[%get3A_166] {strides = array<i32>} : memref<8448xf32, #tpu.memory_space<vmem>>, vector<16xf32>,
          %get3A_168 = arith.constant 592 : index
          %get3A_169 = tpu.vector_load %arg10[%get3A_168] {strides = array<i32>} : memref<28192xf32, #tpu.memory_space<vmem>>, vector<16xf32>,
          %get3A_170 = arith.constant 608 : index
          %get3A_171 = tpu.vector_load %arg10[%get3A_170] {strides = array<i32>} : memref<28192xf32, #tpu.memory_space<vmem>>, vector<16xf32>,
          %slice3A_172 = vector.extract_strided_slice %get3A_167 {offsets = [0], sizes = [1], strides = [1]} : vector<16xf32> to vector<1xf32>
          %squeeze3A_173 = vector.extract %slice3A_172[0] : f32 from vector<1xf32>
          %get3A_174 = arith.constant 80 : index
          %get3A_175 = tpu.vector_load %arg10[%get3A_174] {strides = array<i32>} : memref<28192xf32, #tpu.memory_space<vmem>>, vector<16xf32>,
          %mul3A_176 = vector.broadcast %squeeze3A_173 : f32 to vector<16xf32>
          %mul3A_177 = arith.mulf %mul3A_176, %get3A_175 : vector<16xf32>
          %add3A_178 = arith.addf %get3A_169, %mul3A_177 : vector<16xf32>
          %get3A_179 = arith.constant 96 : index
          %get3A_180 = tpu.vector_load %arg10[%get3A_179] {strides = array<i32>} : memref<28192xf32, #tpu.memory_space<vmem>>, vector<16xf32>,
          %mul3A_181 = vector.broadcast %squeeze3A_173 : f32 to vector<16xf32>
          %mul3A_182 = arith.mulf %mul3A_181, %get3A_180 : vector<16xf32>
          %add3A_183 = arith.addf %get3A_171, %mul3A_182 : vector<16xf32>
          %slice3A_184 = vector.extract_strided_slice %get3A_167 {offsets = [1], sizes = [1], strides = [1]} : vector<16xf32> to vector<1xf32>
          %squeeze3A_185 = vector.extract %slice3A_184[0] : f32 from vector<1xf32>
          %get3A_186 = arith.constant 112 : index
          %get3A_187 = tpu.vector_load %arg10[%get3A_186] {strides = array<i32>} : memref<28192xf32, #tpu.memory_space<vmem>>, vector<16xf32>,
          %mul3A_188 = vector.broadcast %squeeze3A_185 : f32 to vector<16xf32>
          %mul3A_189 = arith.mulf %mul3A_188, %get3A_187 : vector<16xf32>
          %add3A_190 = arith.addf %add3A_178, %mul3A_189 : vector<16xf32>
          %get3A_191 = arith.constant 128 : index
          %get3A_192 = tpu.vector_load %arg10[%get3A_191] {strides = array<i32>} : memref<28192xf32, #tpu.memory_space<vmem>>, vector<16xf32>,
          %mul3A_193 = vector.broadcast %squeeze3A_185 : f32 to vector<16xf32>
          %mul3A_194 = arith.mulf %mul3A_193, %get3A_192 : vector<16xf32>
          %add3A_195 = arith.addf %add3A_183, %mul3A_194 : vector<16xf32>
          %slice3A_196 = vector.extract_strided_slice %get3A_167 {offsets = [2], sizes = [1], strides = [1]} : vector<16xf32> to vector<1xf32>
          %squeeze3A_197 = vector.extract %slice3A_196[0] : f32 from vector<1xf32>
          %get3A_198 = arith.constant 144 : index
          %get3A_199 = tpu.vector_load %arg10[%get3A_198] {strides = array<i32>} : memref<28192xf32, #tpu.memory_space<vmem>>, vector<16xf32>,
          %mul3A_200 = vector.broadcast %squeeze3A_197 : f32 to vector<16xf32>
          %mul3A_201 = arith.mulf %mul3A_200, %get3A_199 : vector<16xf32>
          %add3A_202 = arith.addf %add3A_190, %mul3A_201 : vector<16xf32>
          %get3A_203 = arith.constant 160 : index
          %get3A_204 = tpu.vector_load %arg10[%get3A_203] {strides = array<i32>} : memref<28192xf32, #tpu.memory_space<vmem>>, vector<16xf32>,
          %mul3A_205 = vector.broadcast %squeeze3A_197 : f32 to vector<16xf32>
          %mul3A_206 = arith.mulf %mul3A_205, %get3A_204 : vector<16xf32>
          %add3A_207 = arith.addf %add3A_195, %mul3A_206 : vector<16xf32>
          %slice3A_208 = vector.extract_strided_slice %get3A_167 {offsets = [3], sizes = [1], strides = [1]} : vector<16xf32> to vector<1xf32>
          %squeeze3A_209 = vector.extract %slice3A_208[0] : f32 from vector<1xf32>
          %get3A_210 = arith.constant 176 : index
          %get3A_211 = tpu.vector_load %arg10[%get3A_210] {strides = array<i32>} : memref<28192xf32, #tpu.memory_space<vmem>>, vector<16xf32>,
          %mul3A_212 = vector.broadcast %squeeze3A_209 : f32 to vector<16xf32>
          %mul3A_213 = arith.mulf %mul3A_212, %get3A_211 : vector<16xf32>
          %add3A_214 = arith.addf %add3A_202, %mul3A_213 : vector<16xf32>
          %get3A_215 = arith.constant 192 : index
          %get3A_216 = tpu.vector_load %arg10[%get3A_215] {strides = array<i32>} : memref<28192xf32, #tpu.memory_space<vmem>>, vector<16xf32>,
          %mul3A_217 = vector.broadcast %squeeze3A_209 : f32 to vector<16xf32>
          %mul3A_218 = arith.mulf %mul3A_217, %get3A_216 : vector<16xf32>
          %add3A_219 = arith.addf %add3A_207, %mul3A_218 : vector<16xf32>
          %slice3A_220 = vector.extract_strided_slice %get3A_167 {offsets = [4], sizes = [1], strides = [1]} : vector<16xf32> to vector<1xf32>
          %squeeze3A_221 = vector.extract %slice3A_220[0] : f32 from vector<1xf32>
          %get3A_222 = arith.constant 208 : index
          %get3A_223 = tpu.vector_load %arg10[%get3A_222] {strides = array<i32>} : memref<28192xf32, #tpu.memory_space<vmem>>, vector<16xf32>,
          %mul3A_224 = vector.broadcast %squeeze3A_221 : f32 to vector<16xf32>
          %mul3A_225 = arith.mulf %mul3A_224, %get3A_223 : vector<16xf32>
          %add3A_226 = arith.addf %add3A_214, %mul3A_225 : vector<16xf32>
          %get3A_227 = arith.constant 224 : index
          %get3A_228 = tpu.vector_load %arg10[%get3A_227] {strides = array<i32>} : memref<28192xf32, #tpu.memory_space<vmem>>, vector<16xf32>,
          %mul3A_229 = vector.broadcast %squeeze3A_221 : f32 to vector<16xf32>
          %mul3A_230 = arith.mulf %mul3A_229, %get3A_228 : vector<16xf32>
          %add3A_231 = arith.addf %add3A_219, %mul3A_230 : vector<16xf32>
          %slice3A_232 = vector.extract_strided_slice %get3A_167 {offsets = [5], sizes = [1], strides = [1]} : vector<16xf32> to vector<1xf32>
          %squeeze3A_233 = vector.extract %slice3A_232[0] : f32 from vector<1xf32>
          %get3A_234 = arith.constant 240 : index
          %get3A_235 = tpu.vector_load %arg10[%get3A_234] {strides = array<i32>} : memref<28192xf32, #tpu.memory_space<vmem>>, vector<16xf32>,
          %mul3A_236 = vector.broadcast %squeeze3A_233 : f32 to vector<16xf32>
          %mul3A_237 = arith.mulf %mul3A_236, %get3A_235 : vector<16xf32>
          %add3A_238 = arith.addf %add3A_226, %mul3A_237 : vector<16xf32>
          %get3A_239 = arith.constant 256 : index
          %get3A_240 = tpu.vector_load %arg10[%get3A_239] {strides = array<i32>} : memref<28192xf32, #tpu.memory_space<vmem>>, vector<16xf32>,
          %mul3A_241 = vector.broadcast %squeeze3A_233 : f32 to vector<16xf32>
          %mul3A_242 = arith.mulf %mul3A_241, %get3A_240 : vector<16xf32>
          %add3A_243 = arith.addf %add3A_231, %mul3A_242 : vector<16xf32>
          %slice3A_244 = vector.extract_strided_slice %get3A_167 {offsets = [6], sizes = [1], strides = [1]} : vector<16xf32> to vector<1xf32>
          %squeeze3A_245 = vector.extract %slice3A_244[0] : f32 from vector<1xf32>
          %get3A_246 = arith.constant 272 : index
          %get3A_247 = tpu.vector_load %arg10[%get3A_246] {strides = array<i32>} : memref<28192xf32, #tpu.memory_space<vmem>>, vector<16xf32>,
          %mul3A_248 = vector.broadcast %squeeze3A_245 : f32 to vector<16xf32>
          %mul3A_249 = arith.mulf %mul3A_248, %get3A_247 : vector<16xf32>
          %add3A_250 = arith.addf %add3A_238, %mul3A_249 : vector<16xf32>
          %get3A_251 = arith.constant 288 : index
          %get3A_252 = tpu.vector_load %arg10[%get3A_251] {strides = array<i32>} : memref<28192xf32, #tpu.memory_space<vmem>>, vector<16xf32>,
          %mul3A_253 = vector.broadcast %squeeze3A_245 : f32 to vector<16xf32>
          %mul3A_254 = arith.mulf %mul3A_253, %get3A_252 : vector<16xf32>
          %add3A_255 = arith.addf %add3A_243, %mul3A_254 : vector<16xf32>
          %slice3A_256 = vector.extract_strided_slice %get3A_167 {offsets = [7], sizes = [1], strides = [1]} : vector<16xf32> to vector<1xf32>
          %squeeze3A_257 = vector.extract %slice3A_256[0] : f32 from vector<1xf32>
          %get3A_258 = arith.constant 304 : index
          %get3A_259 = tpu.vector_load %arg10[%get3A_258] {strides = array<i32>} : memref<28192xf32, #tpu.memory_space<vmem>>, vector<16xf32>,
          %mul3A_260 = vector.broadcast %squeeze3A_257 : f32 to vector<16xf32>
          %mul3A_261 = arith.mulf %mul3A_260, %get3A_259 : vector<16xf32>
          %add3A_262 = arith.addf %add3A_250, %mul3A_261 : vector<16xf32>
          %get3A_263 = arith.constant 320 : index
          %get3A_264 = tpu.vector_load %arg10[%get3A_263] {strides = array<i32>} : memref<28192xf32, #tpu.memory_space<vmem>>, vector<16xf32>,
          %mul3A_265 = vector.broadcast %squeeze3A_257 : f32 to vector<16xf32>
          %mul3A_266 = arith.mulf %mul3A_265, %get3A_264 : vector<16xf32>
          %add3A_267 = arith.addf %add3A_255, %mul3A_266 : vector<16xf32>
          %slice3A_268 = vector.extract_strided_slice %get3A_167 {offsets = [8], sizes = [1], strides = [1]} : vector<16xf32> to vector<1xf32>
          %squeeze3A_269 = vector.extract %slice3A_268[0] : f32 from vector<1xf32>
          %get3A_270 = arith.constant 336 : index
          %get3A_271 = tpu.vector_load %arg10[%get3A_270] {strides = array<i32>} : memref<28192xf32, #tpu.memory_space<vmem>>, vector<16xf32>,
          %mul3A_272 = vector.broadcast %squeeze3A_269 : f32 to vector<16xf32>
          %mul3A_273 = arith.mulf %mul3A_272, %get3A_271 : vector<16xf32>
          %add3A_274 = arith.addf %add3A_262, %mul3A_273 : vector<16xf32>
          %get3A_275 = arith.constant 352 : index
          %get3A_276 = tpu.vector_load %arg10[%get3A_275] {strides = array<i32>} : memref<28192xf32, #tpu.memory_space<vmem>>, vector<16xf32>,
          %mul3A_277 = vector.broadcast %squeeze3A_269 : f32 to vector<16xf32>
          %mul3A_278 = arith.mulf %mul3A_277, %get3A_276 : vector<16xf32>
          %add3A_279 = arith.addf %add3A_267, %mul3A_278 : vector<16xf32>
          %slice3A_280 = vector.extract_strided_slice %get3A_167 {offsets = [9], sizes = [1], strides = [1]} : vector<16xf32> to vector<1xf32>
          %squeeze3A_281 = vector.extract %slice3A_280[0] : f32 from vector<1xf32>
          %get3A_282 = arith.constant 368 : index
          %get3A_283 = tpu.vector_load %arg10[%get3A_282] {strides = array<i32>} : memref<28192xf32, #tpu.memory_space<vmem>>, vector<16xf32>,
          %mul3A_284 = vector.broadcast %squeeze3A_281 : f32 to vector<16xf32>
          %mul3A_285 = arith.mulf %mul3A_284, %get3A_283 : vector<16xf32>
          %add3A_286 = arith.addf %add3A_274, %mul3A_285 : vector<16xf32>
          %get3A_287 = arith.constant 384 : index
          %get3A_288 = tpu.vector_load %arg10[%get3A_287] {strides = array<i32>} : memref<28192xf32, #tpu.memory_space<vmem>>, vector<16xf32>,
          %mul3A_289 = vector.broadcast %squeeze3A_281 : f32 to vector<16xf32>
          %mul3A_290 = arith.mulf %mul3A_289, %get3A_288 : vector<16xf32>
          %add3A_291 = arith.addf %add3A_279, %mul3A_290 : vector<16xf32>
          %slice3A_292 = vector.extract_strided_slice %get3A_167 {offsets = [10], sizes = [1], strides = [1]} : vector<16xf32> to vector<1xf32>
          %squeeze3A_293 = vector.extract %slice3A_292[0] : f32 from vector<1xf32>
          %get3A_294 = arith.constant 400 : index
          %get3A_295 = tpu.vector_load %arg10[%get3A_294] {strides = array<i32>} : memref<28192xf32, #tpu.memory_space<vmem>>, vector<16xf32>,
          %mul3A_296 = vector.broadcast %squeeze3A_293 : f32 to vector<16xf32>
          %mul3A_297 = arith.mulf %mul3A_296, %get3A_295 : vector<16xf32>
          %add3A_298 = arith.addf %add3A_286, %mul3A_297 : vector<16xf32>
          %get3A_299 = arith.constant 416 : index
          %get3A_300 = tpu.vector_load %arg10[%get3A_299] {strides = array<i32>} : memref<28192xf32, #tpu.memory_space<vmem>>, vector<16xf32>,
          %mul3A_301 = vector.broadcast %squeeze3A_293 : f32 to vector<16xf32>
          %mul3A_302 = arith.mulf %mul3A_301, %get3A_300 : vector<16xf32>
          %add3A_303 = arith.addf %add3A_291, %mul3A_302 : vector<16xf32>
          %slice3A_304 = vector.extract_strided_slice %get3A_167 {offsets = [11], sizes = [1], strides = [1]} : vector<16xf32> to vector<1xf32>
          %squeeze3A_305 = vector.extract %slice3A_304[0] : f32 from vector<1xf32>
          %get3A_306 = arith.constant 432 : index
          %get3A_307 = tpu.vector_load %arg10[%get3A_306] {strides = array<i32>} : memref<28192xf32, #tpu.memory_space<vmem>>, vector<16xf32>,
          %mul3A_308 = vector.broadcast %squeeze3A_305 : f32 to vector<16xf32>
          %mul3A_309 = arith.mulf %mul3A_308, %get3A_307 : vector<16xf32>
          %add3A_310 = arith.addf %add3A_298, %mul3A_309 : vector<16xf32>
          %get3A_311 = arith.constant 448 : index
          %get3A_312 = tpu.vector_load %arg10[%get3A_311] {strides = array<i32>} : memref<28192xf32, #tpu.memory_space<vmem>>, vector<16xf32>,
          %mul3A_313 = vector.broadcast %squeeze3A_305 : f32 to vector<16xf32>
          %mul3A_314 = arith.mulf %mul3A_313, %get3A_312 : vector<16xf32>
          %add3A_315 = arith.addf %add3A_303, %mul3A_314 : vector<16xf32>
          %slice3A_316 = vector.extract_strided_slice %get3A_167 {offsets = [12], sizes = [1], strides = [1]} : vector<16xf32> to vector<1xf32>
          %squeeze3A_317 = vector.extract %slice3A_316[0] : f32 from vector<1xf32>
          %get3A_318 = arith.constant 464 : index
          %get3A_319 = tpu.vector_load %arg10[%get3A_318] {strides = array<i32>} : memref<28192xf32, #tpu.memory_space<vmem>>, vector<16xf32>,
          %mul3A_320 = vector.broadcast %squeeze3A_317 : f32 to vector<16xf32>
          %mul3A_321 = arith.mulf %mul3A_320, %get3A_319 : vector<16xf32>
          %add3A_322 = arith.addf %add3A_310, %mul3A_321 : vector<16xf32>
          %get3A_323 = arith.constant 480 : index
          %get3A_324 = tpu.vector_load %arg10[%get3A_323] {strides = array<i32>} : memref<28192xf32, #tpu.memory_space<vmem>>, vector<16xf32>,
          %mul3A_325 = vector.broadcast %squeeze3A_317 : f32 to vector<16xf32>
          %mul3A_326 = arith.mulf %mul3A_325, %get3A_324 : vector<16xf32>
          %add3A_327 = arith.addf %add3A_315, %mul3A_326 : vector<16xf32>
          %slice3A_328 = vector.extract_strided_slice %get3A_167 {offsets = [13], sizes = [1], strides = [1]} : vector<16xf32> to vector<1xf32>
          %squeeze3A_329 = vector.extract %slice3A_328[0] : f32 from vector<1xf32>
          %get3A_330 = arith.constant 496 : index
          %get3A_331 = tpu.vector_load %arg10[%get3A_330] {strides = array<i32>} : memref<28192xf32, #tpu.memory_space<vmem>>, vector<16xf32>,
          %mul3A_332 = vector.broadcast %squeeze3A_329 : f32 to vector<16xf32>
          %mul3A_333 = arith.mulf %mul3A_332, %get3A_331 : vector<16xf32>
          %add3A_334 = arith.addf %add3A_322, %mul3A_333 : vector<16xf32>
          %get3A_335 = arith.constant 512 : index
          %get3A_336 = tpu.vector_load %arg10[%get3A_335] {strides = array<i32>} : memref<28192xf32, #tpu.memory_space<vmem>>, vector<16xf32>,
          %mul3A_337 = vector.broadcast %squeeze3A_329 : f32 to vector<16xf32>
          %mul3A_338 = arith.mulf %mul3A_337, %get3A_336 : vector<16xf32>
          %add3A_339 = arith.addf %add3A_327, %mul3A_338 : vector<16xf32>
          %slice3A_340 = vector.extract_strided_slice %get3A_167 {offsets = [14], sizes = [1], strides = [1]} : vector<16xf32> to vector<1xf32>
          %squeeze3A_341 = vector.extract %slice3A_340[0] : f32 from vector<1xf32>
          %get3A_342 = arith.constant 528 : index
          %get3A_343 = tpu.vector_load %arg10[%get3A_342] {strides = array<i32>} : memref<28192xf32, #tpu.memory_space<vmem>>, vector<16xf32>,
          %mul3A_344 = vector.broadcast %squeeze3A_341 : f32 to vector<16xf32>
          %mul3A_345 = arith.mulf %mul3A_344, %get3A_343 : vector<16xf32>
          %add3A_346 = arith.addf %add3A_334, %mul3A_345 : vector<16xf32>
          %get3A_347 = arith.constant 544 : index
          %get3A_348 = tpu.vector_load %arg10[%get3A_347] {strides = array<i32>} : memref<28192xf32, #tpu.memory_space<vmem>>, vector<16xf32>,
          %mul3A_349 = vector.broadcast %squeeze3A_341 : f32 to vector<16xf32>
          %mul3A_350 = arith.mulf %mul3A_349, %get3A_348 : vector<16xf32>
          %add3A_351 = arith.addf %add3A_339, %mul3A_350 : vector<16xf32>
          %slice3A_352 = vector.extract_strided_slice %get3A_167 {offsets = [15], sizes = [1], strides = [1]} : vector<16xf32> to vector<1xf32>
          %squeeze3A_353 = vector.extract %slice3A_352[0] : f32 from vector<1xf32>
          %get3A_354 = arith.constant 560 : index
          %get3A_355 = tpu.vector_load %arg10[%get3A_354] {strides = array<i32>} : memref<28192xf32, #tpu.memory_space<vmem>>, vector<16xf32>,
          %mul3A_356 = vector.broadcast %squeeze3A_353 : f32 to vector<16xf32>
          %mul3A_357 = arith.mulf %mul3A_356, %get3A_355 : vector<16xf32>
          %add3A_358 = arith.addf %add3A_346, %mul3A_357 : vector<16xf32>
          %get3A_359 = arith.constant 576 : index
          %get3A_360 = tpu.vector_load %arg10[%get3A_359] {strides = array<i32>} : memref<28192xf32, #tpu.memory_space<vmem>>, vector<16xf32>,
          %mul3A_361 = vector.broadcast %squeeze3A_353 : f32 to vector<16xf32>
          %mul3A_362 = arith.mulf %mul3A_361, %get3A_360 : vector<16xf32>
          %add3A_363 = arith.addf %add3A_351, %mul3A_362 : vector<16xf32>
          %gt3A_364 = arith.constant 0.000000e+00 : f32
          %gt3A_365 = vector.broadcast %gt3A_364 : f32 to vector<16xf32>
          %gt3A_366 = arith.cmpf ogt, %add3A_358, %gt3A_365 : vector<16xf32>
          %min3A = arith.constant 0.000000e+00 : f32
          %min3A_367 = vector.broadcast %min3A : f32 to vector<16xf32>
          %min3A_368 = arith.minimumf %add3A_358, %min3A_367 : vector<16xf32>
          %exp3A = math.exp %min3A_368 : vector<16xf32>
          %sub3A_369 = arith.constant 1.000000e+00 : f32
          %sub3A_370 = vector.broadcast %sub3A_369 : f32 to vector<16xf32>
          %sub3A_371 = arith.subf %exp3A, %sub3A_370 : vector<16xf32>
          %select_n3A_372 = arith.select %gt3A_366, %add3A_358, %sub3A_371 : vector<16xi1>, vector<16xf32>
          %gt3A_373 = arith.constant 0.000000e+00 : f32
          %gt3A_374 = vector.broadcast %gt3A_373 : f32 to vector<16xf32>
          %gt3A_375 = arith.cmpf ogt, %add3A_363, %gt3A_374 : vector<16xf32>
          %min3A_376 = arith.constant 0.000000e+00 : f32
          %min3A_377 = vector.broadcast %min3A_376 : f32 to vector<16xf32>
          %min3A_378 = arith.minimumf %add3A_363, %min3A_377 : vector<16xf32>
          %exp3A_379 = math.exp %min3A_378 : vector<16xf32>
          %sub3A_380 = arith.constant 1.000000e+00 : f32
          %sub3A_381 = vector.broadcast %sub3A_380 : f32 to vector<16xf32>
          %sub3A_382 = arith.subf %exp3A_379, %sub3A_381 : vector<16xf32>
          %select_n3A_383 = arith.select %gt3A_375, %add3A_363, %sub3A_382 : vector<16xi1>, vector<16xf32>
          %swap3A_384 = arith.constant 0 : index
          %swap3A_385 = tpu.vector_load %arg26[%swap3A_384] {strides = array<i32>} : memref<48xf32, #tpu.memory_space<vmem>>, vector<16xf32>,
          tpu.vector_store %arg26[%swap3A_384], %select_n3A_372 {strides = array<i32>} : memref<48xf32, #tpu.memory_space<vmem>>, vector<16xf32>,
          %swap3A_386 = arith.constant 16 : index
          %swap3A_387 = tpu.vector_load %arg26[%swap3A_386] {strides = array<i32>} : memref<48xf32, #tpu.memory_space<vmem>>, vector<16xf32>,
          tpu.vector_store %arg26[%swap3A_386], %select_n3A_383 {strides = array<i32>} : memref<48xf32, #tpu.memory_space<vmem>>, vector<16xf32>,
          %get3A_388 = arith.index_cast %scan3A_157 : i32 to index
          %get3A_389 = tpu.vector_load %arg20[%get3A_388] {strides = array<i32>} : memref<528xi32, #tpu.memory_space<vmem>>, vector<16xi32>,
          %slice3A_390 = vector.extract_strided_slice %get3A_389 {offsets = [0], sizes = [1], strides = [1]} : vector<16xi32> to vector<1xi32>
          %squeeze3A_391 = vector.extract %slice3A_390[0] : i32 from vector<1xi32>
          %get3A_392 = arith.index_cast %scan3A_157 : i32 to index
          %get3A_393 = tpu.vector_load %arg16[%get3A_392] {strides = array<i32>} : memref<528xf32, #tpu.memory_space<vmem>>, vector<16xf32>,
          %slice3A_394 = vector.extract_strided_slice %get3A_393 {offsets = [0], sizes = [1], strides = [1]} : vector<16xf32> to vector<1xf32>
          %squeeze3A_395 = vector.extract %slice3A_394[0] : f32 from vector<1xf32>
          %get3A_396 = arith.index_cast %squeeze3A_391 : i32 to index
          %get3A_397 = tpu.vector_load %arg22[%get3A_396] {strides = array<i32>} : memref<80xf32, #tpu.memory_space<vmem>>, vector<16xf32>,
          %slice3A_398 = vector.extract_strided_slice %get3A_397 {offsets = [0], sizes = [1], strides = [1]} : vector<16xf32> to vector<1xf32>
          %squeeze3A_399 = vector.extract %slice3A_398[0] : f32 from vector<1xf32>
          %sub3A_400 = arith.subf %squeeze3A_395, %squeeze3A_399 : f32
          %get3A_401 = arith.index_cast %scan3A_157 : i32 to index
          %get3A_402 = tpu.vector_load %arg17[%get3A_401] {strides = array<i32>} : memref<528xf32, #tpu.memory_space<vmem>>, vector<16xf32>,
          %slice3A_403 = vector.extract_strided_slice %get3A_402 {offsets = [0], sizes = [1], strides = [1]} : vector<16xf32> to vector<1xf32>
          %squeeze3A_404 = vector.extract %slice3A_403[0] : f32 from vector<1xf32>
          %get3A_405 = arith.index_cast %squeeze3A_391 : i32 to index
          %get3A_406 = tpu.vector_load %arg23[%get3A_405] {strides = array<i32>} : memref<80xf32, #tpu.memory_space<vmem>>, vector<16xf32>,
          %slice3A_407 = vector.extract_strided_slice %get3A_406 {offsets = [0], sizes = [1], strides = [1]} : vector<16xf32> to vector<1xf32>
          %squeeze3A_408 = vector.extract %slice3A_407[0] : f32 from vector<1xf32>
          %sub3A_409 = arith.subf %squeeze3A_404, %squeeze3A_408 : f32
          %get3A_410 = arith.index_cast %scan3A_157 : i32 to index
          %get3A_411 = tpu.vector_load %arg18[%get3A_410] {strides = array<i32>} : memref<528xf32, #tpu.memory_space<vmem>>, vector<16xf32>,
          %slice3A_412 = vector.extract_strided_slice %get3A_411 {offsets = [0], sizes = [1], strides = [1]} : vector<16xf32> to vector<1xf32>
          %squeeze3A_413 = vector.extract %slice3A_412[0] : f32 from vector<1xf32>
          %get3A_414 = arith.index_cast %squeeze3A_391 : i32 to index
          %get3A_415 = tpu.vector_load %arg24[%get3A_414] {strides = array<i32>} : memref<80xf32, #tpu.memory_space<vmem>>, vector<16xf32>,
          %slice3A_416 = vector.extract_strided_slice %get3A_415 {offsets = [0], sizes = [1], strides = [1]} : vector<16xf32> to vector<1xf32>
          %squeeze3A_417 = vector.extract %slice3A_416[0] : f32 from vector<1xf32>
          %sub3A_418 = arith.subf %squeeze3A_413, %squeeze3A_417 : f32
          %get3A_419 = arith.constant 2864 : index
          %get3A_420 = tpu.vector_load %arg10[%get3A_419] {strides = array<i32>} : memref<28192xf32, #tpu.memory_space<vmem>>, vector<16xf32>,
          %get3A_421 = arith.constant 2880 : index
          %get3A_422 = tpu.vector_load %arg10[%get3A_421] {strides = array<i32>} : memref<28192xf32, #tpu.memory_space<vmem>>, vector<16xf32>,
          %get3A_423 = arith.constant 2896 : index
          %get3A_424 = tpu.vector_load %arg10[%get3A_423] {strides = array<i32>} : memref<28192xf32, #tpu.memory_space<vmem>>, vector<16xf32>,
          %get3A_425 = arith.constant 2912 : index
          %get3A_426 = tpu.vector_load %arg10[%get3A_425] {strides = array<i32>} : memref<28192xf32, #tpu.memory_space<vmem>>, vector<16xf32>,
          %scan3A_427 = arith.constant 0 : i32
          %scan3A_428 = arith.constant 32 : i32
          %scan3A_429 = arith.addi %scan3A_427, %scan3A_428 : i32
          %scan3A_430 = arith.constant 1 : i32
          %scan3A_431:4 = scf.for %scan3A_538 = %scan3A_427 to %scan3A_429 step %scan3A_430 iter_args(%scan3A_539 = %get3A_420, %scan3A_540 = %get3A_422, %scan3A_541 = %get3A_424, %scan3A_542 = %get3A_426) -> (vector<16xf32>, vector<16xf32>, vector<16xf32>, vector<16xf32>)  : i32 {
            %get3A_543 = arith.index_cast %scan3A_538 : i32 to index
            %get3A_544 = tpu.vector_load %arg26[%get3A_543] {strides = array<i32>} : memref<48xf32, #tpu.memory_space<vmem>>, vector<16xf32>,
            %slice3A_545 = vector.extract_strided_slice %get3A_544 {offsets = [0], sizes = [1], strides = [1]} : vector<16xf32> to vector<1xf32>
            %squeeze3A_546 = vector.extract %slice3A_545[0] : f32 from vector<1xf32>
            %mul3A_547 = arith.constant 64 : i32
            %mul3A_548 = arith.muli %scan3A_538, %mul3A_547 : i32
            %add3A_549 = arith.constant 624 : i32
            %add3A_550 = arith.addi %add3A_549, %mul3A_548 : i32
            %add3A_551 = arith.constant 0 : i32
            %add3A_552 = arith.addi %add3A_550, %add3A_551 : i32
            %get3A_553 = arith.index_cast %add3A_552 : i32 to index
            %get3A_554 = tpu.vector_load %arg10[%get3A_553] {strides = array<i32>} : memref<28192xf32, #tpu.memory_space<vmem>>, vector<16xf32>,
            %mul3A_555 = vector.broadcast %squeeze3A_546 : f32 to vector<16xf32>
            %mul3A_556 = arith.mulf %mul3A_555, %get3A_554 : vector<16xf32>
            %add3A_557 = arith.addf %scan3A_539, %mul3A_556 : vector<16xf32>
            %mul3A_558 = arith.constant 64 : i32
            %mul3A_559 = arith.muli %scan3A_538, %mul3A_558 : i32
            %add3A_560 = arith.constant 624 : i32
            %add3A_561 = arith.addi %add3A_560, %mul3A_559 : i32
            %add3A_562 = arith.constant 16 : i32
            %add3A_563 = arith.addi %add3A_561, %add3A_562 : i32
            %get3A_564 = arith.index_cast %add3A_563 : i32 to index
            %get3A_565 = tpu.vector_load %arg10[%get3A_564] {strides = array<i32>} : memref<28192xf32, #tpu.memory_space<vmem>>, vector<16xf32>,
            %mul3A_566 = vector.broadcast %squeeze3A_546 : f32 to vector<16xf32>
            %mul3A_567 = arith.mulf %mul3A_566, %get3A_565 : vector<16xf32>
            %add3A_568 = arith.addf %scan3A_540, %mul3A_567 : vector<16xf32>
            %mul3A_569 = arith.constant 64 : i32
            %mul3A_570 = arith.muli %scan3A_538, %mul3A_569 : i32
            %add3A_571 = arith.constant 624 : i32
            %add3A_572 = arith.addi %add3A_571, %mul3A_570 : i32
            %add3A_573 = arith.constant 32 : i32
            %add3A_574 = arith.addi %add3A_572, %add3A_573 : i32
            %get3A_575 = arith.index_cast %add3A_574 : i32 to index
            %get3A_576 = tpu.vector_load %arg10[%get3A_575] {strides = array<i32>} : memref<28192xf32, #tpu.memory_space<vmem>>, vector<16xf32>,
            %mul3A_577 = vector.broadcast %squeeze3A_546 : f32 to vector<16xf32>
            %mul3A_578 = arith.mulf %mul3A_577, %get3A_576 : vector<16xf32>
            %add3A_579 = arith.addf %scan3A_541, %mul3A_578 : vector<16xf32>
            %mul3A_580 = arith.constant 64 : i32
            %mul3A_581 = arith.muli %scan3A_538, %mul3A_580 : i32
            %add3A_582 = arith.constant 624 : i32
            %add3A_583 = arith.addi %add3A_582, %mul3A_581 : i32
            %add3A_584 = arith.constant 48 : i32
            %add3A_585 = arith.addi %add3A_583, %add3A_584 : i32
            %get3A_586 = arith.index_cast %add3A_585 : i32 to index
            %get3A_587 = tpu.vector_load %arg10[%get3A_586] {strides = array<i32>} : memref<28192xf32, #tpu.memory_space<vmem>>, vector<16xf32>,
            %mul3A_588 = vector.broadcast %squeeze3A_546 : f32 to vector<16xf32>
            %mul3A_589 = arith.mulf %mul3A_588, %get3A_587 : vector<16xf32>
            %add3A_590 = arith.addf %scan3A_542, %mul3A_589 : vector<16xf32>
            scf.yield %add3A_557, %add3A_568, %add3A_579, %add3A_590 : vector<16xf32>, vector<16xf32>, vector<16xf32>, vector<16xf32>
          }
          %scan3A_432 = arith.constant 32 : i32
          %get3A_433 = arith.constant 2672 : index
          %get3A_434 = tpu.vector_load %arg10[%get3A_433] {strides = array<i32>} : memref<28192xf32, #tpu.memory_space<vmem>>, vector<16xf32>,
          %mul3A_435 = vector.broadcast %sub3A_400 : f32 to vector<16xf32>
          %mul3A_436 = arith.mulf %mul3A_435, %get3A_434 : vector<16xf32>
          %add3A_437 = arith.addf %scan3A_431#0, %mul3A_436 : vector<16xf32>
          %get3A_438 = arith.constant 2736 : index
          %get3A_439 = tpu.vector_load %arg10[%get3A_438] {strides = array<i32>} : memref<28192xf32, #tpu.memory_space<vmem>>, vector<16xf32>,
          %mul3A_440 = vector.broadcast %sub3A_409 : f32 to vector<16xf32>
          %mul3A_441 = arith.mulf %mul3A_440, %get3A_439 : vector<16xf32>
          %add3A_442 = arith.addf %add3A_437, %mul3A_441 : vector<16xf32>
          %get3A_443 = arith.constant 2800 : index
          %get3A_444 = tpu.vector_load %arg10[%get3A_443] {strides = array<i32>} : memref<28192xf32, #tpu.memory_space<vmem>>, vector<16xf32>,
          %mul3A_445 = vector.broadcast %sub3A_418 : f32 to vector<16xf32>
          %mul3A_446 = arith.mulf %mul3A_445, %get3A_444 : vector<16xf32>
          %add3A_447 = arith.addf %add3A_442, %mul3A_446 : vector<16xf32>
          %get3A_448 = arith.constant 2688 : index
          %get3A_449 = tpu.vector_load %arg10[%get3A_448] {strides = array<i32>} : memref<28192xf32, #tpu.memory_space<vmem>>, vector<16xf32>,
          %mul3A_450 = vector.broadcast %sub3A_400 : f32 to vector<16xf32>
          %mul3A_451 = arith.mulf %mul3A_450, %get3A_449 : vector<16xf32>
          %add3A_452 = arith.addf %scan3A_431#1, %mul3A_451 : vector<16xf32>
          %get3A_453 = arith.constant 2752 : index
          %get3A_454 = tpu.vector_load %arg10[%get3A_453] {strides = array<i32>} : memref<28192xf32, #tpu.memory_space<vmem>>, vector<16xf32>,
          %mul3A_455 = vector.broadcast %sub3A_409 : f32 to vector<16xf32>
          %mul3A_456 = arith.mulf %mul3A_455, %get3A_454 : vector<16xf32>
          %add3A_457 = arith.addf %add3A_452, %mul3A_456 : vector<16xf32>
          %get3A_458 = arith.constant 2816 : index
          %get3A_459 = tpu.vector_load %arg10[%get3A_458] {strides = array<i32>} : memref<28192xf32, #tpu.memory_space<vmem>>, vector<16xf32>,
          %mul3A_460 = vector.broadcast %sub3A_418 : f32 to vector<16xf32>
          %mul3A_461 = arith.mulf %mul3A_460, %get3A_459 : vector<16xf32>
          %add3A_462 = arith.addf %add3A_457, %mul3A_461 : vector<16xf32>
          %get3A_463 = arith.constant 2704 : index
          %get3A_464 = tpu.vector_load %arg10[%get3A_463] {strides = array<i32>} : memref<28192xf32, #tpu.memory_space<vmem>>, vector<16xf32>,
          %mul3A_465 = vector.broadcast %sub3A_400 : f32 to vector<16xf32>
          %mul3A_466 = arith.mulf %mul3A_465, %get3A_464 : vector<16xf32>
          %add3A_467 = arith.addf %scan3A_431#2, %mul3A_466 : vector<16xf32>
          %get3A_468 = arith.constant 2768 : index
          %get3A_469 = tpu.vector_load %arg10[%get3A_468] {strides = array<i32>} : memref<28192xf32, #tpu.memory_space<vmem>>, vector<16xf32>,
          %mul3A_470 = vector.broadcast %sub3A_409 : f32 to vector<16xf32>
          %mul3A_471 = arith.mulf %mul3A_470, %get3A_469 : vector<16xf32>
          %add3A_472 = arith.addf %add3A_467, %mul3A_471 : vector<16xf32>
          %get3A_473 = arith.constant 2832 : index
          %get3A_474 = tpu.vector_load %arg10[%get3A_473] {strides = array<i32>} : memref<28192xf32, #tpu.memory_space<vmem>>, vector<16xf32>,
          %mul3A_475 = vector.broadcast %sub3A_418 : f32 to vector<16xf32>
          %mul3A_476 = arith.mulf %mul3A_475, %get3A_474 : vector<16xf32>
          %add3A_477 = arith.addf %add3A_472, %mul3A_476 : vector<16xf32>
          %get3A_478 = arith.constant 2720 : index
          %get3A_479 = tpu.vector_load %arg10[%get3A_478] {strides = array<i32>} : memref<28192xf32, #tpu.memory_space<vmem>>, vector<16xf32>,
          %mul3A_480 = vector.broadcast %sub3A_400 : f32 to vector<16xf32>
          %mul3A_481 = arith.mulf %mul3A_480, %get3A_479 : vector<16xf32>
          %add3A_482 = arith.addf %scan3A_431#3, %mul3A_481 : vector<16xf32>
          %get3A_483 = arith.constant 2784 : index
          %get3A_484 = tpu.vector_load %arg10[%get3A_483] {strides = array<i32>} : memref<28192xf32, #tpu.memory_space<vmem>>, vector<16xf32>,
          %mul3A_485 = vector.broadcast %sub3A_409 : f32 to vector<16xf32>
          %mul3A_486 = arith.mulf %mul3A_485, %get3A_484 : vector<16xf32>
          %add3A_487 = arith.addf %add3A_482, %mul3A_486 : vector<16xf32>
          %get3A_488 = arith.constant 2848 : index
          %get3A_489 = tpu.vector_load %arg10[%get3A_488] {strides = array<i32>} : memref<28192xf32, #tpu.memory_space<vmem>>, vector<16xf32>,
          %mul3A_490 = vector.broadcast %sub3A_418 : f32 to vector<16xf32>
          %mul3A_491 = arith.mulf %mul3A_490, %get3A_489 : vector<16xf32>
          %add3A_492 = arith.addf %add3A_487, %mul3A_491 : vector<16xf32>
          %mul3A_493 = arith.constant 64 : i32
          %mul3A_494 = arith.muli %squeeze3A_391, %mul3A_493 : i32
          %add3A_495 = arith.constant 0 : i32
          %add3A_496 = arith.addi %mul3A_494, %add3A_495 : i32
          %get3A_497 = arith.index_cast %add3A_496 : i32 to index
          %get3A_498 = tpu.vector_load %arg25[%get3A_497] {strides = array<i32>} : memref<4112xf32, #tpu.memory_space<vmem>>, vector<16xf32>,
          %max3A = arith.constant 0.000000e+00 : f32
          %max3A_499 = vector.broadcast %max3A : f32 to vector<16xf32>
          %max3A_500 = arith.maximumf %add3A_447, %max3A_499 : vector<16xf32>
          %max3A_501 = arith.maximumf %get3A_498, %max3A_500 : vector<16xf32>
          %swap3A_502 = arith.index_cast %add3A_496 : i32 to index
          %swap3A_503 = tpu.vector_load %arg25[%swap3A_502] {strides = array<i32>} : memref<4112xf32, #tpu.memory_space<vmem>>, vector<16xf32>,
          tpu.vector_store %arg25[%swap3A_502], %max3A_501 {strides = array<i32>} : memref<4112xf32, #tpu.memory_space<vmem>>, vector<16xf32>,
          %add3A_504 = arith.constant 16 : i32
          %add3A_505 = arith.addi %mul3A_494, %add3A_504 : i32
          %get3A_506 = arith.index_cast %add3A_505 : i32 to index
          %get3A_507 = tpu.vector_load %arg25[%get3A_506] {strides = array<i32>} : memref<4112xf32, #tpu.memory_space<vmem>>, vector<16xf32>,
          %max3A_508 = arith.constant 0.000000e+00 : f32
          %max3A_509 = vector.broadcast %max3A_508 : f32 to vector<16xf32>
          %max3A_510 = arith.maximumf %add3A_462, %max3A_509 : vector<16xf32>
          %max3A_511 = arith.maximumf %get3A_507, %max3A_510 : vector<16xf32>
          %swap3A_512 = arith.index_cast %add3A_505 : i32 to index
          %swap3A_513 = tpu.vector_load %arg25[%swap3A_512] {strides = array<i32>} : memref<4112xf32, #tpu.memory_space<vmem>>, vector<16xf32>,
          tpu.vector_store %arg25[%swap3A_512], %max3A_511 {strides = array<i32>} : memref<4112xf32, #tpu.memory_space<vmem>>, vector<16xf32>,
          %add3A_514 = arith.constant 32 : i32
          %add3A_515 = arith.addi %mul3A_494, %add3A_514 : i32
          %get3A_516 = arith.index_cast %add3A_515 : i32 to index
          %get3A_517 = tpu.vector_load %arg25[%get3A_516] {strides = array<i32>} : memref<4112xf32, #tpu.memory_space<vmem>>, vector<16xf32>,
          %max3A_518 = arith.constant 0.000000e+00 : f32
          %max3A_519 = vector.broadcast %max3A_518 : f32 to vector<16xf32>
          %max3A_520 = arith.maximumf %add3A_477, %max3A_519 : vector<16xf32>
          %max3A_521 = arith.maximumf %get3A_517, %max3A_520 : vector<16xf32>
          %swap3A_522 = arith.index_cast %add3A_515 : i32 to index
          %swap3A_523 = tpu.vector_load %arg25[%swap3A_522] {strides = array<i32>} : memref<4112xf32, #tpu.memory_space<vmem>>, vector<16xf32>,
          tpu.vector_store %arg25[%swap3A_522], %max3A_521 {strides = array<i32>} : memref<4112xf32, #tpu.memory_space<vmem>>, vector<16xf32>,
          %add3A_524 = arith.constant 48 : i32
          %add3A_525 = arith.addi %mul3A_494, %add3A_524 : i32
          %get3A_526 = arith.index_cast %add3A_525 : i32 to index
          %get3A_527 = tpu.vector_load %arg25[%get3A_526] {strides = array<i32>} : memref<4112xf32, #tpu.memory_space<vmem>>, vector<16xf32>,
          %max3A_528 = arith.constant 0.000000e+00 : f32
          %max3A_529 = vector.broadcast %max3A_528 : f32 to vector<16xf32>
          %max3A_530 = arith.maximumf %add3A_492, %max3A_529 : vector<16xf32>
          %max3A_531 = arith.maximumf %get3A_527, %max3A_530 : vector<16xf32>
          %swap3A_532 = arith.index_cast %add3A_525 : i32 to index
          %swap3A_533 = tpu.vector_load %arg25[%swap3A_532] {strides = array<i32>} : memref<4112xf32, #tpu.memory_space<vmem>>, vector<16xf32>,
          tpu.vector_store %arg25[%swap3A_532], %max3A_531 {strides = array<i32>} : memref<4112xf32, #tpu.memory_space<vmem>>, vector<16xf32>,
          %mul3A_534 = arith.constant 16 : i32
          %mul3A_535 = arith.muli %scan3A_157, %mul3A_534 : i32
          %swap3A_536 = arith.index_cast %mul3A_535 : i32 to index
          %swap3A_537 = tpu.vector_load %arg19[%swap3A_536] {strides = array<i32>} : memref<8448xf32, #tpu.memory_space<vmem>>, vector<16xf32>,
          tpu.vector_store %arg19[%swap3A_536], %broadcast_in_dim3A_1 {strides = array<i32>} : memref<8448xf32, #tpu.memory_space<vmem>>, vector<16xf32>,
        } else {
        }
      }
      %scan3A_120 = arith.constant 512 : i32
      %scan3A_121 = arith.constant 0 : i32
      %scan3A_122 = arith.constant 0 : i32
      %scan3A_123 = arith.constant 64 : i32
      %scan3A_124 = arith.addi %scan3A_122, %scan3A_123 : i32
      %scan3A_125 = arith.constant 1 : i32
      scf.for %scan3A_157 = %scan3A_122 to %scan3A_124 step %scan3A_125  : i32 {
        %get3A_158 = arith.index_cast %scan3A_157 : i32 to index
        %get3A_159 = tpu.vector_load %arg21[%get3A_158] {strides = array<i32>} : memref<80xf32, #tpu.memory_space<vmem>>, vector<16xf32>,
        %slice3A_160 = vector.extract_strided_slice %get3A_159 {offsets = [0], sizes = [1], strides = [1]} : vector<16xf32> to vector<1xf32>
        %squeeze3A_161 = vector.extract %slice3A_160[0] : f32 from vector<1xf32>
        %gt3A = arith.constant 0.000000e+00 : f32
        %gt3A_162 = arith.cmpf ogt, %squeeze3A_161, %gt3A : f32
        %convert_element_type3A = arith.extui %gt3A_162 : i1 to i32
        %cond3A = arith.constant 0 : i32
        %cond3A_163 = arith.cmpi ne, %convert_element_type3A, %cond3A : i32
        scf.if %cond3A_163 {
          %get3A_164 = arith.constant 11120 : index
          %get3A_165 = tpu.vector_load %arg10[%get3A_164] {strides = array<i32>} : memref<28192xf32, #tpu.memory_space<vmem>>, vector<16xf32>,
          %get3A_166 = arith.constant 11136 : index
          %get3A_167 = tpu.vector_load %arg10[%get3A_166] {strides = array<i32>} : memref<28192xf32, #tpu.memory_space<vmem>>, vector<16xf32>,
          %get3A_168 = arith.constant 11152 : index
          %get3A_169 = tpu.vector_load %arg10[%get3A_168] {strides = array<i32>} : memref<28192xf32, #tpu.memory_space<vmem>>, vector<16xf32>,
          %get3A_170 = arith.constant 11168 : index
          %get3A_171 = tpu.vector_load %arg10[%get3A_170] {strides = array<i32>} : memref<28192xf32, #tpu.memory_space<vmem>>, vector<16xf32>,
          %get3A_172 = arith.constant 11184 : index
          %get3A_173 = tpu.vector_load %arg10[%get3A_172] {strides = array<i32>} : memref<28192xf32, #tpu.memory_space<vmem>>, vector<16xf32>,
          %get3A_174 = arith.constant 11200 : index
          %get3A_175 = tpu.vector_load %arg10[%get3A_174] {strides = array<i32>} : memref<28192xf32, #tpu.memory_space<vmem>>, vector<16xf32>,
          %get3A_176 = arith.constant 11216 : index
          %get3A_177 = tpu.vector_load %arg10[%get3A_176] {strides = array<i32>} : memref<28192xf32, #tpu.memory_space<vmem>>, vector<16xf32>,
          %get3A_178 = arith.constant 11232 : index
          %get3A_179 = tpu.vector_load %arg10[%get3A_178] {strides = array<i32>} : memref<28192xf32, #tpu.memory_space<vmem>>, vector<16xf32>,
          %scan3A_180 = arith.constant 0 : i32
          %scan3A_181 = arith.constant 64 : i32
          %scan3A_182 = arith.addi %scan3A_180, %scan3A_181 : i32
          %scan3A_183 = arith.constant 4 : i32
          %scan3A_184:8 = scf.for %scan3A_529 = %scan3A_180 to %scan3A_182 step %scan3A_183 iter_args(%scan3A_530 = %get3A_165, %scan3A_531 = %get3A_167, %scan3A_532 = %get3A_169, %scan3A_533 = %get3A_171, %scan3A_534 = %get3A_173, %scan3A_535 = %get3A_175, %scan3A_536 = %get3A_177, %scan3A_537 = %get3A_179) -> (vector<16xf32>, vector<16xf32>, vector<16xf32>, vector<16xf32>, vector<16xf32>, vector<16xf32>, vector<16xf32>, vector<16xf32>)  : i32 {
            %mul3A_538 = arith.constant 64 : i32
            %mul3A_539 = arith.muli %scan3A_157, %mul3A_538 : i32
            %add3A_540 = arith.addi %mul3A_539, %scan3A_529 : i32
            %get3A_541 = arith.index_cast %add3A_540 : i32 to index
            %get3A_542 = tpu.vector_load %arg25[%get3A_541] {strides = array<i32>} : memref<4112xf32, #tpu.memory_space<vmem>>, vector<16xf32>,
            %slice3A_543 = vector.extract_strided_slice %get3A_542 {offsets = [0], sizes = [1], strides = [1]} : vector<16xf32> to vector<1xf32>
            %squeeze3A_544 = vector.extract %slice3A_543[0] : f32 from vector<1xf32>
            %mul3A_545 = arith.constant 128 : i32
            %mul3A_546 = arith.muli %scan3A_529, %mul3A_545 : i32
            %add3A_547 = arith.constant 2928 : i32
            %add3A_548 = arith.addi %add3A_547, %mul3A_546 : i32
            %add3A_549 = arith.constant 0 : i32
            %add3A_550 = arith.addi %add3A_548, %add3A_549 : i32
            %get3A_551 = arith.index_cast %add3A_550 : i32 to index
            %get3A_552 = tpu.vector_load %arg10[%get3A_551] {strides = array<i32>} : memref<28192xf32, #tpu.memory_space<vmem>>, vector<16xf32>,
            %mul3A_553 = vector.broadcast %squeeze3A_544 : f32 to vector<16xf32>
            %mul3A_554 = arith.mulf %mul3A_553, %get3A_552 : vector<16xf32>
            %add3A_555 = arith.addf %scan3A_530, %mul3A_554 : vector<16xf32>
            %mul3A_556 = arith.constant 128 : i32
            %mul3A_557 = arith.muli %scan3A_529, %mul3A_556 : i32
            %add3A_558 = arith.constant 2928 : i32
            %add3A_559 = arith.addi %add3A_558, %mul3A_557 : i32
            %add3A_560 = arith.constant 16 : i32
            %add3A_561 = arith.addi %add3A_559, %add3A_560 : i32
            %get3A_562 = arith.index_cast %add3A_561 : i32 to index
            %get3A_563 = tpu.vector_load %arg10[%get3A_562] {strides = array<i32>} : memref<28192xf32, #tpu.memory_space<vmem>>, vector<16xf32>,
            %mul3A_564 = vector.broadcast %squeeze3A_544 : f32 to vector<16xf32>
            %mul3A_565 = arith.mulf %mul3A_564, %get3A_563 : vector<16xf32>
            %add3A_566 = arith.addf %scan3A_531, %mul3A_565 : vector<16xf32>
            %mul3A_567 = arith.constant 128 : i32
            %mul3A_568 = arith.muli %scan3A_529, %mul3A_567 : i32
            %add3A_569 = arith.constant 2928 : i32
            %add3A_570 = arith.addi %add3A_569, %mul3A_568 : i32
            %add3A_571 = arith.constant 32 : i32
            %add3A_572 = arith.addi %add3A_570, %add3A_571 : i32
            %get3A_573 = arith.index_cast %add3A_572 : i32 to index
            %get3A_574 = tpu.vector_load %arg10[%get3A_573] {strides = array<i32>} : memref<28192xf32, #tpu.memory_space<vmem>>, vector<16xf32>,
            %mul3A_575 = vector.broadcast %squeeze3A_544 : f32 to vector<16xf32>
            %mul3A_576 = arith.mulf %mul3A_575, %get3A_574 : vector<16xf32>
            %add3A_577 = arith.addf %scan3A_532, %mul3A_576 : vector<16xf32>
            %mul3A_578 = arith.constant 128 : i32
            %mul3A_579 = arith.muli %scan3A_529, %mul3A_578 : i32
            %add3A_580 = arith.constant 2928 : i32
            %add3A_581 = arith.addi %add3A_580, %mul3A_579 : i32
            %add3A_582 = arith.constant 48 : i32
            %add3A_583 = arith.addi %add3A_581, %add3A_582 : i32
            %get3A_584 = arith.index_cast %add3A_583 : i32 to index
            %get3A_585 = tpu.vector_load %arg10[%get3A_584] {strides = array<i32>} : memref<28192xf32, #tpu.memory_space<vmem>>, vector<16xf32>,
            %mul3A_586 = vector.broadcast %squeeze3A_544 : f32 to vector<16xf32>
            %mul3A_587 = arith.mulf %mul3A_586, %get3A_585 : vector<16xf32>
            %add3A_588 = arith.addf %scan3A_533, %mul3A_587 : vector<16xf32>
            %mul3A_589 = arith.constant 128 : i32
            %mul3A_590 = arith.muli %scan3A_529, %mul3A_589 : i32
            %add3A_591 = arith.constant 2928 : i32
            %add3A_592 = arith.addi %add3A_591, %mul3A_590 : i32
            %add3A_593 = arith.constant 64 : i32
            %add3A_594 = arith.addi %add3A_592, %add3A_593 : i32
            %get3A_595 = arith.index_cast %add3A_594 : i32 to index
            %get3A_596 = tpu.vector_load %arg10[%get3A_595] {strides = array<i32>} : memref<28192xf32, #tpu.memory_space<vmem>>, vector<16xf32>,
            %mul3A_597 = vector.broadcast %squeeze3A_544 : f32 to vector<16xf32>
            %mul3A_598 = arith.mulf %mul3A_597, %get3A_596 : vector<16xf32>
            %add3A_599 = arith.addf %scan3A_534, %mul3A_598 : vector<16xf32>
            %mul3A_600 = arith.constant 128 : i32
            %mul3A_601 = arith.muli %scan3A_529, %mul3A_600 : i32
            %add3A_602 = arith.constant 2928 : i32
            %add3A_603 = arith.addi %add3A_602, %mul3A_601 : i32
            %add3A_604 = arith.constant 80 : i32
            %add3A_605 = arith.addi %add3A_603, %add3A_604 : i32
            %get3A_606 = arith.index_cast %add3A_605 : i32 to index
            %get3A_607 = tpu.vector_load %arg10[%get3A_606] {strides = array<i32>} : memref<28192xf32, #tpu.memory_space<vmem>>, vector<16xf32>,
            %mul3A_608 = vector.broadcast %squeeze3A_544 : f32 to vector<16xf32>
            %mul3A_609 = arith.mulf %mul3A_608, %get3A_607 : vector<16xf32>
            %add3A_610 = arith.addf %scan3A_535, %mul3A_609 : vector<16xf32>
            %mul3A_611 = arith.constant 128 : i32
            %mul3A_612 = arith.muli %scan3A_529, %mul3A_611 : i32
            %add3A_613 = arith.constant 2928 : i32
            %add3A_614 = arith.addi %add3A_613, %mul3A_612 : i32
            %add3A_615 = arith.constant 96 : i32
            %add3A_616 = arith.addi %add3A_614, %add3A_615 : i32
            %get3A_617 = arith.index_cast %add3A_616 : i32 to index
            %get3A_618 = tpu.vector_load %arg10[%get3A_617] {strides = array<i32>} : memref<28192xf32, #tpu.memory_space<vmem>>, vector<16xf32>,
            %mul3A_619 = vector.broadcast %squeeze3A_544 : f32 to vector<16xf32>
            %mul3A_620 = arith.mulf %mul3A_619, %get3A_618 : vector<16xf32>
            %add3A_621 = arith.addf %scan3A_536, %mul3A_620 : vector<16xf32>
            %mul3A_622 = arith.constant 128 : i32
            %mul3A_623 = arith.muli %scan3A_529, %mul3A_622 : i32
            %add3A_624 = arith.constant 2928 : i32
            %add3A_625 = arith.addi %add3A_624, %mul3A_623 : i32
            %add3A_626 = arith.constant 112 : i32
            %add3A_627 = arith.addi %add3A_625, %add3A_626 : i32
            %get3A_628 = arith.index_cast %add3A_627 : i32 to index
            %get3A_629 = tpu.vector_load %arg10[%get3A_628] {strides = array<i32>} : memref<28192xf32, #tpu.memory_space<vmem>>, vector<16xf32>,
            %mul3A_630 = vector.broadcast %squeeze3A_544 : f32 to vector<16xf32>
            %mul3A_631 = arith.mulf %mul3A_630, %get3A_629 : vector<16xf32>
            %add3A_632 = arith.addf %scan3A_537, %mul3A_631 : vector<16xf32>
            %scan3A_633 = arith.constant 1 : i32
            %scan3A_634 = arith.addi %scan3A_529, %scan3A_633 : i32
            %mul3A_635 = arith.constant 64 : i32
            %mul3A_636 = arith.muli %scan3A_157, %mul3A_635 : i32
            %add3A_637 = arith.addi %mul3A_636, %scan3A_634 : i32
            %get3A_638 = arith.index_cast %add3A_637 : i32 to index
            %get3A_639 = tpu.vector_load %arg25[%get3A_638] {strides = array<i32>} : memref<4112xf32, #tpu.memory_space<vmem>>, vector<16xf32>,
            %slice3A_640 = vector.extract_strided_slice %get3A_639 {offsets = [0], sizes = [1], strides = [1]} : vector<16xf32> to vector<1xf32>
            %squeeze3A_641 = vector.extract %slice3A_640[0] : f32 from vector<1xf32>
            %mul3A_642 = arith.constant 128 : i32
            %mul3A_643 = arith.muli %scan3A_634, %mul3A_642 : i32
            %add3A_644 = arith.constant 2928 : i32
            %add3A_645 = arith.addi %add3A_644, %mul3A_643 : i32
            %add3A_646 = arith.constant 0 : i32
            %add3A_647 = arith.addi %add3A_645, %add3A_646 : i32
            %get3A_648 = arith.index_cast %add3A_647 : i32 to index
            %get3A_649 = tpu.vector_load %arg10[%get3A_648] {strides = array<i32>} : memref<28192xf32, #tpu.memory_space<vmem>>, vector<16xf32>,
            %mul3A_650 = vector.broadcast %squeeze3A_641 : f32 to vector<16xf32>
            %mul3A_651 = arith.mulf %mul3A_650, %get3A_649 : vector<16xf32>
            %add3A_652 = arith.addf %add3A_555, %mul3A_651 : vector<16xf32>
            %mul3A_653 = arith.constant 128 : i32
            %mul3A_654 = arith.muli %scan3A_634, %mul3A_653 : i32
            %add3A_655 = arith.constant 2928 : i32
            %add3A_656 = arith.addi %add3A_655, %mul3A_654 : i32
            %add3A_657 = arith.constant 16 : i32
            %add3A_658 = arith.addi %add3A_656, %add3A_657 : i32
            %get3A_659 = arith.index_cast %add3A_658 : i32 to index
            %get3A_660 = tpu.vector_load %arg10[%get3A_659] {strides = array<i32>} : memref<28192xf32, #tpu.memory_space<vmem>>, vector<16xf32>,
            %mul3A_661 = vector.broadcast %squeeze3A_641 : f32 to vector<16xf32>
            %mul3A_662 = arith.mulf %mul3A_661, %get3A_660 : vector<16xf32>
            %add3A_663 = arith.addf %add3A_566, %mul3A_662 : vector<16xf32>
            %mul3A_664 = arith.constant 128 : i32
            %mul3A_665 = arith.muli %scan3A_634, %mul3A_664 : i32
            %add3A_666 = arith.constant 2928 : i32
            %add3A_667 = arith.addi %add3A_666, %mul3A_665 : i32
            %add3A_668 = arith.constant 32 : i32
            %add3A_669 = arith.addi %add3A_667, %add3A_668 : i32
            %get3A_670 = arith.index_cast %add3A_669 : i32 to index
            %get3A_671 = tpu.vector_load %arg10[%get3A_670] {strides = array<i32>} : memref<28192xf32, #tpu.memory_space<vmem>>, vector<16xf32>,
            %mul3A_672 = vector.broadcast %squeeze3A_641 : f32 to vector<16xf32>
            %mul3A_673 = arith.mulf %mul3A_672, %get3A_671 : vector<16xf32>
            %add3A_674 = arith.addf %add3A_577, %mul3A_673 : vector<16xf32>
            %mul3A_675 = arith.constant 128 : i32
            %mul3A_676 = arith.muli %scan3A_634, %mul3A_675 : i32
            %add3A_677 = arith.constant 2928 : i32
            %add3A_678 = arith.addi %add3A_677, %mul3A_676 : i32
            %add3A_679 = arith.constant 48 : i32
            %add3A_680 = arith.addi %add3A_678, %add3A_679 : i32
            %get3A_681 = arith.index_cast %add3A_680 : i32 to index
            %get3A_682 = tpu.vector_load %arg10[%get3A_681] {strides = array<i32>} : memref<28192xf32, #tpu.memory_space<vmem>>, vector<16xf32>,
            %mul3A_683 = vector.broadcast %squeeze3A_641 : f32 to vector<16xf32>
            %mul3A_684 = arith.mulf %mul3A_683, %get3A_682 : vector<16xf32>
            %add3A_685 = arith.addf %add3A_588, %mul3A_684 : vector<16xf32>
            %mul3A_686 = arith.constant 128 : i32
            %mul3A_687 = arith.muli %scan3A_634, %mul3A_686 : i32
            %add3A_688 = arith.constant 2928 : i32
            %add3A_689 = arith.addi %add3A_688, %mul3A_687 : i32
            %add3A_690 = arith.constant 64 : i32
            %add3A_691 = arith.addi %add3A_689, %add3A_690 : i32
            %get3A_692 = arith.index_cast %add3A_691 : i32 to index
            %get3A_693 = tpu.vector_load %arg10[%get3A_692] {strides = array<i32>} : memref<28192xf32, #tpu.memory_space<vmem>>, vector<16xf32>,
            %mul3A_694 = vector.broadcast %squeeze3A_641 : f32 to vector<16xf32>
            %mul3A_695 = arith.mulf %mul3A_694, %get3A_693 : vector<16xf32>
            %add3A_696 = arith.addf %add3A_599, %mul3A_695 : vector<16xf32>
            %mul3A_697 = arith.constant 128 : i32
            %mul3A_698 = arith.muli %scan3A_634, %mul3A_697 : i32
            %add3A_699 = arith.constant 2928 : i32
            %add3A_700 = arith.addi %add3A_699, %mul3A_698 : i32
            %add3A_701 = arith.constant 80 : i32
            %add3A_702 = arith.addi %add3A_700, %add3A_701 : i32
            %get3A_703 = arith.index_cast %add3A_702 : i32 to index
            %get3A_704 = tpu.vector_load %arg10[%get3A_703] {strides = array<i32>} : memref<28192xf32, #tpu.memory_space<vmem>>, vector<16xf32>,
            %mul3A_705 = vector.broadcast %squeeze3A_641 : f32 to vector<16xf32>
            %mul3A_706 = arith.mulf %mul3A_705, %get3A_704 : vector<16xf32>
            %add3A_707 = arith.addf %add3A_610, %mul3A_706 : vector<16xf32>
            %mul3A_708 = arith.constant 128 : i32
            %mul3A_709 = arith.muli %scan3A_634, %mul3A_708 : i32
            %add3A_710 = arith.constant 2928 : i32
            %add3A_711 = arith.addi %add3A_710, %mul3A_709 : i32
            %add3A_712 = arith.constant 96 : i32
            %add3A_713 = arith.addi %add3A_711, %add3A_712 : i32
            %get3A_714 = arith.index_cast %add3A_713 : i32 to index
            %get3A_715 = tpu.vector_load %arg10[%get3A_714] {strides = array<i32>} : memref<28192xf32, #tpu.memory_space<vmem>>, vector<16xf32>,
            %mul3A_716 = vector.broadcast %squeeze3A_641 : f32 to vector<16xf32>
            %mul3A_717 = arith.mulf %mul3A_716, %get3A_715 : vector<16xf32>
            %add3A_718 = arith.addf %add3A_621, %mul3A_717 : vector<16xf32>
            %mul3A_719 = arith.constant 128 : i32
            %mul3A_720 = arith.muli %scan3A_634, %mul3A_719 : i32
            %add3A_721 = arith.constant 2928 : i32
            %add3A_722 = arith.addi %add3A_721, %mul3A_720 : i32
            %add3A_723 = arith.constant 112 : i32
            %add3A_724 = arith.addi %add3A_722, %add3A_723 : i32
            %get3A_725 = arith.index_cast %add3A_724 : i32 to index
            %get3A_726 = tpu.vector_load %arg10[%get3A_725] {strides = array<i32>} : memref<28192xf32, #tpu.memory_space<vmem>>, vector<16xf32>,
            %mul3A_727 = vector.broadcast %squeeze3A_641 : f32 to vector<16xf32>
            %mul3A_728 = arith.mulf %mul3A_727, %get3A_726 : vector<16xf32>
            %add3A_729 = arith.addf %add3A_632, %mul3A_728 : vector<16xf32>
            %scan3A_730 = arith.constant 2 : i32
            %scan3A_731 = arith.addi %scan3A_529, %scan3A_730 : i32
            %mul3A_732 = arith.constant 64 : i32
            %mul3A_733 = arith.muli %scan3A_157, %mul3A_732 : i32
            %add3A_734 = arith.addi %mul3A_733, %scan3A_731 : i32
            %get3A_735 = arith.index_cast %add3A_734 : i32 to index
            %get3A_736 = tpu.vector_load %arg25[%get3A_735] {strides = array<i32>} : memref<4112xf32, #tpu.memory_space<vmem>>, vector<16xf32>,
            %slice3A_737 = vector.extract_strided_slice %get3A_736 {offsets = [0], sizes = [1], strides = [1]} : vector<16xf32> to vector<1xf32>
            %squeeze3A_738 = vector.extract %slice3A_737[0] : f32 from vector<1xf32>
            %mul3A_739 = arith.constant 128 : i32
            %mul3A_740 = arith.muli %scan3A_731, %mul3A_739 : i32
            %add3A_741 = arith.constant 2928 : i32
            %add3A_742 = arith.addi %add3A_741, %mul3A_740 : i32
            %add3A_743 = arith.constant 0 : i32
            %add3A_744 = arith.addi %add3A_742, %add3A_743 : i32
            %get3A_745 = arith.index_cast %add3A_744 : i32 to index
            %get3A_746 = tpu.vector_load %arg10[%get3A_745] {strides = array<i32>} : memref<28192xf32, #tpu.memory_space<vmem>>, vector<16xf32>,
            %mul3A_747 = vector.broadcast %squeeze3A_738 : f32 to vector<16xf32>
            %mul3A_748 = arith.mulf %mul3A_747, %get3A_746 : vector<16xf32>
            %add3A_749 = arith.addf %add3A_652, %mul3A_748 : vector<16xf32>
            %mul3A_750 = arith.constant 128 : i32
            %mul3A_751 = arith.muli %scan3A_731, %mul3A_750 : i32
            %add3A_752 = arith.constant 2928 : i32
            %add3A_753 = arith.addi %add3A_752, %mul3A_751 : i32
            %add3A_754 = arith.constant 16 : i32
            %add3A_755 = arith.addi %add3A_753, %add3A_754 : i32
            %get3A_756 = arith.index_cast %add3A_755 : i32 to index
            %get3A_757 = tpu.vector_load %arg10[%get3A_756] {strides = array<i32>} : memref<28192xf32, #tpu.memory_space<vmem>>, vector<16xf32>,
            %mul3A_758 = vector.broadcast %squeeze3A_738 : f32 to vector<16xf32>
            %mul3A_759 = arith.mulf %mul3A_758, %get3A_757 : vector<16xf32>
            %add3A_760 = arith.addf %add3A_663, %mul3A_759 : vector<16xf32>
            %mul3A_761 = arith.constant 128 : i32
            %mul3A_762 = arith.muli %scan3A_731, %mul3A_761 : i32
            %add3A_763 = arith.constant 2928 : i32
            %add3A_764 = arith.addi %add3A_763, %mul3A_762 : i32
            %add3A_765 = arith.constant 32 : i32
            %add3A_766 = arith.addi %add3A_764, %add3A_765 : i32
            %get3A_767 = arith.index_cast %add3A_766 : i32 to index
            %get3A_768 = tpu.vector_load %arg10[%get3A_767] {strides = array<i32>} : memref<28192xf32, #tpu.memory_space<vmem>>, vector<16xf32>,
            %mul3A_769 = vector.broadcast %squeeze3A_738 : f32 to vector<16xf32>
            %mul3A_770 = arith.mulf %mul3A_769, %get3A_768 : vector<16xf32>
            %add3A_771 = arith.addf %add3A_674, %mul3A_770 : vector<16xf32>
            %mul3A_772 = arith.constant 128 : i32
            %mul3A_773 = arith.muli %scan3A_731, %mul3A_772 : i32
            %add3A_774 = arith.constant 2928 : i32
            %add3A_775 = arith.addi %add3A_774, %mul3A_773 : i32
            %add3A_776 = arith.constant 48 : i32
            %add3A_777 = arith.addi %add3A_775, %add3A_776 : i32
            %get3A_778 = arith.index_cast %add3A_777 : i32 to index
            %get3A_779 = tpu.vector_load %arg10[%get3A_778] {strides = array<i32>} : memref<28192xf32, #tpu.memory_space<vmem>>, vector<16xf32>,
            %mul3A_780 = vector.broadcast %squeeze3A_738 : f32 to vector<16xf32>
            %mul3A_781 = arith.mulf %mul3A_780, %get3A_779 : vector<16xf32>
            %add3A_782 = arith.addf %add3A_685, %mul3A_781 : vector<16xf32>
            %mul3A_783 = arith.constant 128 : i32
            %mul3A_784 = arith.muli %scan3A_731, %mul3A_783 : i32
            %add3A_785 = arith.constant 2928 : i32
            %add3A_786 = arith.addi %add3A_785, %mul3A_784 : i32
            %add3A_787 = arith.constant 64 : i32
            %add3A_788 = arith.addi %add3A_786, %add3A_787 : i32
            %get3A_789 = arith.index_cast %add3A_788 : i32 to index
            %get3A_790 = tpu.vector_load %arg10[%get3A_789] {strides = array<i32>} : memref<28192xf32, #tpu.memory_space<vmem>>, vector<16xf32>,
            %mul3A_791 = vector.broadcast %squeeze3A_738 : f32 to vector<16xf32>
            %mul3A_792 = arith.mulf %mul3A_791, %get3A_790 : vector<16xf32>
            %add3A_793 = arith.addf %add3A_696, %mul3A_792 : vector<16xf32>
            %mul3A_794 = arith.constant 128 : i32
            %mul3A_795 = arith.muli %scan3A_731, %mul3A_794 : i32
            %add3A_796 = arith.constant 2928 : i32
            %add3A_797 = arith.addi %add3A_796, %mul3A_795 : i32
            %add3A_798 = arith.constant 80 : i32
            %add3A_799 = arith.addi %add3A_797, %add3A_798 : i32
            %get3A_800 = arith.index_cast %add3A_799 : i32 to index
            %get3A_801 = tpu.vector_load %arg10[%get3A_800] {strides = array<i32>} : memref<28192xf32, #tpu.memory_space<vmem>>, vector<16xf32>,
            %mul3A_802 = vector.broadcast %squeeze3A_738 : f32 to vector<16xf32>
            %mul3A_803 = arith.mulf %mul3A_802, %get3A_801 : vector<16xf32>
            %add3A_804 = arith.addf %add3A_707, %mul3A_803 : vector<16xf32>
            %mul3A_805 = arith.constant 128 : i32
            %mul3A_806 = arith.muli %scan3A_731, %mul3A_805 : i32
            %add3A_807 = arith.constant 2928 : i32
            %add3A_808 = arith.addi %add3A_807, %mul3A_806 : i32
            %add3A_809 = arith.constant 96 : i32
            %add3A_810 = arith.addi %add3A_808, %add3A_809 : i32
            %get3A_811 = arith.index_cast %add3A_810 : i32 to index
            %get3A_812 = tpu.vector_load %arg10[%get3A_811] {strides = array<i32>} : memref<28192xf32, #tpu.memory_space<vmem>>, vector<16xf32>,
            %mul3A_813 = vector.broadcast %squeeze3A_738 : f32 to vector<16xf32>
            %mul3A_814 = arith.mulf %mul3A_813, %get3A_812 : vector<16xf32>
            %add3A_815 = arith.addf %add3A_718, %mul3A_814 : vector<16xf32>
            %mul3A_816 = arith.constant 128 : i32
            %mul3A_817 = arith.muli %scan3A_731, %mul3A_816 : i32
            %add3A_818 = arith.constant 2928 : i32
            %add3A_819 = arith.addi %add3A_818, %mul3A_817 : i32
            %add3A_820 = arith.constant 112 : i32
            %add3A_821 = arith.addi %add3A_819, %add3A_820 : i32
            %get3A_822 = arith.index_cast %add3A_821 : i32 to index
            %get3A_823 = tpu.vector_load %arg10[%get3A_822] {strides = array<i32>} : memref<28192xf32, #tpu.memory_space<vmem>>, vector<16xf32>,
            %mul3A_824 = vector.broadcast %squeeze3A_738 : f32 to vector<16xf32>
            %mul3A_825 = arith.mulf %mul3A_824, %get3A_823 : vector<16xf32>
            %add3A_826 = arith.addf %add3A_729, %mul3A_825 : vector<16xf32>
            %scan3A_827 = arith.constant 3 : i32
            %scan3A_828 = arith.addi %scan3A_529, %scan3A_827 : i32
            %mul3A_829 = arith.constant 64 : i32
            %mul3A_830 = arith.muli %scan3A_157, %mul3A_829 : i32
            %add3A_831 = arith.addi %mul3A_830, %scan3A_828 : i32
            %get3A_832 = arith.index_cast %add3A_831 : i32 to index
            %get3A_833 = tpu.vector_load %arg25[%get3A_832] {strides = array<i32>} : memref<4112xf32, #tpu.memory_space<vmem>>, vector<16xf32>,
            %slice3A_834 = vector.extract_strided_slice %get3A_833 {offsets = [0], sizes = [1], strides = [1]} : vector<16xf32> to vector<1xf32>
            %squeeze3A_835 = vector.extract %slice3A_834[0] : f32 from vector<1xf32>
            %mul3A_836 = arith.constant 128 : i32
            %mul3A_837 = arith.muli %scan3A_828, %mul3A_836 : i32
            %add3A_838 = arith.constant 2928 : i32
            %add3A_839 = arith.addi %add3A_838, %mul3A_837 : i32
            %add3A_840 = arith.constant 0 : i32
            %add3A_841 = arith.addi %add3A_839, %add3A_840 : i32
            %get3A_842 = arith.index_cast %add3A_841 : i32 to index
            %get3A_843 = tpu.vector_load %arg10[%get3A_842] {strides = array<i32>} : memref<28192xf32, #tpu.memory_space<vmem>>, vector<16xf32>,
            %mul3A_844 = vector.broadcast %squeeze3A_835 : f32 to vector<16xf32>
            %mul3A_845 = arith.mulf %mul3A_844, %get3A_843 : vector<16xf32>
            %add3A_846 = arith.addf %add3A_749, %mul3A_845 : vector<16xf32>
            %mul3A_847 = arith.constant 128 : i32
            %mul3A_848 = arith.muli %scan3A_828, %mul3A_847 : i32
            %add3A_849 = arith.constant 2928 : i32
            %add3A_850 = arith.addi %add3A_849, %mul3A_848 : i32
            %add3A_851 = arith.constant 16 : i32
            %add3A_852 = arith.addi %add3A_850, %add3A_851 : i32
            %get3A_853 = arith.index_cast %add3A_852 : i32 to index
            %get3A_854 = tpu.vector_load %arg10[%get3A_853] {strides = array<i32>} : memref<28192xf32, #tpu.memory_space<vmem>>, vector<16xf32>,
            %mul3A_855 = vector.broadcast %squeeze3A_835 : f32 to vector<16xf32>
            %mul3A_856 = arith.mulf %mul3A_855, %get3A_854 : vector<16xf32>
            %add3A_857 = arith.addf %add3A_760, %mul3A_856 : vector<16xf32>
            %mul3A_858 = arith.constant 128 : i32
            %mul3A_859 = arith.muli %scan3A_828, %mul3A_858 : i32
            %add3A_860 = arith.constant 2928 : i32
            %add3A_861 = arith.addi %add3A_860, %mul3A_859 : i32
            %add3A_862 = arith.constant 32 : i32
            %add3A_863 = arith.addi %add3A_861, %add3A_862 : i32
            %get3A_864 = arith.index_cast %add3A_863 : i32 to index
            %get3A_865 = tpu.vector_load %arg10[%get3A_864] {strides = array<i32>} : memref<28192xf32, #tpu.memory_space<vmem>>, vector<16xf32>,
            %mul3A_866 = vector.broadcast %squeeze3A_835 : f32 to vector<16xf32>
            %mul3A_867 = arith.mulf %mul3A_866, %get3A_865 : vector<16xf32>
            %add3A_868 = arith.addf %add3A_771, %mul3A_867 : vector<16xf32>
            %mul3A_869 = arith.constant 128 : i32
            %mul3A_870 = arith.muli %scan3A_828, %mul3A_869 : i32
            %add3A_871 = arith.constant 2928 : i32
            %add3A_872 = arith.addi %add3A_871, %mul3A_870 : i32
            %add3A_873 = arith.constant 48 : i32
            %add3A_874 = arith.addi %add3A_872, %add3A_873 : i32
            %get3A_875 = arith.index_cast %add3A_874 : i32 to index
            %get3A_876 = tpu.vector_load %arg10[%get3A_875] {strides = array<i32>} : memref<28192xf32, #tpu.memory_space<vmem>>, vector<16xf32>,
            %mul3A_877 = vector.broadcast %squeeze3A_835 : f32 to vector<16xf32>
            %mul3A_878 = arith.mulf %mul3A_877, %get3A_876 : vector<16xf32>
            %add3A_879 = arith.addf %add3A_782, %mul3A_878 : vector<16xf32>
            %mul3A_880 = arith.constant 128 : i32
            %mul3A_881 = arith.muli %scan3A_828, %mul3A_880 : i32
            %add3A_882 = arith.constant 2928 : i32
            %add3A_883 = arith.addi %add3A_882, %mul3A_881 : i32
            %add3A_884 = arith.constant 64 : i32
            %add3A_885 = arith.addi %add3A_883, %add3A_884 : i32
            %get3A_886 = arith.index_cast %add3A_885 : i32 to index
            %get3A_887 = tpu.vector_load %arg10[%get3A_886] {strides = array<i32>} : memref<28192xf32, #tpu.memory_space<vmem>>, vector<16xf32>,
            %mul3A_888 = vector.broadcast %squeeze3A_835 : f32 to vector<16xf32>
            %mul3A_889 = arith.mulf %mul3A_888, %get3A_887 : vector<16xf32>
            %add3A_890 = arith.addf %add3A_793, %mul3A_889 : vector<16xf32>
            %mul3A_891 = arith.constant 128 : i32
            %mul3A_892 = arith.muli %scan3A_828, %mul3A_891 : i32
            %add3A_893 = arith.constant 2928 : i32
            %add3A_894 = arith.addi %add3A_893, %mul3A_892 : i32
            %add3A_895 = arith.constant 80 : i32
            %add3A_896 = arith.addi %add3A_894, %add3A_895 : i32
            %get3A_897 = arith.index_cast %add3A_896 : i32 to index
            %get3A_898 = tpu.vector_load %arg10[%get3A_897] {strides = array<i32>} : memref<28192xf32, #tpu.memory_space<vmem>>, vector<16xf32>,
            %mul3A_899 = vector.broadcast %squeeze3A_835 : f32 to vector<16xf32>
            %mul3A_900 = arith.mulf %mul3A_899, %get3A_898 : vector<16xf32>
            %add3A_901 = arith.addf %add3A_804, %mul3A_900 : vector<16xf32>
            %mul3A_902 = arith.constant 128 : i32
            %mul3A_903 = arith.muli %scan3A_828, %mul3A_902 : i32
            %add3A_904 = arith.constant 2928 : i32
            %add3A_905 = arith.addi %add3A_904, %mul3A_903 : i32
            %add3A_906 = arith.constant 96 : i32
            %add3A_907 = arith.addi %add3A_905, %add3A_906 : i32
            %get3A_908 = arith.index_cast %add3A_907 : i32 to index
            %get3A_909 = tpu.vector_load %arg10[%get3A_908] {strides = array<i32>} : memref<28192xf32, #tpu.memory_space<vmem>>, vector<16xf32>,
            %mul3A_910 = vector.broadcast %squeeze3A_835 : f32 to vector<16xf32>
            %mul3A_911 = arith.mulf %mul3A_910, %get3A_909 : vector<16xf32>
            %add3A_912 = arith.addf %add3A_815, %mul3A_911 : vector<16xf32>
            %mul3A_913 = arith.constant 128 : i32
            %mul3A_914 = arith.muli %scan3A_828, %mul3A_913 : i32
            %add3A_915 = arith.constant 2928 : i32
            %add3A_916 = arith.addi %add3A_915, %mul3A_914 : i32
            %add3A_917 = arith.constant 112 : i32
            %add3A_918 = arith.addi %add3A_916, %add3A_917 : i32
            %get3A_919 = arith.index_cast %add3A_918 : i32 to index
            %get3A_920 = tpu.vector_load %arg10[%get3A_919] {strides = array<i32>} : memref<28192xf32, #tpu.memory_space<vmem>>, vector<16xf32>,
            %mul3A_921 = vector.broadcast %squeeze3A_835 : f32 to vector<16xf32>
            %mul3A_922 = arith.mulf %mul3A_921, %get3A_920 : vector<16xf32>
            %add3A_923 = arith.addf %add3A_826, %mul3A_922 : vector<16xf32>
            scf.yield %add3A_846, %add3A_857, %add3A_868, %add3A_879, %add3A_890, %add3A_901, %add3A_912, %add3A_923 : vector<16xf32>, vector<16xf32>, vector<16xf32>, vector<16xf32>, vector<16xf32>, vector<16xf32>, vector<16xf32>, vector<16xf32>
          }
          %scan3A_185 = arith.constant 64 : i32
          %gt3A_186 = arith.constant 0.000000e+00 : f32
          %gt3A_187 = vector.broadcast %gt3A_186 : f32 to vector<16xf32>
          %gt3A_188 = arith.cmpf ogt, %scan3A_184#0, %gt3A_187 : vector<16xf32>
          %min3A = arith.constant 0.000000e+00 : f32
          %min3A_189 = vector.broadcast %min3A : f32 to vector<16xf32>
          %min3A_190 = arith.minimumf %scan3A_184#0, %min3A_189 : vector<16xf32>
          %exp3A = math.exp %min3A_190 : vector<16xf32>
          %sub3A_191 = arith.constant 1.000000e+00 : f32
          %sub3A_192 = vector.broadcast %sub3A_191 : f32 to vector<16xf32>
          %sub3A_193 = arith.subf %exp3A, %sub3A_192 : vector<16xf32>
          %select_n3A_194 = arith.select %gt3A_188, %scan3A_184#0, %sub3A_193 : vector<16xi1>, vector<16xf32>
          %swap3A_195 = arith.constant 0 : index
          %swap3A_196 = tpu.vector_load %arg27[%swap3A_195] {strides = array<i32>} : memref<528xf32, #tpu.memory_space<vmem>>, vector<16xf32>,
          tpu.vector_store %arg27[%swap3A_195], %select_n3A_194 {strides = array<i32>} : memref<528xf32, #tpu.memory_space<vmem>>, vector<16xf32>,
          %gt3A_197 = arith.constant 0.000000e+00 : f32
          %gt3A_198 = vector.broadcast %gt3A_197 : f32 to vector<16xf32>
          %gt3A_199 = arith.cmpf ogt, %scan3A_184#1, %gt3A_198 : vector<16xf32>
          %min3A_200 = arith.constant 0.000000e+00 : f32
          %min3A_201 = vector.broadcast %min3A_200 : f32 to vector<16xf32>
          %min3A_202 = arith.minimumf %scan3A_184#1, %min3A_201 : vector<16xf32>
          %exp3A_203 = math.exp %min3A_202 : vector<16xf32>
          %sub3A_204 = arith.constant 1.000000e+00 : f32
          %sub3A_205 = vector.broadcast %sub3A_204 : f32 to vector<16xf32>
          %sub3A_206 = arith.subf %exp3A_203, %sub3A_205 : vector<16xf32>
          %select_n3A_207 = arith.select %gt3A_199, %scan3A_184#1, %sub3A_206 : vector<16xi1>, vector<16xf32>
          %swap3A_208 = arith.constant 16 : index
          %swap3A_209 = tpu.vector_load %arg27[%swap3A_208] {strides = array<i32>} : memref<528xf32, #tpu.memory_space<vmem>>, vector<16xf32>,
          tpu.vector_store %arg27[%swap3A_208], %select_n3A_207 {strides = array<i32>} : memref<528xf32, #tpu.memory_space<vmem>>, vector<16xf32>,
          %gt3A_210 = arith.constant 0.000000e+00 : f32
          %gt3A_211 = vector.broadcast %gt3A_210 : f32 to vector<16xf32>
          %gt3A_212 = arith.cmpf ogt, %scan3A_184#2, %gt3A_211 : vector<16xf32>
          %min3A_213 = arith.constant 0.000000e+00 : f32
          %min3A_214 = vector.broadcast %min3A_213 : f32 to vector<16xf32>
          %min3A_215 = arith.minimumf %scan3A_184#2, %min3A_214 : vector<16xf32>
          %exp3A_216 = math.exp %min3A_215 : vector<16xf32>
          %sub3A_217 = arith.constant 1.000000e+00 : f32
          %sub3A_218 = vector.broadcast %sub3A_217 : f32 to vector<16xf32>
          %sub3A_219 = arith.subf %exp3A_216, %sub3A_218 : vector<16xf32>
          %select_n3A_220 = arith.select %gt3A_212, %scan3A_184#2, %sub3A_219 : vector<16xi1>, vector<16xf32>
          %swap3A_221 = arith.constant 32 : index
          %swap3A_222 = tpu.vector_load %arg27[%swap3A_221] {strides = array<i32>} : memref<528xf32, #tpu.memory_space<vmem>>, vector<16xf32>,
          tpu.vector_store %arg27[%swap3A_221], %select_n3A_220 {strides = array<i32>} : memref<528xf32, #tpu.memory_space<vmem>>, vector<16xf32>,
          %gt3A_223 = arith.constant 0.000000e+00 : f32
          %gt3A_224 = vector.broadcast %gt3A_223 : f32 to vector<16xf32>
          %gt3A_225 = arith.cmpf ogt, %scan3A_184#3, %gt3A_224 : vector<16xf32>
          %min3A_226 = arith.constant 0.000000e+00 : f32
          %min3A_227 = vector.broadcast %min3A_226 : f32 to vector<16xf32>
          %min3A_228 = arith.minimumf %scan3A_184#3, %min3A_227 : vector<16xf32>
          %exp3A_229 = math.exp %min3A_228 : vector<16xf32>
          %sub3A_230 = arith.constant 1.000000e+00 : f32
          %sub3A_231 = vector.broadcast %sub3A_230 : f32 to vector<16xf32>
          %sub3A_232 = arith.subf %exp3A_229, %sub3A_231 : vector<16xf32>
          %select_n3A_233 = arith.select %gt3A_225, %scan3A_184#3, %sub3A_232 : vector<16xi1>, vector<16xf32>
          %swap3A_234 = arith.constant 48 : index
          %swap3A_235 = tpu.vector_load %arg27[%swap3A_234] {strides = array<i32>} : memref<528xf32, #tpu.memory_space<vmem>>, vector<16xf32>,
          tpu.vector_store %arg27[%swap3A_234], %select_n3A_233 {strides = array<i32>} : memref<528xf32, #tpu.memory_space<vmem>>, vector<16xf32>,
          %gt3A_236 = arith.constant 0.000000e+00 : f32
          %gt3A_237 = vector.broadcast %gt3A_236 : f32 to vector<16xf32>
          %gt3A_238 = arith.cmpf ogt, %scan3A_184#4, %gt3A_237 : vector<16xf32>
          %min3A_239 = arith.constant 0.000000e+00 : f32
          %min3A_240 = vector.broadcast %min3A_239 : f32 to vector<16xf32>
          %min3A_241 = arith.minimumf %scan3A_184#4, %min3A_240 : vector<16xf32>
          %exp3A_242 = math.exp %min3A_241 : vector<16xf32>
          %sub3A_243 = arith.constant 1.000000e+00 : f32
          %sub3A_244 = vector.broadcast %sub3A_243 : f32 to vector<16xf32>
          %sub3A_245 = arith.subf %exp3A_242, %sub3A_244 : vector<16xf32>
          %select_n3A_246 = arith.select %gt3A_238, %scan3A_184#4, %sub3A_245 : vector<16xi1>, vector<16xf32>
          %swap3A_247 = arith.constant 64 : index
          %swap3A_248 = tpu.vector_load %arg27[%swap3A_247] {strides = array<i32>} : memref<528xf32, #tpu.memory_space<vmem>>, vector<16xf32>,
          tpu.vector_store %arg27[%swap3A_247], %select_n3A_246 {strides = array<i32>} : memref<528xf32, #tpu.memory_space<vmem>>, vector<16xf32>,
          %gt3A_249 = arith.constant 0.000000e+00 : f32
          %gt3A_250 = vector.broadcast %gt3A_249 : f32 to vector<16xf32>
          %gt3A_251 = arith.cmpf ogt, %scan3A_184#5, %gt3A_250 : vector<16xf32>
          %min3A_252 = arith.constant 0.000000e+00 : f32
          %min3A_253 = vector.broadcast %min3A_252 : f32 to vector<16xf32>
          %min3A_254 = arith.minimumf %scan3A_184#5, %min3A_253 : vector<16xf32>
          %exp3A_255 = math.exp %min3A_254 : vector<16xf32>
          %sub3A_256 = arith.constant 1.000000e+00 : f32
          %sub3A_257 = vector.broadcast %sub3A_256 : f32 to vector<16xf32>
          %sub3A_258 = arith.subf %exp3A_255, %sub3A_257 : vector<16xf32>
          %select_n3A_259 = arith.select %gt3A_251, %scan3A_184#5, %sub3A_258 : vector<16xi1>, vector<16xf32>
          %swap3A_260 = arith.constant 80 : index
          %swap3A_261 = tpu.vector_load %arg27[%swap3A_260] {strides = array<i32>} : memref<528xf32, #tpu.memory_space<vmem>>, vector<16xf32>,
          tpu.vector_store %arg27[%swap3A_260], %select_n3A_259 {strides = array<i32>} : memref<528xf32, #tpu.memory_space<vmem>>, vector<16xf32>,
          %gt3A_262 = arith.constant 0.000000e+00 : f32
          %gt3A_263 = vector.broadcast %gt3A_262 : f32 to vector<16xf32>
          %gt3A_264 = arith.cmpf ogt, %scan3A_184#6, %gt3A_263 : vector<16xf32>
          %min3A_265 = arith.constant 0.000000e+00 : f32
          %min3A_266 = vector.broadcast %min3A_265 : f32 to vector<16xf32>
          %min3A_267 = arith.minimumf %scan3A_184#6, %min3A_266 : vector<16xf32>
          %exp3A_268 = math.exp %min3A_267 : vector<16xf32>
          %sub3A_269 = arith.constant 1.000000e+00 : f32
          %sub3A_270 = vector.broadcast %sub3A_269 : f32 to vector<16xf32>
          %sub3A_271 = arith.subf %exp3A_268, %sub3A_270 : vector<16xf32>
          %select_n3A_272 = arith.select %gt3A_264, %scan3A_184#6, %sub3A_271 : vector<16xi1>, vector<16xf32>
          %swap3A_273 = arith.constant 96 : index
          %swap3A_274 = tpu.vector_load %arg27[%swap3A_273] {strides = array<i32>} : memref<528xf32, #tpu.memory_space<vmem>>, vector<16xf32>,
          tpu.vector_store %arg27[%swap3A_273], %select_n3A_272 {strides = array<i32>} : memref<528xf32, #tpu.memory_space<vmem>>, vector<16xf32>,
          %gt3A_275 = arith.constant 0.000000e+00 : f32
          %gt3A_276 = vector.broadcast %gt3A_275 : f32 to vector<16xf32>
          %gt3A_277 = arith.cmpf ogt, %scan3A_184#7, %gt3A_276 : vector<16xf32>
          %min3A_278 = arith.constant 0.000000e+00 : f32
          %min3A_279 = vector.broadcast %min3A_278 : f32 to vector<16xf32>
          %min3A_280 = arith.minimumf %scan3A_184#7, %min3A_279 : vector<16xf32>
          %exp3A_281 = math.exp %min3A_280 : vector<16xf32>
          %sub3A_282 = arith.constant 1.000000e+00 : f32
          %sub3A_283 = vector.broadcast %sub3A_282 : f32 to vector<16xf32>
          %sub3A_284 = arith.subf %exp3A_281, %sub3A_283 : vector<16xf32>
          %select_n3A_285 = arith.select %gt3A_277, %scan3A_184#7, %sub3A_284 : vector<16xi1>, vector<16xf32>
          %swap3A_286 = arith.constant 112 : index
          %swap3A_287 = tpu.vector_load %arg27[%swap3A_286] {strides = array<i32>} : memref<528xf32, #tpu.memory_space<vmem>>, vector<16xf32>,
          tpu.vector_store %arg27[%swap3A_286], %select_n3A_285 {strides = array<i32>} : memref<528xf32, #tpu.memory_space<vmem>>, vector<16xf32>,
          %get3A_288 = arith.constant 28016 : index
          %get3A_289 = tpu.vector_load %arg10[%get3A_288] {strides = array<i32>} : memref<28192xf32, #tpu.memory_space<vmem>>, vector<16xf32>,
          %get3A_290 = arith.constant 28032 : index
          %get3A_291 = tpu.vector_load %arg10[%get3A_290] {strides = array<i32>} : memref<28192xf32, #tpu.memory_space<vmem>>, vector<16xf32>,
          %get3A_292 = arith.constant 28048 : index
          %get3A_293 = tpu.vector_load %arg10[%get3A_292] {strides = array<i32>} : memref<28192xf32, #tpu.memory_space<vmem>>, vector<16xf32>,
          %get3A_294 = arith.constant 28064 : index
          %get3A_295 = tpu.vector_load %arg10[%get3A_294] {strides = array<i32>} : memref<28192xf32, #tpu.memory_space<vmem>>, vector<16xf32>,
          %get3A_296 = arith.constant 28080 : index
          %get3A_297 = tpu.vector_load %arg10[%get3A_296] {strides = array<i32>} : memref<28192xf32, #tpu.memory_space<vmem>>, vector<16xf32>,
          %get3A_298 = arith.constant 28096 : index
          %get3A_299 = tpu.vector_load %arg10[%get3A_298] {strides = array<i32>} : memref<28192xf32, #tpu.memory_space<vmem>>, vector<16xf32>,
          %get3A_300 = arith.constant 28112 : index
          %get3A_301 = tpu.vector_load %arg10[%get3A_300] {strides = array<i32>} : memref<28192xf32, #tpu.memory_space<vmem>>, vector<16xf32>,
          %get3A_302 = arith.constant 28128 : index
          %get3A_303 = tpu.vector_load %arg10[%get3A_302] {strides = array<i32>} : memref<28192xf32, #tpu.memory_space<vmem>>, vector<16xf32>,
          %scan3A_304 = arith.constant 0 : i32
          %scan3A_305 = arith.constant 128 : i32
          %scan3A_306 = arith.addi %scan3A_304, %scan3A_305 : i32
          %scan3A_307 = arith.constant 4 : i32
          %scan3A_308:8 = scf.for %scan3A_529 = %scan3A_304 to %scan3A_306 step %scan3A_307 iter_args(%scan3A_530 = %get3A_289, %scan3A_531 = %get3A_291, %scan3A_532 = %get3A_293, %scan3A_533 = %get3A_295, %scan3A_534 = %get3A_297, %scan3A_535 = %get3A_299, %scan3A_536 = %get3A_301, %scan3A_537 = %get3A_303) -> (vector<16xf32>, vector<16xf32>, vector<16xf32>, vector<16xf32>, vector<16xf32>, vector<16xf32>, vector<16xf32>, vector<16xf32>)  : i32 {
            %get3A_538 = arith.index_cast %scan3A_529 : i32 to index
            %get3A_539 = tpu.vector_load %arg27[%get3A_538] {strides = array<i32>} : memref<528xf32, #tpu.memory_space<vmem>>, vector<16xf32>,
            %slice3A_540 = vector.extract_strided_slice %get3A_539 {offsets = [0], sizes = [1], strides = [1]} : vector<16xf32> to vector<1xf32>
            %squeeze3A_541 = vector.extract %slice3A_540[0] : f32 from vector<1xf32>
            %mul3A_542 = arith.constant 128 : i32
            %mul3A_543 = arith.muli %scan3A_529, %mul3A_542 : i32
            %add3A_544 = arith.constant 11248 : i32
            %add3A_545 = arith.addi %add3A_544, %mul3A_543 : i32
            %add3A_546 = arith.constant 0 : i32
            %add3A_547 = arith.addi %add3A_545, %add3A_546 : i32
            %get3A_548 = arith.index_cast %add3A_547 : i32 to index
            %get3A_549 = tpu.vector_load %arg10[%get3A_548] {strides = array<i32>} : memref<28192xf32, #tpu.memory_space<vmem>>, vector<16xf32>,
            %mul3A_550 = vector.broadcast %squeeze3A_541 : f32 to vector<16xf32>
            %mul3A_551 = arith.mulf %mul3A_550, %get3A_549 : vector<16xf32>
            %add3A_552 = arith.addf %scan3A_530, %mul3A_551 : vector<16xf32>
            %mul3A_553 = arith.constant 128 : i32
            %mul3A_554 = arith.muli %scan3A_529, %mul3A_553 : i32
            %add3A_555 = arith.constant 11248 : i32
            %add3A_556 = arith.addi %add3A_555, %mul3A_554 : i32
            %add3A_557 = arith.constant 16 : i32
            %add3A_558 = arith.addi %add3A_556, %add3A_557 : i32
            %get3A_559 = arith.index_cast %add3A_558 : i32 to index
            %get3A_560 = tpu.vector_load %arg10[%get3A_559] {strides = array<i32>} : memref<28192xf32, #tpu.memory_space<vmem>>, vector<16xf32>,
            %mul3A_561 = vector.broadcast %squeeze3A_541 : f32 to vector<16xf32>
            %mul3A_562 = arith.mulf %mul3A_561, %get3A_560 : vector<16xf32>
            %add3A_563 = arith.addf %scan3A_531, %mul3A_562 : vector<16xf32>
            %mul3A_564 = arith.constant 128 : i32
            %mul3A_565 = arith.muli %scan3A_529, %mul3A_564 : i32
            %add3A_566 = arith.constant 11248 : i32
            %add3A_567 = arith.addi %add3A_566, %mul3A_565 : i32
            %add3A_568 = arith.constant 32 : i32
            %add3A_569 = arith.addi %add3A_567, %add3A_568 : i32
            %get3A_570 = arith.index_cast %add3A_569 : i32 to index
            %get3A_571 = tpu.vector_load %arg10[%get3A_570] {strides = array<i32>} : memref<28192xf32, #tpu.memory_space<vmem>>, vector<16xf32>,
            %mul3A_572 = vector.broadcast %squeeze3A_541 : f32 to vector<16xf32>
            %mul3A_573 = arith.mulf %mul3A_572, %get3A_571 : vector<16xf32>
            %add3A_574 = arith.addf %scan3A_532, %mul3A_573 : vector<16xf32>
            %mul3A_575 = arith.constant 128 : i32
            %mul3A_576 = arith.muli %scan3A_529, %mul3A_575 : i32
            %add3A_577 = arith.constant 11248 : i32
            %add3A_578 = arith.addi %add3A_577, %mul3A_576 : i32
            %add3A_579 = arith.constant 48 : i32
            %add3A_580 = arith.addi %add3A_578, %add3A_579 : i32
            %get3A_581 = arith.index_cast %add3A_580 : i32 to index
            %get3A_582 = tpu.vector_load %arg10[%get3A_581] {strides = array<i32>} : memref<28192xf32, #tpu.memory_space<vmem>>, vector<16xf32>,
            %mul3A_583 = vector.broadcast %squeeze3A_541 : f32 to vector<16xf32>
            %mul3A_584 = arith.mulf %mul3A_583, %get3A_582 : vector<16xf32>
            %add3A_585 = arith.addf %scan3A_533, %mul3A_584 : vector<16xf32>
            %mul3A_586 = arith.constant 128 : i32
            %mul3A_587 = arith.muli %scan3A_529, %mul3A_586 : i32
            %add3A_588 = arith.constant 11248 : i32
            %add3A_589 = arith.addi %add3A_588, %mul3A_587 : i32
            %add3A_590 = arith.constant 64 : i32
            %add3A_591 = arith.addi %add3A_589, %add3A_590 : i32
            %get3A_592 = arith.index_cast %add3A_591 : i32 to index
            %get3A_593 = tpu.vector_load %arg10[%get3A_592] {strides = array<i32>} : memref<28192xf32, #tpu.memory_space<vmem>>, vector<16xf32>,
            %mul3A_594 = vector.broadcast %squeeze3A_541 : f32 to vector<16xf32>
            %mul3A_595 = arith.mulf %mul3A_594, %get3A_593 : vector<16xf32>
            %add3A_596 = arith.addf %scan3A_534, %mul3A_595 : vector<16xf32>
            %mul3A_597 = arith.constant 128 : i32
            %mul3A_598 = arith.muli %scan3A_529, %mul3A_597 : i32
            %add3A_599 = arith.constant 11248 : i32
            %add3A_600 = arith.addi %add3A_599, %mul3A_598 : i32
            %add3A_601 = arith.constant 80 : i32
            %add3A_602 = arith.addi %add3A_600, %add3A_601 : i32
            %get3A_603 = arith.index_cast %add3A_602 : i32 to index
            %get3A_604 = tpu.vector_load %arg10[%get3A_603] {strides = array<i32>} : memref<28192xf32, #tpu.memory_space<vmem>>, vector<16xf32>,
            %mul3A_605 = vector.broadcast %squeeze3A_541 : f32 to vector<16xf32>
            %mul3A_606 = arith.mulf %mul3A_605, %get3A_604 : vector<16xf32>
            %add3A_607 = arith.addf %scan3A_535, %mul3A_606 : vector<16xf32>
            %mul3A_608 = arith.constant 128 : i32
            %mul3A_609 = arith.muli %scan3A_529, %mul3A_608 : i32
            %add3A_610 = arith.constant 11248 : i32
            %add3A_611 = arith.addi %add3A_610, %mul3A_609 : i32
            %add3A_612 = arith.constant 96 : i32
            %add3A_613 = arith.addi %add3A_611, %add3A_612 : i32
            %get3A_614 = arith.index_cast %add3A_613 : i32 to index
            %get3A_615 = tpu.vector_load %arg10[%get3A_614] {strides = array<i32>} : memref<28192xf32, #tpu.memory_space<vmem>>, vector<16xf32>,
            %mul3A_616 = vector.broadcast %squeeze3A_541 : f32 to vector<16xf32>
            %mul3A_617 = arith.mulf %mul3A_616, %get3A_615 : vector<16xf32>
            %add3A_618 = arith.addf %scan3A_536, %mul3A_617 : vector<16xf32>
            %mul3A_619 = arith.constant 128 : i32
            %mul3A_620 = arith.muli %scan3A_529, %mul3A_619 : i32
            %add3A_621 = arith.constant 11248 : i32
            %add3A_622 = arith.addi %add3A_621, %mul3A_620 : i32
            %add3A_623 = arith.constant 112 : i32
            %add3A_624 = arith.addi %add3A_622, %add3A_623 : i32
            %get3A_625 = arith.index_cast %add3A_624 : i32 to index
            %get3A_626 = tpu.vector_load %arg10[%get3A_625] {strides = array<i32>} : memref<28192xf32, #tpu.memory_space<vmem>>, vector<16xf32>,
            %mul3A_627 = vector.broadcast %squeeze3A_541 : f32 to vector<16xf32>
            %mul3A_628 = arith.mulf %mul3A_627, %get3A_626 : vector<16xf32>
            %add3A_629 = arith.addf %scan3A_537, %mul3A_628 : vector<16xf32>
            %scan3A_630 = arith.constant 1 : i32
            %scan3A_631 = arith.addi %scan3A_529, %scan3A_630 : i32
            %get3A_632 = arith.index_cast %scan3A_631 : i32 to index
            %get3A_633 = tpu.vector_load %arg27[%get3A_632] {strides = array<i32>} : memref<528xf32, #tpu.memory_space<vmem>>, vector<16xf32>,
            %slice3A_634 = vector.extract_strided_slice %get3A_633 {offsets = [0], sizes = [1], strides = [1]} : vector<16xf32> to vector<1xf32>
            %squeeze3A_635 = vector.extract %slice3A_634[0] : f32 from vector<1xf32>
            %mul3A_636 = arith.constant 128 : i32
            %mul3A_637 = arith.muli %scan3A_631, %mul3A_636 : i32
            %add3A_638 = arith.constant 11248 : i32
            %add3A_639 = arith.addi %add3A_638, %mul3A_637 : i32
            %add3A_640 = arith.constant 0 : i32
            %add3A_641 = arith.addi %add3A_639, %add3A_640 : i32
            %get3A_642 = arith.index_cast %add3A_641 : i32 to index
            %get3A_643 = tpu.vector_load %arg10[%get3A_642] {strides = array<i32>} : memref<28192xf32, #tpu.memory_space<vmem>>, vector<16xf32>,
            %mul3A_644 = vector.broadcast %squeeze3A_635 : f32 to vector<16xf32>
            %mul3A_645 = arith.mulf %mul3A_644, %get3A_643 : vector<16xf32>
            %add3A_646 = arith.addf %add3A_552, %mul3A_645 : vector<16xf32>
            %mul3A_647 = arith.constant 128 : i32
            %mul3A_648 = arith.muli %scan3A_631, %mul3A_647 : i32
            %add3A_649 = arith.constant 11248 : i32
            %add3A_650 = arith.addi %add3A_649, %mul3A_648 : i32
            %add3A_651 = arith.constant 16 : i32
            %add3A_652 = arith.addi %add3A_650, %add3A_651 : i32
            %get3A_653 = arith.index_cast %add3A_652 : i32 to index
            %get3A_654 = tpu.vector_load %arg10[%get3A_653] {strides = array<i32>} : memref<28192xf32, #tpu.memory_space<vmem>>, vector<16xf32>,
            %mul3A_655 = vector.broadcast %squeeze3A_635 : f32 to vector<16xf32>
            %mul3A_656 = arith.mulf %mul3A_655, %get3A_654 : vector<16xf32>
            %add3A_657 = arith.addf %add3A_563, %mul3A_656 : vector<16xf32>
            %mul3A_658 = arith.constant 128 : i32
            %mul3A_659 = arith.muli %scan3A_631, %mul3A_658 : i32
            %add3A_660 = arith.constant 11248 : i32
            %add3A_661 = arith.addi %add3A_660, %mul3A_659 : i32
            %add3A_662 = arith.constant 32 : i32
            %add3A_663 = arith.addi %add3A_661, %add3A_662 : i32
            %get3A_664 = arith.index_cast %add3A_663 : i32 to index
            %get3A_665 = tpu.vector_load %arg10[%get3A_664] {strides = array<i32>} : memref<28192xf32, #tpu.memory_space<vmem>>, vector<16xf32>,
            %mul3A_666 = vector.broadcast %squeeze3A_635 : f32 to vector<16xf32>
            %mul3A_667 = arith.mulf %mul3A_666, %get3A_665 : vector<16xf32>
            %add3A_668 = arith.addf %add3A_574, %mul3A_667 : vector<16xf32>
            %mul3A_669 = arith.constant 128 : i32
            %mul3A_670 = arith.muli %scan3A_631, %mul3A_669 : i32
            %add3A_671 = arith.constant 11248 : i32
            %add3A_672 = arith.addi %add3A_671, %mul3A_670 : i32
            %add3A_673 = arith.constant 48 : i32
            %add3A_674 = arith.addi %add3A_672, %add3A_673 : i32
            %get3A_675 = arith.index_cast %add3A_674 : i32 to index
            %get3A_676 = tpu.vector_load %arg10[%get3A_675] {strides = array<i32>} : memref<28192xf32, #tpu.memory_space<vmem>>, vector<16xf32>,
            %mul3A_677 = vector.broadcast %squeeze3A_635 : f32 to vector<16xf32>
            %mul3A_678 = arith.mulf %mul3A_677, %get3A_676 : vector<16xf32>
            %add3A_679 = arith.addf %add3A_585, %mul3A_678 : vector<16xf32>
            %mul3A_680 = arith.constant 128 : i32
            %mul3A_681 = arith.muli %scan3A_631, %mul3A_680 : i32
            %add3A_682 = arith.constant 11248 : i32
            %add3A_683 = arith.addi %add3A_682, %mul3A_681 : i32
            %add3A_684 = arith.constant 64 : i32
            %add3A_685 = arith.addi %add3A_683, %add3A_684 : i32
            %get3A_686 = arith.index_cast %add3A_685 : i32 to index
            %get3A_687 = tpu.vector_load %arg10[%get3A_686] {strides = array<i32>} : memref<28192xf32, #tpu.memory_space<vmem>>, vector<16xf32>,
            %mul3A_688 = vector.broadcast %squeeze3A_635 : f32 to vector<16xf32>
            %mul3A_689 = arith.mulf %mul3A_688, %get3A_687 : vector<16xf32>
            %add3A_690 = arith.addf %add3A_596, %mul3A_689 : vector<16xf32>
            %mul3A_691 = arith.constant 128 : i32
            %mul3A_692 = arith.muli %scan3A_631, %mul3A_691 : i32
            %add3A_693 = arith.constant 11248 : i32
            %add3A_694 = arith.addi %add3A_693, %mul3A_692 : i32
            %add3A_695 = arith.constant 80 : i32
            %add3A_696 = arith.addi %add3A_694, %add3A_695 : i32
            %get3A_697 = arith.index_cast %add3A_696 : i32 to index
            %get3A_698 = tpu.vector_load %arg10[%get3A_697] {strides = array<i32>} : memref<28192xf32, #tpu.memory_space<vmem>>, vector<16xf32>,
            %mul3A_699 = vector.broadcast %squeeze3A_635 : f32 to vector<16xf32>
            %mul3A_700 = arith.mulf %mul3A_699, %get3A_698 : vector<16xf32>
            %add3A_701 = arith.addf %add3A_607, %mul3A_700 : vector<16xf32>
            %mul3A_702 = arith.constant 128 : i32
            %mul3A_703 = arith.muli %scan3A_631, %mul3A_702 : i32
            %add3A_704 = arith.constant 11248 : i32
            %add3A_705 = arith.addi %add3A_704, %mul3A_703 : i32
            %add3A_706 = arith.constant 96 : i32
            %add3A_707 = arith.addi %add3A_705, %add3A_706 : i32
            %get3A_708 = arith.index_cast %add3A_707 : i32 to index
            %get3A_709 = tpu.vector_load %arg10[%get3A_708] {strides = array<i32>} : memref<28192xf32, #tpu.memory_space<vmem>>, vector<16xf32>,
            %mul3A_710 = vector.broadcast %squeeze3A_635 : f32 to vector<16xf32>
            %mul3A_711 = arith.mulf %mul3A_710, %get3A_709 : vector<16xf32>
            %add3A_712 = arith.addf %add3A_618, %mul3A_711 : vector<16xf32>
            %mul3A_713 = arith.constant 128 : i32
            %mul3A_714 = arith.muli %scan3A_631, %mul3A_713 : i32
            %add3A_715 = arith.constant 11248 : i32
            %add3A_716 = arith.addi %add3A_715, %mul3A_714 : i32
            %add3A_717 = arith.constant 112 : i32
            %add3A_718 = arith.addi %add3A_716, %add3A_717 : i32
            %get3A_719 = arith.index_cast %add3A_718 : i32 to index
            %get3A_720 = tpu.vector_load %arg10[%get3A_719] {strides = array<i32>} : memref<28192xf32, #tpu.memory_space<vmem>>, vector<16xf32>,
            %mul3A_721 = vector.broadcast %squeeze3A_635 : f32 to vector<16xf32>
            %mul3A_722 = arith.mulf %mul3A_721, %get3A_720 : vector<16xf32>
            %add3A_723 = arith.addf %add3A_629, %mul3A_722 : vector<16xf32>
            %scan3A_724 = arith.constant 2 : i32
            %scan3A_725 = arith.addi %scan3A_529, %scan3A_724 : i32
            %get3A_726 = arith.index_cast %scan3A_725 : i32 to index
            %get3A_727 = tpu.vector_load %arg27[%get3A_726] {strides = array<i32>} : memref<528xf32, #tpu.memory_space<vmem>>, vector<16xf32>,
            %slice3A_728 = vector.extract_strided_slice %get3A_727 {offsets = [0], sizes = [1], strides = [1]} : vector<16xf32> to vector<1xf32>
            %squeeze3A_729 = vector.extract %slice3A_728[0] : f32 from vector<1xf32>
            %mul3A_730 = arith.constant 128 : i32
            %mul3A_731 = arith.muli %scan3A_725, %mul3A_730 : i32
            %add3A_732 = arith.constant 11248 : i32
            %add3A_733 = arith.addi %add3A_732, %mul3A_731 : i32
            %add3A_734 = arith.constant 0 : i32
            %add3A_735 = arith.addi %add3A_733, %add3A_734 : i32
            %get3A_736 = arith.index_cast %add3A_735 : i32 to index
            %get3A_737 = tpu.vector_load %arg10[%get3A_736] {strides = array<i32>} : memref<28192xf32, #tpu.memory_space<vmem>>, vector<16xf32>,
            %mul3A_738 = vector.broadcast %squeeze3A_729 : f32 to vector<16xf32>
            %mul3A_739 = arith.mulf %mul3A_738, %get3A_737 : vector<16xf32>
            %add3A_740 = arith.addf %add3A_646, %mul3A_739 : vector<16xf32>
            %mul3A_741 = arith.constant 128 : i32
            %mul3A_742 = arith.muli %scan3A_725, %mul3A_741 : i32
            %add3A_743 = arith.constant 11248 : i32
            %add3A_744 = arith.addi %add3A_743, %mul3A_742 : i32
            %add3A_745 = arith.constant 16 : i32
            %add3A_746 = arith.addi %add3A_744, %add3A_745 : i32
            %get3A_747 = arith.index_cast %add3A_746 : i32 to index
            %get3A_748 = tpu.vector_load %arg10[%get3A_747] {strides = array<i32>} : memref<28192xf32, #tpu.memory_space<vmem>>, vector<16xf32>,
            %mul3A_749 = vector.broadcast %squeeze3A_729 : f32 to vector<16xf32>
            %mul3A_750 = arith.mulf %mul3A_749, %get3A_748 : vector<16xf32>
            %add3A_751 = arith.addf %add3A_657, %mul3A_750 : vector<16xf32>
            %mul3A_752 = arith.constant 128 : i32
            %mul3A_753 = arith.muli %scan3A_725, %mul3A_752 : i32
            %add3A_754 = arith.constant 11248 : i32
            %add3A_755 = arith.addi %add3A_754, %mul3A_753 : i32
            %add3A_756 = arith.constant 32 : i32
            %add3A_757 = arith.addi %add3A_755, %add3A_756 : i32
            %get3A_758 = arith.index_cast %add3A_757 : i32 to index
            %get3A_759 = tpu.vector_load %arg10[%get3A_758] {strides = array<i32>} : memref<28192xf32, #tpu.memory_space<vmem>>, vector<16xf32>,
            %mul3A_760 = vector.broadcast %squeeze3A_729 : f32 to vector<16xf32>
            %mul3A_761 = arith.mulf %mul3A_760, %get3A_759 : vector<16xf32>
            %add3A_762 = arith.addf %add3A_668, %mul3A_761 : vector<16xf32>
            %mul3A_763 = arith.constant 128 : i32
            %mul3A_764 = arith.muli %scan3A_725, %mul3A_763 : i32
            %add3A_765 = arith.constant 11248 : i32
            %add3A_766 = arith.addi %add3A_765, %mul3A_764 : i32
            %add3A_767 = arith.constant 48 : i32
            %add3A_768 = arith.addi %add3A_766, %add3A_767 : i32
            %get3A_769 = arith.index_cast %add3A_768 : i32 to index
            %get3A_770 = tpu.vector_load %arg10[%get3A_769] {strides = array<i32>} : memref<28192xf32, #tpu.memory_space<vmem>>, vector<16xf32>,
            %mul3A_771 = vector.broadcast %squeeze3A_729 : f32 to vector<16xf32>
            %mul3A_772 = arith.mulf %mul3A_771, %get3A_770 : vector<16xf32>
            %add3A_773 = arith.addf %add3A_679, %mul3A_772 : vector<16xf32>
            %mul3A_774 = arith.constant 128 : i32
            %mul3A_775 = arith.muli %scan3A_725, %mul3A_774 : i32
            %add3A_776 = arith.constant 11248 : i32
            %add3A_777 = arith.addi %add3A_776, %mul3A_775 : i32
            %add3A_778 = arith.constant 64 : i32
            %add3A_779 = arith.addi %add3A_777, %add3A_778 : i32
            %get3A_780 = arith.index_cast %add3A_779 : i32 to index
            %get3A_781 = tpu.vector_load %arg10[%get3A_780] {strides = array<i32>} : memref<28192xf32, #tpu.memory_space<vmem>>, vector<16xf32>,
            %mul3A_782 = vector.broadcast %squeeze3A_729 : f32 to vector<16xf32>
            %mul3A_783 = arith.mulf %mul3A_782, %get3A_781 : vector<16xf32>
            %add3A_784 = arith.addf %add3A_690, %mul3A_783 : vector<16xf32>
            %mul3A_785 = arith.constant 128 : i32
            %mul3A_786 = arith.muli %scan3A_725, %mul3A_785 : i32
            %add3A_787 = arith.constant 11248 : i32
            %add3A_788 = arith.addi %add3A_787, %mul3A_786 : i32
            %add3A_789 = arith.constant 80 : i32
            %add3A_790 = arith.addi %add3A_788, %add3A_789 : i32
            %get3A_791 = arith.index_cast %add3A_790 : i32 to index
            %get3A_792 = tpu.vector_load %arg10[%get3A_791] {strides = array<i32>} : memref<28192xf32, #tpu.memory_space<vmem>>, vector<16xf32>,
            %mul3A_793 = vector.broadcast %squeeze3A_729 : f32 to vector<16xf32>
            %mul3A_794 = arith.mulf %mul3A_793, %get3A_792 : vector<16xf32>
            %add3A_795 = arith.addf %add3A_701, %mul3A_794 : vector<16xf32>
            %mul3A_796 = arith.constant 128 : i32
            %mul3A_797 = arith.muli %scan3A_725, %mul3A_796 : i32
            %add3A_798 = arith.constant 11248 : i32
            %add3A_799 = arith.addi %add3A_798, %mul3A_797 : i32
            %add3A_800 = arith.constant 96 : i32
            %add3A_801 = arith.addi %add3A_799, %add3A_800 : i32
            %get3A_802 = arith.index_cast %add3A_801 : i32 to index
            %get3A_803 = tpu.vector_load %arg10[%get3A_802] {strides = array<i32>} : memref<28192xf32, #tpu.memory_space<vmem>>, vector<16xf32>,
            %mul3A_804 = vector.broadcast %squeeze3A_729 : f32 to vector<16xf32>
            %mul3A_805 = arith.mulf %mul3A_804, %get3A_803 : vector<16xf32>
            %add3A_806 = arith.addf %add3A_712, %mul3A_805 : vector<16xf32>
            %mul3A_807 = arith.constant 128 : i32
            %mul3A_808 = arith.muli %scan3A_725, %mul3A_807 : i32
            %add3A_809 = arith.constant 11248 : i32
            %add3A_810 = arith.addi %add3A_809, %mul3A_808 : i32
            %add3A_811 = arith.constant 112 : i32
            %add3A_812 = arith.addi %add3A_810, %add3A_811 : i32
            %get3A_813 = arith.index_cast %add3A_812 : i32 to index
            %get3A_814 = tpu.vector_load %arg10[%get3A_813] {strides = array<i32>} : memref<28192xf32, #tpu.memory_space<vmem>>, vector<16xf32>,
            %mul3A_815 = vector.broadcast %squeeze3A_729 : f32 to vector<16xf32>
            %mul3A_816 = arith.mulf %mul3A_815, %get3A_814 : vector<16xf32>
            %add3A_817 = arith.addf %add3A_723, %mul3A_816 : vector<16xf32>
            %scan3A_818 = arith.constant 3 : i32
            %scan3A_819 = arith.addi %scan3A_529, %scan3A_818 : i32
            %get3A_820 = arith.index_cast %scan3A_819 : i32 to index
            %get3A_821 = tpu.vector_load %arg27[%get3A_820] {strides = array<i32>} : memref<528xf32, #tpu.memory_space<vmem>>, vector<16xf32>,
            %slice3A_822 = vector.extract_strided_slice %get3A_821 {offsets = [0], sizes = [1], strides = [1]} : vector<16xf32> to vector<1xf32>
            %squeeze3A_823 = vector.extract %slice3A_822[0] : f32 from vector<1xf32>
            %mul3A_824 = arith.constant 128 : i32
            %mul3A_825 = arith.muli %scan3A_819, %mul3A_824 : i32
            %add3A_826 = arith.constant 11248 : i32
            %add3A_827 = arith.addi %add3A_826, %mul3A_825 : i32
            %add3A_828 = arith.constant 0 : i32
            %add3A_829 = arith.addi %add3A_827, %add3A_828 : i32
            %get3A_830 = arith.index_cast %add3A_829 : i32 to index
            %get3A_831 = tpu.vector_load %arg10[%get3A_830] {strides = array<i32>} : memref<28192xf32, #tpu.memory_space<vmem>>, vector<16xf32>,
            %mul3A_832 = vector.broadcast %squeeze3A_823 : f32 to vector<16xf32>
            %mul3A_833 = arith.mulf %mul3A_832, %get3A_831 : vector<16xf32>
            %add3A_834 = arith.addf %add3A_740, %mul3A_833 : vector<16xf32>
            %mul3A_835 = arith.constant 128 : i32
            %mul3A_836 = arith.muli %scan3A_819, %mul3A_835 : i32
            %add3A_837 = arith.constant 11248 : i32
            %add3A_838 = arith.addi %add3A_837, %mul3A_836 : i32
            %add3A_839 = arith.constant 16 : i32
            %add3A_840 = arith.addi %add3A_838, %add3A_839 : i32
            %get3A_841 = arith.index_cast %add3A_840 : i32 to index
            %get3A_842 = tpu.vector_load %arg10[%get3A_841] {strides = array<i32>} : memref<28192xf32, #tpu.memory_space<vmem>>, vector<16xf32>,
            %mul3A_843 = vector.broadcast %squeeze3A_823 : f32 to vector<16xf32>
            %mul3A_844 = arith.mulf %mul3A_843, %get3A_842 : vector<16xf32>
            %add3A_845 = arith.addf %add3A_751, %mul3A_844 : vector<16xf32>
            %mul3A_846 = arith.constant 128 : i32
            %mul3A_847 = arith.muli %scan3A_819, %mul3A_846 : i32
            %add3A_848 = arith.constant 11248 : i32
            %add3A_849 = arith.addi %add3A_848, %mul3A_847 : i32
            %add3A_850 = arith.constant 32 : i32
            %add3A_851 = arith.addi %add3A_849, %add3A_850 : i32
            %get3A_852 = arith.index_cast %add3A_851 : i32 to index
            %get3A_853 = tpu.vector_load %arg10[%get3A_852] {strides = array<i32>} : memref<28192xf32, #tpu.memory_space<vmem>>, vector<16xf32>,
            %mul3A_854 = vector.broadcast %squeeze3A_823 : f32 to vector<16xf32>
            %mul3A_855 = arith.mulf %mul3A_854, %get3A_853 : vector<16xf32>
            %add3A_856 = arith.addf %add3A_762, %mul3A_855 : vector<16xf32>
            %mul3A_857 = arith.constant 128 : i32
            %mul3A_858 = arith.muli %scan3A_819, %mul3A_857 : i32
            %add3A_859 = arith.constant 11248 : i32
            %add3A_860 = arith.addi %add3A_859, %mul3A_858 : i32
            %add3A_861 = arith.constant 48 : i32
            %add3A_862 = arith.addi %add3A_860, %add3A_861 : i32
            %get3A_863 = arith.index_cast %add3A_862 : i32 to index
            %get3A_864 = tpu.vector_load %arg10[%get3A_863] {strides = array<i32>} : memref<28192xf32, #tpu.memory_space<vmem>>, vector<16xf32>,
            %mul3A_865 = vector.broadcast %squeeze3A_823 : f32 to vector<16xf32>
            %mul3A_866 = arith.mulf %mul3A_865, %get3A_864 : vector<16xf32>
            %add3A_867 = arith.addf %add3A_773, %mul3A_866 : vector<16xf32>
            %mul3A_868 = arith.constant 128 : i32
            %mul3A_869 = arith.muli %scan3A_819, %mul3A_868 : i32
            %add3A_870 = arith.constant 11248 : i32
            %add3A_871 = arith.addi %add3A_870, %mul3A_869 : i32
            %add3A_872 = arith.constant 64 : i32
            %add3A_873 = arith.addi %add3A_871, %add3A_872 : i32
            %get3A_874 = arith.index_cast %add3A_873 : i32 to index
            %get3A_875 = tpu.vector_load %arg10[%get3A_874] {strides = array<i32>} : memref<28192xf32, #tpu.memory_space<vmem>>, vector<16xf32>,
            %mul3A_876 = vector.broadcast %squeeze3A_823 : f32 to vector<16xf32>
            %mul3A_877 = arith.mulf %mul3A_876, %get3A_875 : vector<16xf32>
            %add3A_878 = arith.addf %add3A_784, %mul3A_877 : vector<16xf32>
            %mul3A_879 = arith.constant 128 : i32
            %mul3A_880 = arith.muli %scan3A_819, %mul3A_879 : i32
            %add3A_881 = arith.constant 11248 : i32
            %add3A_882 = arith.addi %add3A_881, %mul3A_880 : i32
            %add3A_883 = arith.constant 80 : i32
            %add3A_884 = arith.addi %add3A_882, %add3A_883 : i32
            %get3A_885 = arith.index_cast %add3A_884 : i32 to index
            %get3A_886 = tpu.vector_load %arg10[%get3A_885] {strides = array<i32>} : memref<28192xf32, #tpu.memory_space<vmem>>, vector<16xf32>,
            %mul3A_887 = vector.broadcast %squeeze3A_823 : f32 to vector<16xf32>
            %mul3A_888 = arith.mulf %mul3A_887, %get3A_886 : vector<16xf32>
            %add3A_889 = arith.addf %add3A_795, %mul3A_888 : vector<16xf32>
            %mul3A_890 = arith.constant 128 : i32
            %mul3A_891 = arith.muli %scan3A_819, %mul3A_890 : i32
            %add3A_892 = arith.constant 11248 : i32
            %add3A_893 = arith.addi %add3A_892, %mul3A_891 : i32
            %add3A_894 = arith.constant 96 : i32
            %add3A_895 = arith.addi %add3A_893, %add3A_894 : i32
            %get3A_896 = arith.index_cast %add3A_895 : i32 to index
            %get3A_897 = tpu.vector_load %arg10[%get3A_896] {strides = array<i32>} : memref<28192xf32, #tpu.memory_space<vmem>>, vector<16xf32>,
            %mul3A_898 = vector.broadcast %squeeze3A_823 : f32 to vector<16xf32>
            %mul3A_899 = arith.mulf %mul3A_898, %get3A_897 : vector<16xf32>
            %add3A_900 = arith.addf %add3A_806, %mul3A_899 : vector<16xf32>
            %mul3A_901 = arith.constant 128 : i32
            %mul3A_902 = arith.muli %scan3A_819, %mul3A_901 : i32
            %add3A_903 = arith.constant 11248 : i32
            %add3A_904 = arith.addi %add3A_903, %mul3A_902 : i32
            %add3A_905 = arith.constant 112 : i32
            %add3A_906 = arith.addi %add3A_904, %add3A_905 : i32
            %get3A_907 = arith.index_cast %add3A_906 : i32 to index
            %get3A_908 = tpu.vector_load %arg10[%get3A_907] {strides = array<i32>} : memref<28192xf32, #tpu.memory_space<vmem>>, vector<16xf32>,
            %mul3A_909 = vector.broadcast %squeeze3A_823 : f32 to vector<16xf32>
            %mul3A_910 = arith.mulf %mul3A_909, %get3A_908 : vector<16xf32>
            %add3A_911 = arith.addf %add3A_817, %mul3A_910 : vector<16xf32>
            scf.yield %add3A_834, %add3A_845, %add3A_856, %add3A_867, %add3A_878, %add3A_889, %add3A_900, %add3A_911 : vector<16xf32>, vector<16xf32>, vector<16xf32>, vector<16xf32>, vector<16xf32>, vector<16xf32>, vector<16xf32>, vector<16xf32>
          }
          %scan3A_309 = arith.constant 128 : i32
          %get3A_310 = arith.index_cast %scan3A_157 : i32 to index
          %get3A_311 = tpu.vector_load %arg22[%get3A_310] {strides = array<i32>} : memref<80xf32, #tpu.memory_space<vmem>>, vector<16xf32>,
          %slice3A_312 = vector.extract_strided_slice %get3A_311 {offsets = [0], sizes = [1], strides = [1]} : vector<16xf32> to vector<1xf32>
          %squeeze3A_313 = vector.extract %slice3A_312[0] : f32 from vector<1xf32>
          %get3A_314 = arith.index_cast %scan3A_157 : i32 to index
          %get3A_315 = tpu.vector_load %arg23[%get3A_314] {strides = array<i32>} : memref<80xf32, #tpu.memory_space<vmem>>, vector<16xf32>,
          %slice3A_316 = vector.extract_strided_slice %get3A_315 {offsets = [0], sizes = [1], strides = [1]} : vector<16xf32> to vector<1xf32>
          %squeeze3A_317 = vector.extract %slice3A_316[0] : f32 from vector<1xf32>
          %get3A_318 = arith.index_cast %scan3A_157 : i32 to index
          %get3A_319 = tpu.vector_load %arg24[%get3A_318] {strides = array<i32>} : memref<80xf32, #tpu.memory_space<vmem>>, vector<16xf32>,
          %slice3A_320 = vector.extract_strided_slice %get3A_319 {offsets = [0], sizes = [1], strides = [1]} : vector<16xf32> to vector<1xf32>
          %squeeze3A_321 = vector.extract %slice3A_320[0] : f32 from vector<1xf32>
          %get3A_322 = arith.constant 27632 : index
          %get3A_323 = tpu.vector_load %arg10[%get3A_322] {strides = array<i32>} : memref<28192xf32, #tpu.memory_space<vmem>>, vector<16xf32>,
          %mul3A_324 = vector.broadcast %squeeze3A_313 : f32 to vector<16xf32>
          %mul3A_325 = arith.mulf %mul3A_324, %get3A_323 : vector<16xf32>
          %add3A_326 = arith.addf %scan3A_308#0, %mul3A_325 : vector<16xf32>
          %get3A_327 = arith.constant 27760 : index
          %get3A_328 = tpu.vector_load %arg10[%get3A_327] {strides = array<i32>} : memref<28192xf32, #tpu.memory_space<vmem>>, vector<16xf32>,
          %mul3A_329 = vector.broadcast %squeeze3A_317 : f32 to vector<16xf32>
          %mul3A_330 = arith.mulf %mul3A_329, %get3A_328 : vector<16xf32>
          %add3A_331 = arith.addf %add3A_326, %mul3A_330 : vector<16xf32>
          %get3A_332 = arith.constant 27888 : index
          %get3A_333 = tpu.vector_load %arg10[%get3A_332] {strides = array<i32>} : memref<28192xf32, #tpu.memory_space<vmem>>, vector<16xf32>,
          %mul3A_334 = vector.broadcast %squeeze3A_321 : f32 to vector<16xf32>
          %mul3A_335 = arith.mulf %mul3A_334, %get3A_333 : vector<16xf32>
          %add3A_336 = arith.addf %add3A_331, %mul3A_335 : vector<16xf32>
          %max3A = arith.constant 0.000000e+00 : f32
          %max3A_337 = vector.broadcast %max3A : f32 to vector<16xf32>
          %max3A_338 = arith.maximumf %add3A_336, %max3A_337 : vector<16xf32>
          %get3A_339 = arith.constant 0 : index
          %get3A_340 = tpu.vector_load %arg28[%get3A_339] {strides = array<i32>} : memref<128xf32, #tpu.memory_space<vmem>>, vector<16xf32>,
          %max3A_341 = arith.maximumf %get3A_340, %max3A_338 : vector<16xf32>
          %swap3A_342 = arith.constant 0 : index
          %swap3A_343 = tpu.vector_load %arg28[%swap3A_342] {strides = array<i32>} : memref<128xf32, #tpu.memory_space<vmem>>, vector<16xf32>,
          tpu.vector_store %arg28[%swap3A_342], %max3A_341 {strides = array<i32>} : memref<128xf32, #tpu.memory_space<vmem>>, vector<16xf32>,
          %get3A_344 = arith.constant 27648 : index
          %get3A_345 = tpu.vector_load %arg10[%get3A_344] {strides = array<i32>} : memref<28192xf32, #tpu.memory_space<vmem>>, vector<16xf32>,
          %mul3A_346 = vector.broadcast %squeeze3A_313 : f32 to vector<16xf32>
          %mul3A_347 = arith.mulf %mul3A_346, %get3A_345 : vector<16xf32>
          %add3A_348 = arith.addf %scan3A_308#1, %mul3A_347 : vector<16xf32>
          %get3A_349 = arith.constant 27776 : index
          %get3A_350 = tpu.vector_load %arg10[%get3A_349] {strides = array<i32>} : memref<28192xf32, #tpu.memory_space<vmem>>, vector<16xf32>,
          %mul3A_351 = vector.broadcast %squeeze3A_317 : f32 to vector<16xf32>
          %mul3A_352 = arith.mulf %mul3A_351, %get3A_350 : vector<16xf32>
          %add3A_353 = arith.addf %add3A_348, %mul3A_352 : vector<16xf32>
          %get3A_354 = arith.constant 27904 : index
          %get3A_355 = tpu.vector_load %arg10[%get3A_354] {strides = array<i32>} : memref<28192xf32, #tpu.memory_space<vmem>>, vector<16xf32>,
          %mul3A_356 = vector.broadcast %squeeze3A_321 : f32 to vector<16xf32>
          %mul3A_357 = arith.mulf %mul3A_356, %get3A_355 : vector<16xf32>
          %add3A_358 = arith.addf %add3A_353, %mul3A_357 : vector<16xf32>
          %max3A_359 = arith.constant 0.000000e+00 : f32
          %max3A_360 = vector.broadcast %max3A_359 : f32 to vector<16xf32>
          %max3A_361 = arith.maximumf %add3A_358, %max3A_360 : vector<16xf32>
          %get3A_362 = arith.constant 16 : index
          %get3A_363 = tpu.vector_load %arg28[%get3A_362] {strides = array<i32>} : memref<128xf32, #tpu.memory_space<vmem>>, vector<16xf32>,
          %max3A_364 = arith.maximumf %get3A_363, %max3A_361 : vector<16xf32>
          %swap3A_365 = arith.constant 16 : index
          %swap3A_366 = tpu.vector_load %arg28[%swap3A_365] {strides = array<i32>} : memref<128xf32, #tpu.memory_space<vmem>>, vector<16xf32>,
          tpu.vector_store %arg28[%swap3A_365], %max3A_364 {strides = array<i32>} : memref<128xf32, #tpu.memory_space<vmem>>, vector<16xf32>,
          %get3A_367 = arith.constant 27664 : index
          %get3A_368 = tpu.vector_load %arg10[%get3A_367] {strides = array<i32>} : memref<28192xf32, #tpu.memory_space<vmem>>, vector<16xf32>,
          %mul3A_369 = vector.broadcast %squeeze3A_313 : f32 to vector<16xf32>
          %mul3A_370 = arith.mulf %mul3A_369, %get3A_368 : vector<16xf32>
          %add3A_371 = arith.addf %scan3A_308#2, %mul3A_370 : vector<16xf32>
          %get3A_372 = arith.constant 27792 : index
          %get3A_373 = tpu.vector_load %arg10[%get3A_372] {strides = array<i32>} : memref<28192xf32, #tpu.memory_space<vmem>>, vector<16xf32>,
          %mul3A_374 = vector.broadcast %squeeze3A_317 : f32 to vector<16xf32>
          %mul3A_375 = arith.mulf %mul3A_374, %get3A_373 : vector<16xf32>
          %add3A_376 = arith.addf %add3A_371, %mul3A_375 : vector<16xf32>
          %get3A_377 = arith.constant 27920 : index
          %get3A_378 = tpu.vector_load %arg10[%get3A_377] {strides = array<i32>} : memref<28192xf32, #tpu.memory_space<vmem>>, vector<16xf32>,
          %mul3A_379 = vector.broadcast %squeeze3A_321 : f32 to vector<16xf32>
          %mul3A_380 = arith.mulf %mul3A_379, %get3A_378 : vector<16xf32>
          %add3A_381 = arith.addf %add3A_376, %mul3A_380 : vector<16xf32>
          %max3A_382 = arith.constant 0.000000e+00 : f32
          %max3A_383 = vector.broadcast %max3A_382 : f32 to vector<16xf32>
          %max3A_384 = arith.maximumf %add3A_381, %max3A_383 : vector<16xf32>
          %get3A_385 = arith.constant 32 : index
          %get3A_386 = tpu.vector_load %arg28[%get3A_385] {strides = array<i32>} : memref<128xf32, #tpu.memory_space<vmem>>, vector<16xf32>,
          %max3A_387 = arith.maximumf %get3A_386, %max3A_384 : vector<16xf32>
          %swap3A_388 = arith.constant 32 : index
          %swap3A_389 = tpu.vector_load %arg28[%swap3A_388] {strides = array<i32>} : memref<128xf32, #tpu.memory_space<vmem>>, vector<16xf32>,
          tpu.vector_store %arg28[%swap3A_388], %max3A_387 {strides = array<i32>} : memref<128xf32, #tpu.memory_space<vmem>>, vector<16xf32>,
          %get3A_390 = arith.constant 27680 : index
          %get3A_391 = tpu.vector_load %arg10[%get3A_390] {strides = array<i32>} : memref<28192xf32, #tpu.memory_space<vmem>>, vector<16xf32>,
          %mul3A_392 = vector.broadcast %squeeze3A_313 : f32 to vector<16xf32>
          %mul3A_393 = arith.mulf %mul3A_392, %get3A_391 : vector<16xf32>
          %add3A_394 = arith.addf %scan3A_308#3, %mul3A_393 : vector<16xf32>
          %get3A_395 = arith.constant 27808 : index
          %get3A_396 = tpu.vector_load %arg10[%get3A_395] {strides = array<i32>} : memref<28192xf32, #tpu.memory_space<vmem>>, vector<16xf32>,
          %mul3A_397 = vector.broadcast %squeeze3A_317 : f32 to vector<16xf32>
          %mul3A_398 = arith.mulf %mul3A_397, %get3A_396 : vector<16xf32>
          %add3A_399 = arith.addf %add3A_394, %mul3A_398 : vector<16xf32>
          %get3A_400 = arith.constant 27936 : index
          %get3A_401 = tpu.vector_load %arg10[%get3A_400] {strides = array<i32>} : memref<28192xf32, #tpu.memory_space<vmem>>, vector<16xf32>,
          %mul3A_402 = vector.broadcast %squeeze3A_321 : f32 to vector<16xf32>
          %mul3A_403 = arith.mulf %mul3A_402, %get3A_401 : vector<16xf32>
          %add3A_404 = arith.addf %add3A_399, %mul3A_403 : vector<16xf32>
          %max3A_405 = arith.constant 0.000000e+00 : f32
          %max3A_406 = vector.broadcast %max3A_405 : f32 to vector<16xf32>
          %max3A_407 = arith.maximumf %add3A_404, %max3A_406 : vector<16xf32>
          %get3A_408 = arith.constant 48 : index
          %get3A_409 = tpu.vector_load %arg28[%get3A_408] {strides = array<i32>} : memref<128xf32, #tpu.memory_space<vmem>>, vector<16xf32>,
          %max3A_410 = arith.maximumf %get3A_409, %max3A_407 : vector<16xf32>
          %swap3A_411 = arith.constant 48 : index
          %swap3A_412 = tpu.vector_load %arg28[%swap3A_411] {strides = array<i32>} : memref<128xf32, #tpu.memory_space<vmem>>, vector<16xf32>,
          tpu.vector_store %arg28[%swap3A_411], %max3A_410 {strides = array<i32>} : memref<128xf32, #tpu.memory_space<vmem>>, vector<16xf32>,
          %get3A_413 = arith.constant 27696 : index
          %get3A_414 = tpu.vector_load %arg10[%get3A_413] {strides = array<i32>} : memref<28192xf32, #tpu.memory_space<vmem>>, vector<16xf32>,
          %mul3A_415 = vector.broadcast %squeeze3A_313 : f32 to vector<16xf32>
          %mul3A_416 = arith.mulf %mul3A_415, %get3A_414 : vector<16xf32>
          %add3A_417 = arith.addf %scan3A_308#4, %mul3A_416 : vector<16xf32>
          %get3A_418 = arith.constant 27824 : index
          %get3A_419 = tpu.vector_load %arg10[%get3A_418] {strides = array<i32>} : memref<28192xf32, #tpu.memory_space<vmem>>, vector<16xf32>,
          %mul3A_420 = vector.broadcast %squeeze3A_317 : f32 to vector<16xf32>
          %mul3A_421 = arith.mulf %mul3A_420, %get3A_419 : vector<16xf32>
          %add3A_422 = arith.addf %add3A_417, %mul3A_421 : vector<16xf32>
          %get3A_423 = arith.constant 27952 : index
          %get3A_424 = tpu.vector_load %arg10[%get3A_423] {strides = array<i32>} : memref<28192xf32, #tpu.memory_space<vmem>>, vector<16xf32>,
          %mul3A_425 = vector.broadcast %squeeze3A_321 : f32 to vector<16xf32>
          %mul3A_426 = arith.mulf %mul3A_425, %get3A_424 : vector<16xf32>
          %add3A_427 = arith.addf %add3A_422, %mul3A_426 : vector<16xf32>
          %max3A_428 = arith.constant 0.000000e+00 : f32
          %max3A_429 = vector.broadcast %max3A_428 : f32 to vector<16xf32>
          %max3A_430 = arith.maximumf %add3A_427, %max3A_429 : vector<16xf32>
          %get3A_431 = arith.constant 64 : index
          %get3A_432 = tpu.vector_load %arg28[%get3A_431] {strides = array<i32>} : memref<128xf32, #tpu.memory_space<vmem>>, vector<16xf32>,
          %max3A_433 = arith.maximumf %get3A_432, %max3A_430 : vector<16xf32>
          %swap3A_434 = arith.constant 64 : index
          %swap3A_435 = tpu.vector_load %arg28[%swap3A_434] {strides = array<i32>} : memref<128xf32, #tpu.memory_space<vmem>>, vector<16xf32>,
          tpu.vector_store %arg28[%swap3A_434], %max3A_433 {strides = array<i32>} : memref<128xf32, #tpu.memory_space<vmem>>, vector<16xf32>,
          %get3A_436 = arith.constant 27712 : index
          %get3A_437 = tpu.vector_load %arg10[%get3A_436] {strides = array<i32>} : memref<28192xf32, #tpu.memory_space<vmem>>, vector<16xf32>,
          %mul3A_438 = vector.broadcast %squeeze3A_313 : f32 to vector<16xf32>
          %mul3A_439 = arith.mulf %mul3A_438, %get3A_437 : vector<16xf32>
          %add3A_440 = arith.addf %scan3A_308#5, %mul3A_439 : vector<16xf32>
          %get3A_441 = arith.constant 27840 : index
          %get3A_442 = tpu.vector_load %arg10[%get3A_441] {strides = array<i32>} : memref<28192xf32, #tpu.memory_space<vmem>>, vector<16xf32>,
          %mul3A_443 = vector.broadcast %squeeze3A_317 : f32 to vector<16xf32>
          %mul3A_444 = arith.mulf %mul3A_443, %get3A_442 : vector<16xf32>
          %add3A_445 = arith.addf %add3A_440, %mul3A_444 : vector<16xf32>
          %get3A_446 = arith.constant 27968 : index
          %get3A_447 = tpu.vector_load %arg10[%get3A_446] {strides = array<i32>} : memref<28192xf32, #tpu.memory_space<vmem>>, vector<16xf32>,
          %mul3A_448 = vector.broadcast %squeeze3A_321 : f32 to vector<16xf32>
          %mul3A_449 = arith.mulf %mul3A_448, %get3A_447 : vector<16xf32>
          %add3A_450 = arith.addf %add3A_445, %mul3A_449 : vector<16xf32>
          %max3A_451 = arith.constant 0.000000e+00 : f32
          %max3A_452 = vector.broadcast %max3A_451 : f32 to vector<16xf32>
          %max3A_453 = arith.maximumf %add3A_450, %max3A_452 : vector<16xf32>
          %get3A_454 = arith.constant 80 : index
          %get3A_455 = tpu.vector_load %arg28[%get3A_454] {strides = array<i32>} : memref<128xf32, #tpu.memory_space<vmem>>, vector<16xf32>,
          %max3A_456 = arith.maximumf %get3A_455, %max3A_453 : vector<16xf32>
          %swap3A_457 = arith.constant 80 : index
          %swap3A_458 = tpu.vector_load %arg28[%swap3A_457] {strides = array<i32>} : memref<128xf32, #tpu.memory_space<vmem>>, vector<16xf32>,
          tpu.vector_store %arg28[%swap3A_457], %max3A_456 {strides = array<i32>} : memref<128xf32, #tpu.memory_space<vmem>>, vector<16xf32>,
          %get3A_459 = arith.constant 27728 : index
          %get3A_460 = tpu.vector_load %arg10[%get3A_459] {strides = array<i32>} : memref<28192xf32, #tpu.memory_space<vmem>>, vector<16xf32>,
          %mul3A_461 = vector.broadcast %squeeze3A_313 : f32 to vector<16xf32>
          %mul3A_462 = arith.mulf %mul3A_461, %get3A_460 : vector<16xf32>
          %add3A_463 = arith.addf %scan3A_308#6, %mul3A_462 : vector<16xf32>
          %get3A_464 = arith.constant 27856 : index
          %get3A_465 = tpu.vector_load %arg10[%get3A_464] {strides = array<i32>} : memref<28192xf32, #tpu.memory_space<vmem>>, vector<16xf32>,
          %mul3A_466 = vector.broadcast %squeeze3A_317 : f32 to vector<16xf32>
          %mul3A_467 = arith.mulf %mul3A_466, %get3A_465 : vector<16xf32>
          %add3A_468 = arith.addf %add3A_463, %mul3A_467 : vector<16xf32>
          %get3A_469 = arith.constant 27984 : index
          %get3A_470 = tpu.vector_load %arg10[%get3A_469] {strides = array<i32>} : memref<28192xf32, #tpu.memory_space<vmem>>, vector<16xf32>,
          %mul3A_471 = vector.broadcast %squeeze3A_321 : f32 to vector<16xf32>
          %mul3A_472 = arith.mulf %mul3A_471, %get3A_470 : vector<16xf32>
          %add3A_473 = arith.addf %add3A_468, %mul3A_472 : vector<16xf32>
          %max3A_474 = arith.constant 0.000000e+00 : f32
          %max3A_475 = vector.broadcast %max3A_474 : f32 to vector<16xf32>
          %max3A_476 = arith.maximumf %add3A_473, %max3A_475 : vector<16xf32>
          %get3A_477 = arith.constant 96 : index
          %get3A_478 = tpu.vector_load %arg28[%get3A_477] {strides = array<i32>} : memref<128xf32, #tpu.memory_space<vmem>>, vector<16xf32>,
          %max3A_479 = arith.maximumf %get3A_478, %max3A_476 : vector<16xf32>
          %swap3A_480 = arith.constant 96 : index
          %swap3A_481 = tpu.vector_load %arg28[%swap3A_480] {strides = array<i32>} : memref<128xf32, #tpu.memory_space<vmem>>, vector<16xf32>,
          tpu.vector_store %arg28[%swap3A_480], %max3A_479 {strides = array<i32>} : memref<128xf32, #tpu.memory_space<vmem>>, vector<16xf32>,
          %get3A_482 = arith.constant 27744 : index
          %get3A_483 = tpu.vector_load %arg10[%get3A_482] {strides = array<i32>} : memref<28192xf32, #tpu.memory_space<vmem>>, vector<16xf32>,
          %mul3A_484 = vector.broadcast %squeeze3A_313 : f32 to vector<16xf32>
          %mul3A_485 = arith.mulf %mul3A_484, %get3A_483 : vector<16xf32>
          %add3A_486 = arith.addf %scan3A_308#7, %mul3A_485 : vector<16xf32>
          %get3A_487 = arith.constant 27872 : index
          %get3A_488 = tpu.vector_load %arg10[%get3A_487] {strides = array<i32>} : memref<28192xf32, #tpu.memory_space<vmem>>, vector<16xf32>,
          %mul3A_489 = vector.broadcast %squeeze3A_317 : f32 to vector<16xf32>
          %mul3A_490 = arith.mulf %mul3A_489, %get3A_488 : vector<16xf32>
          %add3A_491 = arith.addf %add3A_486, %mul3A_490 : vector<16xf32>
          %get3A_492 = arith.constant 28000 : index
          %get3A_493 = tpu.vector_load %arg10[%get3A_492] {strides = array<i32>} : memref<28192xf32, #tpu.memory_space<vmem>>, vector<16xf32>,
          %mul3A_494 = vector.broadcast %squeeze3A_321 : f32 to vector<16xf32>
          %mul3A_495 = arith.mulf %mul3A_494, %get3A_493 : vector<16xf32>
          %add3A_496 = arith.addf %add3A_491, %mul3A_495 : vector<16xf32>
          %max3A_497 = arith.constant 0.000000e+00 : f32
          %max3A_498 = vector.broadcast %max3A_497 : f32 to vector<16xf32>
          %max3A_499 = arith.maximumf %add3A_496, %max3A_498 : vector<16xf32>
          %get3A_500 = arith.constant 112 : index
          %get3A_501 = tpu.vector_load %arg28[%get3A_500] {strides = array<i32>} : memref<128xf32, #tpu.memory_space<vmem>>, vector<16xf32>,
          %max3A_502 = arith.maximumf %get3A_501, %max3A_499 : vector<16xf32>
          %swap3A_503 = arith.constant 112 : index
          %swap3A_504 = tpu.vector_load %arg28[%swap3A_503] {strides = array<i32>} : memref<128xf32, #tpu.memory_space<vmem>>, vector<16xf32>,
          tpu.vector_store %arg28[%swap3A_503], %max3A_502 {strides = array<i32>} : memref<128xf32, #tpu.memory_space<vmem>>, vector<16xf32>,
          %mul3A_505 = arith.constant 64 : i32
          %mul3A_506 = arith.muli %scan3A_157, %mul3A_505 : i32
          %add3A_507 = arith.constant 0 : i32
          %add3A_508 = arith.addi %mul3A_506, %add3A_507 : i32
          %swap3A_509 = arith.index_cast %add3A_508 : i32 to index
          %swap3A_510 = tpu.vector_load %arg25[%swap3A_509] {strides = array<i32>} : memref<4112xf32, #tpu.memory_space<vmem>>, vector<16xf32>,
          tpu.vector_store %arg25[%swap3A_509], %broadcast_in_dim3A_1 {strides = array<i32>} : memref<4112xf32, #tpu.memory_space<vmem>>, vector<16xf32>,
          %mul3A_511 = arith.constant 64 : i32
          %mul3A_512 = arith.muli %scan3A_157, %mul3A_511 : i32
          %add3A_513 = arith.constant 16 : i32
          %add3A_514 = arith.addi %mul3A_512, %add3A_513 : i32
          %swap3A_515 = arith.index_cast %add3A_514 : i32 to index
          %swap3A_516 = tpu.vector_load %arg25[%swap3A_515] {strides = array<i32>} : memref<4112xf32, #tpu.memory_space<vmem>>, vector<16xf32>,
          tpu.vector_store %arg25[%swap3A_515], %broadcast_in_dim3A_1 {strides = array<i32>} : memref<4112xf32, #tpu.memory_space<vmem>>, vector<16xf32>,
          %mul3A_517 = arith.constant 64 : i32
          %mul3A_518 = arith.muli %scan3A_157, %mul3A_517 : i32
          %add3A_519 = arith.constant 32 : i32
          %add3A_520 = arith.addi %mul3A_518, %add3A_519 : i32
          %swap3A_521 = arith.index_cast %add3A_520 : i32 to index
          %swap3A_522 = tpu.vector_load %arg25[%swap3A_521] {strides = array<i32>} : memref<4112xf32, #tpu.memory_space<vmem>>, vector<16xf32>,
          tpu.vector_store %arg25[%swap3A_521], %broadcast_in_dim3A_1 {strides = array<i32>} : memref<4112xf32, #tpu.memory_space<vmem>>, vector<16xf32>,
          %mul3A_523 = arith.constant 64 : i32
          %mul3A_524 = arith.muli %scan3A_157, %mul3A_523 : i32
          %add3A_525 = arith.constant 48 : i32
          %add3A_526 = arith.addi %mul3A_524, %add3A_525 : i32
          %swap3A_527 = arith.index_cast %add3A_526 : i32 to index
          %swap3A_528 = tpu.vector_load %arg25[%swap3A_527] {strides = array<i32>} : memref<4112xf32, #tpu.memory_space<vmem>>, vector<16xf32>,
          tpu.vector_store %arg25[%swap3A_527], %broadcast_in_dim3A_1 {strides = array<i32>} : memref<4112xf32, #tpu.memory_space<vmem>>, vector<16xf32>,
        } else {
        }
      }
      %scan3A_126 = arith.constant 64 : i32
      %mul3A_127 = arith.constant 128 : i32
      %mul3A_128 = arith.muli %add3A_56, %mul3A_127 : i32
      %multiple_of3A = tpu.assume_multiple %mul3A_128, 8 : i32
      "tpu.region"() ({
        %run_scoped3A = tpu.sem_alloc : memref<!tpu.dma_semaphore, #tpu.memory_space<semaphore_mem>>
        %dma_start3A = tpu.memref_slice %arg8[%multiple_of3A] : memref<131072xf32, #tpu.memory_space<hbm>> -> memref<128xf32, #tpu.memory_space<hbm>>
        %dma_start3A_157 = tpu.memref_slice %arg8[%multiple_of3A] : memref<131072xf32, #tpu.memory_space<hbm>> -> memref<128xf32, #tpu.memory_space<hbm>>
        tpu.enqueue_dma source(%arg28 : memref<128xf32, #tpu.memory_space<vmem>>) target(%dma_start3A_157 : memref<128xf32, #tpu.memory_space<hbm>>) target_semaphore(%run_scoped3A : memref<!tpu.dma_semaphore, #tpu.memory_space<semaphore_mem>>)
        %dma_wait3A = tpu.memref_slice %arg8[%multiple_of3A] : memref<131072xf32, #tpu.memory_space<hbm>> -> memref<128xf32, #tpu.memory_space<hbm>>
        %dma_wait3A_158 = tpu.memref_slice %arg8[%multiple_of3A] : memref<131072xf32, #tpu.memory_space<hbm>> -> memref<128xf32, #tpu.memory_space<hbm>>
        tpu.wait_dma2 semaphore(%run_scoped3A : memref<!tpu.dma_semaphore, #tpu.memory_space<semaphore_mem>>) src(%arg28 : memref<128xf32, #tpu.memory_space<vmem>>) dst(%dma_wait3A_158 : memref<128xf32, #tpu.memory_space<hbm>>)
        tpu.yield
      }) : () -> ()
      %swap3A_129 = arith.constant 0 : index
      %swap3A_130 = tpu.vector_load %arg28[%swap3A_129] {strides = array<i32>} : memref<128xf32, #tpu.memory_space<vmem>>, vector<16xf32>,
      tpu.vector_store %arg28[%swap3A_129], %broadcast_in_dim3A_1 {strides = array<i32>} : memref<128xf32, #tpu.memory_space<vmem>>, vector<16xf32>,
      %swap3A_131 = arith.constant 16 : index
      %swap3A_132 = tpu.vector_load %arg28[%swap3A_131] {strides = array<i32>} : memref<128xf32, #tpu.memory_space<vmem>>, vector<16xf32>,
      tpu.vector_store %arg28[%swap3A_131], %broadcast_in_dim3A_1 {strides = array<i32>} : memref<128xf32, #tpu.memory_space<vmem>>, vector<16xf32>,
      %swap3A_133 = arith.constant 32 : index
      %swap3A_134 = tpu.vector_load %arg28[%swap3A_133] {strides = array<i32>} : memref<128xf32, #tpu.memory_space<vmem>>, vector<16xf32>,
      tpu.vector_store %arg28[%swap3A_133], %broadcast_in_dim3A_1 {strides = array<i32>} : memref<128xf32, #tpu.memory_space<vmem>>, vector<16xf32>,
      %swap3A_135 = arith.constant 48 : index
      %swap3A_136 = tpu.vector_load %arg28[%swap3A_135] {strides = array<i32>} : memref<128xf32, #tpu.memory_space<vmem>>, vector<16xf32>,
      tpu.vector_store %arg28[%swap3A_135], %broadcast_in_dim3A_1 {strides = array<i32>} : memref<128xf32, #tpu.memory_space<vmem>>, vector<16xf32>,
      %swap3A_137 = arith.constant 64 : index
      %swap3A_138 = tpu.vector_load %arg28[%swap3A_137] {strides = array<i32>} : memref<128xf32, #tpu.memory_space<vmem>>, vector<16xf32>,
      tpu.vector_store %arg28[%swap3A_137], %broadcast_in_dim3A_1 {strides = array<i32>} : memref<128xf32, #tpu.memory_space<vmem>>, vector<16xf32>,
      %swap3A_139 = arith.constant 80 : index
      %swap3A_140 = tpu.vector_load %arg28[%swap3A_139] {strides = array<i32>} : memref<128xf32, #tpu.memory_space<vmem>>, vector<16xf32>,
      tpu.vector_store %arg28[%swap3A_139], %broadcast_in_dim3A_1 {strides = array<i32>} : memref<128xf32, #tpu.memory_space<vmem>>, vector<16xf32>,
      %swap3A_141 = arith.constant 96 : index
      %swap3A_142 = tpu.vector_load %arg28[%swap3A_141] {strides = array<i32>} : memref<128xf32, #tpu.memory_space<vmem>>, vector<16xf32>,
      tpu.vector_store %arg28[%swap3A_141], %broadcast_in_dim3A_1 {strides = array<i32>} : memref<128xf32, #tpu.memory_space<vmem>>, vector<16xf32>,
      %swap3A_143 = arith.constant 112 : index
      %swap3A_144 = tpu.vector_load %arg28[%swap3A_143] {strides = array<i32>} : memref<128xf32, #tpu.memory_space<vmem>>, vector<16xf32>,
      tpu.vector_store %arg28[%swap3A_143], %broadcast_in_dim3A_1 {strides = array<i32>} : memref<128xf32, #tpu.memory_space<vmem>>, vector<16xf32>,
      %scan3A_145 = arith.constant 0 : i32
      %scan3A_146 = arith.constant 0 : i32
      %scan3A_147 = arith.constant 32 : i32
      %scan3A_148 = arith.addi %scan3A_146, %scan3A_147 : i32
      %scan3A_149 = arith.constant 1 : i32
      scf.for %scan3A_157 = %scan3A_146 to %scan3A_148 step %scan3A_149  : i32 {
        %mul3A_158 = arith.constant 16 : i32
        %mul3A_159 = arith.muli %scan3A_157, %mul3A_158 : i32
        %swap3A_160 = arith.index_cast %mul3A_159 : i32 to index
        %swap3A_161 = tpu.vector_load %arg15[%swap3A_160] {strides = array<i32>} : memref<528xf32, #tpu.memory_space<vmem>>, vector<16xf32>,
        tpu.vector_store %arg15[%swap3A_160], %broadcast_in_dim3A_1 {strides = array<i32>} : memref<528xf32, #tpu.memory_space<vmem>>, vector<16xf32>,
        %swap3A_162 = arith.index_cast %mul3A_159 : i32 to index
        %swap3A_163 = tpu.vector_load %arg16[%swap3A_162] {strides = array<i32>} : memref<528xf32, #tpu.memory_space<vmem>>, vector<16xf32>,
        tpu.vector_store %arg16[%swap3A_162], %broadcast_in_dim3A_1 {strides = array<i32>} : memref<528xf32, #tpu.memory_space<vmem>>, vector<16xf32>,
        %swap3A_164 = arith.index_cast %mul3A_159 : i32 to index
        %swap3A_165 = tpu.vector_load %arg17[%swap3A_164] {strides = array<i32>} : memref<528xf32, #tpu.memory_space<vmem>>, vector<16xf32>,
        tpu.vector_store %arg17[%swap3A_164], %broadcast_in_dim3A_1 {strides = array<i32>} : memref<528xf32, #tpu.memory_space<vmem>>, vector<16xf32>,
        %swap3A_166 = arith.index_cast %mul3A_159 : i32 to index
        %swap3A_167 = tpu.vector_load %arg18[%swap3A_166] {strides = array<i32>} : memref<528xf32, #tpu.memory_space<vmem>>, vector<16xf32>,
        tpu.vector_store %arg18[%swap3A_166], %broadcast_in_dim3A_1 {strides = array<i32>} : memref<528xf32, #tpu.memory_space<vmem>>, vector<16xf32>,
      }
      %scan3A_150 = arith.constant 32 : i32
      %scan3A_151 = arith.constant 0 : i32
      %scan3A_152 = arith.constant 0 : i32
      %scan3A_153 = arith.constant 4 : i32
      %scan3A_154 = arith.addi %scan3A_152, %scan3A_153 : i32
      %scan3A_155 = arith.constant 1 : i32
      scf.for %scan3A_157 = %scan3A_152 to %scan3A_154 step %scan3A_155  : i32 {
        %mul3A_158 = arith.constant 16 : i32
        %mul3A_159 = arith.muli %scan3A_157, %mul3A_158 : i32
        %swap3A_160 = arith.index_cast %mul3A_159 : i32 to index
        %swap3A_161 = tpu.vector_load %arg21[%swap3A_160] {strides = array<i32>} : memref<80xf32, #tpu.memory_space<vmem>>, vector<16xf32>,
        tpu.vector_store %arg21[%swap3A_160], %broadcast_in_dim3A_1 {strides = array<i32>} : memref<80xf32, #tpu.memory_space<vmem>>, vector<16xf32>,
        %swap3A_162 = arith.index_cast %mul3A_159 : i32 to index
        %swap3A_163 = tpu.vector_load %arg22[%swap3A_162] {strides = array<i32>} : memref<80xf32, #tpu.memory_space<vmem>>, vector<16xf32>,
        tpu.vector_store %arg22[%swap3A_162], %broadcast_in_dim3A_1 {strides = array<i32>} : memref<80xf32, #tpu.memory_space<vmem>>, vector<16xf32>,
        %swap3A_164 = arith.index_cast %mul3A_159 : i32 to index
        %swap3A_165 = tpu.vector_load %arg23[%swap3A_164] {strides = array<i32>} : memref<80xf32, #tpu.memory_space<vmem>>, vector<16xf32>,
        tpu.vector_store %arg23[%swap3A_164], %broadcast_in_dim3A_1 {strides = array<i32>} : memref<80xf32, #tpu.memory_space<vmem>>, vector<16xf32>,
        %swap3A_166 = arith.index_cast %mul3A_159 : i32 to index
        %swap3A_167 = tpu.vector_load %arg24[%swap3A_166] {strides = array<i32>} : memref<80xf32, #tpu.memory_space<vmem>>, vector<16xf32>,
        tpu.vector_store %arg24[%swap3A_166], %broadcast_in_dim3A_1 {strides = array<i32>} : memref<80xf32, #tpu.memory_space<vmem>>, vector<16xf32>,
      }
      %scan3A_156 = arith.constant 4 : i32
    }
    %scan3A_52 = arith.constant 32 : i32
    return
  }
}

module attributes {stable_mosaic.version = 14 : i64} {
  func.func @_min_body(%arg0: memref<3x782x128xf32, #tpu.memory_space<vmem>>, %arg1: memref<1x128xf32, #tpu.memory_space<vmem>>) attributes {dimension_semantics = [], scalar_prefetch = 0 : i64, scratch_operands = 0 : i64, tpu.core_type = #tpu.core_type<tc>} {
    %iota3A = tpu.iota {dimensions = array<i32: 1>} : vector<1x128xi32>
    %get3A = arith.constant 0 : index
    %get3A_0 = arith.constant 0 : index
    %get3A_1 = arith.constant 0 : index
    %get3A_2 = vector.load %arg0[%get3A, %get3A_0, %get3A_1] : memref<3x782x128xf32, #tpu.memory_space<vmem>>, vector<1x782x128xf32>
    %get3A_3 = vector.shape_cast %get3A_2 : vector<1x782x128xf32> to vector<782x128xf32>
    %reduce_min3A = vector.shape_cast %get3A_3 : vector<782x128xf32> to vector<1x782x128xf32>
    %reduce_min3A_4 = arith.constant dense<0x7F800000> : vector<1xf32>
    %reduce_min3A_5 = vector.multi_reduction <minimumf>, %reduce_min3A, %reduce_min3A_4 [1, 2] : vector<1x782x128xf32> to vector<1xf32>
    %reduce_min3A_6 = vector.shape_cast %reduce_min3A_5 : vector<1xf32> to vector<1x1x1xf32>
    %reduce_min3A_7 = vector.extract %reduce_min3A_6[0, 0, 0] : f32 from vector<1x1x1xf32>
    %get3A_8 = arith.constant 1 : index
    %get3A_9 = arith.constant 0 : index
    %get3A_10 = arith.constant 0 : index
    %get3A_11 = vector.load %arg0[%get3A_8, %get3A_9, %get3A_10] : memref<3x782x128xf32, #tpu.memory_space<vmem>>, vector<1x782x128xf32>
    %get3A_12 = vector.shape_cast %get3A_11 : vector<1x782x128xf32> to vector<782x128xf32>
    %reduce_min3A_13 = vector.shape_cast %get3A_12 : vector<782x128xf32> to vector<1x782x128xf32>
    %reduce_min3A_14 = arith.constant dense<0x7F800000> : vector<1xf32>
    %reduce_min3A_15 = vector.multi_reduction <minimumf>, %reduce_min3A_13, %reduce_min3A_14 [1, 2] : vector<1x782x128xf32> to vector<1xf32>
    %reduce_min3A_16 = vector.shape_cast %reduce_min3A_15 : vector<1xf32> to vector<1x1x1xf32>
    %reduce_min3A_17 = vector.extract %reduce_min3A_16[0, 0, 0] : f32 from vector<1x1x1xf32>
    %get3A_18 = arith.constant 2 : index
    %get3A_19 = arith.constant 0 : index
    %get3A_20 = arith.constant 0 : index
    %get3A_21 = vector.load %arg0[%get3A_18, %get3A_19, %get3A_20] : memref<3x782x128xf32, #tpu.memory_space<vmem>>, vector<1x782x128xf32>
    %get3A_22 = vector.shape_cast %get3A_21 : vector<1x782x128xf32> to vector<782x128xf32>
    %reduce_min3A_23 = vector.shape_cast %get3A_22 : vector<782x128xf32> to vector<1x782x128xf32>
    %reduce_min3A_24 = arith.constant dense<0x7F800000> : vector<1xf32>
    %reduce_min3A_25 = vector.multi_reduction <minimumf>, %reduce_min3A_23, %reduce_min3A_24 [1, 2] : vector<1x782x128xf32> to vector<1xf32>
    %reduce_min3A_26 = vector.shape_cast %reduce_min3A_25 : vector<1xf32> to vector<1x1x1xf32>
    %reduce_min3A_27 = vector.extract %reduce_min3A_26[0, 0, 0] : f32 from vector<1x1x1xf32>
    %eq3A = arith.constant 0 : i32
    %eq3A_28 = vector.broadcast %eq3A : i32 to vector<1x128xi32>
    %eq3A_29 = arith.cmpi eq, %iota3A, %eq3A_28 : vector<1x128xi32>
    %eq3A_30 = arith.constant 1 : i32
    %eq3A_31 = vector.broadcast %eq3A_30 : i32 to vector<1x128xi32>
    %eq3A_32 = arith.cmpi eq, %iota3A, %eq3A_31 : vector<1x128xi32>
    %eq3A_33 = arith.constant 2 : i32
    %eq3A_34 = vector.broadcast %eq3A_33 : i32 to vector<1x128xi32>
    %eq3A_35 = arith.cmpi eq, %iota3A, %eq3A_34 : vector<1x128xi32>
    %jit3A = arith.constant 0.000000e+00 : f32
    %broadcast_in_dim3A = vector.broadcast %reduce_min3A_27 : f32 to vector<1x128xf32>
    %broadcast_in_dim3A_36 = vector.broadcast %jit3A : f32 to vector<1x128xf32>
    %select_n3A = arith.select %eq3A_35, %broadcast_in_dim3A, %broadcast_in_dim3A_36 : vector<1x128xi1>, vector<1x128xf32>
    %broadcast_in_dim3A_37 = vector.broadcast %reduce_min3A_17 : f32 to vector<1x128xf32>
    %select_n3A_38 = arith.select %eq3A_32, %broadcast_in_dim3A_37, %select_n3A : vector<1x128xi1>, vector<1x128xf32>
    %broadcast_in_dim3A_39 = vector.broadcast %reduce_min3A_7 : f32 to vector<1x128xf32>
    %select_n3A_40 = arith.select %eq3A_29, %broadcast_in_dim3A_39, %select_n3A_38 : vector<1x128xi1>, vector<1x128xf32>
    %swap3A = arith.constant 0 : index
    %swap3A_41 = arith.constant 0 : index
    %swap3A_42 = vector.load %arg1[%swap3A, %swap3A_41] : memref<1x128xf32, #tpu.memory_space<vmem>>, vector<1x128xf32>
    tpu.vector_store %arg1[%swap3A, %swap3A_41], %select_n3A_40 {strides = array<i32>} : memref<1x128xf32, #tpu.memory_space<vmem>>, vector<1x128xf32>,
    return
  }
}

module attributes {stable_mosaic.version = 14 : i64} {
  func.func @_prologue_body(%arg0: i32, %arg1: memref<1000x1xi32, #tpu.memory_space<vmem>>, %arg2: memref<1x1152xi32, #tpu.memory_space<vmem>>) attributes {dimension_semantics = [#tpu.dimension_semantics<arbitrary>], iteration_bounds = array<i64: 100>, scalar_prefetch = 0 : i64, scratch_operands = 0 : i64, tpu.core_type = #tpu.core_type<tc>, window_params = [{transform_indices = @transform_0, window_bounds = array<i64: 1000, 1>}, {pipeline_mode = #tpu.pipeline_mode<synchronous>, transform_indices = @transform_1, window_bounds = array<i64: 1, 1152>}]} {
    %iota3A = tpu.iota {dimensions = array<i32: 1>} : vector<1x1152xi32>
    %eq3A = arith.constant 0 : i32
    %eq3A_0 = arith.cmpi eq, %arg0, %eq3A : i32
    %convert_element_type3A = arith.extui %eq3A_0 : i1 to i32
    %cond3A = arith.constant 0 : i32
    %cond3A_1 = arith.cmpi ne, %convert_element_type3A, %cond3A : i32
    scf.if %cond3A_1 {
      %broadcast_in_dim3A_13 = arith.constant 0 : i32
      %broadcast_in_dim3A_14 = vector.broadcast %broadcast_in_dim3A_13 : i32 to vector<1x1152xi32>
      %swap3A_15 = arith.constant 0 : index
      %swap3A_16 = arith.constant 0 : index
      %swap3A_17 = vector.load %arg2[%swap3A_15, %swap3A_16] : memref<1x1152xi32, #tpu.memory_space<vmem>>, vector<1x1152xi32>
      tpu.vector_store %arg2[%swap3A_15, %swap3A_16], %broadcast_in_dim3A_14 {strides = array<i32>} : memref<1x1152xi32, #tpu.memory_space<vmem>>, vector<1x1152xi32>,
    } else {
    }
    %get3A = arith.constant 0 : index
    %get3A_2 = arith.constant 0 : index
    %get3A_3 = vector.load %arg1[%get3A, %get3A_2] : memref<1000x1xi32, #tpu.memory_space<vmem>>, vector<1000x1xi32>
    %get3A_4 = arith.constant 0 : index
    %get3A_5 = arith.constant 0 : index
    %get3A_6 = vector.load %arg2[%get3A_4, %get3A_5] : memref<1x1152xi32, #tpu.memory_space<vmem>>, vector<1x1152xi32>
    %lt3A = vector.broadcast %get3A_3 : vector<1000x1xi32> to vector<1000x1152xi32>
    %lt3A_7 = vector.broadcast %iota3A : vector<1x1152xi32> to vector<1000x1152xi32>
    %lt3A_8 = arith.cmpi slt, %lt3A, %lt3A_7 : vector<1000x1152xi32>
    %convert_element_type3A_9 = arith.extui %lt3A_8 : vector<1000x1152xi1> to vector<1000x1152xi32>
    %reduce_sum3A = arith.constant dense<0> : vector<1152xi32>
    %reduce_sum3A_10 = vector.multi_reduction <add>, %convert_element_type3A_9, %reduce_sum3A [0] : vector<1000x1152xi32> to vector<1152xi32>
    %broadcast_in_dim3A = vector.shape_cast %reduce_sum3A_10 : vector<1152xi32> to vector<1x1152xi32>
    %add3A = arith.addi %get3A_6, %broadcast_in_dim3A : vector<1x1152xi32>
    %swap3A = arith.constant 0 : index
    %swap3A_11 = arith.constant 0 : index
    %swap3A_12 = vector.load %arg2[%swap3A, %swap3A_11] : memref<1x1152xi32, #tpu.memory_space<vmem>>, vector<1x1152xi32>
    tpu.vector_store %arg2[%swap3A, %swap3A_11], %add3A {strides = array<i32>} : memref<1x1152xi32, #tpu.memory_space<vmem>>, vector<1x1152xi32>,
    return
  }
  func.func @transform_0(%arg0: i32) -> (i32, i32) {
    %c0_i32 = arith.constant 0 : i32
    %c0_i32_0 = arith.constant 0 : i32
    return %arg0, %c0_i32 : i32, i32
  }
  func.func @transform_1(%arg0: i32) -> (i32, i32) {
    %c0_i32 = arith.constant 0 : i32
    %c0_i32_0 = arith.constant 0 : i32
    %c0_i32_1 = arith.constant 0 : i32
    return %c0_i32, %c0_i32_0 : i32, i32
  }
}

module attributes {stable_mosaic.version = 14 : i64} {
  func.func @_final_stage_kernel(%arg0: memref<1024x128xf32, #tpu.memory_space<vmem>>, %arg1: memref<128x256xf32, #tpu.memory_space<vmem>>, %arg2: memref<256xf32, #tpu.memory_space<vmem>>, %arg3: memref<256x256xf32, #tpu.memory_space<vmem>>, %arg4: memref<256xf32, #tpu.memory_space<vmem>>, %arg5: memref<1024x128xf32, #tpu.memory_space<vmem>>, %arg6: memref<1024x64xf32, #tpu.memory_space<vmem>>, %arg7: memref<1024x64xf32, #tpu.memory_space<vmem>>, %arg8: memref<1024x128xf32, #tpu.memory_space<vmem>>, %arg9: memref<1024x128xf32, #tpu.memory_space<vmem>>, %arg10: memref<1024x256xf32, #tpu.memory_space<vmem>>) attributes {dimension_semantics = [], scalar_prefetch = 0 : i64, scratch_operands = 0 : i64, tpu.core_type = #tpu.core_type<tc>} {
    %get3A = arith.constant 0 : index
    %get3A_0 = arith.constant 0 : index
    %get3A_1 = vector.load %arg0[%get3A, %get3A_0] : memref<1024x128xf32, #tpu.memory_space<vmem>>, vector<1024x128xf32>
    %max3A = arith.constant 0.000000e+00 : f32
    %max3A_2 = vector.broadcast %max3A : f32 to vector<1024x128xf32>
    %max3A_3 = arith.maximumf %get3A_1, %max3A_2 : vector<1024x128xf32>
    %get3A_4 = arith.constant 0 : index
    %get3A_5 = arith.constant 0 : index
    %get3A_6 = vector.load %arg1[%get3A_4, %get3A_5] : memref<128x256xf32, #tpu.memory_space<vmem>>, vector<128x256xf32>
    %dot_general3A = arith.constant dense<0.000000e+00> : vector<1024x256xf32>
    %dot_general3A_7 = tpu.matmul %max3A_3, %get3A_6, %dot_general3A {dimension_numbers = #tpu.dot_dimension_numbers<[1], [0], [0], [1], [0, 0, 1, 1], [], []>, transpose_lhs_hint = false} : vector<1024x128xf32>, vector<128x256xf32>, vector<1024x256xf32> -> vector<1024x256xf32>
    %get3A_8 = arith.constant 0 : index
    %get3A_9 = vector.load %arg2[%get3A_8] : memref<256xf32, #tpu.memory_space<vmem>>, vector<256xf32>
    %broadcast_in_dim3A = vector.shape_cast %get3A_9 : vector<256xf32> to vector<1x256xf32>
    %add3A = vector.broadcast %broadcast_in_dim3A : vector<1x256xf32> to vector<1024x256xf32>
    %add3A_10 = arith.addf %dot_general3A_7, %add3A : vector<1024x256xf32>
    %gt3A = arith.constant 0.000000e+00 : f32
    %gt3A_11 = vector.broadcast %gt3A : f32 to vector<1024x256xf32>
    %gt3A_12 = arith.cmpf ogt, %add3A_10, %gt3A_11 : vector<1024x256xf32>
    %min3A = arith.constant 0.000000e+00 : f32
    %min3A_13 = vector.broadcast %min3A : f32 to vector<1024x256xf32>
    %min3A_14 = arith.minimumf %add3A_10, %min3A_13 : vector<1024x256xf32>
    %exp3A = math.exp %min3A_14 : vector<1024x256xf32>
    %sub3A = arith.constant 1.000000e+00 : f32
    %sub3A_15 = vector.broadcast %sub3A : f32 to vector<1024x256xf32>
    %sub3A_16 = arith.subf %exp3A, %sub3A_15 : vector<1024x256xf32>
    %select_n3A = arith.select %gt3A_12, %add3A_10, %sub3A_16 : vector<1024x256xi1>, vector<1024x256xf32>
    %get3A_17 = arith.constant 0 : index
    %get3A_18 = arith.constant 0 : index
    %get3A_19 = vector.load %arg3[%get3A_17, %get3A_18] : memref<256x256xf32, #tpu.memory_space<vmem>>, vector<256x256xf32>
    %dot_general3A_20 = arith.constant dense<0.000000e+00> : vector<1024x256xf32>
    %dot_general3A_21 = tpu.matmul %select_n3A, %get3A_19, %dot_general3A_20 {dimension_numbers = #tpu.dot_dimension_numbers<[1], [0], [0], [1], [0, 0, 1, 1], [], []>, transpose_lhs_hint = false} : vector<1024x256xf32>, vector<256x256xf32>, vector<1024x256xf32> -> vector<1024x256xf32>
    %get3A_22 = arith.constant 0 : index
    %get3A_23 = vector.load %arg4[%get3A_22] : memref<256xf32, #tpu.memory_space<vmem>>, vector<256xf32>
    %broadcast_in_dim3A_24 = vector.shape_cast %get3A_23 : vector<256xf32> to vector<1x256xf32>
    %add3A_25 = vector.broadcast %broadcast_in_dim3A_24 : vector<1x256xf32> to vector<1024x256xf32>
    %add3A_26 = arith.addf %dot_general3A_21, %add3A_25 : vector<1024x256xf32>
    %slice3A = vector.extract_strided_slice %add3A_26 {offsets = [0, 0], sizes = [1024, 128], strides = [1, 1]} : vector<1024x256xf32> to vector<1024x128xf32>
    %slice3A_27 = vector.extract_strided_slice %add3A_26 {offsets = [0, 128], sizes = [1024, 128], strides = [1, 1]} : vector<1024x256xf32> to vector<1024x128xf32>
    %custom_jvp_call3A = arith.constant 0.000000e+00 : f32
    %max3A_28 = vector.broadcast %custom_jvp_call3A : f32 to vector<1024x128xf32>
    %max3A_29 = arith.maximumf %slice3A_27, %max3A_28 : vector<1024x128xf32>
    %sub3A_30 = vector.broadcast %custom_jvp_call3A : f32 to vector<1024x128xf32>
    %sub3A_31 = arith.subf %slice3A_27, %sub3A_30 : vector<1024x128xf32>
    %ne3A = arith.cmpf one, %sub3A_31, %sub3A_31 : vector<1024x128xf32>
    %add3A_32 = vector.broadcast %custom_jvp_call3A : f32 to vector<1024x128xf32>
    %add3A_33 = arith.addf %slice3A_27, %add3A_32 : vector<1024x128xf32>
    %abs3A = math.absf %sub3A_31 : vector<1024x128xf32>
    %neg3A = arith.constant 0.000000e+00 : f32
    %neg3A_34 = vector.broadcast %neg3A : f32 to vector<1024x128xf32>
    %neg3A_35 = arith.subf %neg3A_34, %abs3A : vector<1024x128xf32>
    %exp3A_36 = math.exp %neg3A_35 : vector<1024x128xf32>
    %log1p3A = math.log1p %exp3A_36 : vector<1024x128xf32>
    %add3A_37 = arith.addf %max3A_29, %log1p3A : vector<1024x128xf32>
    %select_n3A_38 = arith.select %ne3A, %add3A_33, %add3A_37 : vector<1024x128xi1>, vector<1024x128xf32>
    %get3A_39 = arith.constant 0 : index
    %get3A_40 = arith.constant 0 : index
    %get3A_41 = vector.load %arg5[%get3A_39, %get3A_40] : memref<1024x128xf32, #tpu.memory_space<vmem>>, vector<1024x128xf32>
    %mul3A = arith.mulf %select_n3A_38, %get3A_41 : vector<1024x128xf32>
    %add3A_42 = arith.addf %slice3A, %mul3A : vector<1024x128xf32>
    %slice3A_43 = vector.extract_strided_slice %add3A_42 {offsets = [0, 0], sizes = [1024, 64], strides = [1, 1]} : vector<1024x128xf32> to vector<1024x64xf32>
    %swap3A = arith.constant 0 : index
    %swap3A_44 = arith.constant 0 : index
    %swap3A_45 = vector.load %arg6[%swap3A, %swap3A_44] : memref<1024x64xf32, #tpu.memory_space<vmem>>, vector<1024x64xf32>
    tpu.vector_store %arg6[%swap3A, %swap3A_44], %slice3A_43 {strides = array<i32>} : memref<1024x64xf32, #tpu.memory_space<vmem>>, vector<1024x64xf32>,
    %slice3A_46 = vector.extract_strided_slice %add3A_42 {offsets = [0, 64], sizes = [1024, 64], strides = [1, 1]} : vector<1024x128xf32> to vector<1024x64xf32>
    %swap3A_47 = arith.constant 0 : index
    %swap3A_48 = arith.constant 0 : index
    %swap3A_49 = vector.load %arg7[%swap3A_47, %swap3A_48] : memref<1024x64xf32, #tpu.memory_space<vmem>>, vector<1024x64xf32>
    tpu.vector_store %arg7[%swap3A_47, %swap3A_48], %slice3A_46 {strides = array<i32>} : memref<1024x64xf32, #tpu.memory_space<vmem>>, vector<1024x64xf32>,
    %swap3A_50 = arith.constant 0 : index
    %swap3A_51 = arith.constant 0 : index
    %swap3A_52 = vector.load %arg8[%swap3A_50, %swap3A_51] : memref<1024x128xf32, #tpu.memory_space<vmem>>, vector<1024x128xf32>
    tpu.vector_store %arg8[%swap3A_50, %swap3A_51], %slice3A {strides = array<i32>} : memref<1024x128xf32, #tpu.memory_space<vmem>>, vector<1024x128xf32>,
    %swap3A_53 = arith.constant 0 : index
    %swap3A_54 = arith.constant 0 : index
    %swap3A_55 = vector.load %arg9[%swap3A_53, %swap3A_54] : memref<1024x128xf32, #tpu.memory_space<vmem>>, vector<1024x128xf32>
    tpu.vector_store %arg9[%swap3A_53, %swap3A_54], %select_n3A_38 {strides = array<i32>} : memref<1024x128xf32, #tpu.memory_space<vmem>>, vector<1024x128xf32>,
    %swap3A_56 = arith.constant 0 : index
    %swap3A_57 = arith.constant 0 : index
    %swap3A_58 = vector.load %arg10[%swap3A_56, %swap3A_57] : memref<1024x256xf32, #tpu.memory_space<vmem>>, vector<1024x256xf32>
    tpu.vector_store %arg10[%swap3A_56, %swap3A_57], %select_n3A {strides = array<i32>} : memref<1024x256xf32, #tpu.memory_space<vmem>>, vector<1024x256xf32>,
    return
  }
}

</mosaic_0001>

<sc_bundles>
// kernel: kernel.6.cloned.1.call-start
scs
__scs_entry_jumppad:
0x0: {  	(pc) =	sbr.rel $0x88, $3  }
0x1: {  	(tag) =	ssettag $0x0;
	lr =	simm.s32 $0x1  }
0x2: {  	[smem:$0x3F90] =	sst lr;
	_ =	strace $0xD0000000  }
0x3: {  	_ = 	snop  }
0x4: {  	_ = 	snop  }
0x5: {  	_ = 	snop  }
0x6: {  	_ = 	snop  }
0x7: {  	_ = 	snop  }
__scs_overlays_trampoline_lowered:
0x8: {  	[smem:$0x3F9F] =	sst s0  }
0x9: {  	[smem:$0x3FA0] =	sst s1  }
0xa: {  	[smem:$0x3FA1] =	sst s2  }
0xb: {  	[smem:$0x3FA2] =	sst s3  }
0xc: {  	[smem:$0x3FA3] =	sst s4  }
0xd: {  	[smem:$0x3FA4] =	sst s5  }
0xe: {  	[smem:$0x3FA5] =	sst s6  }
0xf: {  	[smem:$0x3FA6] =	sst s7  }
0x10: {  	[smem:$0x3FA7] =	sst s8  }
0x11: {  	[smem:$0x3FA8] =	sst s9;
	s0 =	simm.s32 @!p0 $0x0  }
0x12: {  	s1 =	sld [smem:$0x3F8E];
	s0 =	simm.s32 @p0 $0x1  }
0x13: {  	[smem:$0x3FA9] =	sst s0;
	s0 =	simm.s32 @!p1 $0x0  }
0x14: {  	s2 =	sld [smem:$0x3F8D];
	s0 =	simm.s32 @p1 $0x1  }
0x15: {  	[smem:$0x3FAA] =	sst s0;
	s0 =	simm.s32 @!p2 $0x0  }
0x16: {  	s3 =	sld [smem:$0x3FDB];
	s0 =	simm.s32 @p2 $0x1  }
0x17: {  	s4 =	simm.s32 $0x1BF5;
	[smem:$0x3FAC] =	sst s0  }
0x18: {  	s0 =	sld [smem:$0x3F8F];
	_ =	swait.ge [sflag:s4], $0x0  }
0x19: {  	s7 =	sld [smem:$0x3F90]  }
0x1a: {  	s8 =	sadd.s32 $0xFFFFE003, lr  }
0x1b: {  	s9 =	sadd.s32 $0xFFFFFEF7, lr;
	s5 =	simm.s32 $0xFFFFFFFF;
	p2 =	slt.u32 s8, $0xFFFFF086  }
0x1c: {  	p1 =	slt.u32 s9, $0xF7A;
	s5 =	simm.s32 @!p2 $0x0  }
0x1d: {  	s5 =	simm.s32 @p1 $0x1;
	p0 =	seq.s32 s7, s2  }
0x1e: {  	s7 =	smul.u32 @!p0 $0xF7A, s2;
	p2 =	seq.s32 @!p0 s5, $0x0  }
0x1f: {  	s9 =	smul.u32 $0xF7A, s1;
	s8 =	simm.s32 @!p0 $0x1BF5;
	p2 =	por !p2, p0  }
0x20: {  	[sflag:s8] =	ssyncset.s32 @!p0 $0xFFFFF086;
	s6 =	sadd.s32 @!p0 s3, s7;
	s7 =	simm.s32 @!p0 $0x108  }
0x21: {  	s3 =	sadd.s32 s3, s9;
	s6 =	sadd.s32 @!p0 $0x88, s6;
	s7 =	simm.s32 @p2 $0x1082  }
0x22: {  	[simem:s7], [sflag:s8] =	dma.local @!p0 [hbm:s6], $0xF7A  }
0x23: {  	s9 =	sor.u32 $0xD0000000, s2;
	s6 =	simm.s32 $0x108;
	_ =	swait.ge @!p0 [sflag:s8], $0x0  }
0x24: {  	s3 =	sadd.s32 $0x88, s3;
	s6 =	simm.s32 @!p1 $0x1082;
	[sflag:s4] =	ssyncset.s32 $0xFFFFF086  }
0x25: {  	[simem:s6], [sflag:s4] =	dma.local [hbm:s3], $0xF7A  }
0x26: {  	[smem:$0x3F90] =	sst s1;
	(tag) =	ssettag s2;
	_ =	strace s9  }
0x27: {  	s1 =	sld [smem:$0x3FA0]  }
0x28: {  	s2 =	sld [smem:$0x3FA1]  }
0x29: {  	s4 =	sld [smem:$0x3FA3]  }
0x2a: {  	p0 =	seq.s32 s5, $0x0;
	s5 =	sld [smem:$0x3FA4]  }
0x2b: {  	s6 =	sld [smem:$0x3FA5]  }
0x2c: {  	s7 =	sld [smem:$0x3FA6]  }
0x2d: {  	s3 =	simm.s32 $0x108;
	s8 =	sld [smem:$0x3FA7]  }
0x2e: {  	s3 =	simm.s32 @!p0 $0x1082;
	s9 =	sld [smem:$0x3FA8]  }
0x2f: {  	lr =	sadd.s32 s0, s3;
	s0 =	sld [smem:$0x3F9F]  }
0x30: {  	s3 =	sld [smem:$0x3FA2]  }
0x31: {  	[smem:$0x3FAB] =	sst s10  }
0x32: {  	s10 =	sld [smem:$0x3FA9];
	_ =	sdelay $0x3  }
0x33: {  	p0 =	seq.s32 s10, $0x1;
	s10 =	sld [smem:$0x3FAB];
	_ =	sdelay $0x3  }
0x34: {  	[smem:$0x3FAB] =	sst s10  }
0x35: {  	s10 =	sld [smem:$0x3FAA];
	_ =	sdelay $0x3  }
0x36: {  	p1 =	seq.s32 s10, $0x1;
	s10 =	sld [smem:$0x3FAB];
	_ =	sdelay $0x3  }
0x37: {  	[smem:$0x3FAB] =	sst s10  }
0x38: {  	s10 =	sld [smem:$0x3FAC]  }
0x39: {  	_ = 	snop;
	(pc) =	sbr.ind lr, $3  }
0x3a: {  	_ = 	snop  }
0x3b: {  	_ = 	snop  }
0x3c: {  	p2 =	seq.s32 s10, $0x1;
	s10 =	sld [smem:$0x3FAB]  }
0x3d: {  	_ =	shalt  }
0x3e: {  	_ =	shalt  }
0x3f: {  	_ =	shalt  }
0x40: {  	_ =	shalt  }
0x41: {  	_ =	shalt  }
0x42: {  	_ =	shalt  }
0x43: {  	_ =	shalt  }
0x44: {  	_ =	shalt  }
0x45: {  	_ =	shalt  }
0x46: {  	_ =	shalt  }
0x47: {  	_ =	shalt  }
0x48: {  	_ =	shalt  }
0x49: {  	_ =	shalt  }
0x4a: {  	_ =	shalt  }
0x4b: {  	_ =	shalt  }
0x4c: {  	_ =	shalt  }
0x4d: {  	_ =	shalt  }
0x4e: {  	_ =	shalt  }
0x4f: {  	_ =	shalt  }
0x50: {  	_ =	shalt  }
0x51: {  	_ =	shalt  }
0x52: {  	_ =	shalt  }
0x53: {  	_ =	shalt  }
0x54: {  	_ =	shalt  }
0x55: {  	_ =	shalt  }
0x56: {  	_ =	shalt  }
0x57: {  	_ =	shalt  }
0x58: {  	_ =	shalt  }
0x59: {  	_ =	shalt  }
0x5a: {  	_ =	shalt  }
0x5b: {  	_ =	shalt  }
0x5c: {  	_ =	shalt  }
0x5d: {  	_ =	shalt  }
0x5e: {  	_ =	shalt  }
0x5f: {  	_ =	shalt  }
0x60: {  	_ =	shalt  }
0x61: {  	_ =	shalt  }
0x62: {  	_ =	shalt  }
0x63: {  	_ =	shalt  }
0x64: {  	_ =	shalt  }
0x65: {  	_ =	shalt  }
0x66: {  	_ =	shalt  }
0x67: {  	_ =	shalt  }
0x68: {  	_ =	shalt  }
0x69: {  	_ =	shalt  }
0x6a: {  	_ =	shalt  }
0x6b: {  	_ =	shalt  }
0x6c: {  	_ =	shalt  }
0x6d: {  	_ =	shalt  }
0x6e: {  	_ =	shalt  }
0x6f: {  	_ =	shalt  }
0x70: {  	_ =	shalt  }
0x71: {  	_ =	shalt  }
0x72: {  	_ =	shalt  }
0x73: {  	_ =	shalt  }
0x74: {  	_ =	shalt  }
0x75: {  	_ =	shalt  }
0x76: {  	_ =	shalt  }
0x77: {  	_ =	shalt  }
0x78: {  	_ =	shalt  }
0x79: {  	_ =	shalt  }
0x7a: {  	_ =	shalt  }
0x7b: {  	_ =	shalt  }
0x7c: {  	_ =	shalt  }
0x7d: {  	_ =	shalt  }
0x7e: {  	_ =	shalt  }
0x7f: {  	_ =	shalt  }
0x80: {  	_ =	shalt  }
0x81: {  	_ =	shalt  }
0x82: {  	_ =	shalt  }
0x83: {  	_ =	shalt  }
0x84: {  	_ =	shalt  }
0x85: {  	_ =	shalt  }
0x86: {  	_ =	shalt  }
0x87: {  	_ =	shalt  }
.Lfunc_end0:
.L_simem_size_0:
called_computation_lowered:
.L_overlay_start_0:
0x88: {  	s2 =	sld [smem:$0x3FD9]  }
0x89: {  	s3 =	sld [smem:$0x3FFE];
	_ =	sdelay $0x1  }
0x8a: {  	s1 =	srdreg.scid  }
0x8b: {  	s0 =	sand.u32 $0x1, s1  }
0x8c: {  	s14 =	sshll.u32 s0, $0xA;
	s2 =	sadd.s32 s3, s2  }
0x8d: {  	s2 =	sadd.s32 s2, s14  }
0x8e: {  	[smem:$0x3FB7] =	sst s2  }
0x8f: {  	_ = 	snop  }
0x90: {  	s2 =	sld [smem:$0x3FD0];
	_ =	sdelay $0x2  }
0x91: {  	s15 =	simm.s32 $0xA;
	s4 =	simm.s32 $0x10  }
0x92: {  	[smem:s4], [sflag:s15] =	dma.local [hbm:s2], $0x1  }
0x93: {  	_ =	swait.eq [sflag:s15], $0x1  }
0x94: {  	s16 =	sld [smem:$0x10]  }
0x95: {  	s17 =	sld [smem:$0x11]  }
0x96: {  	s5 =	sld [smem:$0x12];
	[sflag:s15] =	ssyncset.done $0x0  }
0x97: {  	s6 =	sld [smem:$0x13];
	[sflag:s15] =	ssyncadd.s32 $0xFFFFFFFF  }
0x98: {  	s18 =	sld [smem:$0x14];
	(tm) =	ssettm $0x1  }
0x99: {  	s7 =	sld [smem:$0x3FFB];
	_ =	sdelay $0x3  }
0x9a: {  	_ =	strace s7  }
0x9b: {  	s7 =	sld [smem:$0x3FFC];
	_ =	sdelay $0x3  }
0x9c: {  	_ =	strace s7  }
0x9d: {  	s7 =	sld [smem:$0x3FFD];
	_ =	sdelay $0x3  }
0x9e: {  	_ =	strace s7  }
0x9f: {  	_ =	strace $0x8FFFFFFF  }
0xa0: {  	s19 =	sld [smem:$0x3FDB];
	_ =	sdelay $0x1  }
0xa1: {  	s8 =	simm.s32 $_scs_section_size  }
0xa2: {  	s9 =	simm.s32 $_size__tile_overlayer_lowered;
	s10 =	simm.s32 $_tile_overlayer_lowered  }
0xa3: {  	s22 =	simm.s32 $0x1BFF;
	s21 =	sshll.u32 s10, $0x1;
	s7 =	sadd.s32 s8, s19  }
0xa4: {  	s11 =	simm.s32 $0x0;
	s20 =	sshll.u32 s9, $0x1;
	s9 =	sadd.s32 s21, s7  }
0xa5: {  	[timem:s11], [sflag:s22] =	dma.local [hbm:s9], s20  }
0xa6: {  	_ =	swait.ge [sflag:s22], s20  }
0xa7: {  	s8 =	ssub.s32 $0x0, s20;
	[sflag:s22] =	ssyncset.done $0x0  }
0xa8: {  	[sflag:s22] =	ssyncadd.s32 s8;
	_ =	sdelay $0x1  }
0xa9: {  	s23 =	simm.s32 $0x1B8B  }
0xaa: {  	_ =	swait.ge [sflag:s23], $0x1  }
0xab: {  	[sflag:s23] =	ssyncset.done $0x0  }
0xac: {  	s25 =	simm.s32 $0x1B8E;
	s24 =	sld [smem:$0x3FFE];
	[sflag:s23] =	ssyncadd.s32 $0xFFFFFFFF  }
0xad: {  	s26 =	simm.s32 $execute0_lowered;
	[smem:$0x3FD2] =	sst s25  }
0xae: {  	s9 =	sshll.u32 s26, $0x1;
	_ =	strace $0x80000046;
	[dreg:$0x1] =	wrdreg $0xFFFFFFFF  }
0xaf: {  	s28 =	simm.s32 $_size_execute0_lowered;
	s7 =	sadd.s32 s7, s9;
	[dreg:$0x0] =	wrdreg $0x0  }
0xb0: {  	s9 =	sshll.u32 s28, $0x1;
	[dreg:$0x2] =	wrdreg s7  }
0xb1: {  	[dreg:$0x3] =	wrdreg s9  }
0xb2: {  	[dreg:$0x4] =	wrdreg $0xC0  }
0xb3: {  	_ =	task [dreg:s11], $0x5FFFF  }
0xb4: {  	[dreg:$0x1] =	wrdreg $0xFFFFFFFF  }
0xb5: {  	[dreg:$0x0] =	wrdreg $0x60  }
0xb6: {  	[dreg:$0x2] =	wrdreg s5  }
0xb7: {  	[dreg:$0x3] =	wrdreg s18  }
0xb8: {  	[dreg:$0x4] =	wrdreg s24  }
0xb9: {  	[dreg:$0x5] =	wrdreg s16  }
0xba: {  	[dreg:$0x6] =	wrdreg s17  }
0xbb: {  	[dreg:$0x7] =	wrdreg s6  }
0xbc: {  	[dreg:$0x8] =	wrdreg $0x9  }
0xbd: {  	_ =	task.clear_ibuf [dreg:s11], $0x9FFFF;
	_ =	strace $0x90000046  }
0xbe: {  	s29 =	simm.s32 $0x9;
	_ =	strace $0x80000048  }
0xbf: {  	_ =	swait.ge [sflag:s29], $0x1  }
0xc0: {  	[sflag:s29] =	ssyncadd.s32 $0xFFFFFFFF  }
0xc1: {  	_ =	strace $0x90000048  }
0xc2: {  	_ =	sfence  }
0xc3: {  	s30 =	sld [smem:$0x0];
	_ =	sdelay $0x2  }
0xc4: {  	s31 =	sshll.u32 s1, $0xD;
	s1 =	sshrl.u32 s1, $0x2  }
0xc5: {  	s3 =	sand.u32 $0x4000, s31;
	s1 =	sadd.s32 s1, s30  }
0xc6: {  	s0 =	sor.u32 s3, s0;
	s1 =	sshll.u32 s1, $0x11  }
0xc7: {  	s0 =	sor.u32 s1, s0  }
0xc8: {  	s0 =	sadd.s32 $0x8F2B, s0  }
0xc9: {  	[sflag:s0] =	ssyncadd.remote.s32 $0x1  }
0xca: {  	_ =	sfence.sel $0xFFFF  }
0xcb: {  	[dreg:$0x0] =	wrdreg $0xFFFFFFFF;
	(pc) =	sbr.abs _section_cstart, $3  }
0xcc: {  	[dreg:$0x1] =	wrdreg $0xFFFFFFFF  }
0xcd: {  	_ =	task.clear_ibuf [dreg:s11], $0x2FFFF;
	_ =	strace $0x9FFFFFFF  }
0xce: {  	(tm) =	ssettm $0x7FFFFFFF  }
0xcf: {  	_ =	shalt  }
tec
execute0_lowered:
.L_overlay_start_1:
0x0: {  	(tag) =	ssettag $0x1  }
0x1: {  	s1 =	rddreg [dreg:$0x0]  }
0x2: {  	s2 =	rddreg [dreg:$0x1]  }
0x3: {  	s0 =	rddreg [dreg:$0x2]  }
0x4: {  	s5 =	rddreg [dreg:$0x5];
	s4 =	simm.s32 $0x0  }
0x5: {  	s3 =	srdreg.scid;
	s6 =	stileid.u32;
	s12 =	simm.s32 $0x1  }
0x6: {  	s14 =	simm.s32 $0x7300;
	s15 =	simm.s32 $0x7400;
	s16 =	simm.s32 $0x7500  }
0x7: {  	s17 =	simm.s32 $0x7600;
	s18 =	simm.s32 $0x7700;
	s19 =	simm.s32 $0x7980  }
0x8: {  	s20 =	simm.s32 $0x7C00;
	s21 =	simm.s32 $0x7E80;
	s22 =	simm.s32 $0xA480  }
0x9: {  	s23 =	simm.s32 $0xA500;
	s24 =	simm.s32 $0xA580;
	s3 =	sand.u32 $0x1, s3  }
0xa: {  	s25 =	simm.s32 $0xA600;
	s26 =	simm.s32 $0xBA00;
	s29 =	ssub.s32 $0x2, s3  }
0xb: {  	s8 =	sadd.s32 $0x1600, s0;
	s9 =	sadd.s32 $0x4800, s0;
	s30 =	sshrl.u32 s29, $0x1  }
0xc: {  	s31 =	sshll.u32 s6, $0x6;
	s3 =	sshll.u32 s3, $0x5;
	s0 =	ssub.s32 s29, s30  }
0xd: {  	v0 =	vimm.f32 $0.0e+00;
	v1 =	vimm.s32 $0x0;
	[smem:$0x7FF] =	sst s4;
	s10 =	sor.u32 s3, s31;
	s0 =	smax.u32 s0, $0x1  }
0xe: {  	v2 =	vlaneseq.u32;
	v3 =	vimm.f32 $1.000000000e+00;
	_ =	strace $0x80000047;
	s3 =	simm.s32 $0x0;
	v4 =	vmov s10;
	[dreg:$0x7] =	wrdreg s0  }
.LBB2_1:
0xf: {  	[dreg:$0x8] =	wrdreg s3  }
0x10: {  	s0 =	rddreg [dreg:$0x3];
	s30 =	simm.s32 $0x0  }
0x11: {  	[tilespmem:s30], [sflag:$0x1] =	stream.linear.gather [hbm4b:s0+s30], $0x480, $0x38;
	[tilespmem:$0xBA80] =	vst v63  }
0x12: {  	_ =	swait.ge [sflag:s12], $0x480  }
0x13: {  	[sflag:s12] =	ssyncset.done $0x0  }
0x14: {  	[sflag:s12] =	ssyncadd.s32 $0xFFFFFB80  }
0x15: {  	s4 =	simm.s32 $0x480;
	s31 =	rddreg [dreg:$0x4]  }
0x16: {  	[tilespmem:s4], [sflag:$0x1] =	stream.linear.gather [hbm4b:s31+s30], $0x6E80, $0x38;
	[tilespmem:$0xBA80] =	vst v63  }
0x17: {  	_ =	swait.ge [sflag:s12], $0x6E80  }
0x18: {  	[sflag:s12] =	ssyncset.done $0x0  }
0x19: {  	[sflag:s12] =	ssyncadd.s32 $0xFFFF9180  }
0x1a: {  	v5 =	vld [tilespmem:$0x7270]  }
0x1b: {  	v6 =	vld [tilespmem:$0x7280]  }
0x1c: {  	s3 =	simm.s32 $0x0;
	s0 =	simm.s32 $0x40;
	v7 =	vld [tilespmem:$0x7290]  }
.LBB2_2:
0x1d: {  	p0 =	sne.s32 s0, $0x83C0;
	[tilespmem:s3+$0x8100] =	vst v0;
	s3 =	smov.u32 s0;
	s0 =	sadd.s32 $0x40, s0  }
.Ltmp0:
0x1e: {  	(pc) =	sbr.rel @p0 .LBB2_2-.Ltmp0, $2  }
0x1f: {  	_ =	sdelay $0x2  }
0x20: {  	s3 =	sshra.s32 s3, $0x2  }
0x21: {  	[tilespmem:s3+$0x8100] =	vst v0;
	s0 =	simm.s32 $0x40;
	s3 =	simm.s32 $0x0  }
.LBB2_4:
0x22: {  	p0 =	sne.s32 s0, $0x4000;
	[tilespmem:s3+$0xA680] =	vst v0;
	s3 =	smov.u32 s0;
	s0 =	sadd.s32 $0x40, s0  }
.Ltmp1:
0x23: {  	(pc) =	sbr.rel @p0 .LBB2_4-.Ltmp1, $2  }
0x24: {  	_ =	sdelay $0x2  }
0x25: {  	s3 =	sshra.s32 s3, $0x2  }
0x26: {  	[tilespmem:s3+$0xA680] =	vst v0;
	s3 =	simm.s32 $0x40;
	s0 =	simm.s32 $0x0  }
.LBB2_6:
0x27: {  	p0 =	sne.s32 s3, $0x800;
	[tilespmem:s0+$0xA200] =	vst v1;
	s4 =	smov.u32 s3;
	s3 =	sadd.s32 $0x40, s3  }
.Ltmp2:
0x28: {  	[tilespmem:s0+$0x7E80] =	vst v0;
	(pc) =	sbr.rel @p0 .LBB2_6-.Ltmp2, $4  }
0x29: {  	[tilespmem:s0+$0x7C00] =	vst v0  }
0x2a: {  	[tilespmem:s0+$0x7700] =	vst v0  }
0x2b: {  	[tilespmem:s0+$0x7980] =	vst v0  }
0x2c: {  	s0 =	sshra.s32 s4, $0x2  }
0x2d: {  	[tilespmem:s0+$0xA200] =	vst v1  }
0x2e: {  	[tilespmem:s0+$0x7E80] =	vst v0  }
0x2f: {  	[tilespmem:s0+$0x7C00] =	vst v0  }
0x30: {  	[tilespmem:s0+$0x7700] =	vst v0  }
0x31: {  	[tilespmem:s0+$0x7980] =	vst v0  }
0x32: {  	[tilespmem:$0xA480] =	vst v0  }
0x33: {  	[tilespmem:$0xA500] =	vst v0  }
0x34: {  	[tilespmem:$0xA580] =	vst v0  }
0x35: {  	[tilespmem:$0xA600] =	vst v0  }
0x36: {  	[tilespmem:$0xA490] =	vst v0  }
0x37: {  	[tilespmem:$0xA510] =	vst v0  }
0x38: {  	[tilespmem:$0xA590] =	vst v0  }
0x39: {  	[tilespmem:$0xA610] =	vst v0  }
0x3a: {  	[tilespmem:$0xA4A0] =	vst v0  }
0x3b: {  	[tilespmem:$0xA520] =	vst v0  }
0x3c: {  	[tilespmem:$0xA5A0] =	vst v0  }
0x3d: {  	[tilespmem:$0xA620] =	vst v0  }
0x3e: {  	[tilespmem:$0xA4B0] =	vst v0  }
0x3f: {  	[tilespmem:$0xA530] =	vst v0  }
0x40: {  	[tilespmem:$0xA5B0] =	vst v0  }
0x41: {  	[tilespmem:$0xA630] =	vst v0  }
0x42: {  	[tilespmem:$0xA4C0] =	vst v0  }
0x43: {  	[tilespmem:$0xA540] =	vst v0  }
0x44: {  	[tilespmem:$0xA5C0] =	vst v0  }
0x45: {  	[tilespmem:$0xA640] =	vst v0  }
0x46: {  	[tilespmem:$0xBA00] =	vst v0  }
0x47: {  	[tilespmem:$0xBA10] =	vst v0  }
0x48: {  	[tilespmem:$0xBA20] =	vst v0  }
0x49: {  	[tilespmem:$0xBA30] =	vst v0  }
0x4a: {  	[tilespmem:$0xBA40] =	vst v0  }
0x4b: {  	[tilespmem:$0xBA50] =	vst v0  }
0x4c: {  	[tilespmem:$0xBA60] =	vst v0  }
0x4d: {  	s29 =	simm.s32 $0x0;
	[tilespmem:$0xBA70] =	vst v0  }
.LBB2_8:
0x4e: {  	_ =	sdelay $0x3  }
0x4f: {  	v9 =	vld.idx.msk [tilespmem:v4+s29+$0x0 ss:$0x1], $0xffff;
	_ =	sdelay $0x4  }
0x50: {  	(v2sf) =	vpush v9, $0x0  }
0x51: {  	(v2sf) =	vpush v9, $0x1;
	_ =	sdelay $0xd  }
0x52: {  	s0 =	spop (v2sf)  }
0x53: {  	s3 =	spop (v2sf);
	s6 =	sand.u32 $0xFFFFFFF8, s0  }
0x54: {  	s0 =	ssub.s32 s3, s6  }
0x55: {  	s0 =	sadd.s32 $0xFF, s0  }
0x56: {  	s28 =	sand.u32 $0xFF, s0  }
0x57: {  	s4 =	sshra.s32 s0, $0x1F;
	p0 =	slt.s32 s0, $0x1;
	p1 =	sne.s32 s28, $0x0  }
0x58: {  	s31 =	sshrl.u32 s4, $0x18;
	p0 =	por !p0, !p1  }
0x59: {  	s3 =	simm.s32 $0x1;
	s0 =	sadd.s32 s31, s0;
	p0 =	por !p0, !p0  }
0x5a: {  	s0 =	sshra.s32 s0, $0x8;
	s3 =	simm.s32 @!p0 $0x0  }
0x5b: {  	s7 =	ssub.s32 s0, s3  }
0x5c: {  	p0 =	slt.s32 s7, $0x1  }
.Ltmp3:
0x5d: {  	_ = 	snop;
	(pc) =	sbr.rel @p0 .LBB2_17-.Ltmp3, $2  }
0x5e: {  	_ =	sdelay $0x2  }
0x5f: {  	s30 =	sadd.s32 s10, s29  }
0x60: {  	v8 =	vbroadcast v9, $0x0;
	v9 =	vbroadcast v9, $0x1;
	s0 =	simm.s32 $0x0;
	s4 =	smov.u32 s6;
	s13 =	simm.s32 $0x0  }
.LBB2_10:
0x61: {  	s3 =	sshll.u32 s13, $0x8  }
0x62: {  	s3 =	sadd.s32 s6, s3  }
0x63: {  	s3 =	sshrl.u32 s3, $0x3  }
0x64: {  	s31 =	sadd.s32 s1, s3  }
0x65: {  	[tilespmem:s14], [sflag:$0x1] =	stream.linear.gather [hbm4b:s31+s0], $0x100, $0x38;
	[tilespmem:$0xBA80] =	vst v63  }
0x66: {  	_ =	swait.ge [sflag:s12], $0x100  }
0x67: {  	[sflag:s12] =	ssyncset.done $0x0  }
0x68: {  	s31 =	sadd.s32 s2, s3;
	[sflag:s12] =	ssyncadd.s32 $0xFFFFFF00  }
0x69: {  	[tilespmem:s15], [sflag:$0x1] =	stream.linear.gather [hbm4b:s31+s0], $0x100, $0x38;
	[tilespmem:$0xBA80] =	vst v63  }
0x6a: {  	_ =	swait.ge [sflag:s12], $0x100  }
0x6b: {  	[sflag:s12] =	ssyncset.done $0x0  }
0x6c: {  	s31 =	sadd.s32 s8, s3;
	[sflag:s12] =	ssyncadd.s32 $0xFFFFFF00  }
0x6d: {  	[tilespmem:s16], [sflag:$0x1] =	stream.linear.gather [hbm4b:s31+s0], $0x100, $0x38;
	[tilespmem:$0xBA80] =	vst v63  }
0x6e: {  	_ =	swait.ge [sflag:s12], $0x100  }
0x6f: {  	[sflag:s12] =	ssyncset.done $0x0  }
0x70: {  	s3 =	sadd.s32 s9, s3;
	[sflag:s12] =	ssyncadd.s32 $0xFFFFFF00  }
0x71: {  	[tilespmem:s17], [sflag:$0x1] =	stream.linear.gather [hbm4b:s3+s0], $0x100, $0x38;
	[tilespmem:$0xBA80] =	vst v63  }
0x72: {  	_ =	swait.ge [sflag:s12], $0x100  }
0x73: {  	[sflag:s12] =	ssyncset.done $0x0  }
0x74: {  	s28 =	simm.s32 $0x0;
	[sflag:s12] =	ssyncadd.s32 $0xFFFFFF00  }
0x75: {  	v13 =	vld [tilespmem:s28+$0x7300]  }
0x76: {  	v11 =	vld [tilespmem:s28+$0x7400]  }
0x77: {  	v10 =	vld [tilespmem:s28+$0x7500];
	_ =	sdelay $0x3  }
0x78: {  	v12 =	vsub.f32 v13, v5;
	v14 =	vsub.f32 v11, v6  }
0x79: {  	v15 =	vsub.f32 v10, v7  }
0x7a: {  	v12 =	vmul.f32 $4.000000000e+00, v12;
	v14 =	vmul.f32 $4.000000000e+00, v14  }
0x7b: {  	v15 =	vmul.f32 $4.000000000e+00, v15  }
0x7c: {  	v12 =	vtrunc.f32 v12;
	v14 =	vtrunc.f32 v14  }
0x7d: {  	v12 =	vcvt.f32.s32 v12;
	v14 =	vcvt.f32.s32 v14  }
0x7e: {  	v16 =	vadd.s32 s4, v2;
	v15 =	vtrunc.f32 v15  }
0x7f: {  	v15 =	vcvt.f32.s32 v15;
	vm0 =	vgt.s32 v12, $0x0;
	vm1 =	vgt.s32 v14, $0x0  }
0x80: {  	v12 =	vnsel vm0, $0x0, v12;
	vm0 =	vge.s32 v16, v8;
	v14 =	vnsel vm1, $0x0, v14  }
0x81: {  	vm1 =	vgt.s32 v15, $0x0;
	v12 =	vmin.u32 v12, $0x7;
	v14 =	vmin.u32 v14, $0x7  }
0x82: {  	v15 =	vnsel vm1, $0x0, v15;
	v12 =	vshll.u32 v12, $0x6;
	v14 =	vshll.u32 v14, $0x3  }
0x83: {  	vm1 =	vlt.s32 v16, v9;
	v15 =	vmin.u32 v15, $0x7;
	v12 =	vor.u32 v12, v14  }
0x84: {  	vm0 =	vmand vm0, vm1;
	v12 =	vor.u32 v15, v12  }
0x85: {  	v12 =	vnsel vm0, $0x200, v12;
	_ =	sdelay $0x4  }
0x86: {  	[tilespmem:v12+s18+$0x0] =	vst.idx.add.f32.msk vm0, v3  }
0x87: {  	s31 =	simm.s32 $0x40;
	s3 =	smov.u32 s4;
	[tilespmem:v12+s19+$0x0] =	vst.idx.add.f32.msk vm0, v13  }
.LBB2_11:
0x88: {  	p0 =	sne.s32 s31, $0x3C0  }
0x89: {  	[tilespmem:v12+s20+$0x0] =	vst.idx.add.f32.msk vm0, v11;
	s3 =	sadd.s32 $0x10, s3;
	s11 =	smov.u32 s31;
	s31 =	sadd.s32 $0x40, s31  }
0x8a: {  	s11 =	sshra.s32 s11, $0x2;
	[tilespmem:v12+s21+$0x0] =	vst.idx.add.f32.msk vm0, v10  }
0x8b: {  	v13 =	vld [tilespmem:s11+$0x7300]  }
0x8c: {  	v11 =	vld [tilespmem:s11+$0x7400]  }
0x8d: {  	v10 =	vld [tilespmem:s11+$0x7500];
	_ =	sdelay $0x2  }
0x8e: {  	v12 =	vsub.f32 v13, v5  }
0x8f: {  	v14 =	vsub.f32 v11, v6  }
0x90: {  	v12 =	vmul.f32 $4.000000000e+00, v12;
	v15 =	vsub.f32 v10, v7  }
0x91: {  	v14 =	vmul.f32 $4.000000000e+00, v14  }
0x92: {  	v12 =	vtrunc.f32 v12;
	v15 =	vmul.f32 $4.000000000e+00, v15  }
0x93: {  	v12 =	vcvt.f32.s32 v12;
	v14 =	vtrunc.f32 v14  }
0x94: {  	v14 =	vcvt.f32.s32 v14;
	v15 =	vtrunc.f32 v15  }
0x95: {  	vm0 =	vgt.s32 v12, $0x0;
	v15 =	vcvt.f32.s32 v15  }
0x96: {  	v16 =	vadd.s32 s3, v2;
	v12 =	vnsel vm0, $0x0, v12;
	vm0 =	vgt.s32 v14, $0x0  }
0x97: {  	vm1 =	vge.s32 v16, v8;
	v12 =	vmin.u32 v12, $0x7;
	v14 =	vnsel vm0, $0x0, v14  }
0x98: {  	vm0 =	vgt.s32 v15, $0x0;
	v14 =	vmin.u32 v14, $0x7;
	v12 =	vshll.u32 v12, $0x6  }
0x99: {  	vm2 =	vlt.s32 v16, v9;
	v15 =	vnsel vm0, $0x0, v15;
	v14 =	vshll.u32 v14, $0x3  }
0x9a: {  	vm0 =	vmand vm1, vm2;
	v15 =	vmin.u32 v15, $0x7;
	v12 =	vor.u32 v12, v14  }
0x9b: {  	v12 =	vor.u32 v15, v12  }
0x9c: {  	v12 =	vnsel vm0, $0x200, v12;
	_ =	sdelay $0x1  }
.Ltmp4:
0x9d: {  	(pc) =	sbr.rel @p0 .LBB2_11-.Ltmp4, $3  }
0x9e: {  	_ =	sdelay $0x1  }
0x9f: {  	[tilespmem:v12+s18+$0x0] =	vst.idx.add.f32.msk vm0, v3  }
0xa0: {  	[tilespmem:v12+s19+$0x0] =	vst.idx.add.f32.msk vm0, v13  }
0xa1: {  	s13 =	sadd.s32 $0x1, s13  }
0xa2: {  	p0 =	sne.s32 s13, s7  }
.Ltmp5:
0xa3: {  	_ = 	snop;
	(pc) =	sbr.rel @p0 .LBB2_10-.Ltmp5, $3  }
0xa4: {  	_ =	sdelay $0x1  }
0xa5: {  	[tilespmem:v12+s20+$0x0] =	vst.idx.add.f32.msk vm0, v11  }
0xa6: {  	s4 =	sadd.s32 $0x100, s4;
	s31 =	simm.s32 $0x0;
	[tilespmem:v12+s21+$0x0] =	vst.idx.add.f32.msk vm0, v10  }
0xa7: {  	s3 =	smov.u32 s6  }
.LBB2_14:
0xa8: {  	s0 =	sshll.u32 s31, $0x8  }
0xa9: {  	p0 =	seq.s32 s7, $0x1;
	s0 =	sadd.s32 s6, s0  }
0xaa: {  	s0 =	sshrl.u32 @!p0 s0, $0x3  }
0xab: {  	s11 =	simm.s32 @!p0 $0x0;
	s13 =	simm.s32 @!p0 $0x7300;
	s4 =	sadd.s32 @!p0 s1, s0  }
0xac: {  	[tilespmem:s13], [sflag:$0x1] =	stream.linear.gather @!p0 [hbm4b:s4+s11], $0x100, $0x38;
	[tilespmem:$0xBA80] =	vst v63  }
0xad: {  	s4 =	simm.s32 @!p0 $0x1  }
0xae: {  	_ =	swait.ge @!p0 [sflag:s4], $0x100  }
0xaf: {  	[sflag:s4] =	ssyncset.done @!p0 $0x0  }
0xb0: {  	s28 =	simm.s32 @!p0 $0x7400;
	s13 =	sadd.s32 @!p0 s2, s0;
	[sflag:s4] =	ssyncadd.s32 @!p0 $0xFFFFFF00  }
0xb1: {  	[tilespmem:s28], [sflag:$0x1] =	stream.linear.gather @!p0 [hbm4b:s13+s11], $0x100, $0x38;
	[tilespmem:$0xBA80] =	vst v63  }
0xb2: {  	_ =	swait.ge @!p0 [sflag:s4], $0x100  }
0xb3: {  	[sflag:s4] =	ssyncset.done @!p0 $0x0  }
0xb4: {  	s13 =	sadd.s32 @!p0 s8, s0;
	s28 =	simm.s32 @!p0 $0x7500;
	[sflag:s4] =	ssyncadd.s32 @!p0 $0xFFFFFF00  }
0xb5: {  	[tilespmem:s28], [sflag:$0x1] =	stream.linear.gather @!p0 [hbm4b:s13+s11], $0x100, $0x38;
	[tilespmem:$0xBA80] =	vst v63  }
0xb6: {  	_ =	swait.ge @!p0 [sflag:s4], $0x100  }
0xb7: {  	[sflag:s4] =	ssyncset.done @!p0 $0x0  }
0xb8: {  	s0 =	sadd.s32 @!p0 s9, s0;
	s13 =	simm.s32 @!p0 $0x7600;
	[sflag:s4] =	ssyncadd.s32 @!p0 $0xFFFFFF00  }
0xb9: {  	[tilespmem:s13], [sflag:$0x1] =	stream.linear.gather @!p0 [hbm4b:s0+s11], $0x100, $0x38;
	[tilespmem:$0xBA80] =	vst v63  }
0xba: {  	_ =	swait.ge @!p0 [sflag:s4], $0x100  }
0xbb: {  	[sflag:s4] =	ssyncset.done @!p0 $0x0  }
0xbc: {  	s0 =	smov.u32 s3;
	s13 =	simm.s32 $0x0;
	[sflag:s4] =	ssyncadd.s32 @!p0 $0xFFFFFF00  }
.LBB2_15:
0xbd: {  	s4 =	sshra.s32 s13, $0x2  }
0xbe: {  	v14 =	vld [tilespmem:s4+$0x7300]  }
0xbf: {  	v17 =	vld [tilespmem:s4+$0x7400]  }
0xc0: {  	v20 =	vld [tilespmem:s4+$0x7500];
	_ =	sdelay $0x3  }
0xc1: {  	v10 =	vsub.f32 v14, v5;
	v11 =	vsub.f32 v17, v6  }
0xc2: {  	v12 =	vsub.f32 v20, v7  }
0xc3: {  	v10 =	vmul.f32 $4.000000000e+00, v10;
	v11 =	vmul.f32 $4.000000000e+00, v11  }
0xc4: {  	v12 =	vmul.f32 $4.000000000e+00, v12  }
0xc5: {  	v10 =	vtrunc.f32 v10;
	v11 =	vtrunc.f32 v11  }
0xc6: {  	v10 =	vcvt.f32.s32 v10;
	v11 =	vcvt.f32.s32 v11  }
0xc7: {  	v13 =	vadd.s32 s0, v2;
	v12 =	vtrunc.f32 v12  }
0xc8: {  	v12 =	vcvt.f32.s32 v12;
	vm0 =	vgt.s32 v10, $0x0;
	vm1 =	vgt.s32 v11, $0x0  }
0xc9: {  	vm13 =	vge.s32 v13, v8;
	v10 =	vnsel vm0, $0x0, v10;
	v11 =	vnsel vm1, $0x0, v11  }
0xca: {  	vm14 =	vgt.s32 v12, $0x0;
	v10 =	vmin.u32 v10, $0x7;
	v11 =	vmin.u32 v11, $0x7  }
0xcb: {  	v12 =	vnsel vm14, $0x0, v12;
	v10 =	vshll.u32 v10, $0x6;
	v11 =	vshll.u32 v11, $0x3  }
0xcc: {  	vm15 =	vlt.s32 v13, v9;
	v12 =	vmin.u32 v12, $0x7;
	v10 =	vor.u32 v10, v11  }
0xcd: {  	vm0 =	vmand vm13, vm15;
	v10 =	vor.u32 v12, v10  }
0xce: {  	v11 =	vnsel vm0, $0x200, v10;
	_ =	sdelay $0x4  }
0xcf: {  	v10 =	vld.idx.msk [tilespmem:v11+s18+$0x0], $0xffff;
	_ =	sdelay $0x4  }
0xd0: {  	v10 =	vmax.f32 v10, $1.000000000e+00  }
0xd1: {  	(erf) = vrcp.f32 v10;
	_ =	sdelay $0x1  }
0xd2: {  	v19 =	vshll.u32 v11, $0x4  }
0xd3: {  	(v2sf) =	vpush v19, $0x0;
	_ =	sdelay $0x1  }
0xd4: {  	v43 =	vld.idx.msk [tilespmem:v11+s19+$0x0], $0xffff  }
0xd5: {  	v10 =	vld [tilespmem:s4+$0x7600]  }
0xd6: {  	v15 =	vld.idx.msk [tilespmem:v11+s20+$0x0], $0xffff  }
0xd7: {  	v13 =	vld [tilespmem:$0x480]  }
0xd8: {  	v18 =	vld.idx.msk [tilespmem:v11+s21+$0x0], $0xffff;
	v21 =	vpop (erf)  }
0xd9: {  	(v2sf) =	vpush v19, $0x1;
	v11 =	vld [tilespmem:$0x4C0];
	v16 =	vmul.f32 v21, v43  }
0xda: {  	v12 =	vld [tilespmem:$0x490];
	v44 =	vbroadcast v10, $0x0  }
0xdb: {  	v22 =	vmul.f32 v21, v15;
	v16 =	vsub.f32 v14, v16  }
0xdc: {  	v23 =	vmul.f32 v13, v44;
	v15 =	vld [tilespmem:$0x4A0]  }
0xdd: {  	v21 =	vmul.f32 v18, v21;
	v18 =	vsub.f32 v17, v22;
	v24 =	vbroadcast v16, $0x0  }
0xde: {  	v45 =	vadd.f32 v23, v11;
	v14 =	vld [tilespmem:$0x4B0]  }
0xdf: {  	v17 =	vsub.f32 v20, v21;
	v22 =	vbroadcast v18, $0x0;
	v46 =	vmul.f32 v12, v24  }
0xe0: {  	(v2sf) =	vpush v19, $0x2  }
0xe1: {  	s28 =	spop (v2sf);
	v47 =	vbroadcast v17, $0x0;
	v22 =	vmul.f32 v15, v22;
	v20 =	vadd.f32 v46, v45  }
0xe2: {  	v48 =	vbroadcast v10, $0x1;
	s4 =	sand.u32 $0x7FFFFFF0, s28  }
0xe3: {  	v51 =	vld [tilespmem:s4+$0x8100];
	v21 =	vmul.f32 v14, v47;
	v20 =	vadd.f32 v22, v20  }
0xe4: {  	v49 =	vmul.f32 v13, v48;
	v50 =	vbroadcast v16, $0x1  }
0xe5: {  	v20 =	vadd.f32 v21, v20  }
0xe6: {  	v52 =	vadd.f32 v49, v11;
	v54 =	vbroadcast v18, $0x1;
	v53 =	vmul.f32 v12, v50  }
0xe7: {  	(v2sf) =	vpush v19, $0x3;
	v55 =	vbroadcast v17, $0x1;
	v20 =	vmax.f32 v20, $0.0e+00  }
0xe8: {  	s11 =	spop (v2sf);
	v23 =	vmul.f32 v15, v54;
	v21 =	vadd.f32 v53, v52;
	v20 =	vmax.f32 v51, v20  }
0xe9: {  	v25 =	vbroadcast v10, $0x2;
	s11 =	sand.u32 $0x7FFFFFF0, s11;
	[tilespmem:s4+$0x8100] =	vst v20  }
0xea: {  	v22 =	vmul.f32 v14, v55;
	v56 =	vadd.f32 v23, v21;
	v59 =	vld [tilespmem:s11+$0x8100]  }
0xeb: {  	v57 =	vmul.f32 v13, v25;
	v58 =	vbroadcast v16, $0x2  }
0xec: {  	v20 =	vadd.f32 v22, v56  }
0xed: {  	v61 =	vbroadcast v18, $0x2;
	v60 =	vmul.f32 v12, v58;
	v21 =	vadd.f32 v57, v11  }
0xee: {  	(v2sf) =	vpush v19, $0x4;
	v62 =	vbroadcast v17, $0x2;
	v20 =	vmax.f32 v20, $0.0e+00  }
0xef: {  	s28 =	spop (v2sf);
	v23 =	vmul.f32 v15, v61;
	v21 =	vadd.f32 v60, v21;
	v20 =	vmax.f32 v59, v20  }
0xf0: {  	v63 =	vbroadcast v10, $0x3;
	[tilespmem:s11+$0x8100] =	vst v20;
	s11 =	sand.u32 $0x7FFFFFF0, s28  }
0xf1: {  	v22 =	vmul.f32 v14, v62;
	v28 =	vadd.f32 v23, v21;
	v31 =	vld [tilespmem:s11+$0x8100]  }
0xf2: {  	v29 =	vmul.f32 v13, v63;
	v30 =	vbroadcast v16, $0x3  }
0xf3: {  	v20 =	vadd.f32 v22, v28  }
0xf4: {  	v33 =	vbroadcast v18, $0x3;
	v32 =	vmul.f32 v12, v30;
	v21 =	vadd.f32 v29, v11  }
0xf5: {  	(v2sf) =	vpush v19, $0x5;
	v34 =	vbroadcast v17, $0x3;
	v20 =	vmax.f32 v20, $0.0e+00  }
0xf6: {  	v23 =	vmul.f32 v15, v33;
	v21 =	vadd.f32 v32, v21;
	s28 =	spop (v2sf);
	v20 =	vmax.f32 v31, v20  }
0xf7: {  	v35 =	vbroadcast v10, $0x4;
	[tilespmem:s11+$0x8100] =	vst v20;
	s11 =	sand.u32 $0x7FFFFFF0, s28  }
0xf8: {  	v36 =	vadd.f32 v23, v21;
	v22 =	vmul.f32 v14, v34;
	v39 =	vld [tilespmem:s11+$0x8100]  }
0xf9: {  	v37 =	vmul.f32 v13, v35;
	v38 =	vbroadcast v16, $0x4  }
0xfa: {  	v20 =	vadd.f32 v22, v36  }
0xfb: {  	v41 =	vbroadcast v18, $0x4;
	v40 =	vmul.f32 v12, v38;
	v21 =	vadd.f32 v37, v11  }
0xfc: {  	v42 =	vbroadcast v17, $0x4;
	(v2sf) =	vpush v19, $0x6;
	v20 =	vmax.f32 v20, $0.0e+00  }
0xfd: {  	v23 =	vmul.f32 v15, v41;
	v21 =	vadd.f32 v40, v21;
	s28 =	spop (v2sf);
	v20 =	vmax.f32 v39, v20  }
0xfe: {  	v43 =	vbroadcast v10, $0x5;
	[tilespmem:s11+$0x8100] =	vst v20;
	s11 =	sand.u32 $0x7FFFFFF0, s28  }
0xff: {  	v44 =	vadd.f32 v23, v21;
	v22 =	vmul.f32 v14, v42;
	v47 =	vld [tilespmem:s11+$0x8100]  }
0x100: {  	v45 =	vmul.f32 v13, v43;
	v46 =	vbroadcast v16, $0x5  }
0x101: {  	v20 =	vadd.f32 v22, v44  }
0x102: {  	v49 =	vbroadcast v18, $0x5;
	v48 =	vmul.f32 v12, v46;
	v21 =	vadd.f32 v45, v11  }
0x103: {  	v50 =	vbroadcast v17, $0x5;
	(v2sf) =	vpush v19, $0x7;
	v20 =	vmax.f32 v20, $0.0e+00  }
0x104: {  	v23 =	vmul.f32 v15, v49;
	v21 =	vadd.f32 v48, v21;
	s28 =	spop (v2sf);
	v20 =	vmax.f32 v47, v20  }
0x105: {  	v51 =	vbroadcast v10, $0x6;
	[tilespmem:s11+$0x8100] =	vst v20;
	s11 =	sand.u32 $0x7FFFFFF0, s28  }
0x106: {  	v52 =	vadd.f32 v23, v21;
	v22 =	vmul.f32 v14, v50;
	v55 =	vld [tilespmem:s11+$0x8100]  }
0x107: {  	v54 =	vbroadcast v16, $0x6;
	v53 =	vmul.f32 v13, v51  }
0x108: {  	v20 =	vadd.f32 v22, v52  }
0x109: {  	v57 =	vbroadcast v18, $0x6;
	v56 =	vmul.f32 v12, v54;
	v21 =	vadd.f32 v53, v11  }
0x10a: {  	v58 =	vbroadcast v17, $0x6;
	(v2sf) =	vpush v19, $0x8;
	v20 =	vmax.f32 v20, $0.0e+00  }
0x10b: {  	v23 =	vmul.f32 v15, v57;
	v21 =	vadd.f32 v56, v21;
	s28 =	spop (v2sf);
	v20 =	vmax.f32 v55, v20  }
0x10c: {  	v59 =	vbroadcast v10, $0x7;
	[tilespmem:s11+$0x8100] =	vst v20;
	s11 =	sand.u32 $0x7FFFFFF0, s28  }
0x10d: {  	v60 =	vadd.f32 v23, v21;
	v22 =	vmul.f32 v14, v58;
	v63 =	vld [tilespmem:s11+$0x8100]  }
0x10e: {  	v62 =	vbroadcast v16, $0x7;
	v61 =	vmul.f32 v13, v59  }
0x10f: {  	v20 =	vadd.f32 v22, v60  }
0x110: {  	v27 =	vbroadcast v18, $0x7;
	v26 =	vmul.f32 v12, v62;
	v21 =	vadd.f32 v61, v11  }
0x111: {  	v28 =	vbroadcast v17, $0x7;
	(v2sf) =	vpush v19, $0x9;
	v20 =	vmax.f32 v20, $0.0e+00  }
0x112: {  	v23 =	vmul.f32 v15, v27;
	v21 =	vadd.f32 v26, v21;
	s28 =	spop (v2sf);
	v20 =	vmax.f32 v63, v20  }
0x113: {  	v29 =	vbroadcast v10, $0x8;
	[tilespmem:s11+$0x8100] =	vst v20;
	s11 =	sand.u32 $0x7FFFFFF0, s28  }
0x114: {  	v30 =	vadd.f32 v23, v21;
	v22 =	vmul.f32 v14, v28;
	v33 =	vld [tilespmem:s11+$0x8100]  }
0x115: {  	v32 =	vbroadcast v16, $0x8;
	v31 =	vmul.f32 v13, v29  }
0x116: {  	v20 =	vadd.f32 v22, v30  }
0x117: {  	v35 =	vbroadcast v18, $0x8;
	v34 =	vmul.f32 v12, v32;
	v21 =	vadd.f32 v31, v11  }
0x118: {  	v36 =	vbroadcast v17, $0x8;
	(v2sf) =	vpush v19, $0xA;
	v20 =	vmax.f32 v20, $0.0e+00  }
0x119: {  	v23 =	vmul.f32 v15, v35;
	v21 =	vadd.f32 v34, v21;
	s28 =	spop (v2sf);
	v20 =	vmax.f32 v33, v20  }
0x11a: {  	v37 =	vbroadcast v10, $0x9;
	[tilespmem:s11+$0x8100] =	vst v20;
	s11 =	sand.u32 $0x7FFFFFF0, s28  }
0x11b: {  	v38 =	vadd.f32 v23, v21;
	v22 =	vmul.f32 v14, v36;
	v41 =	vld [tilespmem:s11+$0x8100]  }
0x11c: {  	v40 =	vbroadcast v16, $0x9;
	v39 =	vmul.f32 v13, v37  }
0x11d: {  	v20 =	vadd.f32 v22, v38  }
0x11e: {  	v43 =	vbroadcast v18, $0x9;
	v42 =	vmul.f32 v12, v40;
	v21 =	vadd.f32 v39, v11  }
0x11f: {  	v44 =	vbroadcast v17, $0x9;
	(v2sf) =	vpush v19, $0xB;
	v20 =	vmax.f32 v20, $0.0e+00  }
0x120: {  	v23 =	vmul.f32 v15, v43;
	v21 =	vadd.f32 v42, v21;
	s28 =	spop (v2sf);
	v20 =	vmax.f32 v41, v20  }
0x121: {  	v45 =	vbroadcast v10, $0xA;
	[tilespmem:s11+$0x8100] =	vst v20;
	s11 =	sand.u32 $0x7FFFFFF0, s28  }
0x122: {  	v46 =	vadd.f32 v23, v21;
	v22 =	vmul.f32 v14, v44;
	v49 =	vld [tilespmem:s11+$0x8100]  }
0x123: {  	v48 =	vbroadcast v16, $0xA;
	v47 =	vmul.f32 v13, v45  }
0x124: {  	v20 =	vadd.f32 v22, v46  }
0x125: {  	v51 =	vbroadcast v18, $0xA;
	v50 =	vmul.f32 v12, v48;
	v21 =	vadd.f32 v47, v11  }
0x126: {  	v52 =	vbroadcast v17, $0xA;
	(v2sf) =	vpush v19, $0xC;
	v20 =	vmax.f32 v20, $0.0e+00  }
0x127: {  	v23 =	vmul.f32 v15, v51;
	v21 =	vadd.f32 v50, v21;
	s28 =	spop (v2sf);
	v20 =	vmax.f32 v49, v20  }
0x128: {  	v53 =	vbroadcast v10, $0xB;
	[tilespmem:s11+$0x8100] =	vst v20;
	s11 =	sand.u32 $0x7FFFFFF0, s28  }
0x129: {  	v54 =	vadd.f32 v23, v21;
	v22 =	vmul.f32 v14, v52;
	v57 =	vld [tilespmem:s11+$0x8100]  }
0x12a: {  	v56 =	vbroadcast v16, $0xB;
	v55 =	vmul.f32 v13, v53  }
0x12b: {  	v59 =	vbroadcast v18, $0xB;
	v20 =	vadd.f32 v22, v54  }
0x12c: {  	v58 =	vmul.f32 v12, v56;
	v21 =	vadd.f32 v55, v11  }
0x12d: {  	v23 =	vmul.f32 v15, v59;
	(v2sf) =	vpush v19, $0xD;
	v20 =	vmax.f32 v20, $0.0e+00  }
0x12e: {  	v60 =	vbroadcast v17, $0xB;
	v21 =	vadd.f32 v58, v21;
	s28 =	spop (v2sf);
	v20 =	vmax.f32 v57, v20  }
0x12f: {  	v61 =	vbroadcast v10, $0xC;
	[tilespmem:s11+$0x8100] =	vst v20;
	s11 =	sand.u32 $0x7FFFFFF0, s28  }
0x130: {  	v62 =	vadd.f32 v23, v21;
	v22 =	vmul.f32 v14, v60;
	v29 =	vld [tilespmem:s11+$0x8100]  }
0x131: {  	v28 =	vbroadcast v16, $0xC;
	v63 =	vmul.f32 v13, v61  }
0x132: {  	v31 =	vbroadcast v18, $0xC;
	v20 =	vadd.f32 v22, v62  }
0x133: {  	v30 =	vmul.f32 v12, v28;
	v21 =	vadd.f32 v63, v11  }
0x134: {  	v32 =	vmul.f32 v15, v31;
	(v2sf) =	vpush v19, $0xE;
	v20 =	vmax.f32 v20, $0.0e+00  }
0x135: {  	v21 =	vadd.f32 v30, v21;
	v33 =	vbroadcast v17, $0xC;
	s28 =	spop (v2sf);
	v20 =	vmax.f32 v29, v20  }
0x136: {  	v34 =	vbroadcast v10, $0xD;
	[tilespmem:s11+$0x8100] =	vst v20;
	s11 =	sand.u32 $0x7FFFFFF0, s28  }
0x137: {  	v35 =	vadd.f32 v32, v21;
	v36 =	vmul.f32 v14, v33;
	v37 =	vld [tilespmem:s11+$0x8100]  }
0x138: {  	v39 =	vbroadcast v16, $0xD;
	v38 =	vmul.f32 v13, v34  }
0x139: {  	v42 =	vbroadcast v18, $0xD;
	v20 =	vadd.f32 v36, v35  }
0x13a: {  	v40 =	vadd.f32 v38, v11;
	v41 =	vmul.f32 v12, v39  }
0x13b: {  	v43 =	vmul.f32 v15, v42;
	v44 =	vbroadcast v17, $0xD;
	v20 =	vmax.f32 v20, $0.0e+00  }
0x13c: {  	v21 =	vadd.f32 v41, v40;
	(v2sf) =	vpush v19, $0xF;
	s28 =	spop (v2sf);
	v20 =	vmax.f32 v37, v20  }
0x13d: {  	v45 =	vbroadcast v10, $0xE;
	[tilespmem:s11+$0x8100] =	vst v20;
	s11 =	sand.u32 $0x7FFFFFF0, s28  }
0x13e: {  	v47 =	vmul.f32 v14, v44;
	v46 =	vadd.f32 v43, v21;
	v48 =	vld [tilespmem:s11+$0x8100]  }
0x13f: {  	v49 =	vbroadcast v16, $0xE;
	v22 =	vmul.f32 v13, v45  }
0x140: {  	v52 =	vbroadcast v18, $0xE;
	v20 =	vadd.f32 v47, v46  }
0x141: {  	v51 =	vmul.f32 v12, v49;
	v50 =	vadd.f32 v22, v11  }
0x142: {  	v53 =	vmul.f32 v15, v52;
	v20 =	vmax.f32 v20, $0.0e+00  }
0x143: {  	v54 =	vbroadcast v17, $0xE;
	v21 =	vadd.f32 v51, v50;
	s28 =	spop (v2sf);
	v19 =	vmax.f32 v48, v20  }
0x144: {  	v10 =	vbroadcast v10, $0xF;
	[tilespmem:s11+$0x8100] =	vst v19;
	s11 =	sand.u32 $0x7FFFFFF0, s28  }
0x145: {  	v56 =	vmul.f32 v14, v54;
	v55 =	vadd.f32 v53, v21;
	v57 =	vld [tilespmem:s11+$0x8100]  }
0x146: {  	v10 =	vmul.f32 v13, v10;
	v58 =	vbroadcast v16, $0xF  }
0x147: {  	v19 =	vadd.f32 v56, v55  }
0x148: {  	v10 =	vadd.f32 v10, v11;
	v60 =	vbroadcast v18, $0xF;
	v11 =	vmul.f32 v12, v58  }
0x149: {  	v62 =	vbroadcast v17, $0xF;
	v59 =	vmax.f32 v19, $0.0e+00  }
0x14a: {  	v10 =	vadd.f32 v11, v10;
	v11 =	vmul.f32 v15, v60;
	v61 =	vmax.f32 v57, v59  }
0x14b: {  	s28 =	spop (v2sf);
	[tilespmem:s11+$0x8100] =	vst v61  }
0x14c: {  	v10 =	vadd.f32 v11, v10;
	v11 =	vmul.f32 v14, v62;
	v63 =	vld [tilespmem:s28+$0x8100]  }
0x14d: {  	p0 =	sne.s32 s13, $0x3C0  }
.Ltmp6:
0x14e: {  	v10 =	vadd.f32 v11, v10;
	(pc) =	sbr.rel @p0 .LBB2_15-.Ltmp6, $4  }
0x14f: {  	_ = 	snop  }
0x150: {  	v10 =	vmax.f32 v10, $0.0e+00  }
0x151: {  	v10 =	vmax.f32 v63, v10  }
0x152: {  	s0 =	sadd.s32 $0x10, s0;
	s13 =	sadd.s32 $0x40, s13;
	[tilespmem:s28+$0x8100] =	vst v10  }
0x153: {  	s31 =	sadd.s32 $0x1, s31  }
0x154: {  	p0 =	sne.s32 s31, s7  }
.Ltmp7:
0x155: {  	_ = 	snop;
	(pc) =	sbr.rel @p0 .LBB2_14-.Ltmp7, $2  }
0x156: {  	_ =	sdelay $0x2  }
0x157: {  	s3 =	sadd.s32 $0x100, s3  }
.LBB2_17:
0x158: {  	s4 =	simm.s32 $0x0  }
0x159: {  	v11 =	vld [tilespmem:s4+$0x7700];
	_ =	sdelay $0x4  }
0x15a: {  	v8 =	vmax.f32 v11, $1.000000000e+00  }
0x15b: {  	(erf) = vrcp.f32 v8;
	_ =	sdelay $0x3  }
0x15c: {  	v9 =	vld [tilespmem:s4+$0x7980]  }
0x15d: {  	v8 =	vld [tilespmem:s4+$0x7C00]  }
0x15e: {  	v12 =	vld [tilespmem:s4+$0x7E80];
	_ =	sdelay $0x2  }
0x15f: {  	v13 =	vpop (erf)  }
0x160: {  	v10 =	vmul.f32 v13, v9;
	v9 =	vmul.f32 v13, v8  }
0x161: {  	v8 =	vmul.f32 v12, v13  }
0x162: {  	v62 =	vsub.f32 v10, v5;
	v63 =	vsub.f32 v9, v6  }
0x163: {  	v14 =	vsub.f32 v8, v7  }
0x164: {  	v12 =	vadd.f32 v62, v62;
	v13 =	vadd.f32 v63, v63;
	_ =	sdelay $0x1  }
0x165: {  	v14 =	vadd.f32 v14, v14;
	v12 =	vtrunc.f32 v12;
	v13 =	vtrunc.f32 v13  }
0x166: {  	v12 =	vcvt.f32.s32 v12;
	v13 =	vcvt.f32.s32 v13  }
0x167: {  	v14 =	vtrunc.f32 v14  }
0x168: {  	v14 =	vcvt.f32.s32 v14;
	vm0 =	vgt.s32 v12, $0x0;
	vm1 =	vgt.s32 v13, $0x0  }
0x169: {  	v12 =	vnsel vm0, $0x0, v12;
	v13 =	vnsel vm1, $0x0, v13  }
0x16a: {  	vm0 =	vgt.s32 v14, $0x0;
	v12 =	vmin.u32 v12, $0x3;
	v13 =	vmin.u32 v13, $0x3  }
0x16b: {  	v14 =	vnsel vm0, $0x0, v14;
	v12 =	vshll.u32 v12, $0x4;
	v13 =	vshll.u32 v13, $0x2  }
0x16c: {  	[tilespmem:s4+$0x7C00] =	vst v9;
	v14 =	vmin.u32 v14, $0x3;
	v12 =	vor.u32 v13, v12  }
0x16d: {  	[tilespmem:s4+$0x7980] =	vst v10;
	vm0 =	vgt.f32 v11, $0.0e+00;
	v11 =	vor.u32 v14, v12  }
0x16e: {  	[tilespmem:s4+$0x7E80] =	vst v8;
	v11 =	vnsel vm0, $0x0, v11  }
0x16f: {  	s0 =	simm.s32 $0x40;
	s3 =	simm.s32 $0x80;
	[tilespmem:s4+$0xA200] =	vst v11  }
.LBB2_18:
0x170: {  	_ =	sdelay $0x1  }
0x171: {  	p0 =	sne.s32 s3, $0x7C0  }
0x172: {  	s4 =	sshra.s32 s0, $0x2;
	[tilespmem:v11+s22+$0x0] =	vst.idx.add.f32.msk vm0, v3;
	s0 =	smov.u32 s3;
	s3 =	sadd.s32 $0x40, s3  }
0x173: {  	[tilespmem:v11+s23+$0x0] =	vst.idx.add.f32.msk vm0, v10  }
0x174: {  	[tilespmem:v11+s24+$0x0] =	vst.idx.add.f32.msk vm0, v9  }
0x175: {  	[tilespmem:v11+s25+$0x0] =	vst.idx.add.f32.msk vm0, v8  }
0x176: {  	v11 =	vld [tilespmem:s4+$0x7700];
	_ =	sdelay $0x4  }
0x177: {  	v8 =	vmax.f32 v11, $1.000000000e+00  }
0x178: {  	(erf) = vrcp.f32 v8;
	_ =	sdelay $0x3  }
0x179: {  	v8 =	vld [tilespmem:s4+$0x7C00]  }
0x17a: {  	v9 =	vld [tilespmem:s4+$0x7980]  }
0x17b: {  	v12 =	vld [tilespmem:s4+$0x7E80];
	_ =	sdelay $0x2  }
0x17c: {  	v13 =	vpop (erf)  }
0x17d: {  	v10 =	vmul.f32 v13, v9;
	v9 =	vmul.f32 v13, v8  }
0x17e: {  	v8 =	vmul.f32 v12, v13  }
0x17f: {  	v12 =	vsub.f32 v10, v5;
	v13 =	vsub.f32 v9, v6  }
0x180: {  	v14 =	vsub.f32 v8, v7  }
0x181: {  	v12 =	vadd.f32 v12, v12;
	v13 =	vadd.f32 v13, v13  }
0x182: {  	v14 =	vadd.f32 v14, v14  }
0x183: {  	v12 =	vtrunc.f32 v12;
	v13 =	vtrunc.f32 v13  }
0x184: {  	v12 =	vcvt.f32.s32 v12;
	v13 =	vcvt.f32.s32 v13  }
0x185: {  	v14 =	vtrunc.f32 v14  }
0x186: {  	v14 =	vcvt.f32.s32 v14;
	vm1 =	vgt.s32 v12, $0x0;
	vm2 =	vgt.s32 v13, $0x0  }
0x187: {  	vm0 =	vgt.f32 v11, $0.0e+00;
	v11 =	vnsel vm1, $0x0, v12;
	v12 =	vnsel vm2, $0x0, v13  }
0x188: {  	vm1 =	vgt.s32 v14, $0x0;
	v11 =	vmin.u32 v11, $0x3;
	v12 =	vmin.u32 v12, $0x3  }
.Ltmp8:
0x189: {  	v13 =	vnsel vm1, $0x0, v14;
	v11 =	vshll.u32 v11, $0x4;
	v12 =	vshll.u32 v12, $0x2;
	(pc) =	sbr.rel @p0 .LBB2_18-.Ltmp8, $4  }
0x18a: {  	v13 =	vmin.u32 v13, $0x3;
	[tilespmem:s4+$0x7C00] =	vst v9;
	v11 =	vor.u32 v12, v11  }
0x18b: {  	[tilespmem:s4+$0x7980] =	vst v10;
	v11 =	vor.u32 v13, v11  }
0x18c: {  	[tilespmem:s4+$0x7E80] =	vst v8;
	v11 =	vnsel vm0, $0x0, v11  }
0x18d: {  	[tilespmem:s4+$0xA200] =	vst v11  }
0x18e: {  	_ =	sdelay $0x4  }
0x18f: {  	[tilespmem:v11+s22+$0x0] =	vst.idx.add.f32.msk vm0, v3  }
0x190: {  	[tilespmem:v11+s23+$0x0] =	vst.idx.add.f32.msk vm0, v10  }
0x191: {  	[tilespmem:v11+s24+$0x0] =	vst.idx.add.f32.msk vm0, v9  }
0x192: {  	s0 =	sshra.s32 s0, $0x2;
	[tilespmem:v11+s25+$0x0] =	vst.idx.add.f32.msk vm0, v8  }
0x193: {  	v8 =	vld [tilespmem:s0+$0x7700];
	_ =	sdelay $0x4  }
0x194: {  	v45 =	vmax.f32 v8, $1.000000000e+00  }
0x195: {  	(erf) = vrcp.f32 v45;
	_ =	sdelay $0x3  }
0x196: {  	v46 =	vld [tilespmem:s0+$0x7C00]  }
0x197: {  	v10 =	vld [tilespmem:s0+$0x7980]  }
0x198: {  	v11 =	vld [tilespmem:s0+$0x7E80];
	_ =	sdelay $0x2  }
0x199: {  	v12 =	vpop (erf)  }
0x19a: {  	v10 =	vmul.f32 v12, v10;
	v9 =	vmul.f32 v12, v46  }
0x19b: {  	v11 =	vmul.f32 v11, v12  }
0x19c: {  	v47 =	vsub.f32 v10, v5;
	v13 =	vsub.f32 v9, v6  }
0x19d: {  	v14 =	vsub.f32 v11, v7  }
0x19e: {  	v12 =	vadd.f32 v47, v47;
	v13 =	vadd.f32 v13, v13;
	_ =	sdelay $0x1  }
0x19f: {  	v14 =	vadd.f32 v14, v14;
	v12 =	vtrunc.f32 v12;
	v13 =	vtrunc.f32 v13  }
0x1a0: {  	v12 =	vcvt.f32.s32 v12;
	v13 =	vcvt.f32.s32 v13  }
0x1a1: {  	v14 =	vtrunc.f32 v14  }
0x1a2: {  	v14 =	vcvt.f32.s32 v14;
	vm13 =	vgt.s32 v12, $0x0;
	vm1 =	vgt.s32 v13, $0x0  }
0x1a3: {  	v12 =	vnsel vm13, $0x0, v12;
	v13 =	vnsel vm1, $0x0, v13  }
0x1a4: {  	vm14 =	vgt.s32 v14, $0x0;
	v12 =	vmin.u32 v12, $0x3;
	v13 =	vmin.u32 v13, $0x3  }
0x1a5: {  	v14 =	vnsel vm14, $0x0, v14;
	v12 =	vshll.u32 v12, $0x4;
	v13 =	vshll.u32 v13, $0x2  }
0x1a6: {  	v14 =	vmin.u32 v14, $0x3;
	v12 =	vor.u32 v13, v12  }
0x1a7: {  	vm15 =	vgt.f32 v8, $0.0e+00;
	v8 =	vor.u32 v14, v12  }
0x1a8: {  	v8 =	vnsel vm15, $0x0, v8  }
0x1a9: {  	[tilespmem:s0+$0x7C00] =	vst v9  }
0x1aa: {  	[tilespmem:s0+$0x7980] =	vst v10  }
0x1ab: {  	[tilespmem:s0+$0x7E80] =	vst v11  }
0x1ac: {  	[tilespmem:s0+$0xA200] =	vst v8  }
0x1ad: {  	[tilespmem:v8+s22+$0x0] =	vst.idx.add.f32.msk vm15, v3  }
0x1ae: {  	[tilespmem:v8+s23+$0x0] =	vst.idx.add.f32.msk vm15, v10  }
0x1af: {  	[tilespmem:v8+s24+$0x0] =	vst.idx.add.f32.msk vm15, v9  }
0x1b0: {  	[tilespmem:v8+s25+$0x0] =	vst.idx.add.f32.msk vm15, v11  }
0x1b1: {  	v8 =	vld [tilespmem:$0xA480];
	_ =	sdelay $0x2  }
0x1b2: {  	v9 =	vld [tilespmem:$0xA490];
	_ =	sdelay $0x1  }
0x1b3: {  	v8 =	vmax.f32 v8, $1.000000000e+00  }
0x1b4: {  	(erf) = vrcp.f32 v8;
	v8 =	vld [tilespmem:$0xA4A0];
	_ =	sdelay $0x1  }
0x1b5: {  	v9 =	vmax.f32 v9, $1.000000000e+00  }
0x1b6: {  	v48 =	vld [tilespmem:$0xA4B0];
	(erf) = vrcp.f32 v9;
	_ =	sdelay $0x1  }
0x1b7: {  	v10 =	vld [tilespmem:$0xA500];
	v8 =	vmax.f32 v8, $1.000000000e+00  }
0x1b8: {  	v11 =	vld [tilespmem:$0xA580];
	(erf) = vrcp.f32 v8  }
0x1b9: {  	v8 =	vld [tilespmem:$0xA600]  }
0x1ba: {  	v49 =	vld [tilespmem:$0xA510];
	v9 =	vmax.f32 v48, $1.000000000e+00  }
0x1bb: {  	v51 =	vld [tilespmem:$0xA590];
	v50 =	vpop (erf);
	(erf) = vrcp.f32 v9  }
0x1bc: {  	v53 =	vld [tilespmem:$0xA610];
	v52 =	vmul.f32 v50, v10  }
0x1bd: {  	v15 =	vld [tilespmem:$0xA520];
	v11 =	vmul.f32 v11, v50  }
0x1be: {  	v54 =	vld [tilespmem:$0xA5A0];
	v16 =	vpop (erf);
	v8 =	vmul.f32 v8, v50;
	[tilespmem:$0xA500] =	vst v52  }
0x1bf: {  	v56 =	vld [tilespmem:$0xA620];
	v55 =	vmul.f32 v16, v49;
	[tilespmem:$0xA580] =	vst v11  }
0x1c0: {  	v57 =	vld [tilespmem:$0xA530];
	[tilespmem:$0xA600] =	vst v8;
	v8 =	vmul.f32 v51, v16  }
0x1c1: {  	v60 =	vld [tilespmem:$0xA630];
	v10 =	vmul.f32 v53, v16;
	[tilespmem:$0xA510] =	vst v55;
	v58 =	vpop (erf)  }
0x1c2: {  	v59 =	vld [tilespmem:$0xA5B0];
	[tilespmem:$0xA590] =	vst v8;
	v8 =	vmul.f32 v58, v15  }
0x1c3: {  	[tilespmem:$0xA610] =	vst v10;
	v9 =	vmul.f32 v54, v58  }
0x1c4: {  	[tilespmem:$0xA520] =	vst v8;
	v8 =	vmul.f32 v56, v58;
	v61 =	vpop (erf)  }
.Ltmp9:
0x1c5: {  	[tilespmem:$0xA5A0] =	vst v9;
	v62 =	vmul.f32 v61, v57;
	(pc) =	sbr.rel .LBB2_20-.Ltmp9, $4  }
0x1c6: {  	v63 =	vmul.f32 v60, v61;
	[tilespmem:$0xA620] =	vst v8  }
0x1c7: {  	v8 =	vmul.f32 v59, v61;
	[tilespmem:$0xA530] =	vst v62  }
0x1c8: {  	[tilespmem:$0xA630] =	vst v63  }
0x1c9: {  	s0 =	simm.s32 $0x0;
	[tilespmem:$0xA5B0] =	vst v8  }
.LBB2_24:
0x1ca: {  	s0 =	sadd.s32 $0x1, s0  }
0x1cb: {  	p0 =	sne.s32 s0, $0x200  }
.Ltmp10:
0x1cc: {  	_ = 	snop;
	(pc) =	sbr.rel @!p0 .LBB2_25-.Ltmp10, $1  }
0x1cd: {  	_ =	sdelay $0x3  }
.LBB2_20:
0x1ce: {  	v8 =	vld [tilespmem:s0+$0x7700];
	_ =	sdelay $0x4  }
0x1cf: {  	(v2sf) =	vpush v8, $0x0;
	_ =	sdelay $0xe  }
0x1d0: {  	s3 =	spop (v2sf)  }
0x1d1: {  	p0 =	sgt.f32 s3, $0.0e+00  }
.Ltmp11:
0x1d2: {  	_ = 	snop;
	(pc) =	sbr.rel @!p0 .LBB2_24-.Ltmp11, $1  }
0x1d3: {  	_ =	sdelay $0x3  }
0x1d4: {  	s3 =	sshll.u32 s0, $0x6  }
0x1d5: {  	v9 =	vld [tilespmem:$0x6D0];
	s3 =	sshrl.u32 s3, $0x2  }
0x1d6: {  	v8 =	vld [tilespmem:s3+$0x8100]  }
0x1d7: {  	v10 =	vld [tilespmem:$0x6E0]  }
0x1d8: {  	v11 =	vld [tilespmem:$0x4D0]  }
0x1d9: {  	v12 =	vld [tilespmem:$0x4E0]  }
0x1da: {  	v13 =	vld [tilespmem:$0x4F0]  }
0x1db: {  	v15 =	vld [tilespmem:$0x500];
	v14 =	vbroadcast v8, $0x0  }
0x1dc: {  	v16 =	vld [tilespmem:$0x510]  }
0x1dd: {  	v18 =	vld [tilespmem:$0x520];
	v17 =	vbroadcast v8, $0x1;
	v11 =	vmul.f32 v11, v14  }
0x1de: {  	v12 =	vmul.f32 v12, v14;
	v14 =	vld [tilespmem:$0x530]  }
0x1df: {  	v19 =	vld [tilespmem:$0x540];
	v9 =	vadd.f32 v11, v9;
	v11 =	vmul.f32 v13, v17;
	v13 =	vbroadcast v8, $0x2  }
0x1e0: {  	v10 =	vadd.f32 v12, v10;
	v12 =	vmul.f32 v15, v17;
	v15 =	vld [tilespmem:$0x550]  }
0x1e1: {  	v17 =	vld [tilespmem:$0x560];
	v9 =	vadd.f32 v11, v9;
	v11 =	vmul.f32 v16, v13;
	v16 =	vbroadcast v8, $0x3  }
0x1e2: {  	v10 =	vadd.f32 v12, v10;
	v12 =	vmul.f32 v18, v13;
	v13 =	vld [tilespmem:$0x570]  }
0x1e3: {  	v18 =	vld [tilespmem:$0x580];
	v9 =	vadd.f32 v11, v9;
	v11 =	vmul.f32 v14, v16;
	v14 =	vbroadcast v8, $0x4  }
0x1e4: {  	v10 =	vadd.f32 v12, v10;
	v12 =	vmul.f32 v19, v16;
	v16 =	vld [tilespmem:$0x590]  }
0x1e5: {  	v19 =	vld [tilespmem:$0x5A0];
	v9 =	vadd.f32 v11, v9;
	v11 =	vmul.f32 v15, v14;
	v15 =	vbroadcast v8, $0x5  }
0x1e6: {  	v10 =	vadd.f32 v12, v10;
	v12 =	vmul.f32 v17, v14;
	v14 =	vld [tilespmem:$0x5B0]  }
0x1e7: {  	v17 =	vld [tilespmem:$0x5C0];
	v9 =	vadd.f32 v11, v9;
	v11 =	vmul.f32 v13, v15;
	v13 =	vbroadcast v8, $0x6  }
0x1e8: {  	v10 =	vadd.f32 v12, v10;
	v12 =	vmul.f32 v18, v15;
	v15 =	vld [tilespmem:$0x5D0]  }
0x1e9: {  	v18 =	vld [tilespmem:$0x5E0];
	v9 =	vadd.f32 v11, v9;
	v11 =	vmul.f32 v16, v13;
	v16 =	vbroadcast v8, $0x7  }
0x1ea: {  	v10 =	vadd.f32 v12, v10;
	v12 =	vmul.f32 v19, v13;
	v13 =	vld [tilespmem:$0x5F0]  }
0x1eb: {  	v19 =	vld [tilespmem:$0x600];
	v9 =	vadd.f32 v11, v9;
	v11 =	vmul.f32 v14, v16;
	v14 =	vbroadcast v8, $0x8  }
0x1ec: {  	v10 =	vadd.f32 v12, v10;
	v12 =	vmul.f32 v17, v16;
	v16 =	vld [tilespmem:$0x610]  }
0x1ed: {  	v17 =	vld [tilespmem:$0x620];
	v9 =	vadd.f32 v11, v9;
	v11 =	vmul.f32 v15, v14;
	v15 =	vbroadcast v8, $0x9  }
0x1ee: {  	v10 =	vadd.f32 v12, v10;
	v12 =	vmul.f32 v18, v14;
	v14 =	vld [tilespmem:$0x630]  }
0x1ef: {  	v18 =	vld [tilespmem:$0x640];
	v9 =	vadd.f32 v11, v9;
	v11 =	vmul.f32 v13, v15;
	v13 =	vbroadcast v8, $0xA  }
0x1f0: {  	v10 =	vadd.f32 v12, v10;
	v12 =	vmul.f32 v19, v15;
	v15 =	vld [tilespmem:$0x650]  }
0x1f1: {  	v19 =	vld [tilespmem:$0x660];
	v9 =	vadd.f32 v11, v9;
	v11 =	vmul.f32 v16, v13;
	v16 =	vbroadcast v8, $0xB  }
0x1f2: {  	v10 =	vadd.f32 v12, v10;
	v12 =	vmul.f32 v17, v13;
	v13 =	vld [tilespmem:$0x670]  }
0x1f3: {  	v17 =	vld [tilespmem:$0x680];
	v9 =	vadd.f32 v11, v9;
	v11 =	vmul.f32 v14, v16;
	v14 =	vbroadcast v8, $0xC  }
0x1f4: {  	v10 =	vadd.f32 v12, v10;
	v12 =	vmul.f32 v18, v16;
	v16 =	vld [tilespmem:$0x690]  }
0x1f5: {  	v18 =	vld [tilespmem:$0x6A0];
	v9 =	vadd.f32 v11, v9;
	v11 =	vmul.f32 v15, v14;
	v15 =	vbroadcast v8, $0xD  }
0x1f6: {  	v10 =	vadd.f32 v12, v10;
	v12 =	vmul.f32 v19, v14;
	v14 =	vld [tilespmem:$0x6B0]  }
0x1f7: {  	v19 =	vld [tilespmem:$0x6C0];
	v9 =	vadd.f32 v11, v9;
	v11 =	vmul.f32 v13, v15;
	v13 =	vbroadcast v8, $0xE  }
0x1f8: {  	v10 =	vadd.f32 v12, v10;
	v12 =	vmul.f32 v17, v15  }
0x1f9: {  	v8 =	vbroadcast v8, $0xF;
	v9 =	vadd.f32 v11, v9;
	v11 =	vmul.f32 v16, v13  }
0x1fa: {  	v10 =	vadd.f32 v12, v10;
	v12 =	vmul.f32 v18, v13  }
0x1fb: {  	v9 =	vadd.f32 v11, v9;
	v11 =	vmul.f32 v14, v8  }
0x1fc: {  	v10 =	vadd.f32 v12, v10;
	v8 =	vmul.f32 v19, v8  }
0x1fd: {  	v9 =	vadd.f32 v11, v9  }
0x1fe: {  	v8 =	vadd.f32 v8, v10  }
0x1ff: {  	v10 =	vmin.f32 v9, $0.0e+00  }
0x200: {  	v11 =	vmin.f32 v8, $0.0e+00;
	v10 =	vmul.f32 $1.442695020e+00, v10  }
0x201: {  	v11 =	vmul.f32 $1.442695020e+00, v11  }
0x202: {  	(erf) = vpow2.f32 v10  }
0x203: {  	(erf) = vpow2.f32 v11;
	_ =	sdelay $0x7  }
0x204: {  	v10 =	vpop (erf)  }
0x205: {  	v10 =	vadd.f32 $-1.000000000e+00, v10;
	v11 =	vpop (erf)  }
0x206: {  	vm0 =	vgt.f32 v9, $0.0e+00;
	v11 =	vadd.f32 $-1.000000000e+00, v11  }
0x207: {  	vm15 =	vgt.f32 v8, $0.0e+00;
	v9 =	vsel vm0, v9, v10  }
0x208: {  	v8 =	vsel vm15, v8, v11;
	[tilespmem:$0xB700] =	vst v9  }
0x209: {  	[tilespmem:$0xB710] =	vst v8  }
0x20a: {  	v8 =	vld [tilespmem:s0+$0xA200];
	_ =	sdelay $0x3  }
0x20b: {  	v24 =	vld [tilespmem:$0xFE0]  }
0x20c: {  	v17 =	vld [tilespmem:$0xFD0];
	(v2sf) =	vpush v8, $0x0  }
0x20d: {  	v16 =	vld [tilespmem:$0xFC0]  }
0x20e: {  	v9 =	vld [tilespmem:s0+$0x7980]  }
0x20f: {  	s6 =	simm.s32 $0x0;
	v11 =	vld [tilespmem:s0+$0x7C00]  }
0x210: {  	s6 =	sand.u32 $0x7C0, s6;
	v13 =	vld [tilespmem:s0+$0x7E80]  }
0x211: {  	s7 =	simm.s32 $0xB700;
	v19 =	vld [tilespmem:s6+$0x700]  }
0x212: {  	s13 =	simm.s32 $0x720;
	v22 =	vld.msk [tilespmem:s7+$0x0 ss:$0x0], $0xffff  }
0x213: {  	v20 =	vld [tilespmem:s13+$0x0]  }
0x214: {  	s28 =	simm.s32 $0x40;
	v23 =	vld [tilespmem:s13+$0xFFFFFFF0]  }
0x215: {  	s31 =	sand.u32 $0x7C0, s28;
	v25 =	vld [tilespmem:s13+$0xFFFFFFD0]  }
0x216: {  	v18 =	vld [tilespmem:s31+$0x700];
	s6 =	simm.s32 $0xB701  }
0x217: {  	s7 =	simm.s32 $0x760;
	v15 =	vld.msk [tilespmem:s6+$0x0 ss:$0x0], $0xffff  }
0x218: {  	v21 =	vld [tilespmem:s7+$0x0]  }
0x219: {  	v8 =	vld [tilespmem:$0xFB0]  }
0x21a: {  	v19 =	vmul.f32 v19, v22;
	v26 =	vmul.f32 v20, v22;
	v20 =	vld [tilespmem:s7+$0xFFFFFFF0]  }
0x21b: {  	v27 =	vmul.f32 v23, v22;
	v23 =	vmul.f32 v25, v22;
	v22 =	vld [tilespmem:s7+$0xFFFFFFD0];
	s4 =	spop (v2sf)  }
0x21c: {  	v10 =	vld [tilespmem:s4+$0xA500]  }
0x21d: {  	v16 =	vadd.f32 v19, v16;
	v12 =	vld [tilespmem:s4+$0xA580]  }
0x21e: {  	s13 =	simm.s32 $0x80;
	v19 =	vadd.f32 v26, v24;
	v17 =	vadd.f32 v27, v17;
	v14 =	vld [tilespmem:s4+$0xA600]  }
.LBB2_22:
0x21f: {  	s11 =	sand.u32 $0x7C0, s13;
	v8 =	vadd.f32 v23, v8;
	v26 =	vmov v18;
	p0 =	sne.s32 s13, $0x7C0  }
.Ltmp12:
0x220: {  	s6 =	sadd.s32 $0x1, s6;
	v18 =	vld [tilespmem:s11+$0x700];
	(pc) =	sbr.rel @p0 .LBB2_22-.Ltmp12, $4  }
0x221: {  	s13 =	sadd.s32 $0x40, s13;
	s7 =	sadd.s32 $0x40, s7;
	v24 =	vmul.f32 v26, v15;
	v23 =	vmov v15;
	v25 =	vmul.f32 v21, v15;
	v15 =	vld.msk [tilespmem:s6+$0x0 ss:$0x0], $0xffff  }
0x222: {  	v21 =	vld [tilespmem:s7+$0x0];
	v26 =	vmul.f32 v20, v23  }
0x223: {  	v16 =	vadd.f32 v24, v16;
	v20 =	vld [tilespmem:s7+$0xFFFFFFF0];
	v23 =	vmul.f32 v22, v23;
	v19 =	vadd.f32 v25, v19  }
0x224: {  	v22 =	vld [tilespmem:s7+$0xFFFFFFD0];
	v17 =	vadd.f32 v26, v17  }
0x225: {  	(v2sf) =	vpush v9, $0x0  }
0x226: {  	(v2sf) =	vpush v10, $0x0  }
0x227: {  	(v2sf) =	vpush v11, $0x0  }
0x228: {  	(v2sf) =	vpush v12, $0x0  }
0x229: {  	(v2sf) =	vpush v13, $0x0  }
0x22a: {  	(v2sf) =	vpush v14, $0x0;
	_ =	sdelay $0x4  }
0x22b: {  	v35 =	vld [tilespmem:$0xEF0]  }
0x22c: {  	v36 =	vld [tilespmem:$0xF30]  }
0x22d: {  	v37 =	vld [tilespmem:$0xF70]  }
0x22e: {  	v38 =	vld [tilespmem:$0xF00]  }
0x22f: {  	v41 =	vld [tilespmem:$0xF10]  }
0x230: {  	v24 =	vld [tilespmem:$0xF20];
	s6 =	spop (v2sf)  }
0x231: {  	v39 =	vld [tilespmem:$0xF40];
	v18 =	vmul.f32 v18, v15;
	v21 =	vmul.f32 v21, v15;
	s7 =	spop (v2sf)  }
0x232: {  	v8 =	vadd.f32 v23, v8;
	v43 =	vld [tilespmem:$0xF50];
	v22 =	vmul.f32 v22, v15;
	s11 =	spop (v2sf);
	s6 =	ssub.f32 s6, s7  }
0x233: {  	v40 =	vld [tilespmem:$0xF80];
	v42 =	vmul.f32 v20, v15;
	v16 =	vadd.f32 v18, v16;
	v44 =	vadd.f32 v21, v19;
	s28 =	spop (v2sf)  }
0x234: {  	v45 =	vld [tilespmem:$0xF60];
	v8 =	vadd.f32 v22, v8;
	s13 =	spop (v2sf);
	s7 =	ssub.f32 s11, s28;
	v9 =	vmul.f32 s6, v35;
	v12 =	vmul.f32 s6, v38  }
0x235: {  	v47 =	vld [tilespmem:$0xF90];
	v15 =	vadd.f32 v42, v17;
	v48 =	vmul.f32 s6, v41;
	v51 =	vmul.f32 s6, v24;
	s31 =	spop (v2sf)  }
0x236: {  	v49 =	vld [tilespmem:$0xFA0];
	s4 =	sshll.u32 s4, $0x8;
	s11 =	ssub.f32 s13, s31;
	v8 =	vadd.f32 v9, v8;
	v46 =	vmul.f32 s7, v36;
	v12 =	vadd.f32 v12, v16  }
0x237: {  	s4 =	sshra.s32 s4, $0x2;
	v13 =	vmul.f32 s7, v39;
	v52 =	vadd.f32 v48, v15;
	v53 =	vmul.f32 s7, v43  }
0x238: {  	v54 =	vld [tilespmem:s4+$0xA680];
	v11 =	vadd.f32 v51, v44;
	v8 =	vadd.f32 v46, v8;
	v50 =	vmul.f32 s11, v37  }
0x239: {  	v56 =	vld [tilespmem:s4+$0xA690];
	v55 =	vmul.f32 s7, v45;
	v12 =	vadd.f32 v13, v12;
	v14 =	vmul.f32 s11, v40  }
0x23a: {  	v58 =	vld [tilespmem:s4+$0xA6A0];
	v57 =	vadd.f32 v53, v52;
	v10 =	vmul.f32 s11, v47;
	v8 =	vadd.f32 v50, v8  }
0x23b: {  	v60 =	vld [tilespmem:s4+$0xA6B0];
	v11 =	vadd.f32 v55, v11;
	v59 =	vmul.f32 s11, v49;
	v12 =	vadd.f32 v14, v12  }
0x23c: {  	v9 =	vadd.f32 v10, v57;
	v8 =	vmax.f32 v8, $0.0e+00  }
0x23d: {  	v61 =	vadd.f32 v59, v11;
	v62 =	vmax.f32 v12, $0.0e+00;
	v8 =	vmax.f32 v54, v8  }
.Ltmp13:
0x23e: {  	v9 =	vmax.f32 v9, $0.0e+00;
	[tilespmem:s4+$0xA680] =	vst v8;
	v8 =	vmax.f32 v56, v62;
	(pc) =	sbr.rel .LBB2_24-.Ltmp13, $4  }
0x23f: {  	v63 =	vmax.f32 v61, $0.0e+00;
	[tilespmem:s4+$0xA690] =	vst v8;
	v8 =	vmax.f32 v58, v9  }
0x240: {  	[tilespmem:s4+$0xA6A0] =	vst v8;
	v8 =	vmax.f32 v60, v63  }
0x241: {  	[tilespmem:s4+$0xA6B0] =	vst v8  }
0x242: {  	[tilespmem:s3+$0x8100] =	vst v0  }
.LBB2_25:
.Ltmp14:
0x243: {  	(pc) =	sbr.rel .LBB2_26-.Ltmp14, $2  }
0x244: {  	_ =	sdelay $0x2  }
0x245: {  	s31 =	simm.s32 $0x0;
	s0 =	simm.s32 $0xA682  }
.LBB2_32:
0x246: {  	s31 =	sadd.s32 $0x1, s31  }
0x247: {  	p0 =	sne.s32 s31, $0x40  }
.Ltmp15:
0x248: {  	_ = 	snop;
	(pc) =	sbr.rel @!p0 .LBB2_33-.Ltmp15, $2  }
0x249: {  	_ =	sdelay $0x2  }
0x24a: {  	s0 =	sadd.s32 $0x40, s0  }
.LBB2_26:
0x24b: {  	v8 =	vld [tilespmem:s31+$0xA480];
	_ =	sdelay $0x4  }
0x24c: {  	(v2sf) =	vpush v8, $0x0;
	_ =	sdelay $0xe  }
0x24d: {  	s3 =	spop (v2sf)  }
0x24e: {  	p0 =	sgt.f32 s3, $0.0e+00  }
.Ltmp16:
0x24f: {  	_ = 	snop;
	(pc) =	sbr.rel @!p0 .LBB2_32-.Ltmp16, $1  }
0x250: {  	_ =	sdelay $0x3  }
0x251: {  	v12 =	vld [tilespmem:$0x2FF0]  }
0x252: {  	v13 =	vld [tilespmem:$0x3000]  }
0x253: {  	v16 =	vld [tilespmem:$0x3010]  }
0x254: {  	v17 =	vld [tilespmem:$0x3020]  }
0x255: {  	v27 =	vld [tilespmem:$0x3030]  }
0x256: {  	v30 =	vld [tilespmem:$0x3040]  }
0x257: {  	v9 =	vld [tilespmem:$0x3050]  }
0x258: {  	v10 =	vld [tilespmem:$0x3060]  }
0x259: {  	v8 =	vld.msk [tilespmem:s0+$0x1 ss:$0x0], $0xffff  }
0x25a: {  	v11 =	vld.msk [tilespmem:s0+$0x0 ss:$0x0], $0xffff  }
0x25b: {  	v18 =	vld.msk [tilespmem:s0+$0xFFFFFFFF ss:$0x0], $0xffff  }
0x25c: {  	s4 =	simm.s32 $0x11E0;
	v37 =	vld.msk [tilespmem:s0+$0xFFFFFFFE ss:$0x0], $0xffff  }
0x25d: {  	v14 =	vld [tilespmem:s4+$0xFFFFFF90]  }
0x25e: {  	v15 =	vld [tilespmem:s4+$0xFFFFFFA0]  }
0x25f: {  	v19 =	vld [tilespmem:s4+$0xFFFFFFB0]  }
0x260: {  	v20 =	vld [tilespmem:s4+$0xFFFFFFC0]  }
0x261: {  	v21 =	vld [tilespmem:s4+$0xFFFFFFD0]  }
0x262: {  	v22 =	vld [tilespmem:s4+$0xFFFFFFE0]  }
0x263: {  	v23 =	vld [tilespmem:s4+$0xFFFFFF10]  }
0x264: {  	v24 =	vld [tilespmem:s4+$0xFFFFFF20]  }
0x265: {  	v25 =	vld [tilespmem:s4+$0xFFFFFF30]  }
0x266: {  	v28 =	vld [tilespmem:s4+$0xFFFFFF50]  }
0x267: {  	v29 =	vld [tilespmem:s4+$0xFFFFFF60]  }
0x268: {  	v31 =	vld [tilespmem:s4+$0xFFFFFE90]  }
0x269: {  	v32 =	vld [tilespmem:s4+$0xFFFFFEA0]  }
0x26a: {  	v33 =	vld [tilespmem:s4+$0xFFFFFE10]  }
0x26b: {  	v34 =	vld [tilespmem:s4+$0xFFFFFE20];
	v35 =	vmul.f32 v14, v8  }
0x26c: {  	v40 =	vld [tilespmem:s4+$0xFFFFFE30];
	v36 =	vmul.f32 v15, v8;
	v38 =	vmul.f32 v19, v8  }
0x26d: {  	v59 =	vld [tilespmem:s4+$0xFFFFFE60];
	v39 =	vmul.f32 v20, v8;
	v14 =	vmul.f32 v21, v8  }
0x26e: {  	v15 =	vmul.f32 v22, v8;
	v21 =	vld [tilespmem:s4+$0xFFFFFE40];
	v41 =	vmul.f32 v23, v11  }
0x26f: {  	v24 =	vmul.f32 v24, v11;
	v22 =	vld [tilespmem:s4+$0xFFFFFEB0];
	v19 =	vmul.f32 v28, v11  }
0x270: {  	v23 =	vld [tilespmem:s4+$0xFFFFFEC0];
	v20 =	vmul.f32 v29, v11;
	v29 =	vmul.f32 v32, v18  }
0x271: {  	v26 =	vld [tilespmem:s4+$0xFFFFFF40];
	v56 =	vmul.f32 v33, v37;
	v57 =	vmul.f32 v34, v37  }
0x272: {  	v42 =	vld [tilespmem:s4+$0xFFFFFE50];
	v40 =	vmul.f32 v40, v37;
	v32 =	vmul.f32 v59, v37  }
0x273: {  	v62 =	vld [tilespmem:s4+$0xFFFFFEF0];
	v12 =	vadd.f32 v56, v12;
	v13 =	vadd.f32 v57, v13;
	v21 =	vmul.f32 v21, v37  }
0x274: {  	v60 =	vld [tilespmem:s4+$0xFFFFFE70];
	v28 =	vmul.f32 v31, v18;
	v16 =	vadd.f32 v40, v16;
	v32 =	vadd.f32 v32, v30  }
0x275: {  	v31 =	vld [tilespmem:s4+$0xFFFFFED0];
	v22 =	vmul.f32 v22, v18;
	v23 =	vmul.f32 v23, v18;
	v17 =	vadd.f32 v21, v17  }
0x276: {  	v61 =	vld [tilespmem:s4+$0xFFFFFE80];
	v25 =	vmul.f32 v25, v11;
	v12 =	vadd.f32 v28, v12;
	v13 =	vadd.f32 v29, v13  }
0x277: {  	v58 =	vld [tilespmem:s4+$0xFFFFFEE0];
	v26 =	vmul.f32 v26, v11;
	v16 =	vadd.f32 v22, v16;
	v17 =	vadd.f32 v23, v17  }
0x278: {  	v30 =	vmul.f32 v62, v18;
	v12 =	vadd.f32 v41, v12;
	v13 =	vadd.f32 v24, v13;
	v23 =	vld [tilespmem:s4+$0xFFFFFF00]  }
0x279: {  	v28 =	vmul.f32 v60, v37;
	v63 =	vadd.f32 v25, v16;
	v25 =	vld [tilespmem:s4+$0xFFFFFF70];
	v26 =	vadd.f32 v26, v17  }
0x27a: {  	v24 =	vld [tilespmem:s4+$0xFFFFFF80];
	v21 =	vmul.f32 v31, v18;
	v31 =	vmul.f32 v42, v37;
	v16 =	vadd.f32 v36, v13  }
0x27b: {  	s3 =	sshll.u32 s31, $0x6;
	s13 =	smov.u32 s0;
	v29 =	vmul.f32 v61, v37;
	v17 =	vadd.f32 v35, v12;
	v12 =	vadd.f32 v39, v26;
	v26 =	vld [tilespmem:s4+$0xFFFFFFF0]  }
0x27c: {  	s7 =	sand.u32 $0x3FFFFFC0, s3;
	s3 =	simm.s32 $0x0;
	v22 =	vmul.f32 v58, v18;
	v31 =	vadd.f32 v31, v27;
	v27 =	vld [tilespmem:s4+$0x0];
	v13 =	vadd.f32 v38, v63;
	s4 =	simm.s32 $0x13E0  }
.LBB2_28:
0x27d: {  	v33 =	vld [tilespmem:s4+$0xFFFFFF90];
	v9 =	vadd.f32 v28, v9;
	v10 =	vadd.f32 v29, v10;
	v18 =	vmul.f32 v23, v18  }
0x27e: {  	v23 =	vld [tilespmem:s4+$0xFFFFFFA0];
	v21 =	vadd.f32 v21, v31;
	v22 =	vadd.f32 v22, v32;
	v25 =	vmul.f32 v25, v11  }
0x27f: {  	v28 =	vld [tilespmem:s4+$0xFFFFFFB0];
	v9 =	vadd.f32 v30, v9;
	v10 =	vadd.f32 v18, v10;
	v11 =	vmul.f32 v24, v11  }
0x280: {  	v24 =	vld [tilespmem:s4+$0xFFFFFFC0];
	v18 =	vadd.f32 v19, v21;
	v19 =	vadd.f32 v20, v22;
	v20 =	vmul.f32 v26, v8  }
0x281: {  	v21 =	vld [tilespmem:s4+$0xFFFFFFD0];
	v9 =	vadd.f32 v25, v9;
	v10 =	vadd.f32 v11, v10;
	v11 =	vmul.f32 v27, v8  }
0x282: {  	s13 =	sadd.s32 $0x4, s13;
	v22 =	vld [tilespmem:s4+$0xFFFFFFE0];
	v27 =	vadd.f32 v14, v18;
	v30 =	vadd.f32 v15, v19  }
0x283: {  	v8 =	vld.msk [tilespmem:s13+$0x1 ss:$0x0], $0xffff;
	v9 =	vadd.f32 v20, v9;
	v10 =	vadd.f32 v11, v10  }
0x284: {  	v19 =	vld [tilespmem:s4+$0xFFFFFF10]  }
0x285: {  	v20 =	vld [tilespmem:s4+$0xFFFFFF20]  }
0x286: {  	v25 =	vld [tilespmem:s4+$0xFFFFFF30]  }
0x287: {  	v26 =	vld [tilespmem:s4+$0xFFFFFF40]  }
0x288: {  	v29 =	vld [tilespmem:s4+$0xFFFFFF50]  }
0x289: {  	v31 =	vld [tilespmem:s4+$0xFFFFFF60]  }
0x28a: {  	v11 =	vld.msk [tilespmem:s13+$0x0 ss:$0x0], $0xffff  }
0x28b: {  	v32 =	vld [tilespmem:s4+$0xFFFFFE90]  }
0x28c: {  	v34 =	vld [tilespmem:s4+$0xFFFFFEA0]  }
0x28d: {  	v18 =	vld.msk [tilespmem:s13+$0xFFFFFFFF ss:$0x0], $0xffff  }
0x28e: {  	v35 =	vld [tilespmem:s4+$0xFFFFFE10]  }
0x28f: {  	v33 =	vmul.f32 v33, v8;
	v37 =	vmul.f32 v23, v8;
	v36 =	vld [tilespmem:s4+$0xFFFFFE20]  }
0x290: {  	v39 =	vmul.f32 v28, v8;
	v40 =	vmul.f32 v24, v8;
	v38 =	vld.msk [tilespmem:s13+$0xFFFFFFFE ss:$0x0], $0xffff  }
0x291: {  	v14 =	vmul.f32 v21, v8;
	v15 =	vmul.f32 v22, v8;
	v23 =	vld [tilespmem:s4+$0xFFFFFE30]  }
0x292: {  	v24 =	vmul.f32 v19, v11;
	v28 =	vmul.f32 v20, v11;
	v21 =	vld [tilespmem:s4+$0xFFFFFE40]  }
0x293: {  	v25 =	vmul.f32 v25, v11;
	v26 =	vmul.f32 v26, v11;
	v22 =	vld [tilespmem:s4+$0xFFFFFEB0]  }
0x294: {  	v19 =	vmul.f32 v29, v11;
	v20 =	vmul.f32 v31, v11;
	v41 =	vld [tilespmem:s4+$0xFFFFFEC0]  }
0x295: {  	v29 =	vmul.f32 v32, v18;
	v31 =	vmul.f32 v34, v18;
	v32 =	vld [tilespmem:s4+$0xFFFFFED0]  }
0x296: {  	v34 =	vmul.f32 v35, v38;
	v35 =	vmul.f32 v36, v38;
	v36 =	vld [tilespmem:s4+$0xFFFFFEE0]  }
0x297: {  	v23 =	vmul.f32 v23, v38;
	v21 =	vmul.f32 v21, v38;
	v42 =	vld [tilespmem:s4+$0xFFFFFE50]  }
0x298: {  	v17 =	vadd.f32 v34, v17;
	v16 =	vadd.f32 v35, v16;
	v34 =	vld [tilespmem:s4+$0xFFFFFE60];
	v22 =	vmul.f32 v22, v18  }
0x299: {  	s3 =	sadd.s32 $0x4, s3;
	v13 =	vadd.f32 v23, v13;
	v12 =	vadd.f32 v21, v12;
	v35 =	vld [tilespmem:s4+$0xFFFFFE70];
	v23 =	vmul.f32 v41, v18  }
0x29a: {  	p0 =	slt.u32 s3, $0x3C;
	v17 =	vadd.f32 v29, v17;
	v16 =	vadd.f32 v31, v16;
	v41 =	vld [tilespmem:s4+$0xFFFFFE80];
	v21 =	vmul.f32 v32, v18  }
0x29b: {  	v13 =	vadd.f32 v22, v13;
	v12 =	vadd.f32 v23, v12;
	v22 =	vmul.f32 v36, v18;
	v36 =	vld [tilespmem:s4+$0xFFFFFEF0]  }
.Ltmp17:
0x29c: {  	v17 =	vadd.f32 v24, v17;
	v16 =	vadd.f32 v28, v16;
	v31 =	vmul.f32 v42, v38;
	v23 =	vld [tilespmem:s4+$0xFFFFFF00];
	(pc) =	sbr.rel @p0 .LBB2_28-.Ltmp17, $4  }
0x29d: {  	v13 =	vadd.f32 v25, v13;
	v32 =	vmul.f32 v34, v38;
	v12 =	vadd.f32 v26, v12;
	v25 =	vld [tilespmem:s4+$0xFFFFFF70]  }
0x29e: {  	v17 =	vadd.f32 v33, v17;
	v16 =	vadd.f32 v37, v16;
	v28 =	vmul.f32 v35, v38;
	v24 =	vld [tilespmem:s4+$0xFFFFFF80]  }
0x29f: {  	v13 =	vadd.f32 v39, v13;
	v29 =	vmul.f32 v41, v38;
	v12 =	vadd.f32 v40, v12;
	v26 =	vld [tilespmem:s4+$0xFFFFFFF0]  }
0x2a0: {  	v31 =	vadd.f32 v31, v27;
	v32 =	vadd.f32 v32, v30;
	v30 =	vmul.f32 v36, v18;
	v27 =	vld [tilespmem:s4+$0x0];
	s4 =	sadd.s32 $0x200, s4  }
0x2a1: {  	v9 =	vadd.f32 v28, v9;
	v10 =	vadd.f32 v29, v10;
	v18 =	vmul.f32 v23, v18  }
0x2a2: {  	v21 =	vadd.f32 v21, v31;
	v22 =	vadd.f32 v22, v32;
	v23 =	vmul.f32 v25, v11  }
0x2a3: {  	v9 =	vadd.f32 v30, v9;
	v10 =	vadd.f32 v18, v10;
	v11 =	vmul.f32 v24, v11  }
0x2a4: {  	v18 =	vadd.f32 v19, v21;
	v19 =	vadd.f32 v20, v22;
	v20 =	vmul.f32 v26, v8  }
0x2a5: {  	v9 =	vadd.f32 v23, v9;
	v10 =	vadd.f32 v11, v10;
	v8 =	vmul.f32 v27, v8  }
0x2a6: {  	v11 =	vadd.f32 v14, v18;
	v14 =	vadd.f32 v15, v19;
	v15 =	vmin.f32 v17, $0.0e+00  }
0x2a7: {  	v18 =	vmin.f32 v16, $0.0e+00;
	v9 =	vadd.f32 v20, v9;
	v15 =	vmul.f32 $1.442695020e+00, v15  }
0x2a8: {  	v8 =	vadd.f32 v8, v10;
	v10 =	vmul.f32 $1.442695020e+00, v18;
	v18 =	vmin.f32 v13, $0.0e+00  }
0x2a9: {  	(erf) = vpow2.f32 v15;
	v15 =	vmul.f32 $1.442695020e+00, v18;
	v18 =	vmin.f32 v12, $0.0e+00  }
0x2aa: {  	(erf) = vpow2.f32 v10;
	v10 =	vmul.f32 $1.442695020e+00, v18;
	v18 =	vmin.f32 v11, $0.0e+00  }
0x2ab: {  	(erf) = vpow2.f32 v15;
	v15 =	vmul.f32 $1.442695020e+00, v18;
	v18 =	vmin.f32 v14, $0.0e+00  }
0x2ac: {  	(erf) = vpow2.f32 v10;
	v10 =	vmul.f32 $1.442695020e+00, v18;
	v18 =	vmin.f32 v9, $0.0e+00  }
0x2ad: {  	(erf) = vpow2.f32 v15;
	v15 =	vmul.f32 $1.442695020e+00, v18;
	v18 =	vmin.f32 v8, $0.0e+00  }
0x2ae: {  	(erf) = vpow2.f32 v10;
	v10 =	vmul.f32 $1.442695020e+00, v18;
	_ =	sdelay $0x2  }
0x2af: {  	(erf) = vpow2.f32 v15  }
0x2b0: {  	(erf) = vpow2.f32 v10;
	v10 =	vpop (erf)  }
0x2b1: {  	v15 =	vpop (erf);
	v10 =	vadd.f32 $-1.000000000e+00, v10  }
0x2b2: {  	vm0 =	vgt.f32 v17, $0.0e+00;
	v18 =	vpop (erf);
	v15 =	vadd.f32 $-1.000000000e+00, v15  }
0x2b3: {  	vm9 =	vgt.f32 v16, $0.0e+00;
	v19 =	vpop (erf);
	v10 =	vsel vm0, v17, v10;
	v17 =	vadd.f32 $-1.000000000e+00, v18  }
0x2b4: {  	vm10 =	vgt.f32 v13, $0.0e+00;
	v18 =	vpop (erf);
	[tilespmem:$0xB780] =	vst v10;
	v10 =	vsel vm9, v16, v15  }
0x2b5: {  	[tilespmem:$0xB790] =	vst v10;
	v10 =	vsel vm10, v13, v17;
	v13 =	vadd.f32 $-1.000000000e+00, v18  }
0x2b6: {  	v30 =	vld [tilespmem:$0x7240];
	v15 =	vadd.f32 $-1.000000000e+00, v19  }
0x2b7: {  	vm11 =	vgt.f32 v12, $0.0e+00;
	v23 =	vld [tilespmem:$0x7230];
	v19 =	vpop (erf)  }
0x2b8: {  	v20 =	vld [tilespmem:$0x7220];
	vm12 =	vgt.f32 v11, $0.0e+00;
	v18 =	vpop (erf);
	[tilespmem:$0xB7A0] =	vst v10;
	v10 =	vsel vm11, v12, v15;
	v12 =	vadd.f32 $-1.000000000e+00, v19  }
0x2b9: {  	vm13 =	vgt.f32 v14, $0.0e+00;
	v16 =	vld [tilespmem:$0x71F0];
	[tilespmem:$0xB7B0] =	vst v10;
	v10 =	vsel vm12, v11, v13;
	v11 =	vadd.f32 $-1.000000000e+00, v18;
	v13 =	vpop (erf)  }
0x2ba: {  	vm14 =	vgt.f32 v9, $0.0e+00;
	v17 =	vld [tilespmem:$0x7200];
	[tilespmem:$0xB7C0] =	vst v10;
	v10 =	vsel vm13, v14, v12;
	v12 =	vadd.f32 $-1.000000000e+00, v13  }
0x2bb: {  	vm15 =	vgt.f32 v8, $0.0e+00;
	v15 =	vld [tilespmem:$0x7210];
	[tilespmem:$0xB7D0] =	vst v10;
	v9 =	vsel vm14, v9, v11  }
0x2bc: {  	v10 =	vld [tilespmem:$0x7260];
	[tilespmem:$0xB7E0] =	vst v9;
	v8 =	vsel vm15, v8, v12  }
0x2bd: {  	s13 =	simm.s32 $0x3260;
	v9 =	vld [tilespmem:$0x7250];
	[tilespmem:$0xB7F0] =	vst v8  }
0x2be: {  	v11 =	vld [tilespmem:s13+$0xFFFFFF90]  }
0x2bf: {  	v13 =	vld [tilespmem:s13+$0xFFFFFFA0]  }
0x2c0: {  	v18 =	vld [tilespmem:s13+$0xFFFFFFB0]  }
0x2c1: {  	v19 =	vld [tilespmem:s13+$0xFFFFFFC0]  }
0x2c2: {  	v21 =	vld [tilespmem:s13+$0xFFFFFFD0]  }
0x2c3: {  	s3 =	simm.s32 $0xB782;
	v22 =	vld [tilespmem:s13+$0xFFFFFFE0]  }
0x2c4: {  	v8 =	vld.msk [tilespmem:s3+$0x1 ss:$0x0], $0xffff  }
0x2c5: {  	v24 =	vld [tilespmem:s13+$0xFFFFFF10]  }
0x2c6: {  	v25 =	vld [tilespmem:s13+$0xFFFFFF20]  }
0x2c7: {  	v26 =	vld [tilespmem:s13+$0xFFFFFF30]  }
0x2c8: {  	v27 =	vld [tilespmem:s13+$0xFFFFFF40]  }
0x2c9: {  	v28 =	vld [tilespmem:s13+$0xFFFFFF50]  }
0x2ca: {  	v29 =	vld [tilespmem:s13+$0xFFFFFF60]  }
0x2cb: {  	v12 =	vld.msk [tilespmem:s3+$0x0 ss:$0x0], $0xffff  }
0x2cc: {  	v31 =	vld [tilespmem:s13+$0xFFFFFE90]  }
0x2cd: {  	v55 =	vld [tilespmem:s13+$0xFFFFFEA0]  }
0x2ce: {  	v14 =	vld.msk [tilespmem:s3+$0xFFFFFFFF ss:$0x0], $0xffff  }
0x2cf: {  	v33 =	vld [tilespmem:s13+$0xFFFFFE10]  }
0x2d0: {  	v34 =	vld [tilespmem:s13+$0xFFFFFE20];
	v35 =	vmul.f32 v11, v8  }
0x2d1: {  	v37 =	vld.msk [tilespmem:s3+$0xFFFFFFFE ss:$0x0], $0xffff;
	v36 =	vmul.f32 v13, v8;
	v38 =	vmul.f32 v18, v8  }
0x2d2: {  	v40 =	vld [tilespmem:s13+$0xFFFFFE30];
	v39 =	vmul.f32 v19, v8;
	v13 =	vmul.f32 v21, v8  }
0x2d3: {  	v11 =	vmul.f32 v22, v8;
	v21 =	vld [tilespmem:s13+$0xFFFFFE40];
	v41 =	vmul.f32 v24, v12  }
0x2d4: {  	v25 =	vmul.f32 v25, v12;
	v22 =	vld [tilespmem:s13+$0xFFFFFEB0];
	v26 =	vmul.f32 v26, v12  }
0x2d5: {  	v27 =	vmul.f32 v27, v12;
	v24 =	vld [tilespmem:s13+$0xFFFFFEC0];
	v18 =	vmul.f32 v28, v12  }
0x2d6: {  	v59 =	vld [tilespmem:s13+$0xFFFFFE60];
	v19 =	vmul.f32 v29, v12;
	v56 =	vmul.f32 v33, v37  }
0x2d7: {  	v60 =	vld [tilespmem:s13+$0xFFFFFE70];
	v57 =	vmul.f32 v34, v37;
	v40 =	vmul.f32 v40, v37  }
0x2d8: {  	v61 =	vld [tilespmem:s13+$0xFFFFFE80];
	v28 =	vmul.f32 v31, v14;
	v16 =	vadd.f32 v56, v16;
	v21 =	vmul.f32 v21, v37  }
0x2d9: {  	v29 =	vmul.f32 v55, v14;
	v31 =	vld [tilespmem:s13+$0xFFFFFED0];
	v17 =	vadd.f32 v57, v17;
	v15 =	vadd.f32 v40, v15  }
0x2da: {  	v42 =	vld [tilespmem:s13+$0xFFFFFE50];
	v22 =	vmul.f32 v22, v14;
	v24 =	vmul.f32 v24, v14;
	v20 =	vadd.f32 v21, v20  }
0x2db: {  	v58 =	vld [tilespmem:s13+$0xFFFFFEE0];
	v63 =	vmul.f32 v59, v37;
	v16 =	vadd.f32 v28, v16;
	v17 =	vadd.f32 v29, v17  }
0x2dc: {  	v62 =	vld [tilespmem:s13+$0xFFFFFEF0];
	v28 =	vmul.f32 v60, v37;
	v15 =	vadd.f32 v22, v15;
	v20 =	vadd.f32 v24, v20  }
0x2dd: {  	v29 =	vmul.f32 v61, v37;
	v16 =	vadd.f32 v41, v16;
	v17 =	vadd.f32 v25, v17;
	v24 =	vld [tilespmem:s13+$0xFFFFFF00]  }
0x2de: {  	v21 =	vmul.f32 v31, v14;
	v15 =	vadd.f32 v26, v15;
	v26 =	vld [tilespmem:s13+$0xFFFFFF70];
	v27 =	vadd.f32 v27, v20  }
0x2df: {  	v25 =	vld [tilespmem:s13+$0xFFFFFF80];
	v31 =	vmul.f32 v42, v37;
	v17 =	vadd.f32 v36, v17;
	v20 =	vadd.f32 v35, v16  }
0x2e0: {  	v22 =	vmul.f32 v58, v14;
	v16 =	vadd.f32 v38, v15;
	v15 =	vadd.f32 v39, v27;
	v27 =	vld [tilespmem:s13+$0xFFFFFFF0]  }
0x2e1: {  	s4 =	simm.s32 $0x0;
	v32 =	vadd.f32 v31, v23;
	v31 =	vadd.f32 v63, v30;
	v30 =	vmul.f32 v62, v14;
	v23 =	vld [tilespmem:s13+$0x0];
	s13 =	simm.s32 $0x3460  }
.LBB2_30:
0x2e2: {  	v33 =	vld [tilespmem:s13+$0xFFFFFF90];
	v9 =	vadd.f32 v28, v9;
	v10 =	vadd.f32 v29, v10;
	v14 =	vmul.f32 v24, v14  }
0x2e3: {  	v24 =	vld [tilespmem:s13+$0xFFFFFFA0];
	v21 =	vadd.f32 v21, v32;
	v22 =	vadd.f32 v22, v31;
	v26 =	vmul.f32 v26, v12  }
0x2e4: {  	v28 =	vld [tilespmem:s13+$0xFFFFFFB0];
	v9 =	vadd.f32 v30, v9;
	v10 =	vadd.f32 v14, v10;
	v12 =	vmul.f32 v25, v12  }
0x2e5: {  	v25 =	vld [tilespmem:s13+$0xFFFFFFC0];
	v14 =	vadd.f32 v18, v21;
	v18 =	vadd.f32 v19, v22;
	v19 =	vmul.f32 v27, v8  }
0x2e6: {  	v21 =	vld [tilespmem:s13+$0xFFFFFFD0];
	v9 =	vadd.f32 v26, v9;
	v10 =	vadd.f32 v12, v10;
	v12 =	vmul.f32 v23, v8  }
0x2e7: {  	s3 =	sadd.s32 $0x4, s3;
	v22 =	vld [tilespmem:s13+$0xFFFFFFE0];
	v23 =	vadd.f32 v13, v14;
	v30 =	vadd.f32 v11, v18  }
0x2e8: {  	v8 =	vld.msk [tilespmem:s3+$0x1 ss:$0x0], $0xffff;
	v9 =	vadd.f32 v19, v9;
	v10 =	vadd.f32 v12, v10  }
0x2e9: {  	v18 =	vld [tilespmem:s13+$0xFFFFFF10]  }
0x2ea: {  	v19 =	vld [tilespmem:s13+$0xFFFFFF20]  }
0x2eb: {  	v26 =	vld [tilespmem:s13+$0xFFFFFF30]  }
0x2ec: {  	v27 =	vld [tilespmem:s13+$0xFFFFFF40]  }
0x2ed: {  	v29 =	vld [tilespmem:s13+$0xFFFFFF50]  }
0x2ee: {  	v31 =	vld [tilespmem:s13+$0xFFFFFF60]  }
0x2ef: {  	v12 =	vld.msk [tilespmem:s3+$0x0 ss:$0x0], $0xffff  }
0x2f0: {  	v32 =	vld [tilespmem:s13+$0xFFFFFE90]  }
0x2f1: {  	v34 =	vld [tilespmem:s13+$0xFFFFFEA0]  }
0x2f2: {  	v14 =	vld.msk [tilespmem:s3+$0xFFFFFFFF ss:$0x0], $0xffff  }
0x2f3: {  	v35 =	vld [tilespmem:s13+$0xFFFFFE10]  }
0x2f4: {  	v33 =	vmul.f32 v33, v8;
	v37 =	vmul.f32 v24, v8;
	v36 =	vld [tilespmem:s13+$0xFFFFFE20]  }
0x2f5: {  	v39 =	vmul.f32 v28, v8;
	v40 =	vmul.f32 v25, v8;
	v38 =	vld.msk [tilespmem:s3+$0xFFFFFFFE ss:$0x0], $0xffff  }
0x2f6: {  	v13 =	vmul.f32 v21, v8;
	v11 =	vmul.f32 v22, v8;
	v24 =	vld [tilespmem:s13+$0xFFFFFE30]  }
0x2f7: {  	v25 =	vmul.f32 v18, v12;
	v28 =	vmul.f32 v19, v12;
	v21 =	vld [tilespmem:s13+$0xFFFFFE40]  }
0x2f8: {  	v26 =	vmul.f32 v26, v12;
	v27 =	vmul.f32 v27, v12;
	v22 =	vld [tilespmem:s13+$0xFFFFFEB0]  }
0x2f9: {  	v18 =	vmul.f32 v29, v12;
	v19 =	vmul.f32 v31, v12;
	v41 =	vld [tilespmem:s13+$0xFFFFFEC0]  }
0x2fa: {  	v29 =	vmul.f32 v32, v14;
	v31 =	vmul.f32 v34, v14;
	v32 =	vld [tilespmem:s13+$0xFFFFFED0]  }
0x2fb: {  	v34 =	vmul.f32 v35, v38;
	v35 =	vmul.f32 v36, v38;
	v36 =	vld [tilespmem:s13+$0xFFFFFEE0]  }
0x2fc: {  	v24 =	vmul.f32 v24, v38;
	v21 =	vmul.f32 v21, v38;
	v42 =	vld [tilespmem:s13+$0xFFFFFE50]  }
0x2fd: {  	v20 =	vadd.f32 v34, v20;
	v17 =	vadd.f32 v35, v17;
	v34 =	vld [tilespmem:s13+$0xFFFFFE60];
	v22 =	vmul.f32 v22, v14  }
0x2fe: {  	s4 =	sadd.s32 $0x4, s4;
	v16 =	vadd.f32 v24, v16;
	v15 =	vadd.f32 v21, v15;
	v35 =	vld [tilespmem:s13+$0xFFFFFE70];
	v24 =	vmul.f32 v41, v14  }
0x2ff: {  	p0 =	slt.u32 s4, $0x7C;
	v20 =	vadd.f32 v29, v20;
	v17 =	vadd.f32 v31, v17;
	v41 =	vld [tilespmem:s13+$0xFFFFFE80];
	v21 =	vmul.f32 v32, v14  }
0x300: {  	v16 =	vadd.f32 v22, v16;
	v15 =	vadd.f32 v24, v15;
	v22 =	vmul.f32 v36, v14;
	v36 =	vld [tilespmem:s13+$0xFFFFFEF0]  }
.Ltmp18:
0x301: {  	v20 =	vadd.f32 v25, v20;
	v17 =	vadd.f32 v28, v17;
	v31 =	vmul.f32 v42, v38;
	v24 =	vld [tilespmem:s13+$0xFFFFFF00];
	(pc) =	sbr.rel @p0 .LBB2_30-.Ltmp18, $4  }
0x302: {  	v16 =	vadd.f32 v26, v16;
	v34 =	vmul.f32 v34, v38;
	v15 =	vadd.f32 v27, v15;
	v26 =	vld [tilespmem:s13+$0xFFFFFF70]  }
0x303: {  	v20 =	vadd.f32 v33, v20;
	v17 =	vadd.f32 v37, v17;
	v28 =	vmul.f32 v35, v38;
	v25 =	vld [tilespmem:s13+$0xFFFFFF80]  }
0x304: {  	v16 =	vadd.f32 v39, v16;
	v29 =	vmul.f32 v41, v38;
	v15 =	vadd.f32 v40, v15;
	v27 =	vld [tilespmem:s13+$0xFFFFFFF0]  }
0x305: {  	v32 =	vadd.f32 v31, v23;
	v31 =	vadd.f32 v34, v30;
	v30 =	vmul.f32 v36, v14;
	v23 =	vld [tilespmem:s13+$0x0];
	s13 =	sadd.s32 $0x200, s13  }
0x306: {  	v33 =	vld [tilespmem:$0x7070]  }
0x307: {  	v34 =	vld.msk [tilespmem:s31+$0xA500 ss:$0x0], $0xffff  }
0x308: {  	v35 =	vld [tilespmem:$0x70F0]  }
0x309: {  	v36 =	vld.msk [tilespmem:s31+$0xA580 ss:$0x0], $0xffff  }
0x30a: {  	v37 =	vld [tilespmem:$0x7170]  }
0x30b: {  	v38 =	vld.msk [tilespmem:s31+$0xA600 ss:$0x0], $0xffff  }
0x30c: {  	v40 =	vld [tilespmem:$0x7080]  }
0x30d: {  	v41 =	vld [tilespmem:$0x7100]  }
0x30e: {  	v42 =	vld [tilespmem:$0x7180]  }
0x30f: {  	v43 =	vld [tilespmem:$0x7090]  }
0x310: {  	v44 =	vld [tilespmem:$0x7110]  }
0x311: {  	v47 =	vld [tilespmem:$0x7190]  }
0x312: {  	v9 =	vadd.f32 v28, v9;
	v10 =	vadd.f32 v29, v10;
	v14 =	vmul.f32 v24, v14;
	v49 =	vld [tilespmem:$0xBA20]  }
0x313: {  	v51 =	vld [tilespmem:$0x70A0];
	v21 =	vadd.f32 v21, v32;
	v22 =	vadd.f32 v22, v31;
	v45 =	vmul.f32 v26, v12  }
0x314: {  	v54 =	vld [tilespmem:$0x7120];
	v9 =	vadd.f32 v30, v9;
	v10 =	vadd.f32 v14, v10;
	v46 =	vmul.f32 v25, v12  }
0x315: {  	v56 =	vld [tilespmem:$0x71A0];
	v18 =	vadd.f32 v18, v21;
	v50 =	vmul.f32 v27, v8;
	v8 =	vmul.f32 v23, v8  }
0x316: {  	v58 =	vld [tilespmem:$0x70B0];
	v19 =	vadd.f32 v19, v22;
	v48 =	vmul.f32 v33, v34;
	v52 =	vmul.f32 v35, v36  }
0x317: {  	v31 =	vld [tilespmem:$0x70C0];
	v9 =	vadd.f32 v45, v9;
	v53 =	vmul.f32 v40, v34;
	v55 =	vmul.f32 v43, v34  }
0x318: {  	v61 =	vld [tilespmem:$0x7130];
	v10 =	vadd.f32 v46, v10;
	v57 =	vmul.f32 v37, v38;
	v59 =	vmul.f32 v41, v36  }
0x319: {  	v63 =	vld [tilespmem:$0x71B0];
	v13 =	vadd.f32 v13, v18;
	v60 =	vmul.f32 v44, v36;
	v12 =	vmul.f32 v51, v34  }
0x31a: {  	v46 =	vld [tilespmem:$0x7150];
	v11 =	vadd.f32 v11, v19;
	v30 =	vmul.f32 v42, v38;
	v25 =	vmul.f32 v47, v38  }
0x31b: {  	v33 =	vld [tilespmem:$0x7140];
	v45 =	vmul.f32 v58, v34;
	v9 =	vadd.f32 v50, v9;
	v8 =	vadd.f32 v8, v10  }
0x31c: {  	v37 =	vld [tilespmem:$0x71C0];
	v18 =	vmul.f32 v31, v34;
	v20 =	vadd.f32 v48, v20;
	v17 =	vadd.f32 v53, v17  }
0x31d: {  	v32 =	vmul.f32 v54, v36;
	v41 =	vld [tilespmem:$0x70D0];
	v16 =	vadd.f32 v55, v16;
	v12 =	vadd.f32 v12, v15  }
0x31e: {  	v40 =	vmul.f32 v56, v38;
	v44 =	vld [tilespmem:$0x70E0];
	v13 =	vadd.f32 v45, v13;
	v11 =	vadd.f32 v18, v11  }
0x31f: {  	v47 =	vld [tilespmem:$0x7160];
	v48 =	vmul.f32 v61, v36;
	v20 =	vadd.f32 v52, v20;
	v16 =	vadd.f32 v60, v16  }
0x320: {  	v51 =	vld [tilespmem:$0x71E0];
	v53 =	vmul.f32 v63, v38;
	v17 =	vadd.f32 v59, v17;
	v12 =	vadd.f32 v32, v12  }
0x321: {  	v13 =	vadd.f32 v48, v13;
	v55 =	vmul.f32 v46, v36;
	v16 =	vadd.f32 v25, v16  }
0x322: {  	v39 =	vld [tilespmem:$0xBA00];
	v50 =	vmul.f32 v33, v36;
	v21 =	vmul.f32 v41, v34;
	v17 =	vadd.f32 v30, v17  }
0x323: {  	v28 =	vld [tilespmem:$0xBA10];
	v19 =	vmul.f32 v37, v38;
	v62 =	vadd.f32 v57, v20;
	v16 =	vmax.f32 v16, $0.0e+00  }
0x324: {  	v43 =	vmax.f32 v17, $0.0e+00;
	v17 =	vmul.f32 v44, v34;
	v16 =	vmax.f32 v49, v16;
	v49 =	vld [tilespmem:$0x71D0]  }
0x325: {  	v52 =	vld [tilespmem:$0xBA30];
	v61 =	vmul.f32 v51, v38;
	v12 =	vadd.f32 v40, v12;
	v57 =	vmul.f32 v47, v36  }
0x326: {  	v54 =	vld [tilespmem:$0xBA40];
	v58 =	vadd.f32 v53, v13;
	v35 =	vmax.f32 v62, $0.0e+00;
	v8 =	vadd.f32 v17, v8  }
0x327: {  	v56 =	vld [tilespmem:$0xBA50];
	v11 =	vadd.f32 v50, v11;
	v9 =	vadd.f32 v21, v9;
	v42 =	vmax.f32 v39, v35  }
0x328: {  	v12 =	vmax.f32 v12, $0.0e+00;
	v62 =	vld [tilespmem:$0xBA70];
	v14 =	vmax.f32 v28, v43;
	[tilespmem:$0xBA00] =	vst v42;
	v8 =	vadd.f32 v57, v8  }
0x329: {  	v60 =	vld [tilespmem:$0xBA60];
	v9 =	vadd.f32 v55, v9;
	v11 =	vadd.f32 v19, v11;
	[tilespmem:$0xBA10] =	vst v14;
	v59 =	vmul.f32 v49, v38  }
0x32a: {  	v10 =	vmax.f32 v58, $0.0e+00;
	v12 =	vmax.f32 v52, v12;
	[tilespmem:$0xBA20] =	vst v16;
	v8 =	vadd.f32 v61, v8  }
0x32b: {  	v10 =	vmax.f32 v54, v10;
	[tilespmem:$0xBA30] =	vst v12;
	v11 =	vmax.f32 v11, $0.0e+00;
	v9 =	vadd.f32 v59, v9  }
0x32c: {  	[tilespmem:$0xBA40] =	vst v10;
	v63 =	vmax.f32 v56, v11;
	v8 =	vmax.f32 v8, $0.0e+00  }
0x32d: {  	[tilespmem:$0xBA50] =	vst v63;
	v8 =	vmax.f32 v62, v8;
	v9 =	vmax.f32 v9, $0.0e+00  }
0x32e: {  	[tilespmem:$0xBA70] =	vst v8;
	v9 =	vmax.f32 v60, v9  }
.Ltmp19:
0x32f: {  	[tilespmem:$0xBA60] =	vst v9;
	(pc) =	sbr.rel .LBB2_32-.Ltmp19, $4  }
0x330: {  	[tilespmem:s7+$0xA680] =	vst v0  }
0x331: {  	[tilespmem:s7+$0xA690] =	vst v0  }
0x332: {  	[tilespmem:s7+$0xA6A0] =	vst v0  }
0x333: {  	[tilespmem:s7+$0xA6B0] =	vst v0  }
.LBB2_33:
0x334: {  	s0 =	sshll.u32 s30, $0x4  }
0x335: {  	s3 =	simm.s32 $0x0;
	s0 =	sadd.s32 s5, s0  }
0x336: {  	[hbm4b:s0+s3] =	stream.linear.scatter [tilespmem:s26], [sflag:$0x1], $0x80, $0x38;
	[tilespmem:$0xBA80] =	vst v63  }
0x337: {  	_ =	swait.ge [sflag:s12], $0x80  }
0x338: {  	[sflag:s12] =	ssyncset.done $0x0  }
0x339: {  	[sflag:s12] =	ssyncadd.s32 $0xFFFFFF80  }
0x33a: {  	[tilespmem:$0xBA00] =	vst v0  }
0x33b: {  	[tilespmem:$0xBA10] =	vst v0  }
0x33c: {  	[tilespmem:$0xBA20] =	vst v0  }
0x33d: {  	[tilespmem:$0xBA30] =	vst v0  }
0x33e: {  	[tilespmem:$0xBA40] =	vst v0  }
0x33f: {  	[tilespmem:$0xBA50] =	vst v0  }
0x340: {  	[tilespmem:$0xBA60] =	vst v0  }
0x341: {  	s3 =	simm.s32 $0x40;
	s0 =	simm.s32 $0x0;
	[tilespmem:$0xBA70] =	vst v0  }
.LBB2_34:
0x342: {  	p0 =	sne.s32 s3, $0x7C0;
	[tilespmem:s0+$0x7E80] =	vst v0;
	s4 =	smov.u32 s3;
	s3 =	sadd.s32 $0x40, s3  }
.Ltmp20:
0x343: {  	[tilespmem:s0+$0x7C00] =	vst v0;
	(pc) =	sbr.rel @p0 .LBB2_34-.Ltmp20, $3  }
0x344: {  	[tilespmem:s0+$0x7700] =	vst v0  }
0x345: {  	[tilespmem:s0+$0x7980] =	vst v0;
	_ =	sdelay $0x1  }
0x346: {  	s0 =	sshra.s32 s4, $0x2  }
0x347: {  	[tilespmem:s0+$0x7E80] =	vst v0  }
0x348: {  	[tilespmem:s0+$0x7C00] =	vst v0  }
0x349: {  	[tilespmem:s0+$0x7700] =	vst v0  }
0x34a: {  	[tilespmem:s0+$0x7980] =	vst v0  }
0x34b: {  	[tilespmem:$0xA480] =	vst v0  }
0x34c: {  	[tilespmem:$0xA500] =	vst v0  }
0x34d: {  	[tilespmem:$0xA580] =	vst v0  }
0x34e: {  	[tilespmem:$0xA600] =	vst v0  }
0x34f: {  	[tilespmem:$0xA490] =	vst v0  }
0x350: {  	[tilespmem:$0xA510] =	vst v0  }
0x351: {  	[tilespmem:$0xA590] =	vst v0  }
0x352: {  	[tilespmem:$0xA610] =	vst v0  }
0x353: {  	[tilespmem:$0xA4A0] =	vst v0  }
0x354: {  	s29 =	sadd.s32 $0x1, s29;
	[tilespmem:$0xA520] =	vst v0  }
0x355: {  	[tilespmem:$0xA5A0] =	vst v0;
	p0 =	sne.s32 s29, $0x20  }
.Ltmp21:
0x356: {  	[tilespmem:$0xA620] =	vst v0;
	(pc) =	sbr.rel @p0 .LBB2_8-.Ltmp21, $4  }
0x357: {  	[tilespmem:$0xA4B0] =	vst v0  }
0x358: {  	[tilespmem:$0xA530] =	vst v0  }
0x359: {  	[tilespmem:$0xA5B0] =	vst v0  }
0x35a: {  	[tilespmem:$0xA630] =	vst v0  }
0x35b: {  	s3 =	rddreg [dreg:$0x8]  }
0x35c: {  	s0 =	rddreg [dreg:$0x7];
	s3 =	sadd.s32 $0x1, s3  }
0x35d: {  	p0 =	sne.s32 s3, s0  }
.Ltmp22:
0x35e: {  	_ = 	snop;
	(pc) =	sbr.rel @p0 .LBB2_1-.Ltmp22, $1  }
0x35f: {  	_ =	sdelay $0x3  }
0x360: {  	_ =	sfence.sel $0x180000  }
0x361: {  	[bflag:$0x0] =	sbarrier.arrive $0xFFFF  }
0x362: {  	_ =	strace $0x90000047  }
0x363: {  	s0 =	stileid.u32;
	[bflag:$0x2] =	sbarrier.arrive $0xFFFF  }
0x364: {  	p0 =	sne.s32 s0, $0x0;
	s0 =	rddreg [dreg:$0x6]  }
0x365: {  	s0 =	sadd.s32 @!p0 $0x100000, s0  }
0x366: {  	[sflag:s0] =	ssyncadd.tile.s32 @!p0 $0x1;
	_ =	shalt  }
.Lfunc_end2:
_tile_overlayer_lowered:
.L_overlay_start_2:
0x367: {  	(tag) =	ssettag $0x2  }
0x368: {  	s0 =	rddreg [dreg:$0x0];
	s2 =	stileid.u32  }
0x369: {  	s1 =	rddreg [dreg:$0x1];
	p0 =	sne.s32 s2, $0x0  }
0x36a: {  	s3 =	rddreg [dreg:$0x2];
	[bflag:$0x3] =	sbarrier.arrive $0xFFFF;
	s2 =	simm.s32 @!p0 $0x1C01  }
0x36b: {  	[timem:s3], [sflag:s2] =	dma.local @!p0 [hbm:s0], s1  }
0x36c: {  	s0 =	simm.s32 @!p0 $0x1  }
0x36d: {  	_ =	swait.ge @!p0 [sflag:s0], s1  }
0x36e: {  	s1 =	ssub.s32 @!p0 $0x0, s1;
	[sflag:s0] =	ssyncset.done @!p0 $0x0  }
0x36f: {  	[sflag:s0] =	ssyncadd.s32 @!p0 s1  }
0x370: {  	[bflag:$0x3] =	sbarrier.arrive $0xFFFF  }
0x371: {  	_ =	shalt  }

</sc_bundles>
